<compile_context>
chip_gen: v7x
topology: tpu7x:2x2x1
jax: 0.10.2.dev20260603
libtpu: 0.0.44.dev20260713+nightly
codegen_flags: <defaults>
</compile_context>

<pallas_src>
import functools

import jax
import jax.numpy as jnp
from jax import lax
from jax.experimental import pallas as pl
from jax.experimental.pallas import tpu as pltpu
import jax.experimental.pallas.tpu_sc as plsc

N = 50000
E = 1600000
NODE_IN = 9
EDGE_IN = 12
DH = 64
G = 128
OUTDIM = 6
EPS = 1e-5
SLOPE = 0.1

NP = 50176
E2 = E // 2
E4 = E // 4
BE = 6400
NEB = E // BE
BE2 = BE // 2
BE4 = BE // 4
NB = 6272
NNB = NP // NB
CH = 2000
CHZ = 1000
CHS = 400
EPW = E // 32
EPW2 = E // 16
ZCH = NP // 16
HZ = ZCH // 2
HZ8 = ZCH // 8

_f32 = jnp.float32
_bf16 = jnp.bfloat16


def _mesh():
    return plsc.VectorSubcoreMesh(core_axis_name="c", subcore_axis_name="s")


_SC_PARAMS = pltpu.CompilerParams(use_tc_tiling_on_sc=False)



def _sc_deg(row, col, ones_h_in, zeros_h_in):
    @functools.partial(
        pl.kernel,
        out_type=(jax.ShapeDtypeStruct((2 * NP,), _f32),
                  jax.ShapeDtypeStruct((2 * NP,), _f32)),
        mesh=_mesh(),
        compiler_params=_SC_PARAMS,
        scratch_types=[
            pltpu.VMEM((CH,), jnp.int32),
            pltpu.VMEM((CH,), _f32),
            pltpu.VMEM((ZCH,), _f32),
            pltpu.VMEM_SHARED((NP,), _f32),
            pltpu.VMEM_SHARED((NP,), _f32),
        ],
    )
    def k(row_h, col_h, ones_h, zer_h, outr_h, outc_h,
          idx_v, ones_v, zer_v, acc_r, acc_c):
        cid = lax.axis_index("c")
        sid = lax.axis_index("s")
        wid = sid * 2 + cid
        pltpu.sync_copy(zer_h, zer_v)
        pltpu.sync_copy(zer_v, acc_r.at[pl.ds(sid * ZCH, ZCH)])
        pltpu.sync_copy(zer_v, acc_c.at[pl.ds(sid * ZCH, ZCH)])
        pltpu.sync_copy(ones_h, ones_v)
        plsc.subcore_barrier()

        def step(i, carry):
            base = wid * EPW + i * CH
            pltpu.sync_copy(row_h.at[pl.ds(base, CH)], idx_v)
            pltpu.sync_copy(ones_v, acc_r.at[idx_v], add=True)
            pltpu.sync_copy(col_h.at[pl.ds(base, CH)], idx_v)
            pltpu.sync_copy(ones_v, acc_c.at[idx_v], add=True)
            return carry

        lax.fori_loop(0, EPW // CH, step, 0)
        plsc.subcore_barrier()
        pltpu.sync_copy(acc_r.at[pl.ds(sid * ZCH, ZCH)], zer_v)
        pltpu.sync_copy(zer_v, outr_h.at[pl.ds(cid * NP + sid * ZCH, ZCH)])
        pltpu.sync_copy(acc_c.at[pl.ds(sid * ZCH, ZCH)], zer_v)
        pltpu.sync_copy(zer_v, outc_h.at[pl.ds(cid * NP + sid * ZCH, ZCH)])

    return k(row, col, ones_h_in, zeros_h_in)


def _sc_gath(Ps, Pd, row, col):
    @functools.partial(
        pl.kernel,
        out_type=(jax.ShapeDtypeStruct((E, DH), _f32),
                  jax.ShapeDtypeStruct((E, DH), _f32)),
        mesh=_mesh(),
        compiler_params=_SC_PARAMS,
        scratch_types=[
            pltpu.VMEM((CHZ,), jnp.int32),
            pltpu.VMEM((CHZ,), jnp.int32),
            pltpu.VMEM((CHZ, DH), _f32),
            pltpu.VMEM((CHZ, DH), _f32),
            pltpu.SemaphoreType.DMA,
            pltpu.SemaphoreType.DMA,
        ],
    )
    def k(ps_h, pd_h, row_h, col_h, zs_h, zd_h,
          idxr_v, idxc_v, rs_v, rd_v, semr, semc):
        cid = lax.axis_index("c")
        sid = lax.axis_index("s")
        wid = sid * 2 + cid

        def step(i, carry):
            base = wid * EPW + i * CHZ
            pltpu.sync_copy(row_h.at[pl.ds(base, CHZ)], idxr_v)
            cr = pltpu.async_copy(ps_h.at[idxr_v], rs_v, semr)
            pltpu.sync_copy(col_h.at[pl.ds(base, CHZ)], idxc_v)
            cc = pltpu.async_copy(pd_h.at[idxc_v], rd_v, semc)
            cr.wait()
            pltpu.sync_copy(rs_v, zs_h.at[pl.ds(base, CHZ)])
            cc.wait()
            pltpu.sync_copy(rd_v, zd_h.at[pl.ds(base, CHZ)])
            return carry

        lax.fori_loop(0, EPW // CHZ, step, 0)

    return k(Ps, Pd, row, col)


def _sc_scatter(col, h_lo, h_hi, zeros_h_in):
    @functools.partial(
        pl.kernel,
        out_type=jax.ShapeDtypeStruct((2, NP, 32), _f32),
        mesh=_mesh(),
        compiler_params=_SC_PARAMS,
        scratch_types=[
            pltpu.VMEM((CHS,), jnp.int32),
            pltpu.VMEM((CHS,), jnp.int32),
            pltpu.VMEM((CHS, 32), _f32),
            pltpu.VMEM((CHS, 32), _f32),
            pltpu.SemaphoreType.DMA,
            pltpu.SemaphoreType.DMA,
            pltpu.VMEM_SHARED((NP, 32), _f32),
        ],
    )
    def k(col_h, lo_h, hi_h, zer_h, out_h, idx0_v, idx1_v, upd0_v, upd1_v,
          sem0, sem1, acc):
        cid = lax.axis_index("c")
        sid = lax.axis_index("s")

        if True:
            pltpu.sync_copy(zer_h, upd0_v.at[pl.ds(0, HZ8)])
            for kk in range(8):
                pltpu.sync_copy(upd0_v.at[pl.ds(0, HZ8)],
                                acc.at[pl.ds(sid * ZCH + kk * HZ8, HZ8)])
            plsc.subcore_barrier()

            def loop_over(h_ref):
                def load(i, idx_v, upd_v):
                    base = sid * EPW2 + i * CHS
                    pltpu.sync_copy(col_h.at[pl.ds(base, CHS)], idx_v)
                    pltpu.sync_copy(h_ref.at[pl.ds(base, CHS)], upd_v)

                nst = EPW2 // CHS
                load(0, idx0_v, upd0_v)

                def step(i, carry):
                    even = lax.rem(i, 2) == 0

                    @pl.when(even)
                    def _():
                        d = pltpu.async_copy(upd0_v, acc.at[idx0_v], sem0,
                                             add=True)
                        @pl.when(i + 1 < nst)
                        def _():
                            load(i + 1, idx1_v, upd1_v)
                        d.wait()

                    @pl.when(jnp.logical_not(even))
                    def _():
                        d = pltpu.async_copy(upd1_v, acc.at[idx1_v], sem1,
                                             add=True)
                        @pl.when(i + 1 < nst)
                        def _():
                            load(i + 1, idx0_v, upd0_v)
                        d.wait()

                    return carry

                lax.fori_loop(0, nst, step, 0)

            @pl.when(cid == 0)
            def _():
                loop_over(lo_h)

            @pl.when(cid == 1)
            def _():
                loop_over(hi_h)

            plsc.subcore_barrier()
            for kk in range(8):
                pltpu.sync_copy(acc.at[pl.ds(sid * ZCH + kk * HZ8, HZ8)],
                                upd0_v.at[pl.ds(0, HZ8)])
                pltpu.sync_copy(upd0_v.at[pl.ds(0, HZ8)],
                                out_h.at[cid, pl.ds(sid * ZCH + kk * HZ8, HZ8)])

    return k(col, h_lo, h_hi, zeros_h_in)



def _dgT(w, hT):
    return lax.dot_general(w, hT, (((0,), (0,)), ((), ())),
                           preferred_element_type=_f32)


def _lrelu(z):
    return jnp.where(z > 0, z, SLOPE * z)


def _rows8(*rows):
    w = rows[0].shape[0]
    pad = jnp.zeros((8 - len(rows), w), _f32)
    return jnp.concatenate([r[None] for r in rows] + [pad], axis=0)


def _acc(ref, blk, i):
    @pl.when(i == 0)
    def _():
        ref[...] = blk

    @pl.when(i > 0)
    def _():
        ref[...] += blk


def _tc_attr_moments(attrT):
    def body(a_ref, st_ref):
        i = pl.program_id(0)
        a = a_ref[...]
        blk = jnp.concatenate(
            [jnp.sum(a, axis=1)[:, None], jnp.sum(a * a, axis=1)[:, None],
             jnp.zeros((EDGE_IN, 14), _f32)], axis=1)
        _acc(st_ref, blk, i)

    return pl.pallas_call(
        body,
        grid=(NEB,),
        in_specs=[pl.BlockSpec((EDGE_IN, BE), lambda i: (0, i))],
        out_specs=pl.BlockSpec((EDGE_IN, 16), lambda i: (0, 0)),
        out_shape=jax.ShapeDtypeStruct((EDGE_IN, 16), _f32),
    )(attrT)


def _tc_node_moments(xT, degs):
    def body(x_ref, d_ref, out_ref):
        xv = x_ref[...]
        deg_r = d_ref[0:1, :] + d_ref[2:3, :]
        deg_c = d_ref[1:2, :] + d_ref[3:4, :]
        out_ref[...] = _rows8(jnp.sum(xv * deg_r, axis=1),
                              jnp.sum(xv * xv * deg_r, axis=1),
                              jnp.sum(xv * deg_c, axis=1),
                              jnp.sum(xv * xv * deg_c, axis=1))

    return pl.pallas_call(
        body,
        out_shape=jax.ShapeDtypeStruct((8, 16), _f32),
    )(xT, degs)


def _tc_proj(xT, Ws, Wd):
    def body(x_ref, ws_ref, wd_ref, ps_ref, pd_ref):
        ps_ref[...] = _dgT(ws_ref[...], x_ref[...])
        pd_ref[...] = _dgT(wd_ref[...], x_ref[...])

    return pl.pallas_call(
        body,
        grid=(NNB,),
        in_specs=[
            pl.BlockSpec((16, NB), lambda i: (0, i)),
            pl.BlockSpec((16, DH), lambda i: (0, 0)),
            pl.BlockSpec((16, DH), lambda i: (0, 0)),
        ],
        out_specs=[
            pl.BlockSpec((DH, NB), lambda i: (0, i)),
            pl.BlockSpec((DH, NB), lambda i: (0, i)),
        ],
        out_shape=[
            jax.ShapeDtypeStruct((DH, NP), _f32),
            jax.ShapeDtypeStruct((DH, NP), _f32),
        ],
    )(xT, Ws, Wd)


def _stats_T(h):
    return _rows8(jnp.sum(h, axis=1), jnp.sum(h * h, axis=1))


def _unpack_T(blk):
    lt = jnp.swapaxes(blk[:, :DH], 0, 1)
    rt = jnp.swapaxes(blk[:, DH:], 0, 1)
    return jnp.concatenate([lt, rt], axis=1)


def _tc_edge1(zs_pk, zd_pk, attrTp, Wa, ccol):
    def body(zs_ref, zd_ref, a_ref, wa_ref, c_ref, h_ref, st_ref):
        i = pl.program_id(0)
        zT = _unpack_T(zs_ref[...] + zd_ref[...])
        h = _lrelu(zT + _dgT(wa_ref[...], a_ref[...]) + c_ref[...])
        h_ref[...] = h.astype(_bf16)
        _acc(st_ref, _stats_T(h), i)

    return pl.pallas_call(
        body,
        grid=(NEB,),
        in_specs=[
            pl.BlockSpec((BE2, 128), lambda i: (i, 0)),
            pl.BlockSpec((BE2, 128), lambda i: (i, 0)),
            pl.BlockSpec((EDGE_IN, BE), lambda i: (0, i)),
            pl.BlockSpec((EDGE_IN, DH), lambda i: (0, 0)),
            pl.BlockSpec((DH, 1), lambda i: (0, 0)),
        ],
        out_specs=[
            pl.BlockSpec((DH, BE), lambda i: (0, i)),
            pl.BlockSpec((8, DH), lambda i: (0, 0)),
        ],
        out_shape=[
            jax.ShapeDtypeStruct((DH, E), _bf16),
            jax.ShapeDtypeStruct((8, DH), _f32),
        ],
    )(zs_pk, zd_pk, attrTp, Wa, ccol)


def _tc_edge2(h1T, W, ccol):
    def body(h1_ref, w_ref, c_ref, h_ref, st_ref, g_ref):
        i = pl.program_id(0)
        h = _lrelu(_dgT(w_ref[...], h1_ref[...].astype(_f32)) + c_ref[...])
        h_ref[...] = h.astype(_bf16)
        _acc(st_ref, _stats_T(h), i)
        gram = lax.dot_general(h, h, (((1,), (1,)), ((), ())),
                               preferred_element_type=_f32)
        _acc(g_ref, gram, i)

    return pl.pallas_call(
        body,
        grid=(NEB,),
        in_specs=[
            pl.BlockSpec((DH, BE), lambda i: (0, i)),
            pl.BlockSpec((DH, DH), lambda i: (0, 0)),
            pl.BlockSpec((DH, 1), lambda i: (0, 0)),
        ],
        out_specs=[
            pl.BlockSpec((DH, BE), lambda i: (0, i)),
            pl.BlockSpec((8, DH), lambda i: (0, 0)),
            pl.BlockSpec((DH, DH), lambda i: (0, 0)),
        ],
        out_shape=[
            jax.ShapeDtypeStruct((DH, E), _bf16),
            jax.ShapeDtypeStruct((8, DH), _f32),
            jax.ShapeDtypeStruct((DH, DH), _f32),
        ],
    )(h1T, W, ccol)


def _tc_node1(zs_pk, h2T, Mn, B, ccol):
    def body(zs_ref, h2_ref, m_ref, b_ref, c_ref, h_ref, st_ref):
        i = pl.program_id(0)
        zsT = _unpack_T(zs_ref[...])
        h = _lrelu(_dgT(m_ref[...], zsT)
                   + _dgT(b_ref[...], h2_ref[...].astype(_f32)) + c_ref[...])
        h_ref[...] = h.astype(_bf16)
        _acc(st_ref, _stats_T(h), i)

    return pl.pallas_call(
        body,
        grid=(NEB,),
        in_specs=[
            pl.BlockSpec((BE2, 128), lambda i: (i, 0)),
            pl.BlockSpec((DH, BE), lambda i: (0, i)),
            pl.BlockSpec((DH, DH), lambda i: (0, 0)),
            pl.BlockSpec((DH, DH), lambda i: (0, 0)),
            pl.BlockSpec((DH, 1), lambda i: (0, 0)),
        ],
        out_specs=[
            pl.BlockSpec((DH, BE), lambda i: (0, i)),
            pl.BlockSpec((8, DH), lambda i: (0, 0)),
        ],
        out_shape=[
            jax.ShapeDtypeStruct((DH, E), _bf16),
            jax.ShapeDtypeStruct((8, DH), _f32),
        ],
    )(zs_pk, h2T, Mn, B, ccol)


def _tc_node2(h1T, W, ccol):
    def body(h1_ref, w_ref, c_ref, lo_ref, hi_ref, st_ref):
        i = pl.program_id(0)
        h = _lrelu(_dgT(w_ref[...], h1_ref[...].astype(_f32)) + c_ref[...])
        _acc(st_ref, _stats_T(h), i)
        ht = jnp.swapaxes(h, 0, 1)
        lo = ht[:, :32]
        hi = ht[:, 32:]
        lo_ref[...] = jnp.concatenate(
            [lo[k * BE4:(k + 1) * BE4] for k in range(4)], axis=1)
        hi_ref[...] = jnp.concatenate(
            [hi[k * BE4:(k + 1) * BE4] for k in range(4)], axis=1)

    return pl.pallas_call(
        body,
        grid=(NEB,),
        in_specs=[
            pl.BlockSpec((DH, BE), lambda i: (0, i)),
            pl.BlockSpec((DH, DH), lambda i: (0, 0)),
            pl.BlockSpec((DH, 1), lambda i: (0, 0)),
        ],
        out_specs=[
            pl.BlockSpec((BE4, 128), lambda i: (i, 0)),
            pl.BlockSpec((BE4, 128), lambda i: (i, 0)),
            pl.BlockSpec((8, DH), lambda i: (0, 0)),
        ],
        out_shape=[
            jax.ShapeDtypeStruct((E4, 128), _f32),
            jax.ShapeDtypeStruct((E4, 128), _f32),
            jax.ShapeDtypeStruct((8, DH), _f32),
        ],
    )(h1T, W, ccol)


def _tc_agg(SloT, ShiT, degs, xT, Wlo, Whi, cc):
    def body(lo_ref, hi_ref, d_ref, x_ref, wl_ref, wh_ref, c_ref,
             agg_ref, st_ref, xst_ref):
        i = pl.program_id(0)
        cnt = d_ref[1:2, :] + d_ref[3:4, :]
        sm = _dgT(wl_ref[...], lo_ref[...]) + _dgT(wh_ref[...], hi_ref[...])
        sm = sm + c_ref[...] * cnt
        agg = sm / jnp.maximum(cnt, 1.0)
        agg_ref[...] = agg
        _acc(st_ref, _rows8(jnp.sum(agg, axis=1), jnp.sum(agg * agg, axis=1)), i)
        xv = x_ref[...]
        _acc(xst_ref, _rows8(jnp.sum(xv, axis=1), jnp.sum(xv * xv, axis=1)), i)

    return pl.pallas_call(
        body,
        grid=(NNB,),
        in_specs=[
            pl.BlockSpec((32, NB), lambda i: (0, i)),
            pl.BlockSpec((32, NB), lambda i: (0, i)),
            pl.BlockSpec((4, NB), lambda i: (0, i)),
            pl.BlockSpec((16, NB), lambda i: (0, i)),
            pl.BlockSpec((32, DH), lambda i: (0, 0)),
            pl.BlockSpec((32, DH), lambda i: (0, 0)),
            pl.BlockSpec((DH, 1), lambda i: (0, 0)),
        ],
        out_specs=[
            pl.BlockSpec((DH, NB), lambda i: (0, i)),
            pl.BlockSpec((8, DH), lambda i: (0, 0)),
            pl.BlockSpec((8, 16), lambda i: (0, 0)),
        ],
        out_shape=[
            jax.ShapeDtypeStruct((DH, NP), _f32),
            jax.ShapeDtypeStruct((8, DH), _f32),
            jax.ShapeDtypeStruct((8, 16), _f32),
        ],
    )(SloT, ShiT, degs, xT, Wlo, Whi, cc)


def _tc_nmlp_a(xT, aggT, Ax, Aagg, cc):
    def body(x_ref, agg_ref, ax_ref, aa_ref, c_ref, h_ref, st_ref):
        i = pl.program_id(0)
        h = _lrelu(_dgT(ax_ref[...], x_ref[...]) + _dgT(aa_ref[...], agg_ref[...])
                   + c_ref[...])
        h_ref[...] = h
        pos = lax.broadcasted_iota(jnp.int32, (DH, NB), 1) + i * NB
        hm = jnp.where(pos < N, h, 0.0)
        _acc(st_ref, _rows8(jnp.sum(hm, axis=1), jnp.sum(hm * hm, axis=1)), i)

    return pl.pallas_call(
        body,
        grid=(NNB,),
        in_specs=[
            pl.BlockSpec((16, NB), lambda i: (0, i)),
            pl.BlockSpec((DH, NB), lambda i: (0, i)),
            pl.BlockSpec((16, DH), lambda i: (0, 0)),
            pl.BlockSpec((DH, DH), lambda i: (0, 0)),
            pl.BlockSpec((DH, 1), lambda i: (0, 0)),
        ],
        out_specs=[
            pl.BlockSpec((DH, NB), lambda i: (0, i)),
            pl.BlockSpec((8, DH), lambda i: (0, 0)),
        ],
        out_shape=[
            jax.ShapeDtypeStruct((DH, NP), _f32),
            jax.ShapeDtypeStruct((8, DH), _f32),
        ],
    )(xT, aggT, Ax, Aagg, cc)


def _tc_nmlp_b(hT, W, cc):
    def body(h_ref, w_ref, c_ref, o_ref, st_ref):
        i = pl.program_id(0)
        h = _lrelu(_dgT(w_ref[...], h_ref[...]) + c_ref[...])
        o_ref[...] = h
        pos = lax.broadcasted_iota(jnp.int32, (DH, NB), 1) + i * NB
        hm = jnp.where(pos < N, h, 0.0)
        _acc(st_ref, _rows8(jnp.sum(hm, axis=1), jnp.sum(hm * hm, axis=1)), i)

    return pl.pallas_call(
        body,
        grid=(NNB,),
        in_specs=[
            pl.BlockSpec((DH, NB), lambda i: (0, i)),
            pl.BlockSpec((DH, DH), lambda i: (0, 0)),
            pl.BlockSpec((DH, 1), lambda i: (0, 0)),
        ],
        out_specs=[
            pl.BlockSpec((DH, NB), lambda i: (0, i)),
            pl.BlockSpec((8, DH), lambda i: (0, 0)),
        ],
        out_shape=[
            jax.ShapeDtypeStruct((DH, NP), _f32),
            jax.ShapeDtypeStruct((8, DH), _f32),
        ],
    )(hT, W, cc)


def _tc_pool(h2T, W, cc, batchi):
    def body(h_ref, w_ref, c_ref, b_ref, su_ref, cu_ref):
        i = pl.program_id(0)
        x2 = _dgT(w_ref[...], h_ref[...]) + c_ref[...]
        bb = b_ref[0:1, :]
        gi = lax.broadcasted_iota(jnp.int32, (G, NB), 0)
        oh = jnp.where(gi == bb, 1.0, 0.0)
        su = lax.dot_general(x2, oh, (((1,), (1,)), ((), ())),
                             preferred_element_type=_f32)
        cu = _rows8(jnp.sum(oh, axis=1))
        _acc(su_ref, su, i)
        _acc(cu_ref, cu, i)

    return pl.pallas_call(
        body,
        grid=(NNB,),
        in_specs=[
            pl.BlockSpec((DH, NB), lambda i: (0, i)),
            pl.BlockSpec((DH, DH), lambda i: (0, 0)),
            pl.BlockSpec((DH, 1), lambda i: (0, 0)),
            pl.BlockSpec((8, NB), lambda i: (0, i)),
        ],
        out_specs=[
            pl.BlockSpec((DH, G), lambda i: (0, 0)),
            pl.BlockSpec((8, G), lambda i: (0, 0)),
        ],
        out_shape=[
            jax.ShapeDtypeStruct((DH, G), _f32),
            jax.ShapeDtypeStruct((8, G), _f32),
        ],
    )(h2T, W, cc, batchi)


def _tc_global(suT, cu, gp_cols, Wp, bp2):
    (g0c, b0c, W1, b1c, g1c, be1c, W2, b2c, g2c, be2c, W3, b3c) = gp_cols

    def bnT(h, g, b):
        m = jnp.mean(h, axis=1, keepdims=True)
        v = jnp.mean((h - m) ** 2, axis=1, keepdims=True)
        return g * (h - m) * lax.rsqrt(v + EPS) + b

    def body(su_ref, cu_ref, g0r, b0r, w1r, b1r, g1r, e1r, w2r, b2r, g2r, e2r,
             w3r, b3r, wpr, bpr, out_ref):
        cnt = jnp.maximum(cu_ref[0:1, :], 1.0)
        h = su_ref[...] / cnt
        h = bnT(h, g0r[...], b0r[...])
        h = _lrelu(_dgT(w1r[...], h) + b1r[...])
        h = bnT(h, g1r[...], e1r[...])
        h = _lrelu(_dgT(w2r[...], h) + b2r[...])
        h = bnT(h, g2r[...], e2r[...])
        h = _dgT(w3r[...], h) + b3r[...]
        z = lax.dot_general(h, wpr[...], (((0,), (0,)), ((), ())),
                            preferred_element_type=_f32)
        z = z + bpr[...]
        z = z - jnp.max(z, axis=1, keepdims=True)
        ez = jnp.exp(z)
        out_ref[...] = ez / jnp.sum(ez, axis=1, keepdims=True)

    return pl.pallas_call(
        body,
        out_shape=jax.ShapeDtypeStruct((G, OUTDIM), _f32),
    )(suT, cu, g0c, b0c, W1, b1c, g1c, be1c, W2, b2c, g2c, be2c, W3, b3c,
      Wp, bp2)



def _fold(g, b, mean, var):
    a = g * lax.rsqrt(var + EPS)
    return a, b - a * mean


def kernel(x, edge_index, edge_attr, batch, edge_params, node1_params,
           node2_params, global_params, Wp, bp):
    row = edge_index[0]
    col = edge_index[1]
    fE = jnp.float32(E)
    fN = jnp.float32(N)

    xT = jnp.pad(x, ((0, NP - N), (0, 16 - NODE_IN))).T
    attrT = edge_attr.T
    def _piinv(v):
        return v.reshape(NEB, 2, BE2).transpose(0, 2, 1).reshape(E)

    row_g = _piinv(row)
    col_g = _piinv(col)
    col_pi4 = col.reshape(NEB, 4, BE4).transpose(0, 2, 1).reshape(E)

    ones_ch = jnp.ones((CH,), _f32)
    zeros_zch = jnp.zeros((ZCH,), _f32)
    zeros_hz32 = jnp.zeros((HZ8, 32), _f32)

    dr2, dc2 = _sc_deg(row, col, ones_ch, zeros_zch)
    degs4 = jnp.stack([dr2[:NP], dc2[:NP], dr2[NP:], dc2[NP:]])

    nm = _tc_node_moments(xT, degs4)
    am = _tc_attr_moments(attrT)
    s_rx, s_rx2 = nm[0, :NODE_IN], nm[1, :NODE_IN]
    s_cx, s_cx2 = nm[2, :NODE_IN], nm[3, :NODE_IN]
    s_a, s_a2 = am[:, 0], am[:, 1]

    eg0, eb0, eW1, eb1, eg1, ebe1, eW2, eb2, eg2, ebe2, eW3, eb3 = edge_params
    m0 = jnp.concatenate([s_rx, s_cx, s_a]) / fE
    q0 = jnp.concatenate([s_rx2, s_cx2, s_a2]) / fE
    a0, c0 = _fold(eg0, eb0, m0, q0 - m0 * m0)
    W1f = a0[:, None] * eW1
    c1 = c0 @ eW1 + eb1
    Ws = jnp.zeros((16, DH), _f32).at[:NODE_IN].set(W1f[:NODE_IN])
    Wd = jnp.zeros((16, DH), _f32).at[:NODE_IN].set(W1f[NODE_IN:2 * NODE_IN])
    Wa = W1f[2 * NODE_IN:]

    PsT, PdT = _tc_proj(xT, Ws, Wd)
    zs, zd = _sc_gath(PsT.T, PdT.T, row_g, col_g)
    zs_pk = zs.reshape(E2, 128)
    zd_pk = zd.reshape(E2, 128)

    h1eT, st1 = _tc_edge1(zs_pk, zd_pk, attrT, Wa, c1[:, None])
    m1 = st1[0] / fE
    a1, c1b = _fold(eg1, ebe1, m1, st1[1] / fE - m1 * m1)
    W2f = a1[:, None] * eW2
    c2 = c1b @ eW2 + eb2

    h2eT, st2, gram = _tc_edge2(h1eT, W2f, c2[:, None])
    m2 = st2[0] / fE
    a2, c2b = _fold(eg2, ebe2, m2, st2[1] / fE - m2 * m2)
    W3f = a2[:, None] * eW3
    c3 = c2b @ eW3 + eb3
    mean_e = m2 @ W3f + c3
    Ee2 = jnp.sum(W3f * (gram @ W3f), axis=0) / fE + 2 * c3 * (m2 @ W3f) + c3 ** 2
    var_e = Ee2 - mean_e ** 2

    ng0, nb0, nW1, nb1, ng1, nbe1, nW2, nb2, ng2, nbe2, nW3, nb3 = node1_params
    m0n = jnp.concatenate([s_rx / fE, mean_e])
    v0n = jnp.concatenate([s_rx2 / fE - (s_rx / fE) ** 2, var_e])
    a0n, c0n = _fold(ng0, nb0, m0n, v0n)
    A9 = a0n[:NODE_IN, None] * nW1[:NODE_IN]
    W9 = W1f[:NODE_IN]
    Mn = W9.T @ jnp.linalg.solve(W9 @ W9.T, A9)
    nW1e = a0n[NODE_IN:, None] * nW1[NODE_IN:]
    B = W3f @ nW1e
    cc = c0n @ nW1 + nb1 + c3 @ nW1e
    h1nT, st1n = _tc_node1(zs_pk, h2eT, Mn, B, cc[:, None])
    m1n = st1n[0] / fE
    a1n, c1n = _fold(ng1, nbe1, m1n, st1n[1] / fE - m1n * m1n)
    nW2f = a1n[:, None] * nW2
    nc2 = c1n @ nW2 + nb2

    h2n_lo, h2n_hi, st2n = _tc_node2(h1nT, nW2f, nc2[:, None])
    m2n = st2n[0] / fE
    a2n, c2n = _fold(ng2, nbe2, m2n, st2n[1] / fE - m2n * m2n)
    nW3f = a2n[:, None] * nW3
    nc3 = c2n @ nW3 + nb3

    S2 = _sc_scatter(col_pi4, h2n_lo.reshape(E, 32), h2n_hi.reshape(E, 32),
                     zeros_hz32)
    SloT = S2[0].T
    ShiT = S2[1].T

    aggT, ast, xst = _tc_agg(SloT, ShiT, degs4, xT,
                             nW3f[:32], nW3f[32:], nc3[:, None])
    mg0, mb0, mW1, mb1, mg1, mbe1, mW2, mb2, mg2, mbe2, mW3, mb3 = node2_params
    mx = xst[0, :NODE_IN] / fN
    vx = xst[1, :NODE_IN] / fN - mx * mx
    ma = ast[0] / fN
    va = ast[1] / fN - ma * ma
    a0m, c0m = _fold(mg0, mb0, jnp.concatenate([mx, ma]),
                     jnp.concatenate([vx, va]))
    Ax = jnp.zeros((16, DH), _f32).at[:NODE_IN].set(
        a0m[:NODE_IN, None] * mW1[:NODE_IN])
    Aagg = a0m[NODE_IN:, None] * mW1[NODE_IN:]
    ccm = (c0m @ mW1 + mb1)[:, None]
    h1mT, st1m = _tc_nmlp_a(xT, aggT, Ax, Aagg, ccm)
    m1m = st1m[0] / fN
    a1m, c1m = _fold(mg1, mbe1, m1m, st1m[1] / fN - m1m * m1m)
    h2mT, st2m = _tc_nmlp_b(h1mT, a1m[:, None] * mW2, (c1m @ mW2 + mb2)[:, None])
    m2m = st2m[0] / fN
    a2m, c2m = _fold(mg2, mbe2, m2m, st2m[1] / fN - m2m * m2m)

    batchi = jnp.broadcast_to(
        jnp.pad(batch, (0, NP - N), constant_values=-1)[None], (8, NP))
    suT, cu = _tc_pool(h2mT, a2m[:, None] * mW3, (c2m @ mW3 + mb3)[:, None],
                       batchi)

    gg0, gb0, gW1, gb1, gg1, gbe1, gW2, gb2, gg2, gbe2, gW3, gb3 = global_params
    gp_cols = (gg0[:, None], gb0[:, None], gW1, gb1[:, None], gg1[:, None],
               gbe1[:, None], gW2, gb2[:, None], gg2[:, None], gbe2[:, None],
               gW3, gb3[:, None])
    return _tc_global(suT, cu, gp_cols, Wp, bp[None])

# --- scband reference (transcript-rebuilt; emitter-appended) ---
"""Pipeline reference for scband-gnnmodel-17317308137513 (READ-ONLY COPY).

The authoritative reference and input builder live on the scoring server;
editing this copy changes nothing except your own understanding.
"""

import jax, jax.numpy as jnp
import numpy as np

N_NODES = 50000
N_EDGES = 1600000
NODE_IN = 9
EDGE_IN = 12
D_HID = 64
NUM_GRAPHS = 128
OUTDIM = 6
EPS = 1e-5
SLOPE = 0.1


def _mlp_params(key, din, dh):
    ks = jax.random.split(key, 3)
    g0 = jnp.ones((din,), jnp.float32); b0 = jnp.zeros((din,), jnp.float32)
    W1 = jax.random.normal(ks[0], (din, dh), jnp.float32) * 0.05; b1 = jnp.zeros((dh,), jnp.float32)
    g1 = jnp.ones((dh,), jnp.float32); be1 = jnp.zeros((dh,), jnp.float32)
    W2 = jax.random.normal(ks[1], (dh, dh), jnp.float32) * 0.05; b2 = jnp.zeros((dh,), jnp.float32)
    g2 = jnp.ones((dh,), jnp.float32); be2 = jnp.zeros((dh,), jnp.float32)
    W3 = jax.random.normal(ks[2], (dh, dh), jnp.float32) * 0.05; b3 = jnp.zeros((dh,), jnp.float32)
    return (g0, b0, W1, b1, g1, be1, W2, b2, g2, be2, W3, b3)


def _bn(h, g, b):
    m = jnp.mean(h, axis=0)
    v = jnp.mean((h - m) ** 2, axis=0)
    return g * (h - m) / jnp.sqrt(v + EPS) + b


def _mlp(h, p):
    g0, b0, W1, b1, g1, be1, W2, b2, g2, be2, W3, b3 = p
    h = _bn(h, g0, b0)
    h = h @ W1 + b1
    h = jax.nn.leaky_relu(h, SLOPE)
    h = _bn(h, g1, be1)
    h = h @ W2 + b2
    h = jax.nn.leaky_relu(h, SLOPE)
    h = _bn(h, g2, be2)
    return h @ W3 + b3


def setup_inputs(seed: int = 0) -> dict:
    key = jax.random.key(seed)
    ks = jax.random.split(key, 10)
    x = jax.random.normal(ks[0], (N_NODES, NODE_IN), jnp.float32)
    edge_index = jax.random.randint(ks[1], (2, N_EDGES), 0, N_NODES, dtype=jnp.int32)
    edge_attr = jax.random.normal(ks[2], (N_EDGES, EDGE_IN), jnp.float32)
    batch = jnp.sort(jax.random.randint(ks[3], (N_NODES,), 0, NUM_GRAPHS, dtype=jnp.int32))
    edge_params = _mlp_params(ks[4], 2 * NODE_IN + EDGE_IN, D_HID)
    node1_params = _mlp_params(ks[5], NODE_IN + D_HID, D_HID)
    node2_params = _mlp_params(ks[6], NODE_IN + D_HID, D_HID)
    global_params = _mlp_params(ks[7], D_HID, D_HID)
    Wp = jax.random.normal(ks[8], (D_HID, OUTDIM), jnp.float32) * 0.05
    bp = jnp.zeros((OUTDIM,), jnp.float32)
    return {"x": x, "edge_index": edge_index, "edge_attr": edge_attr, "batch": batch,
            "edge_params": edge_params, "node1_params": node1_params,
            "node2_params": node2_params, "global_params": global_params,
            "Wp": Wp, "bp": bp}


def reference(x, edge_index, edge_attr, batch, edge_params, node1_params, node2_params, global_params, Wp, bp):
    row = edge_index[0]
    col = edge_index[1]
    # EdgeModel
    src = x[row]
    dst = x[col]
    e = _mlp(jnp.concatenate([src, dst, edge_attr], axis=1), edge_params)
    # NodeModel
    m = _mlp(jnp.concatenate([x[row], e], axis=1), node1_params)
    s = jax.ops.segment_sum(m, col, num_segments=N_NODES)
    cnt = jax.ops.segment_sum(jnp.ones((N_EDGES,), jnp.float32), col, num_segments=N_NODES)
    agg = s / jnp.maximum(cnt, 1.0)[:, None]
    x2 = _mlp(jnp.concatenate([x, agg], axis=1), node2_params)
    # GlobalModel
    su = jax.ops.segment_sum(x2, batch, num_segments=NUM_GRAPHS)
    cu = jax.ops.segment_sum(jnp.ones((N_NODES,), jnp.float32), batch, num_segments=NUM_GRAPHS)
    u = su / jnp.maximum(cu, 1.0)[:, None]
    u = _mlp(u, global_params)
    # global predictor
    return jax.nn.softmax(u @ Wp + bp, axis=1)

if __name__ == "__main__":
    import jax
    _d = setup_inputs()
    print(jax.jit(kernel)(*tuple(_d.values())))

</pallas_src>

<mosaic_0001>
#map = affine_map<(d0, d1) -> (0, 0)>
#map1 = affine_map<(d0, d1) -> (0)>
module attributes {stable_mosaic.version = 14 : i64} {
  func.func @k(%arg0: i32, %arg1: i32, %arg2: memref<50176x64xf32, #tpu.memory_space<hbm>>, %arg3: memref<50176x64xf32, #tpu.memory_space<hbm>>, %arg4: memref<1600000xi32, #tpu.memory_space<hbm>>, %arg5: memref<1600000xi32, #tpu.memory_space<hbm>>, %arg6: memref<1600000x64xf32, #tpu.memory_space<hbm>>, %arg7: memref<1600000x64xf32, #tpu.memory_space<hbm>>, %arg8: memref<1000xi32, #tpu.memory_space<vmem>>, %arg9: memref<1000xi32, #tpu.memory_space<vmem>>, %arg10: memref<1000x64xf32, #tpu.memory_space<vmem>>, %arg11: memref<1000x64xf32, #tpu.memory_space<vmem>>, %arg12: memref<!tpu.dma_semaphore, #tpu.memory_space<semaphore_mem>>, %arg13: memref<!tpu.dma_semaphore, #tpu.memory_space<semaphore_mem>>) attributes {dimension_semantics = [#tpu.dimension_semantics<core_parallel>, #tpu.dimension_semantics<subcore_parallel>], iteration_bounds = array<i64: 2, 16>, scalar_prefetch = 0 : i64, scratch_operands = 6 : i64, tpu.core_type = #tpu.core_type<sc_vector_subcore>, window_params = [{transform_indices = #map}, {transform_indices = #map}, {transform_indices = #map1}, {transform_indices = #map1}, {transform_indices = #map}, {transform_indices = #map}]} {
    %mul3A = arith.constant 2 : i32
    %mul3A_0 = arith.muli %arg1, %mul3A : i32
    %add3A = arith.addi %mul3A_0, %arg0 : i32
    %scan3A = arith.constant 0 : i32
    %scan3A_1 = arith.constant 0 : i32
    %scan3A_2 = arith.constant 50 : i32
    %scan3A_3 = arith.addi %scan3A_1, %scan3A_2 : i32
    %scan3A_4 = arith.constant 1 : i32
    scf.for %scan3A_6 = %scan3A_1 to %scan3A_3 step %scan3A_4  : i32 {
      %mul3A_7 = arith.constant 50000 : i32
      %mul3A_8 = arith.muli %add3A, %mul3A_7 : i32
      %mul3A_9 = arith.constant 1000 : i32
      %mul3A_10 = arith.muli %scan3A_6, %mul3A_9 : i32
      %add3A_11 = arith.addi %mul3A_8, %mul3A_10 : i32
      "tpu.region"() ({
        %run_scoped3A = tpu.sem_alloc : memref<!tpu.dma_semaphore, #tpu.memory_space<semaphore_mem>>
        %dma_start3A_22 = tpu.memref_slice %arg4[%add3A_11] : memref<1600000xi32, #tpu.memory_space<hbm>> -> memref<1000xi32, #tpu.memory_space<hbm>>
        %dma_start3A_23 = tpu.memref_slice %arg4[%add3A_11] : memref<1600000xi32, #tpu.memory_space<hbm>> -> memref<1000xi32, #tpu.memory_space<hbm>>
        tpu.enqueue_dma source(%dma_start3A_23 : memref<1000xi32, #tpu.memory_space<hbm>>) target(%arg8 : memref<1000xi32, #tpu.memory_space<vmem>>) target_semaphore(%run_scoped3A : memref<!tpu.dma_semaphore, #tpu.memory_space<semaphore_mem>>)
        %dma_wait3A_24 = tpu.memref_slice %arg4[%add3A_11] : memref<1600000xi32, #tpu.memory_space<hbm>> -> memref<1000xi32, #tpu.memory_space<hbm>>
        %dma_wait3A_25 = tpu.memref_slice %arg4[%add3A_11] : memref<1600000xi32, #tpu.memory_space<hbm>> -> memref<1000xi32, #tpu.memory_space<hbm>>
        tpu.wait_dma2 semaphore(%run_scoped3A : memref<!tpu.dma_semaphore, #tpu.memory_space<semaphore_mem>>) src(%dma_wait3A_25 : memref<1000xi32, #tpu.memory_space<hbm>>) dst(%arg8 : memref<1000xi32, #tpu.memory_space<vmem>>)
        tpu.yield
      }) : () -> ()
      %dma_start3A = arith.constant 0 : i32
      %dma_start3A_12 = arith.constant 0 : i32
      %dma_start3A_13 = tpu.memref_slice %arg2[%dma_start3A, %dma_start3A_12] : memref<50176x64xf32, #tpu.memory_space<hbm>> -> memref<50176x64xf32, #tpu.memory_space<hbm>>
      tpu.enqueue_indirect_dma source(%dma_start3A_13 : memref<50176x64xf32, #tpu.memory_space<hbm>>) target(%arg10 : memref<1000x64xf32, #tpu.memory_space<vmem>>) offsets(%arg8 : memref<1000xi32, #tpu.memory_space<vmem>>) semaphore(%arg12 : memref<!tpu.dma_semaphore, #tpu.memory_space<semaphore_mem>>)
      "tpu.region"() ({
        %run_scoped3A = tpu.sem_alloc : memref<!tpu.dma_semaphore, #tpu.memory_space<semaphore_mem>>
        %dma_start3A_22 = tpu.memref_slice %arg5[%add3A_11] : memref<1600000xi32, #tpu.memory_space<hbm>> -> memref<1000xi32, #tpu.memory_space<hbm>>
        %dma_start3A_23 = tpu.memref_slice %arg5[%add3A_11] : memref<1600000xi32, #tpu.memory_space<hbm>> -> memref<1000xi32, #tpu.memory_space<hbm>>
        tpu.enqueue_dma source(%dma_start3A_23 : memref<1000xi32, #tpu.memory_space<hbm>>) target(%arg9 : memref<1000xi32, #tpu.memory_space<vmem>>) target_semaphore(%run_scoped3A : memref<!tpu.dma_semaphore, #tpu.memory_space<semaphore_mem>>)
        %dma_wait3A_24 = tpu.memref_slice %arg5[%add3A_11] : memref<1600000xi32, #tpu.memory_space<hbm>> -> memref<1000xi32, #tpu.memory_space<hbm>>
        %dma_wait3A_25 = tpu.memref_slice %arg5[%add3A_11] : memref<1600000xi32, #tpu.memory_space<hbm>> -> memref<1000xi32, #tpu.memory_space<hbm>>
        tpu.wait_dma2 semaphore(%run_scoped3A : memref<!tpu.dma_semaphore, #tpu.memory_space<semaphore_mem>>) src(%dma_wait3A_25 : memref<1000xi32, #tpu.memory_space<hbm>>) dst(%arg9 : memref<1000xi32, #tpu.memory_space<vmem>>)
        tpu.yield
      }) : () -> ()
      %dma_start3A_14 = arith.constant 0 : i32
      %dma_start3A_15 = arith.constant 0 : i32
      %dma_start3A_16 = tpu.memref_slice %arg3[%dma_start3A_14, %dma_start3A_15] : memref<50176x64xf32, #tpu.memory_space<hbm>> -> memref<50176x64xf32, #tpu.memory_space<hbm>>
      tpu.enqueue_indirect_dma source(%dma_start3A_16 : memref<50176x64xf32, #tpu.memory_space<hbm>>) target(%arg11 : memref<1000x64xf32, #tpu.memory_space<vmem>>) offsets(%arg9 : memref<1000xi32, #tpu.memory_space<vmem>>) semaphore(%arg13 : memref<!tpu.dma_semaphore, #tpu.memory_space<semaphore_mem>>)
      %dma_wait3A = arith.constant 0 : i32
      %dma_wait3A_17 = arith.constant 0 : i32
      %dma_wait3A_18 = tpu.memref_slice %arg2[%dma_wait3A, %dma_wait3A_17] : memref<50176x64xf32, #tpu.memory_space<hbm>> -> memref<50176x64xf32, #tpu.memory_space<hbm>>
      tpu.wait_indirect_dma semaphore(%arg12 : memref<!tpu.dma_semaphore, #tpu.memory_space<semaphore_mem>>) src(%dma_wait3A_18 : memref<50176x64xf32, #tpu.memory_space<hbm>>) dst(%arg10 : memref<1000x64xf32, #tpu.memory_space<vmem>>)
      "tpu.region"() ({
        %run_scoped3A = tpu.sem_alloc : memref<!tpu.dma_semaphore, #tpu.memory_space<semaphore_mem>>
        %dma_start3A_22 = arith.constant 0 : i32
        %dma_start3A_23 = tpu.memref_slice %arg6[%add3A_11, %dma_start3A_22] : memref<1600000x64xf32, #tpu.memory_space<hbm>> -> memref<1000x64xf32, #tpu.memory_space<hbm>>
        %dma_start3A_24 = arith.constant 0 : i32
        %dma_start3A_25 = tpu.memref_slice %arg6[%add3A_11, %dma_start3A_24] : memref<1600000x64xf32, #tpu.memory_space<hbm>> -> memref<1000x64xf32, #tpu.memory_space<hbm>>
        tpu.enqueue_dma source(%arg10 : memref<1000x64xf32, #tpu.memory_space<vmem>>) target(%dma_start3A_25 : memref<1000x64xf32, #tpu.memory_space<hbm>>) target_semaphore(%run_scoped3A : memref<!tpu.dma_semaphore, #tpu.memory_space<semaphore_mem>>)
        %dma_wait3A_26 = arith.constant 0 : i32
        %dma_wait3A_27 = tpu.memref_slice %arg6[%add3A_11, %dma_wait3A_26] : memref<1600000x64xf32, #tpu.memory_space<hbm>> -> memref<1000x64xf32, #tpu.memory_space<hbm>>
        %dma_wait3A_28 = arith.constant 0 : i32
        %dma_wait3A_29 = tpu.memref_slice %arg6[%add3A_11, %dma_wait3A_28] : memref<1600000x64xf32, #tpu.memory_space<hbm>> -> memref<1000x64xf32, #tpu.memory_space<hbm>>
        tpu.wait_dma2 semaphore(%run_scoped3A : memref<!tpu.dma_semaphore, #tpu.memory_space<semaphore_mem>>) src(%arg10 : memref<1000x64xf32, #tpu.memory_space<vmem>>) dst(%dma_wait3A_29 : memref<1000x64xf32, #tpu.memory_space<hbm>>)
        tpu.yield
      }) : () -> ()
      %dma_wait3A_19 = arith.constant 0 : i32
      %dma_wait3A_20 = arith.constant 0 : i32
      %dma_wait3A_21 = tpu.memref_slice %arg3[%dma_wait3A_19, %dma_wait3A_20] : memref<50176x64xf32, #tpu.memory_space<hbm>> -> memref<50176x64xf32, #tpu.memory_space<hbm>>
      tpu.wait_indirect_dma semaphore(%arg13 : memref<!tpu.dma_semaphore, #tpu.memory_space<semaphore_mem>>) src(%dma_wait3A_21 : memref<50176x64xf32, #tpu.memory_space<hbm>>) dst(%arg11 : memref<1000x64xf32, #tpu.memory_space<vmem>>)
      "tpu.region"() ({
        %run_scoped3A = tpu.sem_alloc : memref<!tpu.dma_semaphore, #tpu.memory_space<semaphore_mem>>
        %dma_start3A_22 = arith.constant 0 : i32
        %dma_start3A_23 = tpu.memref_slice %arg7[%add3A_11, %dma_start3A_22] : memref<1600000x64xf32, #tpu.memory_space<hbm>> -> memref<1000x64xf32, #tpu.memory_space<hbm>>
        %dma_start3A_24 = arith.constant 0 : i32
        %dma_start3A_25 = tpu.memref_slice %arg7[%add3A_11, %dma_start3A_24] : memref<1600000x64xf32, #tpu.memory_space<hbm>> -> memref<1000x64xf32, #tpu.memory_space<hbm>>
        tpu.enqueue_dma source(%arg11 : memref<1000x64xf32, #tpu.memory_space<vmem>>) target(%dma_start3A_25 : memref<1000x64xf32, #tpu.memory_space<hbm>>) target_semaphore(%run_scoped3A : memref<!tpu.dma_semaphore, #tpu.memory_space<semaphore_mem>>)
        %dma_wait3A_26 = arith.constant 0 : i32
        %dma_wait3A_27 = tpu.memref_slice %arg7[%add3A_11, %dma_wait3A_26] : memref<1600000x64xf32, #tpu.memory_space<hbm>> -> memref<1000x64xf32, #tpu.memory_space<hbm>>
        %dma_wait3A_28 = arith.constant 0 : i32
        %dma_wait3A_29 = tpu.memref_slice %arg7[%add3A_11, %dma_wait3A_28] : memref<1600000x64xf32, #tpu.memory_space<hbm>> -> memref<1000x64xf32, #tpu.memory_space<hbm>>
        tpu.wait_dma2 semaphore(%run_scoped3A : memref<!tpu.dma_semaphore, #tpu.memory_space<semaphore_mem>>) src(%arg11 : memref<1000x64xf32, #tpu.memory_space<vmem>>) dst(%dma_wait3A_29 : memref<1000x64xf32, #tpu.memory_space<hbm>>)
        tpu.yield
      }) : () -> ()
    }
    %scan3A_5 = arith.constant 50 : i32
    return
  }
}

#map = affine_map<(d0, d1) -> (0)>
module attributes {stable_mosaic.version = 14 : i64} {
  func.func @k(%arg0: i32, %arg1: i32, %arg2: memref<1600000xi32, #tpu.memory_space<hbm>>, %arg3: memref<1600000xi32, #tpu.memory_space<hbm>>, %arg4: memref<2000xf32, #tpu.memory_space<hbm>>, %arg5: memref<3136xf32, #tpu.memory_space<hbm>>, %arg6: memref<100352xf32, #tpu.memory_space<hbm>>, %arg7: memref<100352xf32, #tpu.memory_space<hbm>>, %arg8: memref<2000xi32, #tpu.memory_space<vmem>>, %arg9: memref<2000xf32, #tpu.memory_space<vmem>>, %arg10: memref<3136xf32, #tpu.memory_space<vmem>>, %arg11: memref<50176xf32, #tpu.memory_space<vmem_shared>>, %arg12: memref<50176xf32, #tpu.memory_space<vmem_shared>>) attributes {dimension_semantics = [#tpu.dimension_semantics<core_parallel>, #tpu.dimension_semantics<subcore_parallel>], iteration_bounds = array<i64: 2, 16>, scalar_prefetch = 0 : i64, scratch_operands = 5 : i64, tpu.core_type = #tpu.core_type<sc_vector_subcore>, window_params = [{transform_indices = #map}, {transform_indices = #map}, {transform_indices = #map}, {transform_indices = #map}, {transform_indices = #map}, {transform_indices = #map}]} {
    %mul3A = arith.constant 2 : i32
    %mul3A_0 = arith.muli %arg1, %mul3A : i32
    %add3A = arith.addi %mul3A_0, %arg0 : i32
    "tpu.region"() ({
      %run_scoped3A = tpu.sem_alloc : memref<!tpu.dma_semaphore, #tpu.memory_space<semaphore_mem>>
      tpu.enqueue_dma source(%arg5 : memref<3136xf32, #tpu.memory_space<hbm>>) target(%arg10 : memref<3136xf32, #tpu.memory_space<vmem>>) target_semaphore(%run_scoped3A : memref<!tpu.dma_semaphore, #tpu.memory_space<semaphore_mem>>)
      tpu.wait_dma2 semaphore(%run_scoped3A : memref<!tpu.dma_semaphore, #tpu.memory_space<semaphore_mem>>) src(%arg5 : memref<3136xf32, #tpu.memory_space<hbm>>) dst(%arg10 : memref<3136xf32, #tpu.memory_space<vmem>>)
      tpu.yield
    }) : () -> ()
    %mul3A_1 = arith.constant 3136 : i32
    %mul3A_2 = arith.muli %arg1, %mul3A_1 : i32
    "tpu.region"() ({
      %run_scoped3A = tpu.sem_alloc : memref<!tpu.dma_semaphore, #tpu.memory_space<semaphore_mem>>
      %dma_start3A = tpu.memref_slice %arg11[%mul3A_2] : memref<50176xf32, #tpu.memory_space<vmem_shared>> -> memref<3136xf32, #tpu.memory_space<vmem_shared>>
      %dma_start3A_25 = tpu.memref_slice %arg11[%mul3A_2] : memref<50176xf32, #tpu.memory_space<vmem_shared>> -> memref<3136xf32, #tpu.memory_space<vmem_shared>>
      tpu.enqueue_dma source(%arg10 : memref<3136xf32, #tpu.memory_space<vmem>>) target(%dma_start3A_25 : memref<3136xf32, #tpu.memory_space<vmem_shared>>) target_semaphore(%run_scoped3A : memref<!tpu.dma_semaphore, #tpu.memory_space<semaphore_mem>>)
      %dma_wait3A = tpu.memref_slice %arg11[%mul3A_2] : memref<50176xf32, #tpu.memory_space<vmem_shared>> -> memref<3136xf32, #tpu.memory_space<vmem_shared>>
      %dma_wait3A_26 = tpu.memref_slice %arg11[%mul3A_2] : memref<50176xf32, #tpu.memory_space<vmem_shared>> -> memref<3136xf32, #tpu.memory_space<vmem_shared>>
      tpu.wait_dma2 semaphore(%run_scoped3A : memref<!tpu.dma_semaphore, #tpu.memory_space<semaphore_mem>>) src(%arg10 : memref<3136xf32, #tpu.memory_space<vmem>>) dst(%dma_wait3A_26 : memref<3136xf32, #tpu.memory_space<vmem_shared>>)
      tpu.yield
    }) : () -> ()
    %mul3A_3 = arith.constant 3136 : i32
    %mul3A_4 = arith.muli %arg1, %mul3A_3 : i32
    "tpu.region"() ({
      %run_scoped3A = tpu.sem_alloc : memref<!tpu.dma_semaphore, #tpu.memory_space<semaphore_mem>>
      %dma_start3A = tpu.memref_slice %arg12[%mul3A_4] : memref<50176xf32, #tpu.memory_space<vmem_shared>> -> memref<3136xf32, #tpu.memory_space<vmem_shared>>
      %dma_start3A_25 = tpu.memref_slice %arg12[%mul3A_4] : memref<50176xf32, #tpu.memory_space<vmem_shared>> -> memref<3136xf32, #tpu.memory_space<vmem_shared>>
      tpu.enqueue_dma source(%arg10 : memref<3136xf32, #tpu.memory_space<vmem>>) target(%dma_start3A_25 : memref<3136xf32, #tpu.memory_space<vmem_shared>>) target_semaphore(%run_scoped3A : memref<!tpu.dma_semaphore, #tpu.memory_space<semaphore_mem>>)
      %dma_wait3A = tpu.memref_slice %arg12[%mul3A_4] : memref<50176xf32, #tpu.memory_space<vmem_shared>> -> memref<3136xf32, #tpu.memory_space<vmem_shared>>
      %dma_wait3A_26 = tpu.memref_slice %arg12[%mul3A_4] : memref<50176xf32, #tpu.memory_space<vmem_shared>> -> memref<3136xf32, #tpu.memory_space<vmem_shared>>
      tpu.wait_dma2 semaphore(%run_scoped3A : memref<!tpu.dma_semaphore, #tpu.memory_space<semaphore_mem>>) src(%arg10 : memref<3136xf32, #tpu.memory_space<vmem>>) dst(%dma_wait3A_26 : memref<3136xf32, #tpu.memory_space<vmem_shared>>)
      tpu.yield
    }) : () -> ()
    "tpu.region"() ({
      %run_scoped3A = tpu.sem_alloc : memref<!tpu.dma_semaphore, #tpu.memory_space<semaphore_mem>>
      tpu.enqueue_dma source(%arg4 : memref<2000xf32, #tpu.memory_space<hbm>>) target(%arg9 : memref<2000xf32, #tpu.memory_space<vmem>>) target_semaphore(%run_scoped3A : memref<!tpu.dma_semaphore, #tpu.memory_space<semaphore_mem>>)
      tpu.wait_dma2 semaphore(%run_scoped3A : memref<!tpu.dma_semaphore, #tpu.memory_space<semaphore_mem>>) src(%arg4 : memref<2000xf32, #tpu.memory_space<hbm>>) dst(%arg9 : memref<2000xf32, #tpu.memory_space<vmem>>)
      tpu.yield
    }) : () -> ()
    %barrier3A = arith.constant 0 : index
    tpu.barrier barrier_id(%barrier3A)
    %scan3A = arith.constant 0 : i32
    %scan3A_5 = arith.constant 0 : i32
    %scan3A_6 = arith.constant 25 : i32
    %scan3A_7 = arith.addi %scan3A_5, %scan3A_6 : i32
    %scan3A_8 = arith.constant 1 : i32
    scf.for %scan3A_25 = %scan3A_5 to %scan3A_7 step %scan3A_8  : i32 {
      %mul3A_26 = arith.constant 50000 : i32
      %mul3A_27 = arith.muli %add3A, %mul3A_26 : i32
      %mul3A_28 = arith.constant 2000 : i32
      %mul3A_29 = arith.muli %scan3A_25, %mul3A_28 : i32
      %add3A_30 = arith.addi %mul3A_27, %mul3A_29 : i32
      "tpu.region"() ({
        %run_scoped3A = tpu.sem_alloc : memref<!tpu.dma_semaphore, #tpu.memory_space<semaphore_mem>>
        %dma_start3A = tpu.memref_slice %arg2[%add3A_30] : memref<1600000xi32, #tpu.memory_space<hbm>> -> memref<2000xi32, #tpu.memory_space<hbm>>
        %dma_start3A_31 = tpu.memref_slice %arg2[%add3A_30] : memref<1600000xi32, #tpu.memory_space<hbm>> -> memref<2000xi32, #tpu.memory_space<hbm>>
        tpu.enqueue_dma source(%dma_start3A_31 : memref<2000xi32, #tpu.memory_space<hbm>>) target(%arg8 : memref<2000xi32, #tpu.memory_space<vmem>>) target_semaphore(%run_scoped3A : memref<!tpu.dma_semaphore, #tpu.memory_space<semaphore_mem>>)
        %dma_wait3A = tpu.memref_slice %arg2[%add3A_30] : memref<1600000xi32, #tpu.memory_space<hbm>> -> memref<2000xi32, #tpu.memory_space<hbm>>
        %dma_wait3A_32 = tpu.memref_slice %arg2[%add3A_30] : memref<1600000xi32, #tpu.memory_space<hbm>> -> memref<2000xi32, #tpu.memory_space<hbm>>
        tpu.wait_dma2 semaphore(%run_scoped3A : memref<!tpu.dma_semaphore, #tpu.memory_space<semaphore_mem>>) src(%dma_wait3A_32 : memref<2000xi32, #tpu.memory_space<hbm>>) dst(%arg8 : memref<2000xi32, #tpu.memory_space<vmem>>)
        tpu.yield
      }) : () -> ()
      "tpu.region"() ({
        %run_scoped3A = tpu.sem_alloc : memref<!tpu.dma_semaphore, #tpu.memory_space<semaphore_mem>>
        %dma_start3A = arith.constant 0 : i32
        %dma_start3A_31 = tpu.memref_slice %arg11[%dma_start3A] : memref<50176xf32, #tpu.memory_space<vmem_shared>> -> memref<50176xf32, #tpu.memory_space<vmem_shared>>
        tpu.enqueue_indirect_dma source(%arg9 : memref<2000xf32, #tpu.memory_space<vmem>>) target(%dma_start3A_31 : memref<50176xf32, #tpu.memory_space<vmem_shared>>) offsets(%arg8 : memref<2000xi32, #tpu.memory_space<vmem>>) semaphore(%run_scoped3A : memref<!tpu.dma_semaphore, #tpu.memory_space<semaphore_mem>>) {add = true}
        %dma_wait3A = arith.constant 0 : i32
        %dma_wait3A_32 = tpu.memref_slice %arg11[%dma_wait3A] : memref<50176xf32, #tpu.memory_space<vmem_shared>> -> memref<50176xf32, #tpu.memory_space<vmem_shared>>
        tpu.wait_indirect_dma semaphore(%run_scoped3A : memref<!tpu.dma_semaphore, #tpu.memory_space<semaphore_mem>>) src(%arg9 : memref<2000xf32, #tpu.memory_space<vmem>>) dst(%dma_wait3A_32 : memref<50176xf32, #tpu.memory_space<vmem_shared>>)
        tpu.yield
      }) : () -> ()
      "tpu.region"() ({
        %run_scoped3A = tpu.sem_alloc : memref<!tpu.dma_semaphore, #tpu.memory_space<semaphore_mem>>
        %dma_start3A = tpu.memref_slice %arg3[%add3A_30] : memref<1600000xi32, #tpu.memory_space<hbm>> -> memref<2000xi32, #tpu.memory_space<hbm>>
        %dma_start3A_31 = tpu.memref_slice %arg3[%add3A_30] : memref<1600000xi32, #tpu.memory_space<hbm>> -> memref<2000xi32, #tpu.memory_space<hbm>>
        tpu.enqueue_dma source(%dma_start3A_31 : memref<2000xi32, #tpu.memory_space<hbm>>) target(%arg8 : memref<2000xi32, #tpu.memory_space<vmem>>) target_semaphore(%run_scoped3A : memref<!tpu.dma_semaphore, #tpu.memory_space<semaphore_mem>>)
        %dma_wait3A = tpu.memref_slice %arg3[%add3A_30] : memref<1600000xi32, #tpu.memory_space<hbm>> -> memref<2000xi32, #tpu.memory_space<hbm>>
        %dma_wait3A_32 = tpu.memref_slice %arg3[%add3A_30] : memref<1600000xi32, #tpu.memory_space<hbm>> -> memref<2000xi32, #tpu.memory_space<hbm>>
        tpu.wait_dma2 semaphore(%run_scoped3A : memref<!tpu.dma_semaphore, #tpu.memory_space<semaphore_mem>>) src(%dma_wait3A_32 : memref<2000xi32, #tpu.memory_space<hbm>>) dst(%arg8 : memref<2000xi32, #tpu.memory_space<vmem>>)
        tpu.yield
      }) : () -> ()
      "tpu.region"() ({
        %run_scoped3A = tpu.sem_alloc : memref<!tpu.dma_semaphore, #tpu.memory_space<semaphore_mem>>
        %dma_start3A = arith.constant 0 : i32
        %dma_start3A_31 = tpu.memref_slice %arg12[%dma_start3A] : memref<50176xf32, #tpu.memory_space<vmem_shared>> -> memref<50176xf32, #tpu.memory_space<vmem_shared>>
        tpu.enqueue_indirect_dma source(%arg9 : memref<2000xf32, #tpu.memory_space<vmem>>) target(%dma_start3A_31 : memref<50176xf32, #tpu.memory_space<vmem_shared>>) offsets(%arg8 : memref<2000xi32, #tpu.memory_space<vmem>>) semaphore(%run_scoped3A : memref<!tpu.dma_semaphore, #tpu.memory_space<semaphore_mem>>) {add = true}
        %dma_wait3A = arith.constant 0 : i32
        %dma_wait3A_32 = tpu.memref_slice %arg12[%dma_wait3A] : memref<50176xf32, #tpu.memory_space<vmem_shared>> -> memref<50176xf32, #tpu.memory_space<vmem_shared>>
        tpu.wait_indirect_dma semaphore(%run_scoped3A : memref<!tpu.dma_semaphore, #tpu.memory_space<semaphore_mem>>) src(%arg9 : memref<2000xf32, #tpu.memory_space<vmem>>) dst(%dma_wait3A_32 : memref<50176xf32, #tpu.memory_space<vmem_shared>>)
        tpu.yield
      }) : () -> ()
    }
    %scan3A_9 = arith.constant 25 : i32
    %barrier3A_10 = arith.constant 0 : index
    tpu.barrier barrier_id(%barrier3A_10)
    %mul3A_11 = arith.constant 3136 : i32
    %mul3A_12 = arith.muli %arg1, %mul3A_11 : i32
    "tpu.region"() ({
      %run_scoped3A = tpu.sem_alloc : memref<!tpu.dma_semaphore, #tpu.memory_space<semaphore_mem>>
      %dma_start3A = tpu.memref_slice %arg11[%mul3A_12] : memref<50176xf32, #tpu.memory_space<vmem_shared>> -> memref<3136xf32, #tpu.memory_space<vmem_shared>>
      %dma_start3A_25 = tpu.memref_slice %arg11[%mul3A_12] : memref<50176xf32, #tpu.memory_space<vmem_shared>> -> memref<3136xf32, #tpu.memory_space<vmem_shared>>
      tpu.enqueue_dma source(%dma_start3A_25 : memref<3136xf32, #tpu.memory_space<vmem_shared>>) target(%arg10 : memref<3136xf32, #tpu.memory_space<vmem>>) target_semaphore(%run_scoped3A : memref<!tpu.dma_semaphore, #tpu.memory_space<semaphore_mem>>)
      %dma_wait3A = tpu.memref_slice %arg11[%mul3A_12] : memref<50176xf32, #tpu.memory_space<vmem_shared>> -> memref<3136xf32, #tpu.memory_space<vmem_shared>>
      %dma_wait3A_26 = tpu.memref_slice %arg11[%mul3A_12] : memref<50176xf32, #tpu.memory_space<vmem_shared>> -> memref<3136xf32, #tpu.memory_space<vmem_shared>>
      tpu.wait_dma2 semaphore(%run_scoped3A : memref<!tpu.dma_semaphore, #tpu.memory_space<semaphore_mem>>) src(%dma_wait3A_26 : memref<3136xf32, #tpu.memory_space<vmem_shared>>) dst(%arg10 : memref<3136xf32, #tpu.memory_space<vmem>>)
      tpu.yield
    }) : () -> ()
    %mul3A_13 = arith.constant 50176 : i32
    %mul3A_14 = arith.muli %arg0, %mul3A_13 : i32
    %mul3A_15 = arith.constant 3136 : i32
    %mul3A_16 = arith.muli %arg1, %mul3A_15 : i32
    %add3A_17 = arith.addi %mul3A_14, %mul3A_16 : i32
    "tpu.region"() ({
      %run_scoped3A = tpu.sem_alloc : memref<!tpu.dma_semaphore, #tpu.memory_space<semaphore_mem>>
      %dma_start3A = tpu.memref_slice %arg6[%add3A_17] : memref<100352xf32, #tpu.memory_space<hbm>> -> memref<3136xf32, #tpu.memory_space<hbm>>
      %dma_start3A_25 = tpu.memref_slice %arg6[%add3A_17] : memref<100352xf32, #tpu.memory_space<hbm>> -> memref<3136xf32, #tpu.memory_space<hbm>>
      tpu.enqueue_dma source(%arg10 : memref<3136xf32, #tpu.memory_space<vmem>>) target(%dma_start3A_25 : memref<3136xf32, #tpu.memory_space<hbm>>) target_semaphore(%run_scoped3A : memref<!tpu.dma_semaphore, #tpu.memory_space<semaphore_mem>>)
      %dma_wait3A = tpu.memref_slice %arg6[%add3A_17] : memref<100352xf32, #tpu.memory_space<hbm>> -> memref<3136xf32, #tpu.memory_space<hbm>>
      %dma_wait3A_26 = tpu.memref_slice %arg6[%add3A_17] : memref<100352xf32, #tpu.memory_space<hbm>> -> memref<3136xf32, #tpu.memory_space<hbm>>
      tpu.wait_dma2 semaphore(%run_scoped3A : memref<!tpu.dma_semaphore, #tpu.memory_space<semaphore_mem>>) src(%arg10 : memref<3136xf32, #tpu.memory_space<vmem>>) dst(%dma_wait3A_26 : memref<3136xf32, #tpu.memory_space<hbm>>)
      tpu.yield
    }) : () -> ()
    %mul3A_18 = arith.constant 3136 : i32
    %mul3A_19 = arith.muli %arg1, %mul3A_18 : i32
    "tpu.region"() ({
      %run_scoped3A = tpu.sem_alloc : memref<!tpu.dma_semaphore, #tpu.memory_space<semaphore_mem>>
      %dma_start3A = tpu.memref_slice %arg12[%mul3A_19] : memref<50176xf32, #tpu.memory_space<vmem_shared>> -> memref<3136xf32, #tpu.memory_space<vmem_shared>>
      %dma_start3A_25 = tpu.memref_slice %arg12[%mul3A_19] : memref<50176xf32, #tpu.memory_space<vmem_shared>> -> memref<3136xf32, #tpu.memory_space<vmem_shared>>
      tpu.enqueue_dma source(%dma_start3A_25 : memref<3136xf32, #tpu.memory_space<vmem_shared>>) target(%arg10 : memref<3136xf32, #tpu.memory_space<vmem>>) target_semaphore(%run_scoped3A : memref<!tpu.dma_semaphore, #tpu.memory_space<semaphore_mem>>)
      %dma_wait3A = tpu.memref_slice %arg12[%mul3A_19] : memref<50176xf32, #tpu.memory_space<vmem_shared>> -> memref<3136xf32, #tpu.memory_space<vmem_shared>>
      %dma_wait3A_26 = tpu.memref_slice %arg12[%mul3A_19] : memref<50176xf32, #tpu.memory_space<vmem_shared>> -> memref<3136xf32, #tpu.memory_space<vmem_shared>>
      tpu.wait_dma2 semaphore(%run_scoped3A : memref<!tpu.dma_semaphore, #tpu.memory_space<semaphore_mem>>) src(%dma_wait3A_26 : memref<3136xf32, #tpu.memory_space<vmem_shared>>) dst(%arg10 : memref<3136xf32, #tpu.memory_space<vmem>>)
      tpu.yield
    }) : () -> ()
    %mul3A_20 = arith.constant 50176 : i32
    %mul3A_21 = arith.muli %arg0, %mul3A_20 : i32
    %mul3A_22 = arith.constant 3136 : i32
    %mul3A_23 = arith.muli %arg1, %mul3A_22 : i32
    %add3A_24 = arith.addi %mul3A_21, %mul3A_23 : i32
    "tpu.region"() ({
      %run_scoped3A = tpu.sem_alloc : memref<!tpu.dma_semaphore, #tpu.memory_space<semaphore_mem>>
      %dma_start3A = tpu.memref_slice %arg7[%add3A_24] : memref<100352xf32, #tpu.memory_space<hbm>> -> memref<3136xf32, #tpu.memory_space<hbm>>
      %dma_start3A_25 = tpu.memref_slice %arg7[%add3A_24] : memref<100352xf32, #tpu.memory_space<hbm>> -> memref<3136xf32, #tpu.memory_space<hbm>>
      tpu.enqueue_dma source(%arg10 : memref<3136xf32, #tpu.memory_space<vmem>>) target(%dma_start3A_25 : memref<3136xf32, #tpu.memory_space<hbm>>) target_semaphore(%run_scoped3A : memref<!tpu.dma_semaphore, #tpu.memory_space<semaphore_mem>>)
      %dma_wait3A = tpu.memref_slice %arg7[%add3A_24] : memref<100352xf32, #tpu.memory_space<hbm>> -> memref<3136xf32, #tpu.memory_space<hbm>>
      %dma_wait3A_26 = tpu.memref_slice %arg7[%add3A_24] : memref<100352xf32, #tpu.memory_space<hbm>> -> memref<3136xf32, #tpu.memory_space<hbm>>
      tpu.wait_dma2 semaphore(%run_scoped3A : memref<!tpu.dma_semaphore, #tpu.memory_space<semaphore_mem>>) src(%arg10 : memref<3136xf32, #tpu.memory_space<vmem>>) dst(%dma_wait3A_26 : memref<3136xf32, #tpu.memory_space<hbm>>)
      tpu.yield
    }) : () -> ()
    return
  }
}

#map = affine_map<(d0, d1) -> (0)>
#map1 = affine_map<(d0, d1) -> (0, 0)>
#map2 = affine_map<(d0, d1) -> (0, 0, 0)>
module attributes {stable_mosaic.version = 14 : i64} {
  func.func @k(%arg0: i32, %arg1: i32, %arg2: memref<1600000xi32, #tpu.memory_space<hbm>>, %arg3: memref<1600000x32xf32, #tpu.memory_space<hbm>>, %arg4: memref<1600000x32xf32, #tpu.memory_space<hbm>>, %arg5: memref<392x32xf32, #tpu.memory_space<hbm>>, %arg6: memref<2x50176x32xf32, #tpu.memory_space<hbm>>, %arg7: memref<400xi32, #tpu.memory_space<vmem>>, %arg8: memref<400xi32, #tpu.memory_space<vmem>>, %arg9: memref<400x32xf32, #tpu.memory_space<vmem>>, %arg10: memref<400x32xf32, #tpu.memory_space<vmem>>, %arg11: memref<!tpu.dma_semaphore, #tpu.memory_space<semaphore_mem>>, %arg12: memref<!tpu.dma_semaphore, #tpu.memory_space<semaphore_mem>>, %arg13: memref<50176x32xf32, #tpu.memory_space<vmem_shared>>) attributes {dimension_semantics = [#tpu.dimension_semantics<core_parallel>, #tpu.dimension_semantics<subcore_parallel>], iteration_bounds = array<i64: 2, 16>, scalar_prefetch = 0 : i64, scratch_operands = 7 : i64, tpu.core_type = #tpu.core_type<sc_vector_subcore>, window_params = [{transform_indices = #map}, {transform_indices = #map1}, {transform_indices = #map1}, {transform_indices = #map1}, {transform_indices = #map2}]} {
    "tpu.region"() ({
      %run_scoped3A = tpu.sem_alloc : memref<!tpu.dma_semaphore, #tpu.memory_space<semaphore_mem>>
      %dma_start3A = arith.constant 0 : i32
      %dma_start3A_102 = arith.constant 0 : i32
      %dma_start3A_103 = tpu.memref_slice %arg9[%dma_start3A, %dma_start3A_102] : memref<400x32xf32, #tpu.memory_space<vmem>> -> memref<392x32xf32, #tpu.memory_space<vmem>>
      %dma_start3A_104 = arith.constant 0 : i32
      %dma_start3A_105 = arith.constant 0 : i32
      %dma_start3A_106 = tpu.memref_slice %arg9[%dma_start3A_104, %dma_start3A_105] : memref<400x32xf32, #tpu.memory_space<vmem>> -> memref<392x32xf32, #tpu.memory_space<vmem>>
      tpu.enqueue_dma source(%arg5 : memref<392x32xf32, #tpu.memory_space<hbm>>) target(%dma_start3A_106 : memref<392x32xf32, #tpu.memory_space<vmem>>) target_semaphore(%run_scoped3A : memref<!tpu.dma_semaphore, #tpu.memory_space<semaphore_mem>>)
      %dma_wait3A = arith.constant 0 : i32
      %dma_wait3A_107 = arith.constant 0 : i32
      %dma_wait3A_108 = tpu.memref_slice %arg9[%dma_wait3A, %dma_wait3A_107] : memref<400x32xf32, #tpu.memory_space<vmem>> -> memref<392x32xf32, #tpu.memory_space<vmem>>
      %dma_wait3A_109 = arith.constant 0 : i32
      %dma_wait3A_110 = arith.constant 0 : i32
      %dma_wait3A_111 = tpu.memref_slice %arg9[%dma_wait3A_109, %dma_wait3A_110] : memref<400x32xf32, #tpu.memory_space<vmem>> -> memref<392x32xf32, #tpu.memory_space<vmem>>
      tpu.wait_dma2 semaphore(%run_scoped3A : memref<!tpu.dma_semaphore, #tpu.memory_space<semaphore_mem>>) src(%arg5 : memref<392x32xf32, #tpu.memory_space<hbm>>) dst(%dma_wait3A_111 : memref<392x32xf32, #tpu.memory_space<vmem>>)
      tpu.yield
    }) : () -> ()
    %mul3A = arith.constant 3136 : i32
    %mul3A_0 = arith.muli %arg1, %mul3A : i32
    %add3A = arith.constant 0 : i32
    %add3A_1 = arith.addi %mul3A_0, %add3A : i32
    "tpu.region"() ({
      %run_scoped3A = tpu.sem_alloc : memref<!tpu.dma_semaphore, #tpu.memory_space<semaphore_mem>>
      %dma_start3A = arith.constant 0 : i32
      %dma_start3A_102 = arith.constant 0 : i32
      %dma_start3A_103 = tpu.memref_slice %arg9[%dma_start3A, %dma_start3A_102] : memref<400x32xf32, #tpu.memory_space<vmem>> -> memref<392x32xf32, #tpu.memory_space<vmem>>
      %dma_start3A_104 = arith.constant 0 : i32
      %dma_start3A_105 = tpu.memref_slice %arg13[%add3A_1, %dma_start3A_104] : memref<50176x32xf32, #tpu.memory_space<vmem_shared>> -> memref<392x32xf32, #tpu.memory_space<vmem_shared>>
      %dma_start3A_106 = arith.constant 0 : i32
      %dma_start3A_107 = tpu.memref_slice %arg13[%add3A_1, %dma_start3A_106] : memref<50176x32xf32, #tpu.memory_space<vmem_shared>> -> memref<392x32xf32, #tpu.memory_space<vmem_shared>>
      %dma_start3A_108 = arith.constant 0 : i32
      %dma_start3A_109 = arith.constant 0 : i32
      %dma_start3A_110 = tpu.memref_slice %arg9[%dma_start3A_108, %dma_start3A_109] : memref<400x32xf32, #tpu.memory_space<vmem>> -> memref<392x32xf32, #tpu.memory_space<vmem>>
      tpu.enqueue_dma source(%dma_start3A_110 : memref<392x32xf32, #tpu.memory_space<vmem>>) target(%dma_start3A_107 : memref<392x32xf32, #tpu.memory_space<vmem_shared>>) target_semaphore(%run_scoped3A : memref<!tpu.dma_semaphore, #tpu.memory_space<semaphore_mem>>)
      %dma_wait3A = arith.constant 0 : i32
      %dma_wait3A_111 = arith.constant 0 : i32
      %dma_wait3A_112 = tpu.memref_slice %arg9[%dma_wait3A, %dma_wait3A_111] : memref<400x32xf32, #tpu.memory_space<vmem>> -> memref<392x32xf32, #tpu.memory_space<vmem>>
      %dma_wait3A_113 = arith.constant 0 : i32
      %dma_wait3A_114 = tpu.memref_slice %arg13[%add3A_1, %dma_wait3A_113] : memref<50176x32xf32, #tpu.memory_space<vmem_shared>> -> memref<392x32xf32, #tpu.memory_space<vmem_shared>>
      %dma_wait3A_115 = arith.constant 0 : i32
      %dma_wait3A_116 = tpu.memref_slice %arg13[%add3A_1, %dma_wait3A_115] : memref<50176x32xf32, #tpu.memory_space<vmem_shared>> -> memref<392x32xf32, #tpu.memory_space<vmem_shared>>
      %dma_wait3A_117 = arith.constant 0 : i32
      %dma_wait3A_118 = arith.constant 0 : i32
      %dma_wait3A_119 = tpu.memref_slice %arg9[%dma_wait3A_117, %dma_wait3A_118] : memref<400x32xf32, #tpu.memory_space<vmem>> -> memref<392x32xf32, #tpu.memory_space<vmem>>
      tpu.wait_dma2 semaphore(%run_scoped3A : memref<!tpu.dma_semaphore, #tpu.memory_space<semaphore_mem>>) src(%dma_wait3A_119 : memref<392x32xf32, #tpu.memory_space<vmem>>) dst(%dma_wait3A_116 : memref<392x32xf32, #tpu.memory_space<vmem_shared>>)
      tpu.yield
    }) : () -> ()
    %mul3A_2 = arith.constant 3136 : i32
    %mul3A_3 = arith.muli %arg1, %mul3A_2 : i32
    %add3A_4 = arith.constant 392 : i32
    %add3A_5 = arith.addi %mul3A_3, %add3A_4 : i32
    "tpu.region"() ({
      %run_scoped3A = tpu.sem_alloc : memref<!tpu.dma_semaphore, #tpu.memory_space<semaphore_mem>>
      %dma_start3A = arith.constant 0 : i32
      %dma_start3A_102 = arith.constant 0 : i32
      %dma_start3A_103 = tpu.memref_slice %arg9[%dma_start3A, %dma_start3A_102] : memref<400x32xf32, #tpu.memory_space<vmem>> -> memref<392x32xf32, #tpu.memory_space<vmem>>
      %dma_start3A_104 = arith.constant 0 : i32
      %dma_start3A_105 = tpu.memref_slice %arg13[%add3A_5, %dma_start3A_104] : memref<50176x32xf32, #tpu.memory_space<vmem_shared>> -> memref<392x32xf32, #tpu.memory_space<vmem_shared>>
      %dma_start3A_106 = arith.constant 0 : i32
      %dma_start3A_107 = tpu.memref_slice %arg13[%add3A_5, %dma_start3A_106] : memref<50176x32xf32, #tpu.memory_space<vmem_shared>> -> memref<392x32xf32, #tpu.memory_space<vmem_shared>>
      %dma_start3A_108 = arith.constant 0 : i32
      %dma_start3A_109 = arith.constant 0 : i32
      %dma_start3A_110 = tpu.memref_slice %arg9[%dma_start3A_108, %dma_start3A_109] : memref<400x32xf32, #tpu.memory_space<vmem>> -> memref<392x32xf32, #tpu.memory_space<vmem>>
      tpu.enqueue_dma source(%dma_start3A_110 : memref<392x32xf32, #tpu.memory_space<vmem>>) target(%dma_start3A_107 : memref<392x32xf32, #tpu.memory_space<vmem_shared>>) target_semaphore(%run_scoped3A : memref<!tpu.dma_semaphore, #tpu.memory_space<semaphore_mem>>)
      %dma_wait3A = arith.constant 0 : i32
      %dma_wait3A_111 = arith.constant 0 : i32
      %dma_wait3A_112 = tpu.memref_slice %arg9[%dma_wait3A, %dma_wait3A_111] : memref<400x32xf32, #tpu.memory_space<vmem>> -> memref<392x32xf32, #tpu.memory_space<vmem>>
      %dma_wait3A_113 = arith.constant 0 : i32
      %dma_wait3A_114 = tpu.memref_slice %arg13[%add3A_5, %dma_wait3A_113] : memref<50176x32xf32, #tpu.memory_space<vmem_shared>> -> memref<392x32xf32, #tpu.memory_space<vmem_shared>>
      %dma_wait3A_115 = arith.constant 0 : i32
      %dma_wait3A_116 = tpu.memref_slice %arg13[%add3A_5, %dma_wait3A_115] : memref<50176x32xf32, #tpu.memory_space<vmem_shared>> -> memref<392x32xf32, #tpu.memory_space<vmem_shared>>
      %dma_wait3A_117 = arith.constant 0 : i32
      %dma_wait3A_118 = arith.constant 0 : i32
      %dma_wait3A_119 = tpu.memref_slice %arg9[%dma_wait3A_117, %dma_wait3A_118] : memref<400x32xf32, #tpu.memory_space<vmem>> -> memref<392x32xf32, #tpu.memory_space<vmem>>
      tpu.wait_dma2 semaphore(%run_scoped3A : memref<!tpu.dma_semaphore, #tpu.memory_space<semaphore_mem>>) src(%dma_wait3A_119 : memref<392x32xf32, #tpu.memory_space<vmem>>) dst(%dma_wait3A_116 : memref<392x32xf32, #tpu.memory_space<vmem_shared>>)
      tpu.yield
    }) : () -> ()
    %mul3A_6 = arith.constant 3136 : i32
    %mul3A_7 = arith.muli %arg1, %mul3A_6 : i32
    %add3A_8 = arith.constant 784 : i32
    %add3A_9 = arith.addi %mul3A_7, %add3A_8 : i32
    "tpu.region"() ({
      %run_scoped3A = tpu.sem_alloc : memref<!tpu.dma_semaphore, #tpu.memory_space<semaphore_mem>>
      %dma_start3A = arith.constant 0 : i32
      %dma_start3A_102 = arith.constant 0 : i32
      %dma_start3A_103 = tpu.memref_slice %arg9[%dma_start3A, %dma_start3A_102] : memref<400x32xf32, #tpu.memory_space<vmem>> -> memref<392x32xf32, #tpu.memory_space<vmem>>
      %dma_start3A_104 = arith.constant 0 : i32
      %dma_start3A_105 = tpu.memref_slice %arg13[%add3A_9, %dma_start3A_104] : memref<50176x32xf32, #tpu.memory_space<vmem_shared>> -> memref<392x32xf32, #tpu.memory_space<vmem_shared>>
      %dma_start3A_106 = arith.constant 0 : i32
      %dma_start3A_107 = tpu.memref_slice %arg13[%add3A_9, %dma_start3A_106] : memref<50176x32xf32, #tpu.memory_space<vmem_shared>> -> memref<392x32xf32, #tpu.memory_space<vmem_shared>>
      %dma_start3A_108 = arith.constant 0 : i32
      %dma_start3A_109 = arith.constant 0 : i32
      %dma_start3A_110 = tpu.memref_slice %arg9[%dma_start3A_108, %dma_start3A_109] : memref<400x32xf32, #tpu.memory_space<vmem>> -> memref<392x32xf32, #tpu.memory_space<vmem>>
      tpu.enqueue_dma source(%dma_start3A_110 : memref<392x32xf32, #tpu.memory_space<vmem>>) target(%dma_start3A_107 : memref<392x32xf32, #tpu.memory_space<vmem_shared>>) target_semaphore(%run_scoped3A : memref<!tpu.dma_semaphore, #tpu.memory_space<semaphore_mem>>)
      %dma_wait3A = arith.constant 0 : i32
      %dma_wait3A_111 = arith.constant 0 : i32
      %dma_wait3A_112 = tpu.memref_slice %arg9[%dma_wait3A, %dma_wait3A_111] : memref<400x32xf32, #tpu.memory_space<vmem>> -> memref<392x32xf32, #tpu.memory_space<vmem>>
      %dma_wait3A_113 = arith.constant 0 : i32
      %dma_wait3A_114 = tpu.memref_slice %arg13[%add3A_9, %dma_wait3A_113] : memref<50176x32xf32, #tpu.memory_space<vmem_shared>> -> memref<392x32xf32, #tpu.memory_space<vmem_shared>>
      %dma_wait3A_115 = arith.constant 0 : i32
      %dma_wait3A_116 = tpu.memref_slice %arg13[%add3A_9, %dma_wait3A_115] : memref<50176x32xf32, #tpu.memory_space<vmem_shared>> -> memref<392x32xf32, #tpu.memory_space<vmem_shared>>
      %dma_wait3A_117 = arith.constant 0 : i32
      %dma_wait3A_118 = arith.constant 0 : i32
      %dma_wait3A_119 = tpu.memref_slice %arg9[%dma_wait3A_117, %dma_wait3A_118] : memref<400x32xf32, #tpu.memory_space<vmem>> -> memref<392x32xf32, #tpu.memory_space<vmem>>
      tpu.wait_dma2 semaphore(%run_scoped3A : memref<!tpu.dma_semaphore, #tpu.memory_space<semaphore_mem>>) src(%dma_wait3A_119 : memref<392x32xf32, #tpu.memory_space<vmem>>) dst(%dma_wait3A_116 : memref<392x32xf32, #tpu.memory_space<vmem_shared>>)
      tpu.yield
    }) : () -> ()
    %mul3A_10 = arith.constant 3136 : i32
    %mul3A_11 = arith.muli %arg1, %mul3A_10 : i32
    %add3A_12 = arith.constant 1176 : i32
    %add3A_13 = arith.addi %mul3A_11, %add3A_12 : i32
    "tpu.region"() ({
      %run_scoped3A = tpu.sem_alloc : memref<!tpu.dma_semaphore, #tpu.memory_space<semaphore_mem>>
      %dma_start3A = arith.constant 0 : i32
      %dma_start3A_102 = arith.constant 0 : i32
      %dma_start3A_103 = tpu.memref_slice %arg9[%dma_start3A, %dma_start3A_102] : memref<400x32xf32, #tpu.memory_space<vmem>> -> memref<392x32xf32, #tpu.memory_space<vmem>>
      %dma_start3A_104 = arith.constant 0 : i32
      %dma_start3A_105 = tpu.memref_slice %arg13[%add3A_13, %dma_start3A_104] : memref<50176x32xf32, #tpu.memory_space<vmem_shared>> -> memref<392x32xf32, #tpu.memory_space<vmem_shared>>
      %dma_start3A_106 = arith.constant 0 : i32
      %dma_start3A_107 = tpu.memref_slice %arg13[%add3A_13, %dma_start3A_106] : memref<50176x32xf32, #tpu.memory_space<vmem_shared>> -> memref<392x32xf32, #tpu.memory_space<vmem_shared>>
      %dma_start3A_108 = arith.constant 0 : i32
      %dma_start3A_109 = arith.constant 0 : i32
      %dma_start3A_110 = tpu.memref_slice %arg9[%dma_start3A_108, %dma_start3A_109] : memref<400x32xf32, #tpu.memory_space<vmem>> -> memref<392x32xf32, #tpu.memory_space<vmem>>
      tpu.enqueue_dma source(%dma_start3A_110 : memref<392x32xf32, #tpu.memory_space<vmem>>) target(%dma_start3A_107 : memref<392x32xf32, #tpu.memory_space<vmem_shared>>) target_semaphore(%run_scoped3A : memref<!tpu.dma_semaphore, #tpu.memory_space<semaphore_mem>>)
      %dma_wait3A = arith.constant 0 : i32
      %dma_wait3A_111 = arith.constant 0 : i32
      %dma_wait3A_112 = tpu.memref_slice %arg9[%dma_wait3A, %dma_wait3A_111] : memref<400x32xf32, #tpu.memory_space<vmem>> -> memref<392x32xf32, #tpu.memory_space<vmem>>
      %dma_wait3A_113 = arith.constant 0 : i32
      %dma_wait3A_114 = tpu.memref_slice %arg13[%add3A_13, %dma_wait3A_113] : memref<50176x32xf32, #tpu.memory_space<vmem_shared>> -> memref<392x32xf32, #tpu.memory_space<vmem_shared>>
      %dma_wait3A_115 = arith.constant 0 : i32
      %dma_wait3A_116 = tpu.memref_slice %arg13[%add3A_13, %dma_wait3A_115] : memref<50176x32xf32, #tpu.memory_space<vmem_shared>> -> memref<392x32xf32, #tpu.memory_space<vmem_shared>>
      %dma_wait3A_117 = arith.constant 0 : i32
      %dma_wait3A_118 = arith.constant 0 : i32
      %dma_wait3A_119 = tpu.memref_slice %arg9[%dma_wait3A_117, %dma_wait3A_118] : memref<400x32xf32, #tpu.memory_space<vmem>> -> memref<392x32xf32, #tpu.memory_space<vmem>>
      tpu.wait_dma2 semaphore(%run_scoped3A : memref<!tpu.dma_semaphore, #tpu.memory_space<semaphore_mem>>) src(%dma_wait3A_119 : memref<392x32xf32, #tpu.memory_space<vmem>>) dst(%dma_wait3A_116 : memref<392x32xf32, #tpu.memory_space<vmem_shared>>)
      tpu.yield
    }) : () -> ()
    %mul3A_14 = arith.constant 3136 : i32
    %mul3A_15 = arith.muli %arg1, %mul3A_14 : i32
    %add3A_16 = arith.constant 1568 : i32
    %add3A_17 = arith.addi %mul3A_15, %add3A_16 : i32
    "tpu.region"() ({
      %run_scoped3A = tpu.sem_alloc : memref<!tpu.dma_semaphore, #tpu.memory_space<semaphore_mem>>
      %dma_start3A = arith.constant 0 : i32
      %dma_start3A_102 = arith.constant 0 : i32
      %dma_start3A_103 = tpu.memref_slice %arg9[%dma_start3A, %dma_start3A_102] : memref<400x32xf32, #tpu.memory_space<vmem>> -> memref<392x32xf32, #tpu.memory_space<vmem>>
      %dma_start3A_104 = arith.constant 0 : i32
      %dma_start3A_105 = tpu.memref_slice %arg13[%add3A_17, %dma_start3A_104] : memref<50176x32xf32, #tpu.memory_space<vmem_shared>> -> memref<392x32xf32, #tpu.memory_space<vmem_shared>>
      %dma_start3A_106 = arith.constant 0 : i32
      %dma_start3A_107 = tpu.memref_slice %arg13[%add3A_17, %dma_start3A_106] : memref<50176x32xf32, #tpu.memory_space<vmem_shared>> -> memref<392x32xf32, #tpu.memory_space<vmem_shared>>
      %dma_start3A_108 = arith.constant 0 : i32
      %dma_start3A_109 = arith.constant 0 : i32
      %dma_start3A_110 = tpu.memref_slice %arg9[%dma_start3A_108, %dma_start3A_109] : memref<400x32xf32, #tpu.memory_space<vmem>> -> memref<392x32xf32, #tpu.memory_space<vmem>>
      tpu.enqueue_dma source(%dma_start3A_110 : memref<392x32xf32, #tpu.memory_space<vmem>>) target(%dma_start3A_107 : memref<392x32xf32, #tpu.memory_space<vmem_shared>>) target_semaphore(%run_scoped3A : memref<!tpu.dma_semaphore, #tpu.memory_space<semaphore_mem>>)
      %dma_wait3A = arith.constant 0 : i32
      %dma_wait3A_111 = arith.constant 0 : i32
      %dma_wait3A_112 = tpu.memref_slice %arg9[%dma_wait3A, %dma_wait3A_111] : memref<400x32xf32, #tpu.memory_space<vmem>> -> memref<392x32xf32, #tpu.memory_space<vmem>>
      %dma_wait3A_113 = arith.constant 0 : i32
      %dma_wait3A_114 = tpu.memref_slice %arg13[%add3A_17, %dma_wait3A_113] : memref<50176x32xf32, #tpu.memory_space<vmem_shared>> -> memref<392x32xf32, #tpu.memory_space<vmem_shared>>
      %dma_wait3A_115 = arith.constant 0 : i32
      %dma_wait3A_116 = tpu.memref_slice %arg13[%add3A_17, %dma_wait3A_115] : memref<50176x32xf32, #tpu.memory_space<vmem_shared>> -> memref<392x32xf32, #tpu.memory_space<vmem_shared>>
      %dma_wait3A_117 = arith.constant 0 : i32
      %dma_wait3A_118 = arith.constant 0 : i32
      %dma_wait3A_119 = tpu.memref_slice %arg9[%dma_wait3A_117, %dma_wait3A_118] : memref<400x32xf32, #tpu.memory_space<vmem>> -> memref<392x32xf32, #tpu.memory_space<vmem>>
      tpu.wait_dma2 semaphore(%run_scoped3A : memref<!tpu.dma_semaphore, #tpu.memory_space<semaphore_mem>>) src(%dma_wait3A_119 : memref<392x32xf32, #tpu.memory_space<vmem>>) dst(%dma_wait3A_116 : memref<392x32xf32, #tpu.memory_space<vmem_shared>>)
      tpu.yield
    }) : () -> ()
    %mul3A_18 = arith.constant 3136 : i32
    %mul3A_19 = arith.muli %arg1, %mul3A_18 : i32
    %add3A_20 = arith.constant 1960 : i32
    %add3A_21 = arith.addi %mul3A_19, %add3A_20 : i32
    "tpu.region"() ({
      %run_scoped3A = tpu.sem_alloc : memref<!tpu.dma_semaphore, #tpu.memory_space<semaphore_mem>>
      %dma_start3A = arith.constant 0 : i32
      %dma_start3A_102 = arith.constant 0 : i32
      %dma_start3A_103 = tpu.memref_slice %arg9[%dma_start3A, %dma_start3A_102] : memref<400x32xf32, #tpu.memory_space<vmem>> -> memref<392x32xf32, #tpu.memory_space<vmem>>
      %dma_start3A_104 = arith.constant 0 : i32
      %dma_start3A_105 = tpu.memref_slice %arg13[%add3A_21, %dma_start3A_104] : memref<50176x32xf32, #tpu.memory_space<vmem_shared>> -> memref<392x32xf32, #tpu.memory_space<vmem_shared>>
      %dma_start3A_106 = arith.constant 0 : i32
      %dma_start3A_107 = tpu.memref_slice %arg13[%add3A_21, %dma_start3A_106] : memref<50176x32xf32, #tpu.memory_space<vmem_shared>> -> memref<392x32xf32, #tpu.memory_space<vmem_shared>>
      %dma_start3A_108 = arith.constant 0 : i32
      %dma_start3A_109 = arith.constant 0 : i32
      %dma_start3A_110 = tpu.memref_slice %arg9[%dma_start3A_108, %dma_start3A_109] : memref<400x32xf32, #tpu.memory_space<vmem>> -> memref<392x32xf32, #tpu.memory_space<vmem>>
      tpu.enqueue_dma source(%dma_start3A_110 : memref<392x32xf32, #tpu.memory_space<vmem>>) target(%dma_start3A_107 : memref<392x32xf32, #tpu.memory_space<vmem_shared>>) target_semaphore(%run_scoped3A : memref<!tpu.dma_semaphore, #tpu.memory_space<semaphore_mem>>)
      %dma_wait3A = arith.constant 0 : i32
      %dma_wait3A_111 = arith.constant 0 : i32
      %dma_wait3A_112 = tpu.memref_slice %arg9[%dma_wait3A, %dma_wait3A_111] : memref<400x32xf32, #tpu.memory_space<vmem>> -> memref<392x32xf32, #tpu.memory_space<vmem>>
      %dma_wait3A_113 = arith.constant 0 : i32
      %dma_wait3A_114 = tpu.memref_slice %arg13[%add3A_21, %dma_wait3A_113] : memref<50176x32xf32, #tpu.memory_space<vmem_shared>> -> memref<392x32xf32, #tpu.memory_space<vmem_shared>>
      %dma_wait3A_115 = arith.constant 0 : i32
      %dma_wait3A_116 = tpu.memref_slice %arg13[%add3A_21, %dma_wait3A_115] : memref<50176x32xf32, #tpu.memory_space<vmem_shared>> -> memref<392x32xf32, #tpu.memory_space<vmem_shared>>
      %dma_wait3A_117 = arith.constant 0 : i32
      %dma_wait3A_118 = arith.constant 0 : i32
      %dma_wait3A_119 = tpu.memref_slice %arg9[%dma_wait3A_117, %dma_wait3A_118] : memref<400x32xf32, #tpu.memory_space<vmem>> -> memref<392x32xf32, #tpu.memory_space<vmem>>
      tpu.wait_dma2 semaphore(%run_scoped3A : memref<!tpu.dma_semaphore, #tpu.memory_space<semaphore_mem>>) src(%dma_wait3A_119 : memref<392x32xf32, #tpu.memory_space<vmem>>) dst(%dma_wait3A_116 : memref<392x32xf32, #tpu.memory_space<vmem_shared>>)
      tpu.yield
    }) : () -> ()
    %mul3A_22 = arith.constant 3136 : i32
    %mul3A_23 = arith.muli %arg1, %mul3A_22 : i32
    %add3A_24 = arith.constant 2352 : i32
    %add3A_25 = arith.addi %mul3A_23, %add3A_24 : i32
    "tpu.region"() ({
      %run_scoped3A = tpu.sem_alloc : memref<!tpu.dma_semaphore, #tpu.memory_space<semaphore_mem>>
      %dma_start3A = arith.constant 0 : i32
      %dma_start3A_102 = arith.constant 0 : i32
      %dma_start3A_103 = tpu.memref_slice %arg9[%dma_start3A, %dma_start3A_102] : memref<400x32xf32, #tpu.memory_space<vmem>> -> memref<392x32xf32, #tpu.memory_space<vmem>>
      %dma_start3A_104 = arith.constant 0 : i32
      %dma_start3A_105 = tpu.memref_slice %arg13[%add3A_25, %dma_start3A_104] : memref<50176x32xf32, #tpu.memory_space<vmem_shared>> -> memref<392x32xf32, #tpu.memory_space<vmem_shared>>
      %dma_start3A_106 = arith.constant 0 : i32
      %dma_start3A_107 = tpu.memref_slice %arg13[%add3A_25, %dma_start3A_106] : memref<50176x32xf32, #tpu.memory_space<vmem_shared>> -> memref<392x32xf32, #tpu.memory_space<vmem_shared>>
      %dma_start3A_108 = arith.constant 0 : i32
      %dma_start3A_109 = arith.constant 0 : i32
      %dma_start3A_110 = tpu.memref_slice %arg9[%dma_start3A_108, %dma_start3A_109] : memref<400x32xf32, #tpu.memory_space<vmem>> -> memref<392x32xf32, #tpu.memory_space<vmem>>
      tpu.enqueue_dma source(%dma_start3A_110 : memref<392x32xf32, #tpu.memory_space<vmem>>) target(%dma_start3A_107 : memref<392x32xf32, #tpu.memory_space<vmem_shared>>) target_semaphore(%run_scoped3A : memref<!tpu.dma_semaphore, #tpu.memory_space<semaphore_mem>>)
      %dma_wait3A = arith.constant 0 : i32
      %dma_wait3A_111 = arith.constant 0 : i32
      %dma_wait3A_112 = tpu.memref_slice %arg9[%dma_wait3A, %dma_wait3A_111] : memref<400x32xf32, #tpu.memory_space<vmem>> -> memref<392x32xf32, #tpu.memory_space<vmem>>
      %dma_wait3A_113 = arith.constant 0 : i32
      %dma_wait3A_114 = tpu.memref_slice %arg13[%add3A_25, %dma_wait3A_113] : memref<50176x32xf32, #tpu.memory_space<vmem_shared>> -> memref<392x32xf32, #tpu.memory_space<vmem_shared>>
      %dma_wait3A_115 = arith.constant 0 : i32
      %dma_wait3A_116 = tpu.memref_slice %arg13[%add3A_25, %dma_wait3A_115] : memref<50176x32xf32, #tpu.memory_space<vmem_shared>> -> memref<392x32xf32, #tpu.memory_space<vmem_shared>>
      %dma_wait3A_117 = arith.constant 0 : i32
      %dma_wait3A_118 = arith.constant 0 : i32
      %dma_wait3A_119 = tpu.memref_slice %arg9[%dma_wait3A_117, %dma_wait3A_118] : memref<400x32xf32, #tpu.memory_space<vmem>> -> memref<392x32xf32, #tpu.memory_space<vmem>>
      tpu.wait_dma2 semaphore(%run_scoped3A : memref<!tpu.dma_semaphore, #tpu.memory_space<semaphore_mem>>) src(%dma_wait3A_119 : memref<392x32xf32, #tpu.memory_space<vmem>>) dst(%dma_wait3A_116 : memref<392x32xf32, #tpu.memory_space<vmem_shared>>)
      tpu.yield
    }) : () -> ()
    %mul3A_26 = arith.constant 3136 : i32
    %mul3A_27 = arith.muli %arg1, %mul3A_26 : i32
    %add3A_28 = arith.constant 2744 : i32
    %add3A_29 = arith.addi %mul3A_27, %add3A_28 : i32
    "tpu.region"() ({
      %run_scoped3A = tpu.sem_alloc : memref<!tpu.dma_semaphore, #tpu.memory_space<semaphore_mem>>
      %dma_start3A = arith.constant 0 : i32
      %dma_start3A_102 = arith.constant 0 : i32
      %dma_start3A_103 = tpu.memref_slice %arg9[%dma_start3A, %dma_start3A_102] : memref<400x32xf32, #tpu.memory_space<vmem>> -> memref<392x32xf32, #tpu.memory_space<vmem>>
      %dma_start3A_104 = arith.constant 0 : i32
      %dma_start3A_105 = tpu.memref_slice %arg13[%add3A_29, %dma_start3A_104] : memref<50176x32xf32, #tpu.memory_space<vmem_shared>> -> memref<392x32xf32, #tpu.memory_space<vmem_shared>>
      %dma_start3A_106 = arith.constant 0 : i32
      %dma_start3A_107 = tpu.memref_slice %arg13[%add3A_29, %dma_start3A_106] : memref<50176x32xf32, #tpu.memory_space<vmem_shared>> -> memref<392x32xf32, #tpu.memory_space<vmem_shared>>
      %dma_start3A_108 = arith.constant 0 : i32
      %dma_start3A_109 = arith.constant 0 : i32
      %dma_start3A_110 = tpu.memref_slice %arg9[%dma_start3A_108, %dma_start3A_109] : memref<400x32xf32, #tpu.memory_space<vmem>> -> memref<392x32xf32, #tpu.memory_space<vmem>>
      tpu.enqueue_dma source(%dma_start3A_110 : memref<392x32xf32, #tpu.memory_space<vmem>>) target(%dma_start3A_107 : memref<392x32xf32, #tpu.memory_space<vmem_shared>>) target_semaphore(%run_scoped3A : memref<!tpu.dma_semaphore, #tpu.memory_space<semaphore_mem>>)
      %dma_wait3A = arith.constant 0 : i32
      %dma_wait3A_111 = arith.constant 0 : i32
      %dma_wait3A_112 = tpu.memref_slice %arg9[%dma_wait3A, %dma_wait3A_111] : memref<400x32xf32, #tpu.memory_space<vmem>> -> memref<392x32xf32, #tpu.memory_space<vmem>>
      %dma_wait3A_113 = arith.constant 0 : i32
      %dma_wait3A_114 = tpu.memref_slice %arg13[%add3A_29, %dma_wait3A_113] : memref<50176x32xf32, #tpu.memory_space<vmem_shared>> -> memref<392x32xf32, #tpu.memory_space<vmem_shared>>
      %dma_wait3A_115 = arith.constant 0 : i32
      %dma_wait3A_116 = tpu.memref_slice %arg13[%add3A_29, %dma_wait3A_115] : memref<50176x32xf32, #tpu.memory_space<vmem_shared>> -> memref<392x32xf32, #tpu.memory_space<vmem_shared>>
      %dma_wait3A_117 = arith.constant 0 : i32
      %dma_wait3A_118 = arith.constant 0 : i32
      %dma_wait3A_119 = tpu.memref_slice %arg9[%dma_wait3A_117, %dma_wait3A_118] : memref<400x32xf32, #tpu.memory_space<vmem>> -> memref<392x32xf32, #tpu.memory_space<vmem>>
      tpu.wait_dma2 semaphore(%run_scoped3A : memref<!tpu.dma_semaphore, #tpu.memory_space<semaphore_mem>>) src(%dma_wait3A_119 : memref<392x32xf32, #tpu.memory_space<vmem>>) dst(%dma_wait3A_116 : memref<392x32xf32, #tpu.memory_space<vmem_shared>>)
      tpu.yield
    }) : () -> ()
    %barrier3A = arith.constant 0 : index
    tpu.barrier barrier_id(%barrier3A)
    %eq3A = arith.constant 0 : i32
    %eq3A_30 = arith.cmpi eq, %arg0, %eq3A : i32
    %convert_element_type3A = arith.extui %eq3A_30 : i1 to i32
    %cond3A = arith.constant 0 : i32
    %cond3A_31 = arith.cmpi ne, %convert_element_type3A, %cond3A : i32
    scf.if %cond3A_31 {
      %mul3A_102 = arith.constant 100000 : i32
      %mul3A_103 = arith.muli %arg1, %mul3A_102 : i32
      %add3A_104 = arith.constant 0 : i32
      %add3A_105 = arith.addi %mul3A_103, %add3A_104 : i32
      "tpu.region"() ({
        %run_scoped3A = tpu.sem_alloc : memref<!tpu.dma_semaphore, #tpu.memory_space<semaphore_mem>>
        %dma_start3A = tpu.memref_slice %arg2[%add3A_105] : memref<1600000xi32, #tpu.memory_space<hbm>> -> memref<400xi32, #tpu.memory_space<hbm>>
        %dma_start3A_111 = tpu.memref_slice %arg2[%add3A_105] : memref<1600000xi32, #tpu.memory_space<hbm>> -> memref<400xi32, #tpu.memory_space<hbm>>
        tpu.enqueue_dma source(%dma_start3A_111 : memref<400xi32, #tpu.memory_space<hbm>>) target(%arg7 : memref<400xi32, #tpu.memory_space<vmem>>) target_semaphore(%run_scoped3A : memref<!tpu.dma_semaphore, #tpu.memory_space<semaphore_mem>>)
        %dma_wait3A = tpu.memref_slice %arg2[%add3A_105] : memref<1600000xi32, #tpu.memory_space<hbm>> -> memref<400xi32, #tpu.memory_space<hbm>>
        %dma_wait3A_112 = tpu.memref_slice %arg2[%add3A_105] : memref<1600000xi32, #tpu.memory_space<hbm>> -> memref<400xi32, #tpu.memory_space<hbm>>
        tpu.wait_dma2 semaphore(%run_scoped3A : memref<!tpu.dma_semaphore, #tpu.memory_space<semaphore_mem>>) src(%dma_wait3A_112 : memref<400xi32, #tpu.memory_space<hbm>>) dst(%arg7 : memref<400xi32, #tpu.memory_space<vmem>>)
        tpu.yield
      }) : () -> ()
      "tpu.region"() ({
        %run_scoped3A = tpu.sem_alloc : memref<!tpu.dma_semaphore, #tpu.memory_space<semaphore_mem>>
        %dma_start3A = arith.constant 0 : i32
        %dma_start3A_111 = tpu.memref_slice %arg3[%add3A_105, %dma_start3A] : memref<1600000x32xf32, #tpu.memory_space<hbm>> -> memref<400x32xf32, #tpu.memory_space<hbm>>
        %dma_start3A_112 = arith.constant 0 : i32
        %dma_start3A_113 = tpu.memref_slice %arg3[%add3A_105, %dma_start3A_112] : memref<1600000x32xf32, #tpu.memory_space<hbm>> -> memref<400x32xf32, #tpu.memory_space<hbm>>
        tpu.enqueue_dma source(%dma_start3A_113 : memref<400x32xf32, #tpu.memory_space<hbm>>) target(%arg9 : memref<400x32xf32, #tpu.memory_space<vmem>>) target_semaphore(%run_scoped3A : memref<!tpu.dma_semaphore, #tpu.memory_space<semaphore_mem>>)
        %dma_wait3A = arith.constant 0 : i32
        %dma_wait3A_114 = tpu.memref_slice %arg3[%add3A_105, %dma_wait3A] : memref<1600000x32xf32, #tpu.memory_space<hbm>> -> memref<400x32xf32, #tpu.memory_space<hbm>>
        %dma_wait3A_115 = arith.constant 0 : i32
        %dma_wait3A_116 = tpu.memref_slice %arg3[%add3A_105, %dma_wait3A_115] : memref<1600000x32xf32, #tpu.memory_space<hbm>> -> memref<400x32xf32, #tpu.memory_space<hbm>>
        tpu.wait_dma2 semaphore(%run_scoped3A : memref<!tpu.dma_semaphore, #tpu.memory_space<semaphore_mem>>) src(%dma_wait3A_116 : memref<400x32xf32, #tpu.memory_space<hbm>>) dst(%arg9 : memref<400x32xf32, #tpu.memory_space<vmem>>)
        tpu.yield
      }) : () -> ()
      %scan3A = arith.constant 0 : i32
      %scan3A_106 = arith.constant 0 : i32
      %scan3A_107 = arith.constant 250 : i32
      %scan3A_108 = arith.addi %scan3A_106, %scan3A_107 : i32
      %scan3A_109 = arith.constant 1 : i32
      scf.for %scan3A_111 = %scan3A_106 to %scan3A_108 step %scan3A_109  : i32 {
        %rem3A = arith.constant 2 : i32
        %rem3A_112 = arith.remsi %scan3A_111, %rem3A : i32
        %eq3A_113 = arith.constant 0 : i32
        %eq3A_114 = arith.cmpi eq, %rem3A_112, %eq3A_113 : i32
        %convert_element_type3A_115 = arith.extui %eq3A_114 : i1 to i32
        %cond3A_116 = arith.constant 0 : i32
        %cond3A_117 = arith.cmpi ne, %convert_element_type3A_115, %cond3A_116 : i32
        scf.if %cond3A_117 {
          %dma_start3A = arith.constant 0 : i32
          %dma_start3A_122 = arith.constant 0 : i32
          %dma_start3A_123 = tpu.memref_slice %arg13[%dma_start3A, %dma_start3A_122] : memref<50176x32xf32, #tpu.memory_space<vmem_shared>> -> memref<50176x32xf32, #tpu.memory_space<vmem_shared>>
          tpu.enqueue_indirect_dma source(%arg9 : memref<400x32xf32, #tpu.memory_space<vmem>>) target(%dma_start3A_123 : memref<50176x32xf32, #tpu.memory_space<vmem_shared>>) offsets(%arg7 : memref<400xi32, #tpu.memory_space<vmem>>) semaphore(%arg11 : memref<!tpu.dma_semaphore, #tpu.memory_space<semaphore_mem>>) {add = true}
          %add3A_124 = arith.constant 1 : i32
          %add3A_125 = arith.addi %scan3A_111, %add3A_124 : i32
          %lt3A = arith.constant 250 : i32
          %lt3A_126 = arith.cmpi slt, %add3A_125, %lt3A : i32
          %convert_element_type3A_127 = arith.extui %lt3A_126 : i1 to i32
          %cond3A_128 = arith.constant 0 : i32
          %cond3A_129 = arith.cmpi ne, %convert_element_type3A_127, %cond3A_128 : i32
          scf.if %cond3A_129 {
            %add3A_132 = arith.constant 1 : i32
            %add3A_133 = arith.addi %scan3A_111, %add3A_132 : i32
            %mul3A_134 = arith.constant 100000 : i32
            %mul3A_135 = arith.muli %arg1, %mul3A_134 : i32
            %mul3A_136 = arith.constant 400 : i32
            %mul3A_137 = arith.muli %add3A_133, %mul3A_136 : i32
            %add3A_138 = arith.addi %mul3A_135, %mul3A_137 : i32
            "tpu.region"() ({
              %run_scoped3A = tpu.sem_alloc : memref<!tpu.dma_semaphore, #tpu.memory_space<semaphore_mem>>
              %dma_start3A_139 = tpu.memref_slice %arg2[%add3A_138] : memref<1600000xi32, #tpu.memory_space<hbm>> -> memref<400xi32, #tpu.memory_space<hbm>>
              %dma_start3A_140 = tpu.memref_slice %arg2[%add3A_138] : memref<1600000xi32, #tpu.memory_space<hbm>> -> memref<400xi32, #tpu.memory_space<hbm>>
              tpu.enqueue_dma source(%dma_start3A_140 : memref<400xi32, #tpu.memory_space<hbm>>) target(%arg8 : memref<400xi32, #tpu.memory_space<vmem>>) target_semaphore(%run_scoped3A : memref<!tpu.dma_semaphore, #tpu.memory_space<semaphore_mem>>)
              %dma_wait3A_141 = tpu.memref_slice %arg2[%add3A_138] : memref<1600000xi32, #tpu.memory_space<hbm>> -> memref<400xi32, #tpu.memory_space<hbm>>
              %dma_wait3A_142 = tpu.memref_slice %arg2[%add3A_138] : memref<1600000xi32, #tpu.memory_space<hbm>> -> memref<400xi32, #tpu.memory_space<hbm>>
              tpu.wait_dma2 semaphore(%run_scoped3A : memref<!tpu.dma_semaphore, #tpu.memory_space<semaphore_mem>>) src(%dma_wait3A_142 : memref<400xi32, #tpu.memory_space<hbm>>) dst(%arg8 : memref<400xi32, #tpu.memory_space<vmem>>)
              tpu.yield
            }) : () -> ()
            "tpu.region"() ({
              %run_scoped3A = tpu.sem_alloc : memref<!tpu.dma_semaphore, #tpu.memory_space<semaphore_mem>>
              %dma_start3A_139 = arith.constant 0 : i32
              %dma_start3A_140 = tpu.memref_slice %arg3[%add3A_138, %dma_start3A_139] : memref<1600000x32xf32, #tpu.memory_space<hbm>> -> memref<400x32xf32, #tpu.memory_space<hbm>>
              %dma_start3A_141 = arith.constant 0 : i32
              %dma_start3A_142 = tpu.memref_slice %arg3[%add3A_138, %dma_start3A_141] : memref<1600000x32xf32, #tpu.memory_space<hbm>> -> memref<400x32xf32, #tpu.memory_space<hbm>>
              tpu.enqueue_dma source(%dma_start3A_142 : memref<400x32xf32, #tpu.memory_space<hbm>>) target(%arg10 : memref<400x32xf32, #tpu.memory_space<vmem>>) target_semaphore(%run_scoped3A : memref<!tpu.dma_semaphore, #tpu.memory_space<semaphore_mem>>)
              %dma_wait3A_143 = arith.constant 0 : i32
              %dma_wait3A_144 = tpu.memref_slice %arg3[%add3A_138, %dma_wait3A_143] : memref<1600000x32xf32, #tpu.memory_space<hbm>> -> memref<400x32xf32, #tpu.memory_space<hbm>>
              %dma_wait3A_145 = arith.constant 0 : i32
              %dma_wait3A_146 = tpu.memref_slice %arg3[%add3A_138, %dma_wait3A_145] : memref<1600000x32xf32, #tpu.memory_space<hbm>> -> memref<400x32xf32, #tpu.memory_space<hbm>>
              tpu.wait_dma2 semaphore(%run_scoped3A : memref<!tpu.dma_semaphore, #tpu.memory_space<semaphore_mem>>) src(%dma_wait3A_146 : memref<400x32xf32, #tpu.memory_space<hbm>>) dst(%arg10 : memref<400x32xf32, #tpu.memory_space<vmem>>)
              tpu.yield
            }) : () -> ()
          } else {
          }
          %dma_wait3A = arith.constant 0 : i32
          %dma_wait3A_130 = arith.constant 0 : i32
          %dma_wait3A_131 = tpu.memref_slice %arg13[%dma_wait3A, %dma_wait3A_130] : memref<50176x32xf32, #tpu.memory_space<vmem_shared>> -> memref<50176x32xf32, #tpu.memory_space<vmem_shared>>
          tpu.wait_indirect_dma semaphore(%arg11 : memref<!tpu.dma_semaphore, #tpu.memory_space<semaphore_mem>>) src(%arg9 : memref<400x32xf32, #tpu.memory_space<vmem>>) dst(%dma_wait3A_131 : memref<50176x32xf32, #tpu.memory_space<vmem_shared>>)
        } else {
        }
        %not3A = arith.constant true
        %not3A_118 = arith.xori %eq3A_114, %not3A : i1
        %convert_element_type3A_119 = arith.extui %not3A_118 : i1 to i32
        %cond3A_120 = arith.constant 0 : i32
        %cond3A_121 = arith.cmpi ne, %convert_element_type3A_119, %cond3A_120 : i32
        scf.if %cond3A_121 {
          %dma_start3A = arith.constant 0 : i32
          %dma_start3A_122 = arith.constant 0 : i32
          %dma_start3A_123 = tpu.memref_slice %arg13[%dma_start3A, %dma_start3A_122] : memref<50176x32xf32, #tpu.memory_space<vmem_shared>> -> memref<50176x32xf32, #tpu.memory_space<vmem_shared>>
          tpu.enqueue_indirect_dma source(%arg10 : memref<400x32xf32, #tpu.memory_space<vmem>>) target(%dma_start3A_123 : memref<50176x32xf32, #tpu.memory_space<vmem_shared>>) offsets(%arg8 : memref<400xi32, #tpu.memory_space<vmem>>) semaphore(%arg12 : memref<!tpu.dma_semaphore, #tpu.memory_space<semaphore_mem>>) {add = true}
          %add3A_124 = arith.constant 1 : i32
          %add3A_125 = arith.addi %scan3A_111, %add3A_124 : i32
          %lt3A = arith.constant 250 : i32
          %lt3A_126 = arith.cmpi slt, %add3A_125, %lt3A : i32
          %convert_element_type3A_127 = arith.extui %lt3A_126 : i1 to i32
          %cond3A_128 = arith.constant 0 : i32
          %cond3A_129 = arith.cmpi ne, %convert_element_type3A_127, %cond3A_128 : i32
          scf.if %cond3A_129 {
            %add3A_132 = arith.constant 1 : i32
            %add3A_133 = arith.addi %scan3A_111, %add3A_132 : i32
            %mul3A_134 = arith.constant 100000 : i32
            %mul3A_135 = arith.muli %arg1, %mul3A_134 : i32
            %mul3A_136 = arith.constant 400 : i32
            %mul3A_137 = arith.muli %add3A_133, %mul3A_136 : i32
            %add3A_138 = arith.addi %mul3A_135, %mul3A_137 : i32
            "tpu.region"() ({
              %run_scoped3A = tpu.sem_alloc : memref<!tpu.dma_semaphore, #tpu.memory_space<semaphore_mem>>
              %dma_start3A_139 = tpu.memref_slice %arg2[%add3A_138] : memref<1600000xi32, #tpu.memory_space<hbm>> -> memref<400xi32, #tpu.memory_space<hbm>>
              %dma_start3A_140 = tpu.memref_slice %arg2[%add3A_138] : memref<1600000xi32, #tpu.memory_space<hbm>> -> memref<400xi32, #tpu.memory_space<hbm>>
              tpu.enqueue_dma source(%dma_start3A_140 : memref<400xi32, #tpu.memory_space<hbm>>) target(%arg7 : memref<400xi32, #tpu.memory_space<vmem>>) target_semaphore(%run_scoped3A : memref<!tpu.dma_semaphore, #tpu.memory_space<semaphore_mem>>)
              %dma_wait3A_141 = tpu.memref_slice %arg2[%add3A_138] : memref<1600000xi32, #tpu.memory_space<hbm>> -> memref<400xi32, #tpu.memory_space<hbm>>
              %dma_wait3A_142 = tpu.memref_slice %arg2[%add3A_138] : memref<1600000xi32, #tpu.memory_space<hbm>> -> memref<400xi32, #tpu.memory_space<hbm>>
              tpu.wait_dma2 semaphore(%run_scoped3A : memref<!tpu.dma_semaphore, #tpu.memory_space<semaphore_mem>>) src(%dma_wait3A_142 : memref<400xi32, #tpu.memory_space<hbm>>) dst(%arg7 : memref<400xi32, #tpu.memory_space<vmem>>)
              tpu.yield
            }) : () -> ()
            "tpu.region"() ({
              %run_scoped3A = tpu.sem_alloc : memref<!tpu.dma_semaphore, #tpu.memory_space<semaphore_mem>>
              %dma_start3A_139 = arith.constant 0 : i32
              %dma_start3A_140 = tpu.memref_slice %arg3[%add3A_138, %dma_start3A_139] : memref<1600000x32xf32, #tpu.memory_space<hbm>> -> memref<400x32xf32, #tpu.memory_space<hbm>>
              %dma_start3A_141 = arith.constant 0 : i32
              %dma_start3A_142 = tpu.memref_slice %arg3[%add3A_138, %dma_start3A_141] : memref<1600000x32xf32, #tpu.memory_space<hbm>> -> memref<400x32xf32, #tpu.memory_space<hbm>>
              tpu.enqueue_dma source(%dma_start3A_142 : memref<400x32xf32, #tpu.memory_space<hbm>>) target(%arg9 : memref<400x32xf32, #tpu.memory_space<vmem>>) target_semaphore(%run_scoped3A : memref<!tpu.dma_semaphore, #tpu.memory_space<semaphore_mem>>)
              %dma_wait3A_143 = arith.constant 0 : i32
              %dma_wait3A_144 = tpu.memref_slice %arg3[%add3A_138, %dma_wait3A_143] : memref<1600000x32xf32, #tpu.memory_space<hbm>> -> memref<400x32xf32, #tpu.memory_space<hbm>>
              %dma_wait3A_145 = arith.constant 0 : i32
              %dma_wait3A_146 = tpu.memref_slice %arg3[%add3A_138, %dma_wait3A_145] : memref<1600000x32xf32, #tpu.memory_space<hbm>> -> memref<400x32xf32, #tpu.memory_space<hbm>>
              tpu.wait_dma2 semaphore(%run_scoped3A : memref<!tpu.dma_semaphore, #tpu.memory_space<semaphore_mem>>) src(%dma_wait3A_146 : memref<400x32xf32, #tpu.memory_space<hbm>>) dst(%arg9 : memref<400x32xf32, #tpu.memory_space<vmem>>)
              tpu.yield
            }) : () -> ()
          } else {
          }
          %dma_wait3A = arith.constant 0 : i32
          %dma_wait3A_130 = arith.constant 0 : i32
          %dma_wait3A_131 = tpu.memref_slice %arg13[%dma_wait3A, %dma_wait3A_130] : memref<50176x32xf32, #tpu.memory_space<vmem_shared>> -> memref<50176x32xf32, #tpu.memory_space<vmem_shared>>
          tpu.wait_indirect_dma semaphore(%arg12 : memref<!tpu.dma_semaphore, #tpu.memory_space<semaphore_mem>>) src(%arg10 : memref<400x32xf32, #tpu.memory_space<vmem>>) dst(%dma_wait3A_131 : memref<50176x32xf32, #tpu.memory_space<vmem_shared>>)
        } else {
        }
      }
      %scan3A_110 = arith.constant 250 : i32
    } else {
    }
    %eq3A_32 = arith.constant 1 : i32
    %eq3A_33 = arith.cmpi eq, %arg0, %eq3A_32 : i32
    %convert_element_type3A_34 = arith.extui %eq3A_33 : i1 to i32
    %cond3A_35 = arith.constant 0 : i32
    %cond3A_36 = arith.cmpi ne, %convert_element_type3A_34, %cond3A_35 : i32
    scf.if %cond3A_36 {
      %mul3A_102 = arith.constant 100000 : i32
      %mul3A_103 = arith.muli %arg1, %mul3A_102 : i32
      %add3A_104 = arith.constant 0 : i32
      %add3A_105 = arith.addi %mul3A_103, %add3A_104 : i32
      "tpu.region"() ({
        %run_scoped3A = tpu.sem_alloc : memref<!tpu.dma_semaphore, #tpu.memory_space<semaphore_mem>>
        %dma_start3A = tpu.memref_slice %arg2[%add3A_105] : memref<1600000xi32, #tpu.memory_space<hbm>> -> memref<400xi32, #tpu.memory_space<hbm>>
        %dma_start3A_111 = tpu.memref_slice %arg2[%add3A_105] : memref<1600000xi32, #tpu.memory_space<hbm>> -> memref<400xi32, #tpu.memory_space<hbm>>
        tpu.enqueue_dma source(%dma_start3A_111 : memref<400xi32, #tpu.memory_space<hbm>>) target(%arg7 : memref<400xi32, #tpu.memory_space<vmem>>) target_semaphore(%run_scoped3A : memref<!tpu.dma_semaphore, #tpu.memory_space<semaphore_mem>>)
        %dma_wait3A = tpu.memref_slice %arg2[%add3A_105] : memref<1600000xi32, #tpu.memory_space<hbm>> -> memref<400xi32, #tpu.memory_space<hbm>>
        %dma_wait3A_112 = tpu.memref_slice %arg2[%add3A_105] : memref<1600000xi32, #tpu.memory_space<hbm>> -> memref<400xi32, #tpu.memory_space<hbm>>
        tpu.wait_dma2 semaphore(%run_scoped3A : memref<!tpu.dma_semaphore, #tpu.memory_space<semaphore_mem>>) src(%dma_wait3A_112 : memref<400xi32, #tpu.memory_space<hbm>>) dst(%arg7 : memref<400xi32, #tpu.memory_space<vmem>>)
        tpu.yield
      }) : () -> ()
      "tpu.region"() ({
        %run_scoped3A = tpu.sem_alloc : memref<!tpu.dma_semaphore, #tpu.memory_space<semaphore_mem>>
        %dma_start3A = arith.constant 0 : i32
        %dma_start3A_111 = tpu.memref_slice %arg4[%add3A_105, %dma_start3A] : memref<1600000x32xf32, #tpu.memory_space<hbm>> -> memref<400x32xf32, #tpu.memory_space<hbm>>
        %dma_start3A_112 = arith.constant 0 : i32
        %dma_start3A_113 = tpu.memref_slice %arg4[%add3A_105, %dma_start3A_112] : memref<1600000x32xf32, #tpu.memory_space<hbm>> -> memref<400x32xf32, #tpu.memory_space<hbm>>
        tpu.enqueue_dma source(%dma_start3A_113 : memref<400x32xf32, #tpu.memory_space<hbm>>) target(%arg9 : memref<400x32xf32, #tpu.memory_space<vmem>>) target_semaphore(%run_scoped3A : memref<!tpu.dma_semaphore, #tpu.memory_space<semaphore_mem>>)
        %dma_wait3A = arith.constant 0 : i32
        %dma_wait3A_114 = tpu.memref_slice %arg4[%add3A_105, %dma_wait3A] : memref<1600000x32xf32, #tpu.memory_space<hbm>> -> memref<400x32xf32, #tpu.memory_space<hbm>>
        %dma_wait3A_115 = arith.constant 0 : i32
        %dma_wait3A_116 = tpu.memref_slice %arg4[%add3A_105, %dma_wait3A_115] : memref<1600000x32xf32, #tpu.memory_space<hbm>> -> memref<400x32xf32, #tpu.memory_space<hbm>>
        tpu.wait_dma2 semaphore(%run_scoped3A : memref<!tpu.dma_semaphore, #tpu.memory_space<semaphore_mem>>) src(%dma_wait3A_116 : memref<400x32xf32, #tpu.memory_space<hbm>>) dst(%arg9 : memref<400x32xf32, #tpu.memory_space<vmem>>)
        tpu.yield
      }) : () -> ()
      %scan3A = arith.constant 0 : i32
      %scan3A_106 = arith.constant 0 : i32
      %scan3A_107 = arith.constant 250 : i32
      %scan3A_108 = arith.addi %scan3A_106, %scan3A_107 : i32
      %scan3A_109 = arith.constant 1 : i32
      scf.for %scan3A_111 = %scan3A_106 to %scan3A_108 step %scan3A_109  : i32 {
        %rem3A = arith.constant 2 : i32
        %rem3A_112 = arith.remsi %scan3A_111, %rem3A : i32
        %eq3A_113 = arith.constant 0 : i32
        %eq3A_114 = arith.cmpi eq, %rem3A_112, %eq3A_113 : i32
        %convert_element_type3A_115 = arith.extui %eq3A_114 : i1 to i32
        %cond3A_116 = arith.constant 0 : i32
        %cond3A_117 = arith.cmpi ne, %convert_element_type3A_115, %cond3A_116 : i32
        scf.if %cond3A_117 {
          %dma_start3A = arith.constant 0 : i32
          %dma_start3A_122 = arith.constant 0 : i32
          %dma_start3A_123 = tpu.memref_slice %arg13[%dma_start3A, %dma_start3A_122] : memref<50176x32xf32, #tpu.memory_space<vmem_shared>> -> memref<50176x32xf32, #tpu.memory_space<vmem_shared>>
          tpu.enqueue_indirect_dma source(%arg9 : memref<400x32xf32, #tpu.memory_space<vmem>>) target(%dma_start3A_123 : memref<50176x32xf32, #tpu.memory_space<vmem_shared>>) offsets(%arg7 : memref<400xi32, #tpu.memory_space<vmem>>) semaphore(%arg11 : memref<!tpu.dma_semaphore, #tpu.memory_space<semaphore_mem>>) {add = true}
          %add3A_124 = arith.constant 1 : i32
          %add3A_125 = arith.addi %scan3A_111, %add3A_124 : i32
          %lt3A = arith.constant 250 : i32
          %lt3A_126 = arith.cmpi slt, %add3A_125, %lt3A : i32
          %convert_element_type3A_127 = arith.extui %lt3A_126 : i1 to i32
          %cond3A_128 = arith.constant 0 : i32
          %cond3A_129 = arith.cmpi ne, %convert_element_type3A_127, %cond3A_128 : i32
          scf.if %cond3A_129 {
            %add3A_132 = arith.constant 1 : i32
            %add3A_133 = arith.addi %scan3A_111, %add3A_132 : i32
            %mul3A_134 = arith.constant 100000 : i32
            %mul3A_135 = arith.muli %arg1, %mul3A_134 : i32
            %mul3A_136 = arith.constant 400 : i32
            %mul3A_137 = arith.muli %add3A_133, %mul3A_136 : i32
            %add3A_138 = arith.addi %mul3A_135, %mul3A_137 : i32
            "tpu.region"() ({
              %run_scoped3A = tpu.sem_alloc : memref<!tpu.dma_semaphore, #tpu.memory_space<semaphore_mem>>
              %dma_start3A_139 = tpu.memref_slice %arg2[%add3A_138] : memref<1600000xi32, #tpu.memory_space<hbm>> -> memref<400xi32, #tpu.memory_space<hbm>>
              %dma_start3A_140 = tpu.memref_slice %arg2[%add3A_138] : memref<1600000xi32, #tpu.memory_space<hbm>> -> memref<400xi32, #tpu.memory_space<hbm>>
              tpu.enqueue_dma source(%dma_start3A_140 : memref<400xi32, #tpu.memory_space<hbm>>) target(%arg8 : memref<400xi32, #tpu.memory_space<vmem>>) target_semaphore(%run_scoped3A : memref<!tpu.dma_semaphore, #tpu.memory_space<semaphore_mem>>)
              %dma_wait3A_141 = tpu.memref_slice %arg2[%add3A_138] : memref<1600000xi32, #tpu.memory_space<hbm>> -> memref<400xi32, #tpu.memory_space<hbm>>
              %dma_wait3A_142 = tpu.memref_slice %arg2[%add3A_138] : memref<1600000xi32, #tpu.memory_space<hbm>> -> memref<400xi32, #tpu.memory_space<hbm>>
              tpu.wait_dma2 semaphore(%run_scoped3A : memref<!tpu.dma_semaphore, #tpu.memory_space<semaphore_mem>>) src(%dma_wait3A_142 : memref<400xi32, #tpu.memory_space<hbm>>) dst(%arg8 : memref<400xi32, #tpu.memory_space<vmem>>)
              tpu.yield
            }) : () -> ()
            "tpu.region"() ({
              %run_scoped3A = tpu.sem_alloc : memref<!tpu.dma_semaphore, #tpu.memory_space<semaphore_mem>>
              %dma_start3A_139 = arith.constant 0 : i32
              %dma_start3A_140 = tpu.memref_slice %arg4[%add3A_138, %dma_start3A_139] : memref<1600000x32xf32, #tpu.memory_space<hbm>> -> memref<400x32xf32, #tpu.memory_space<hbm>>
              %dma_start3A_141 = arith.constant 0 : i32
              %dma_start3A_142 = tpu.memref_slice %arg4[%add3A_138, %dma_start3A_141] : memref<1600000x32xf32, #tpu.memory_space<hbm>> -> memref<400x32xf32, #tpu.memory_space<hbm>>
              tpu.enqueue_dma source(%dma_start3A_142 : memref<400x32xf32, #tpu.memory_space<hbm>>) target(%arg10 : memref<400x32xf32, #tpu.memory_space<vmem>>) target_semaphore(%run_scoped3A : memref<!tpu.dma_semaphore, #tpu.memory_space<semaphore_mem>>)
              %dma_wait3A_143 = arith.constant 0 : i32
              %dma_wait3A_144 = tpu.memref_slice %arg4[%add3A_138, %dma_wait3A_143] : memref<1600000x32xf32, #tpu.memory_space<hbm>> -> memref<400x32xf32, #tpu.memory_space<hbm>>
              %dma_wait3A_145 = arith.constant 0 : i32
              %dma_wait3A_146 = tpu.memref_slice %arg4[%add3A_138, %dma_wait3A_145] : memref<1600000x32xf32, #tpu.memory_space<hbm>> -> memref<400x32xf32, #tpu.memory_space<hbm>>
              tpu.wait_dma2 semaphore(%run_scoped3A : memref<!tpu.dma_semaphore, #tpu.memory_space<semaphore_mem>>) src(%dma_wait3A_146 : memref<400x32xf32, #tpu.memory_space<hbm>>) dst(%arg10 : memref<400x32xf32, #tpu.memory_space<vmem>>)
              tpu.yield
            }) : () -> ()
          } else {
          }
          %dma_wait3A = arith.constant 0 : i32
          %dma_wait3A_130 = arith.constant 0 : i32
          %dma_wait3A_131 = tpu.memref_slice %arg13[%dma_wait3A, %dma_wait3A_130] : memref<50176x32xf32, #tpu.memory_space<vmem_shared>> -> memref<50176x32xf32, #tpu.memory_space<vmem_shared>>
          tpu.wait_indirect_dma semaphore(%arg11 : memref<!tpu.dma_semaphore, #tpu.memory_space<semaphore_mem>>) src(%arg9 : memref<400x32xf32, #tpu.memory_space<vmem>>) dst(%dma_wait3A_131 : memref<50176x32xf32, #tpu.memory_space<vmem_shared>>)
        } else {
        }
        %not3A = arith.constant true
        %not3A_118 = arith.xori %eq3A_114, %not3A : i1
        %convert_element_type3A_119 = arith.extui %not3A_118 : i1 to i32
        %cond3A_120 = arith.constant 0 : i32
        %cond3A_121 = arith.cmpi ne, %convert_element_type3A_119, %cond3A_120 : i32
        scf.if %cond3A_121 {
          %dma_start3A = arith.constant 0 : i32
          %dma_start3A_122 = arith.constant 0 : i32
          %dma_start3A_123 = tpu.memref_slice %arg13[%dma_start3A, %dma_start3A_122] : memref<50176x32xf32, #tpu.memory_space<vmem_shared>> -> memref<50176x32xf32, #tpu.memory_space<vmem_shared>>
          tpu.enqueue_indirect_dma source(%arg10 : memref<400x32xf32, #tpu.memory_space<vmem>>) target(%dma_start3A_123 : memref<50176x32xf32, #tpu.memory_space<vmem_shared>>) offsets(%arg8 : memref<400xi32, #tpu.memory_space<vmem>>) semaphore(%arg12 : memref<!tpu.dma_semaphore, #tpu.memory_space<semaphore_mem>>) {add = true}
          %add3A_124 = arith.constant 1 : i32
          %add3A_125 = arith.addi %scan3A_111, %add3A_124 : i32
          %lt3A = arith.constant 250 : i32
          %lt3A_126 = arith.cmpi slt, %add3A_125, %lt3A : i32
          %convert_element_type3A_127 = arith.extui %lt3A_126 : i1 to i32
          %cond3A_128 = arith.constant 0 : i32
          %cond3A_129 = arith.cmpi ne, %convert_element_type3A_127, %cond3A_128 : i32
          scf.if %cond3A_129 {
            %add3A_132 = arith.constant 1 : i32
            %add3A_133 = arith.addi %scan3A_111, %add3A_132 : i32
            %mul3A_134 = arith.constant 100000 : i32
            %mul3A_135 = arith.muli %arg1, %mul3A_134 : i32
            %mul3A_136 = arith.constant 400 : i32
            %mul3A_137 = arith.muli %add3A_133, %mul3A_136 : i32
            %add3A_138 = arith.addi %mul3A_135, %mul3A_137 : i32
            "tpu.region"() ({
              %run_scoped3A = tpu.sem_alloc : memref<!tpu.dma_semaphore, #tpu.memory_space<semaphore_mem>>
              %dma_start3A_139 = tpu.memref_slice %arg2[%add3A_138] : memref<1600000xi32, #tpu.memory_space<hbm>> -> memref<400xi32, #tpu.memory_space<hbm>>
              %dma_start3A_140 = tpu.memref_slice %arg2[%add3A_138] : memref<1600000xi32, #tpu.memory_space<hbm>> -> memref<400xi32, #tpu.memory_space<hbm>>
              tpu.enqueue_dma source(%dma_start3A_140 : memref<400xi32, #tpu.memory_space<hbm>>) target(%arg7 : memref<400xi32, #tpu.memory_space<vmem>>) target_semaphore(%run_scoped3A : memref<!tpu.dma_semaphore, #tpu.memory_space<semaphore_mem>>)
              %dma_wait3A_141 = tpu.memref_slice %arg2[%add3A_138] : memref<1600000xi32, #tpu.memory_space<hbm>> -> memref<400xi32, #tpu.memory_space<hbm>>
              %dma_wait3A_142 = tpu.memref_slice %arg2[%add3A_138] : memref<1600000xi32, #tpu.memory_space<hbm>> -> memref<400xi32, #tpu.memory_space<hbm>>
              tpu.wait_dma2 semaphore(%run_scoped3A : memref<!tpu.dma_semaphore, #tpu.memory_space<semaphore_mem>>) src(%dma_wait3A_142 : memref<400xi32, #tpu.memory_space<hbm>>) dst(%arg7 : memref<400xi32, #tpu.memory_space<vmem>>)
              tpu.yield
            }) : () -> ()
            "tpu.region"() ({
              %run_scoped3A = tpu.sem_alloc : memref<!tpu.dma_semaphore, #tpu.memory_space<semaphore_mem>>
              %dma_start3A_139 = arith.constant 0 : i32
              %dma_start3A_140 = tpu.memref_slice %arg4[%add3A_138, %dma_start3A_139] : memref<1600000x32xf32, #tpu.memory_space<hbm>> -> memref<400x32xf32, #tpu.memory_space<hbm>>
              %dma_start3A_141 = arith.constant 0 : i32
              %dma_start3A_142 = tpu.memref_slice %arg4[%add3A_138, %dma_start3A_141] : memref<1600000x32xf32, #tpu.memory_space<hbm>> -> memref<400x32xf32, #tpu.memory_space<hbm>>
              tpu.enqueue_dma source(%dma_start3A_142 : memref<400x32xf32, #tpu.memory_space<hbm>>) target(%arg9 : memref<400x32xf32, #tpu.memory_space<vmem>>) target_semaphore(%run_scoped3A : memref<!tpu.dma_semaphore, #tpu.memory_space<semaphore_mem>>)
              %dma_wait3A_143 = arith.constant 0 : i32
              %dma_wait3A_144 = tpu.memref_slice %arg4[%add3A_138, %dma_wait3A_143] : memref<1600000x32xf32, #tpu.memory_space<hbm>> -> memref<400x32xf32, #tpu.memory_space<hbm>>
              %dma_wait3A_145 = arith.constant 0 : i32
              %dma_wait3A_146 = tpu.memref_slice %arg4[%add3A_138, %dma_wait3A_145] : memref<1600000x32xf32, #tpu.memory_space<hbm>> -> memref<400x32xf32, #tpu.memory_space<hbm>>
              tpu.wait_dma2 semaphore(%run_scoped3A : memref<!tpu.dma_semaphore, #tpu.memory_space<semaphore_mem>>) src(%dma_wait3A_146 : memref<400x32xf32, #tpu.memory_space<hbm>>) dst(%arg9 : memref<400x32xf32, #tpu.memory_space<vmem>>)
              tpu.yield
            }) : () -> ()
          } else {
          }
          %dma_wait3A = arith.constant 0 : i32
          %dma_wait3A_130 = arith.constant 0 : i32
          %dma_wait3A_131 = tpu.memref_slice %arg13[%dma_wait3A, %dma_wait3A_130] : memref<50176x32xf32, #tpu.memory_space<vmem_shared>> -> memref<50176x32xf32, #tpu.memory_space<vmem_shared>>
          tpu.wait_indirect_dma semaphore(%arg12 : memref<!tpu.dma_semaphore, #tpu.memory_space<semaphore_mem>>) src(%arg10 : memref<400x32xf32, #tpu.memory_space<vmem>>) dst(%dma_wait3A_131 : memref<50176x32xf32, #tpu.memory_space<vmem_shared>>)
        } else {
        }
      }
      %scan3A_110 = arith.constant 250 : i32
    } else {
    }
    %barrier3A_37 = arith.constant 0 : index
    tpu.barrier barrier_id(%barrier3A_37)
    %mul3A_38 = arith.constant 3136 : i32
    %mul3A_39 = arith.muli %arg1, %mul3A_38 : i32
    %add3A_40 = arith.constant 0 : i32
    %add3A_41 = arith.addi %mul3A_39, %add3A_40 : i32
    "tpu.region"() ({
      %run_scoped3A = tpu.sem_alloc : memref<!tpu.dma_semaphore, #tpu.memory_space<semaphore_mem>>
      %dma_start3A = arith.constant 0 : i32
      %dma_start3A_102 = arith.constant 0 : i32
      %dma_start3A_103 = tpu.memref_slice %arg9[%dma_start3A, %dma_start3A_102] : memref<400x32xf32, #tpu.memory_space<vmem>> -> memref<392x32xf32, #tpu.memory_space<vmem>>
      %dma_start3A_104 = arith.constant 0 : i32
      %dma_start3A_105 = tpu.memref_slice %arg13[%add3A_41, %dma_start3A_104] : memref<50176x32xf32, #tpu.memory_space<vmem_shared>> -> memref<392x32xf32, #tpu.memory_space<vmem_shared>>
      %dma_start3A_106 = arith.constant 0 : i32
      %dma_start3A_107 = arith.constant 0 : i32
      %dma_start3A_108 = tpu.memref_slice %arg9[%dma_start3A_106, %dma_start3A_107] : memref<400x32xf32, #tpu.memory_space<vmem>> -> memref<392x32xf32, #tpu.memory_space<vmem>>
      %dma_start3A_109 = arith.constant 0 : i32
      %dma_start3A_110 = tpu.memref_slice %arg13[%add3A_41, %dma_start3A_109] : memref<50176x32xf32, #tpu.memory_space<vmem_shared>> -> memref<392x32xf32, #tpu.memory_space<vmem_shared>>
      tpu.enqueue_dma source(%dma_start3A_110 : memref<392x32xf32, #tpu.memory_space<vmem_shared>>) target(%dma_start3A_108 : memref<392x32xf32, #tpu.memory_space<vmem>>) target_semaphore(%run_scoped3A : memref<!tpu.dma_semaphore, #tpu.memory_space<semaphore_mem>>)
      %dma_wait3A = arith.constant 0 : i32
      %dma_wait3A_111 = arith.constant 0 : i32
      %dma_wait3A_112 = tpu.memref_slice %arg9[%dma_wait3A, %dma_wait3A_111] : memref<400x32xf32, #tpu.memory_space<vmem>> -> memref<392x32xf32, #tpu.memory_space<vmem>>
      %dma_wait3A_113 = arith.constant 0 : i32
      %dma_wait3A_114 = tpu.memref_slice %arg13[%add3A_41, %dma_wait3A_113] : memref<50176x32xf32, #tpu.memory_space<vmem_shared>> -> memref<392x32xf32, #tpu.memory_space<vmem_shared>>
      %dma_wait3A_115 = arith.constant 0 : i32
      %dma_wait3A_116 = arith.constant 0 : i32
      %dma_wait3A_117 = tpu.memref_slice %arg9[%dma_wait3A_115, %dma_wait3A_116] : memref<400x32xf32, #tpu.memory_space<vmem>> -> memref<392x32xf32, #tpu.memory_space<vmem>>
      %dma_wait3A_118 = arith.constant 0 : i32
      %dma_wait3A_119 = tpu.memref_slice %arg13[%add3A_41, %dma_wait3A_118] : memref<50176x32xf32, #tpu.memory_space<vmem_shared>> -> memref<392x32xf32, #tpu.memory_space<vmem_shared>>
      tpu.wait_dma2 semaphore(%run_scoped3A : memref<!tpu.dma_semaphore, #tpu.memory_space<semaphore_mem>>) src(%dma_wait3A_119 : memref<392x32xf32, #tpu.memory_space<vmem_shared>>) dst(%dma_wait3A_117 : memref<392x32xf32, #tpu.memory_space<vmem>>)
      tpu.yield
    }) : () -> ()
    %mul3A_42 = arith.constant 3136 : i32
    %mul3A_43 = arith.muli %arg1, %mul3A_42 : i32
    %add3A_44 = arith.constant 0 : i32
    %add3A_45 = arith.addi %mul3A_43, %add3A_44 : i32
    "tpu.region"() ({
      %run_scoped3A = tpu.sem_alloc : memref<!tpu.dma_semaphore, #tpu.memory_space<semaphore_mem>>
      %dma_start3A = arith.constant 0 : i32
      %dma_start3A_102 = arith.constant 0 : i32
      %dma_start3A_103 = tpu.memref_slice %arg9[%dma_start3A, %dma_start3A_102] : memref<400x32xf32, #tpu.memory_space<vmem>> -> memref<392x32xf32, #tpu.memory_space<vmem>>
      %dma_start3A_104 = arith.constant 0 : i32
      %dma_start3A_105 = tpu.memref_slice %arg6[%arg0, %add3A_45, %dma_start3A_104] : memref<2x50176x32xf32, #tpu.memory_space<hbm>> -> memref<1x392x32xf32, #tpu.memory_space<hbm>>
      %dma_start3A_106 = tpu.memref_squeeze %dma_start3A_105 : memref<1x392x32xf32, #tpu.memory_space<hbm>> -> memref<392x32xf32, #tpu.memory_space<hbm>>
      %dma_start3A_107 = arith.constant 0 : i32
      %dma_start3A_108 = tpu.memref_slice %arg6[%arg0, %add3A_45, %dma_start3A_107] : memref<2x50176x32xf32, #tpu.memory_space<hbm>> -> memref<1x392x32xf32, #tpu.memory_space<hbm>>
      %dma_start3A_109 = tpu.memref_squeeze %dma_start3A_108 : memref<1x392x32xf32, #tpu.memory_space<hbm>> -> memref<392x32xf32, #tpu.memory_space<hbm>>
      %dma_start3A_110 = arith.constant 0 : i32
      %dma_start3A_111 = arith.constant 0 : i32
      %dma_start3A_112 = tpu.memref_slice %arg9[%dma_start3A_110, %dma_start3A_111] : memref<400x32xf32, #tpu.memory_space<vmem>> -> memref<392x32xf32, #tpu.memory_space<vmem>>
      tpu.enqueue_dma source(%dma_start3A_112 : memref<392x32xf32, #tpu.memory_space<vmem>>) target(%dma_start3A_109 : memref<392x32xf32, #tpu.memory_space<hbm>>) target_semaphore(%run_scoped3A : memref<!tpu.dma_semaphore, #tpu.memory_space<semaphore_mem>>)
      %dma_wait3A = arith.constant 0 : i32
      %dma_wait3A_113 = arith.constant 0 : i32
      %dma_wait3A_114 = tpu.memref_slice %arg9[%dma_wait3A, %dma_wait3A_113] : memref<400x32xf32, #tpu.memory_space<vmem>> -> memref<392x32xf32, #tpu.memory_space<vmem>>
      %dma_wait3A_115 = arith.constant 0 : i32
      %dma_wait3A_116 = tpu.memref_slice %arg6[%arg0, %add3A_45, %dma_wait3A_115] : memref<2x50176x32xf32, #tpu.memory_space<hbm>> -> memref<1x392x32xf32, #tpu.memory_space<hbm>>
      %dma_wait3A_117 = tpu.memref_squeeze %dma_wait3A_116 : memref<1x392x32xf32, #tpu.memory_space<hbm>> -> memref<392x32xf32, #tpu.memory_space<hbm>>
      %dma_wait3A_118 = arith.constant 0 : i32
      %dma_wait3A_119 = tpu.memref_slice %arg6[%arg0, %add3A_45, %dma_wait3A_118] : memref<2x50176x32xf32, #tpu.memory_space<hbm>> -> memref<1x392x32xf32, #tpu.memory_space<hbm>>
      %dma_wait3A_120 = tpu.memref_squeeze %dma_wait3A_119 : memref<1x392x32xf32, #tpu.memory_space<hbm>> -> memref<392x32xf32, #tpu.memory_space<hbm>>
      %dma_wait3A_121 = arith.constant 0 : i32
      %dma_wait3A_122 = arith.constant 0 : i32
      %dma_wait3A_123 = tpu.memref_slice %arg9[%dma_wait3A_121, %dma_wait3A_122] : memref<400x32xf32, #tpu.memory_space<vmem>> -> memref<392x32xf32, #tpu.memory_space<vmem>>
      tpu.wait_dma2 semaphore(%run_scoped3A : memref<!tpu.dma_semaphore, #tpu.memory_space<semaphore_mem>>) src(%dma_wait3A_123 : memref<392x32xf32, #tpu.memory_space<vmem>>) dst(%dma_wait3A_120 : memref<392x32xf32, #tpu.memory_space<hbm>>)
      tpu.yield
    }) : () -> ()
    %mul3A_46 = arith.constant 3136 : i32
    %mul3A_47 = arith.muli %arg1, %mul3A_46 : i32
    %add3A_48 = arith.constant 392 : i32
    %add3A_49 = arith.addi %mul3A_47, %add3A_48 : i32
    "tpu.region"() ({
      %run_scoped3A = tpu.sem_alloc : memref<!tpu.dma_semaphore, #tpu.memory_space<semaphore_mem>>
      %dma_start3A = arith.constant 0 : i32
      %dma_start3A_102 = arith.constant 0 : i32
      %dma_start3A_103 = tpu.memref_slice %arg9[%dma_start3A, %dma_start3A_102] : memref<400x32xf32, #tpu.memory_space<vmem>> -> memref<392x32xf32, #tpu.memory_space<vmem>>
      %dma_start3A_104 = arith.constant 0 : i32
      %dma_start3A_105 = tpu.memref_slice %arg13[%add3A_49, %dma_start3A_104] : memref<50176x32xf32, #tpu.memory_space<vmem_shared>> -> memref<392x32xf32, #tpu.memory_space<vmem_shared>>
      %dma_start3A_106 = arith.constant 0 : i32
      %dma_start3A_107 = arith.constant 0 : i32
      %dma_start3A_108 = tpu.memref_slice %arg9[%dma_start3A_106, %dma_start3A_107] : memref<400x32xf32, #tpu.memory_space<vmem>> -> memref<392x32xf32, #tpu.memory_space<vmem>>
      %dma_start3A_109 = arith.constant 0 : i32
      %dma_start3A_110 = tpu.memref_slice %arg13[%add3A_49, %dma_start3A_109] : memref<50176x32xf32, #tpu.memory_space<vmem_shared>> -> memref<392x32xf32, #tpu.memory_space<vmem_shared>>
      tpu.enqueue_dma source(%dma_start3A_110 : memref<392x32xf32, #tpu.memory_space<vmem_shared>>) target(%dma_start3A_108 : memref<392x32xf32, #tpu.memory_space<vmem>>) target_semaphore(%run_scoped3A : memref<!tpu.dma_semaphore, #tpu.memory_space<semaphore_mem>>)
      %dma_wait3A = arith.constant 0 : i32
      %dma_wait3A_111 = arith.constant 0 : i32
      %dma_wait3A_112 = tpu.memref_slice %arg9[%dma_wait3A, %dma_wait3A_111] : memref<400x32xf32, #tpu.memory_space<vmem>> -> memref<392x32xf32, #tpu.memory_space<vmem>>
      %dma_wait3A_113 = arith.constant 0 : i32
      %dma_wait3A_114 = tpu.memref_slice %arg13[%add3A_49, %dma_wait3A_113] : memref<50176x32xf32, #tpu.memory_space<vmem_shared>> -> memref<392x32xf32, #tpu.memory_space<vmem_shared>>
      %dma_wait3A_115 = arith.constant 0 : i32
      %dma_wait3A_116 = arith.constant 0 : i32
      %dma_wait3A_117 = tpu.memref_slice %arg9[%dma_wait3A_115, %dma_wait3A_116] : memref<400x32xf32, #tpu.memory_space<vmem>> -> memref<392x32xf32, #tpu.memory_space<vmem>>
      %dma_wait3A_118 = arith.constant 0 : i32
      %dma_wait3A_119 = tpu.memref_slice %arg13[%add3A_49, %dma_wait3A_118] : memref<50176x32xf32, #tpu.memory_space<vmem_shared>> -> memref<392x32xf32, #tpu.memory_space<vmem_shared>>
      tpu.wait_dma2 semaphore(%run_scoped3A : memref<!tpu.dma_semaphore, #tpu.memory_space<semaphore_mem>>) src(%dma_wait3A_119 : memref<392x32xf32, #tpu.memory_space<vmem_shared>>) dst(%dma_wait3A_117 : memref<392x32xf32, #tpu.memory_space<vmem>>)
      tpu.yield
    }) : () -> ()
    %mul3A_50 = arith.constant 3136 : i32
    %mul3A_51 = arith.muli %arg1, %mul3A_50 : i32
    %add3A_52 = arith.constant 392 : i32
    %add3A_53 = arith.addi %mul3A_51, %add3A_52 : i32
    "tpu.region"() ({
      %run_scoped3A = tpu.sem_alloc : memref<!tpu.dma_semaphore, #tpu.memory_space<semaphore_mem>>
      %dma_start3A = arith.constant 0 : i32
      %dma_start3A_102 = arith.constant 0 : i32
      %dma_start3A_103 = tpu.memref_slice %arg9[%dma_start3A, %dma_start3A_102] : memref<400x32xf32, #tpu.memory_space<vmem>> -> memref<392x32xf32, #tpu.memory_space<vmem>>
      %dma_start3A_104 = arith.constant 0 : i32
      %dma_start3A_105 = tpu.memref_slice %arg6[%arg0, %add3A_53, %dma_start3A_104] : memref<2x50176x32xf32, #tpu.memory_space<hbm>> -> memref<1x392x32xf32, #tpu.memory_space<hbm>>
      %dma_start3A_106 = tpu.memref_squeeze %dma_start3A_105 : memref<1x392x32xf32, #tpu.memory_space<hbm>> -> memref<392x32xf32, #tpu.memory_space<hbm>>
      %dma_start3A_107 = arith.constant 0 : i32
      %dma_start3A_108 = tpu.memref_slice %arg6[%arg0, %add3A_53, %dma_start3A_107] : memref<2x50176x32xf32, #tpu.memory_space<hbm>> -> memref<1x392x32xf32, #tpu.memory_space<hbm>>
      %dma_start3A_109 = tpu.memref_squeeze %dma_start3A_108 : memref<1x392x32xf32, #tpu.memory_space<hbm>> -> memref<392x32xf32, #tpu.memory_space<hbm>>
      %dma_start3A_110 = arith.constant 0 : i32
      %dma_start3A_111 = arith.constant 0 : i32
      %dma_start3A_112 = tpu.memref_slice %arg9[%dma_start3A_110, %dma_start3A_111] : memref<400x32xf32, #tpu.memory_space<vmem>> -> memref<392x32xf32, #tpu.memory_space<vmem>>
      tpu.enqueue_dma source(%dma_start3A_112 : memref<392x32xf32, #tpu.memory_space<vmem>>) target(%dma_start3A_109 : memref<392x32xf32, #tpu.memory_space<hbm>>) target_semaphore(%run_scoped3A : memref<!tpu.dma_semaphore, #tpu.memory_space<semaphore_mem>>)
      %dma_wait3A = arith.constant 0 : i32
      %dma_wait3A_113 = arith.constant 0 : i32
      %dma_wait3A_114 = tpu.memref_slice %arg9[%dma_wait3A, %dma_wait3A_113] : memref<400x32xf32, #tpu.memory_space<vmem>> -> memref<392x32xf32, #tpu.memory_space<vmem>>
      %dma_wait3A_115 = arith.constant 0 : i32
      %dma_wait3A_116 = tpu.memref_slice %arg6[%arg0, %add3A_53, %dma_wait3A_115] : memref<2x50176x32xf32, #tpu.memory_space<hbm>> -> memref<1x392x32xf32, #tpu.memory_space<hbm>>
      %dma_wait3A_117 = tpu.memref_squeeze %dma_wait3A_116 : memref<1x392x32xf32, #tpu.memory_space<hbm>> -> memref<392x32xf32, #tpu.memory_space<hbm>>
      %dma_wait3A_118 = arith.constant 0 : i32
      %dma_wait3A_119 = tpu.memref_slice %arg6[%arg0, %add3A_53, %dma_wait3A_118] : memref<2x50176x32xf32, #tpu.memory_space<hbm>> -> memref<1x392x32xf32, #tpu.memory_space<hbm>>
      %dma_wait3A_120 = tpu.memref_squeeze %dma_wait3A_119 : memref<1x392x32xf32, #tpu.memory_space<hbm>> -> memref<392x32xf32, #tpu.memory_space<hbm>>
      %dma_wait3A_121 = arith.constant 0 : i32
      %dma_wait3A_122 = arith.constant 0 : i32
      %dma_wait3A_123 = tpu.memref_slice %arg9[%dma_wait3A_121, %dma_wait3A_122] : memref<400x32xf32, #tpu.memory_space<vmem>> -> memref<392x32xf32, #tpu.memory_space<vmem>>
      tpu.wait_dma2 semaphore(%run_scoped3A : memref<!tpu.dma_semaphore, #tpu.memory_space<semaphore_mem>>) src(%dma_wait3A_123 : memref<392x32xf32, #tpu.memory_space<vmem>>) dst(%dma_wait3A_120 : memref<392x32xf32, #tpu.memory_space<hbm>>)
      tpu.yield
    }) : () -> ()
    %mul3A_54 = arith.constant 3136 : i32
    %mul3A_55 = arith.muli %arg1, %mul3A_54 : i32
    %add3A_56 = arith.constant 784 : i32
    %add3A_57 = arith.addi %mul3A_55, %add3A_56 : i32
    "tpu.region"() ({
      %run_scoped3A = tpu.sem_alloc : memref<!tpu.dma_semaphore, #tpu.memory_space<semaphore_mem>>
      %dma_start3A = arith.constant 0 : i32
      %dma_start3A_102 = arith.constant 0 : i32
      %dma_start3A_103 = tpu.memref_slice %arg9[%dma_start3A, %dma_start3A_102] : memref<400x32xf32, #tpu.memory_space<vmem>> -> memref<392x32xf32, #tpu.memory_space<vmem>>
      %dma_start3A_104 = arith.constant 0 : i32
      %dma_start3A_105 = tpu.memref_slice %arg13[%add3A_57, %dma_start3A_104] : memref<50176x32xf32, #tpu.memory_space<vmem_shared>> -> memref<392x32xf32, #tpu.memory_space<vmem_shared>>
      %dma_start3A_106 = arith.constant 0 : i32
      %dma_start3A_107 = arith.constant 0 : i32
      %dma_start3A_108 = tpu.memref_slice %arg9[%dma_start3A_106, %dma_start3A_107] : memref<400x32xf32, #tpu.memory_space<vmem>> -> memref<392x32xf32, #tpu.memory_space<vmem>>
      %dma_start3A_109 = arith.constant 0 : i32
      %dma_start3A_110 = tpu.memref_slice %arg13[%add3A_57, %dma_start3A_109] : memref<50176x32xf32, #tpu.memory_space<vmem_shared>> -> memref<392x32xf32, #tpu.memory_space<vmem_shared>>
      tpu.enqueue_dma source(%dma_start3A_110 : memref<392x32xf32, #tpu.memory_space<vmem_shared>>) target(%dma_start3A_108 : memref<392x32xf32, #tpu.memory_space<vmem>>) target_semaphore(%run_scoped3A : memref<!tpu.dma_semaphore, #tpu.memory_space<semaphore_mem>>)
      %dma_wait3A = arith.constant 0 : i32
      %dma_wait3A_111 = arith.constant 0 : i32
      %dma_wait3A_112 = tpu.memref_slice %arg9[%dma_wait3A, %dma_wait3A_111] : memref<400x32xf32, #tpu.memory_space<vmem>> -> memref<392x32xf32, #tpu.memory_space<vmem>>
      %dma_wait3A_113 = arith.constant 0 : i32
      %dma_wait3A_114 = tpu.memref_slice %arg13[%add3A_57, %dma_wait3A_113] : memref<50176x32xf32, #tpu.memory_space<vmem_shared>> -> memref<392x32xf32, #tpu.memory_space<vmem_shared>>
      %dma_wait3A_115 = arith.constant 0 : i32
      %dma_wait3A_116 = arith.constant 0 : i32
      %dma_wait3A_117 = tpu.memref_slice %arg9[%dma_wait3A_115, %dma_wait3A_116] : memref<400x32xf32, #tpu.memory_space<vmem>> -> memref<392x32xf32, #tpu.memory_space<vmem>>
      %dma_wait3A_118 = arith.constant 0 : i32
      %dma_wait3A_119 = tpu.memref_slice %arg13[%add3A_57, %dma_wait3A_118] : memref<50176x32xf32, #tpu.memory_space<vmem_shared>> -> memref<392x32xf32, #tpu.memory_space<vmem_shared>>
      tpu.wait_dma2 semaphore(%run_scoped3A : memref<!tpu.dma_semaphore, #tpu.memory_space<semaphore_mem>>) src(%dma_wait3A_119 : memref<392x32xf32, #tpu.memory_space<vmem_shared>>) dst(%dma_wait3A_117 : memref<392x32xf32, #tpu.memory_space<vmem>>)
      tpu.yield
    }) : () -> ()
    %mul3A_58 = arith.constant 3136 : i32
    %mul3A_59 = arith.muli %arg1, %mul3A_58 : i32
    %add3A_60 = arith.constant 784 : i32
    %add3A_61 = arith.addi %mul3A_59, %add3A_60 : i32
    "tpu.region"() ({
      %run_scoped3A = tpu.sem_alloc : memref<!tpu.dma_semaphore, #tpu.memory_space<semaphore_mem>>
      %dma_start3A = arith.constant 0 : i32
      %dma_start3A_102 = arith.constant 0 : i32
      %dma_start3A_103 = tpu.memref_slice %arg9[%dma_start3A, %dma_start3A_102] : memref<400x32xf32, #tpu.memory_space<vmem>> -> memref<392x32xf32, #tpu.memory_space<vmem>>
      %dma_start3A_104 = arith.constant 0 : i32
      %dma_start3A_105 = tpu.memref_slice %arg6[%arg0, %add3A_61, %dma_start3A_104] : memref<2x50176x32xf32, #tpu.memory_space<hbm>> -> memref<1x392x32xf32, #tpu.memory_space<hbm>>
      %dma_start3A_106 = tpu.memref_squeeze %dma_start3A_105 : memref<1x392x32xf32, #tpu.memory_space<hbm>> -> memref<392x32xf32, #tpu.memory_space<hbm>>
      %dma_start3A_107 = arith.constant 0 : i32
      %dma_start3A_108 = tpu.memref_slice %arg6[%arg0, %add3A_61, %dma_start3A_107] : memref<2x50176x32xf32, #tpu.memory_space<hbm>> -> memref<1x392x32xf32, #tpu.memory_space<hbm>>
      %dma_start3A_109 = tpu.memref_squeeze %dma_start3A_108 : memref<1x392x32xf32, #tpu.memory_space<hbm>> -> memref<392x32xf32, #tpu.memory_space<hbm>>
      %dma_start3A_110 = arith.constant 0 : i32
      %dma_start3A_111 = arith.constant 0 : i32
      %dma_start3A_112 = tpu.memref_slice %arg9[%dma_start3A_110, %dma_start3A_111] : memref<400x32xf32, #tpu.memory_space<vmem>> -> memref<392x32xf32, #tpu.memory_space<vmem>>
      tpu.enqueue_dma source(%dma_start3A_112 : memref<392x32xf32, #tpu.memory_space<vmem>>) target(%dma_start3A_109 : memref<392x32xf32, #tpu.memory_space<hbm>>) target_semaphore(%run_scoped3A : memref<!tpu.dma_semaphore, #tpu.memory_space<semaphore_mem>>)
      %dma_wait3A = arith.constant 0 : i32
      %dma_wait3A_113 = arith.constant 0 : i32
      %dma_wait3A_114 = tpu.memref_slice %arg9[%dma_wait3A, %dma_wait3A_113] : memref<400x32xf32, #tpu.memory_space<vmem>> -> memref<392x32xf32, #tpu.memory_space<vmem>>
      %dma_wait3A_115 = arith.constant 0 : i32
      %dma_wait3A_116 = tpu.memref_slice %arg6[%arg0, %add3A_61, %dma_wait3A_115] : memref<2x50176x32xf32, #tpu.memory_space<hbm>> -> memref<1x392x32xf32, #tpu.memory_space<hbm>>
      %dma_wait3A_117 = tpu.memref_squeeze %dma_wait3A_116 : memref<1x392x32xf32, #tpu.memory_space<hbm>> -> memref<392x32xf32, #tpu.memory_space<hbm>>
      %dma_wait3A_118 = arith.constant 0 : i32
      %dma_wait3A_119 = tpu.memref_slice %arg6[%arg0, %add3A_61, %dma_wait3A_118] : memref<2x50176x32xf32, #tpu.memory_space<hbm>> -> memref<1x392x32xf32, #tpu.memory_space<hbm>>
      %dma_wait3A_120 = tpu.memref_squeeze %dma_wait3A_119 : memref<1x392x32xf32, #tpu.memory_space<hbm>> -> memref<392x32xf32, #tpu.memory_space<hbm>>
      %dma_wait3A_121 = arith.constant 0 : i32
      %dma_wait3A_122 = arith.constant 0 : i32
      %dma_wait3A_123 = tpu.memref_slice %arg9[%dma_wait3A_121, %dma_wait3A_122] : memref<400x32xf32, #tpu.memory_space<vmem>> -> memref<392x32xf32, #tpu.memory_space<vmem>>
      tpu.wait_dma2 semaphore(%run_scoped3A : memref<!tpu.dma_semaphore, #tpu.memory_space<semaphore_mem>>) src(%dma_wait3A_123 : memref<392x32xf32, #tpu.memory_space<vmem>>) dst(%dma_wait3A_120 : memref<392x32xf32, #tpu.memory_space<hbm>>)
      tpu.yield
    }) : () -> ()
    %mul3A_62 = arith.constant 3136 : i32
    %mul3A_63 = arith.muli %arg1, %mul3A_62 : i32
    %add3A_64 = arith.constant 1176 : i32
    %add3A_65 = arith.addi %mul3A_63, %add3A_64 : i32
    "tpu.region"() ({
      %run_scoped3A = tpu.sem_alloc : memref<!tpu.dma_semaphore, #tpu.memory_space<semaphore_mem>>
      %dma_start3A = arith.constant 0 : i32
      %dma_start3A_102 = arith.constant 0 : i32
      %dma_start3A_103 = tpu.memref_slice %arg9[%dma_start3A, %dma_start3A_102] : memref<400x32xf32, #tpu.memory_space<vmem>> -> memref<392x32xf32, #tpu.memory_space<vmem>>
      %dma_start3A_104 = arith.constant 0 : i32
      %dma_start3A_105 = tpu.memref_slice %arg13[%add3A_65, %dma_start3A_104] : memref<50176x32xf32, #tpu.memory_space<vmem_shared>> -> memref<392x32xf32, #tpu.memory_space<vmem_shared>>
      %dma_start3A_106 = arith.constant 0 : i32
      %dma_start3A_107 = arith.constant 0 : i32
      %dma_start3A_108 = tpu.memref_slice %arg9[%dma_start3A_106, %dma_start3A_107] : memref<400x32xf32, #tpu.memory_space<vmem>> -> memref<392x32xf32, #tpu.memory_space<vmem>>
      %dma_start3A_109 = arith.constant 0 : i32
      %dma_start3A_110 = tpu.memref_slice %arg13[%add3A_65, %dma_start3A_109] : memref<50176x32xf32, #tpu.memory_space<vmem_shared>> -> memref<392x32xf32, #tpu.memory_space<vmem_shared>>
      tpu.enqueue_dma source(%dma_start3A_110 : memref<392x32xf32, #tpu.memory_space<vmem_shared>>) target(%dma_start3A_108 : memref<392x32xf32, #tpu.memory_space<vmem>>) target_semaphore(%run_scoped3A : memref<!tpu.dma_semaphore, #tpu.memory_space<semaphore_mem>>)
      %dma_wait3A = arith.constant 0 : i32
      %dma_wait3A_111 = arith.constant 0 : i32
      %dma_wait3A_112 = tpu.memref_slice %arg9[%dma_wait3A, %dma_wait3A_111] : memref<400x32xf32, #tpu.memory_space<vmem>> -> memref<392x32xf32, #tpu.memory_space<vmem>>
      %dma_wait3A_113 = arith.constant 0 : i32
      %dma_wait3A_114 = tpu.memref_slice %arg13[%add3A_65, %dma_wait3A_113] : memref<50176x32xf32, #tpu.memory_space<vmem_shared>> -> memref<392x32xf32, #tpu.memory_space<vmem_shared>>
      %dma_wait3A_115 = arith.constant 0 : i32
      %dma_wait3A_116 = arith.constant 0 : i32
      %dma_wait3A_117 = tpu.memref_slice %arg9[%dma_wait3A_115, %dma_wait3A_116] : memref<400x32xf32, #tpu.memory_space<vmem>> -> memref<392x32xf32, #tpu.memory_space<vmem>>
      %dma_wait3A_118 = arith.constant 0 : i32
      %dma_wait3A_119 = tpu.memref_slice %arg13[%add3A_65, %dma_wait3A_118] : memref<50176x32xf32, #tpu.memory_space<vmem_shared>> -> memref<392x32xf32, #tpu.memory_space<vmem_shared>>
      tpu.wait_dma2 semaphore(%run_scoped3A : memref<!tpu.dma_semaphore, #tpu.memory_space<semaphore_mem>>) src(%dma_wait3A_119 : memref<392x32xf32, #tpu.memory_space<vmem_shared>>) dst(%dma_wait3A_117 : memref<392x32xf32, #tpu.memory_space<vmem>>)
      tpu.yield
    }) : () -> ()
    %mul3A_66 = arith.constant 3136 : i32
    %mul3A_67 = arith.muli %arg1, %mul3A_66 : i32
    %add3A_68 = arith.constant 1176 : i32
    %add3A_69 = arith.addi %mul3A_67, %add3A_68 : i32
    "tpu.region"() ({
      %run_scoped3A = tpu.sem_alloc : memref<!tpu.dma_semaphore, #tpu.memory_space<semaphore_mem>>
      %dma_start3A = arith.constant 0 : i32
      %dma_start3A_102 = arith.constant 0 : i32
      %dma_start3A_103 = tpu.memref_slice %arg9[%dma_start3A, %dma_start3A_102] : memref<400x32xf32, #tpu.memory_space<vmem>> -> memref<392x32xf32, #tpu.memory_space<vmem>>
      %dma_start3A_104 = arith.constant 0 : i32
      %dma_start3A_105 = tpu.memref_slice %arg6[%arg0, %add3A_69, %dma_start3A_104] : memref<2x50176x32xf32, #tpu.memory_space<hbm>> -> memref<1x392x32xf32, #tpu.memory_space<hbm>>
      %dma_start3A_106 = tpu.memref_squeeze %dma_start3A_105 : memref<1x392x32xf32, #tpu.memory_space<hbm>> -> memref<392x32xf32, #tpu.memory_space<hbm>>
      %dma_start3A_107 = arith.constant 0 : i32
      %dma_start3A_108 = tpu.memref_slice %arg6[%arg0, %add3A_69, %dma_start3A_107] : memref<2x50176x32xf32, #tpu.memory_space<hbm>> -> memref<1x392x32xf32, #tpu.memory_space<hbm>>
      %dma_start3A_109 = tpu.memref_squeeze %dma_start3A_108 : memref<1x392x32xf32, #tpu.memory_space<hbm>> -> memref<392x32xf32, #tpu.memory_space<hbm>>
      %dma_start3A_110 = arith.constant 0 : i32
      %dma_start3A_111 = arith.constant 0 : i32
      %dma_start3A_112 = tpu.memref_slice %arg9[%dma_start3A_110, %dma_start3A_111] : memref<400x32xf32, #tpu.memory_space<vmem>> -> memref<392x32xf32, #tpu.memory_space<vmem>>
      tpu.enqueue_dma source(%dma_start3A_112 : memref<392x32xf32, #tpu.memory_space<vmem>>) target(%dma_start3A_109 : memref<392x32xf32, #tpu.memory_space<hbm>>) target_semaphore(%run_scoped3A : memref<!tpu.dma_semaphore, #tpu.memory_space<semaphore_mem>>)
      %dma_wait3A = arith.constant 0 : i32
      %dma_wait3A_113 = arith.constant 0 : i32
      %dma_wait3A_114 = tpu.memref_slice %arg9[%dma_wait3A, %dma_wait3A_113] : memref<400x32xf32, #tpu.memory_space<vmem>> -> memref<392x32xf32, #tpu.memory_space<vmem>>
      %dma_wait3A_115 = arith.constant 0 : i32
      %dma_wait3A_116 = tpu.memref_slice %arg6[%arg0, %add3A_69, %dma_wait3A_115] : memref<2x50176x32xf32, #tpu.memory_space<hbm>> -> memref<1x392x32xf32, #tpu.memory_space<hbm>>
      %dma_wait3A_117 = tpu.memref_squeeze %dma_wait3A_116 : memref<1x392x32xf32, #tpu.memory_space<hbm>> -> memref<392x32xf32, #tpu.memory_space<hbm>>
      %dma_wait3A_118 = arith.constant 0 : i32
      %dma_wait3A_119 = tpu.memref_slice %arg6[%arg0, %add3A_69, %dma_wait3A_118] : memref<2x50176x32xf32, #tpu.memory_space<hbm>> -> memref<1x392x32xf32, #tpu.memory_space<hbm>>
      %dma_wait3A_120 = tpu.memref_squeeze %dma_wait3A_119 : memref<1x392x32xf32, #tpu.memory_space<hbm>> -> memref<392x32xf32, #tpu.memory_space<hbm>>
      %dma_wait3A_121 = arith.constant 0 : i32
      %dma_wait3A_122 = arith.constant 0 : i32
      %dma_wait3A_123 = tpu.memref_slice %arg9[%dma_wait3A_121, %dma_wait3A_122] : memref<400x32xf32, #tpu.memory_space<vmem>> -> memref<392x32xf32, #tpu.memory_space<vmem>>
      tpu.wait_dma2 semaphore(%run_scoped3A : memref<!tpu.dma_semaphore, #tpu.memory_space<semaphore_mem>>) src(%dma_wait3A_123 : memref<392x32xf32, #tpu.memory_space<vmem>>) dst(%dma_wait3A_120 : memref<392x32xf32, #tpu.memory_space<hbm>>)
      tpu.yield
    }) : () -> ()
    %mul3A_70 = arith.constant 3136 : i32
    %mul3A_71 = arith.muli %arg1, %mul3A_70 : i32
    %add3A_72 = arith.constant 1568 : i32
    %add3A_73 = arith.addi %mul3A_71, %add3A_72 : i32
    "tpu.region"() ({
      %run_scoped3A = tpu.sem_alloc : memref<!tpu.dma_semaphore, #tpu.memory_space<semaphore_mem>>
      %dma_start3A = arith.constant 0 : i32
      %dma_start3A_102 = arith.constant 0 : i32
      %dma_start3A_103 = tpu.memref_slice %arg9[%dma_start3A, %dma_start3A_102] : memref<400x32xf32, #tpu.memory_space<vmem>> -> memref<392x32xf32, #tpu.memory_space<vmem>>
      %dma_start3A_104 = arith.constant 0 : i32
      %dma_start3A_105 = tpu.memref_slice %arg13[%add3A_73, %dma_start3A_104] : memref<50176x32xf32, #tpu.memory_space<vmem_shared>> -> memref<392x32xf32, #tpu.memory_space<vmem_shared>>
      %dma_start3A_106 = arith.constant 0 : i32
      %dma_start3A_107 = arith.constant 0 : i32
      %dma_start3A_108 = tpu.memref_slice %arg9[%dma_start3A_106, %dma_start3A_107] : memref<400x32xf32, #tpu.memory_space<vmem>> -> memref<392x32xf32, #tpu.memory_space<vmem>>
      %dma_start3A_109 = arith.constant 0 : i32
      %dma_start3A_110 = tpu.memref_slice %arg13[%add3A_73, %dma_start3A_109] : memref<50176x32xf32, #tpu.memory_space<vmem_shared>> -> memref<392x32xf32, #tpu.memory_space<vmem_shared>>
      tpu.enqueue_dma source(%dma_start3A_110 : memref<392x32xf32, #tpu.memory_space<vmem_shared>>) target(%dma_start3A_108 : memref<392x32xf32, #tpu.memory_space<vmem>>) target_semaphore(%run_scoped3A : memref<!tpu.dma_semaphore, #tpu.memory_space<semaphore_mem>>)
      %dma_wait3A = arith.constant 0 : i32
      %dma_wait3A_111 = arith.constant 0 : i32
      %dma_wait3A_112 = tpu.memref_slice %arg9[%dma_wait3A, %dma_wait3A_111] : memref<400x32xf32, #tpu.memory_space<vmem>> -> memref<392x32xf32, #tpu.memory_space<vmem>>
      %dma_wait3A_113 = arith.constant 0 : i32
      %dma_wait3A_114 = tpu.memref_slice %arg13[%add3A_73, %dma_wait3A_113] : memref<50176x32xf32, #tpu.memory_space<vmem_shared>> -> memref<392x32xf32, #tpu.memory_space<vmem_shared>>
      %dma_wait3A_115 = arith.constant 0 : i32
      %dma_wait3A_116 = arith.constant 0 : i32
      %dma_wait3A_117 = tpu.memref_slice %arg9[%dma_wait3A_115, %dma_wait3A_116] : memref<400x32xf32, #tpu.memory_space<vmem>> -> memref<392x32xf32, #tpu.memory_space<vmem>>
      %dma_wait3A_118 = arith.constant 0 : i32
      %dma_wait3A_119 = tpu.memref_slice %arg13[%add3A_73, %dma_wait3A_118] : memref<50176x32xf32, #tpu.memory_space<vmem_shared>> -> memref<392x32xf32, #tpu.memory_space<vmem_shared>>
      tpu.wait_dma2 semaphore(%run_scoped3A : memref<!tpu.dma_semaphore, #tpu.memory_space<semaphore_mem>>) src(%dma_wait3A_119 : memref<392x32xf32, #tpu.memory_space<vmem_shared>>) dst(%dma_wait3A_117 : memref<392x32xf32, #tpu.memory_space<vmem>>)
      tpu.yield
    }) : () -> ()
    %mul3A_74 = arith.constant 3136 : i32
    %mul3A_75 = arith.muli %arg1, %mul3A_74 : i32
    %add3A_76 = arith.constant 1568 : i32
    %add3A_77 = arith.addi %mul3A_75, %add3A_76 : i32
    "tpu.region"() ({
      %run_scoped3A = tpu.sem_alloc : memref<!tpu.dma_semaphore, #tpu.memory_space<semaphore_mem>>
      %dma_start3A = arith.constant 0 : i32
      %dma_start3A_102 = arith.constant 0 : i32
      %dma_start3A_103 = tpu.memref_slice %arg9[%dma_start3A, %dma_start3A_102] : memref<400x32xf32, #tpu.memory_space<vmem>> -> memref<392x32xf32, #tpu.memory_space<vmem>>
      %dma_start3A_104 = arith.constant 0 : i32
      %dma_start3A_105 = tpu.memref_slice %arg6[%arg0, %add3A_77, %dma_start3A_104] : memref<2x50176x32xf32, #tpu.memory_space<hbm>> -> memref<1x392x32xf32, #tpu.memory_space<hbm>>
      %dma_start3A_106 = tpu.memref_squeeze %dma_start3A_105 : memref<1x392x32xf32, #tpu.memory_space<hbm>> -> memref<392x32xf32, #tpu.memory_space<hbm>>
      %dma_start3A_107 = arith.constant 0 : i32
      %dma_start3A_108 = tpu.memref_slice %arg6[%arg0, %add3A_77, %dma_start3A_107] : memref<2x50176x32xf32, #tpu.memory_space<hbm>> -> memref<1x392x32xf32, #tpu.memory_space<hbm>>
      %dma_start3A_109 = tpu.memref_squeeze %dma_start3A_108 : memref<1x392x32xf32, #tpu.memory_space<hbm>> -> memref<392x32xf32, #tpu.memory_space<hbm>>
      %dma_start3A_110 = arith.constant 0 : i32
      %dma_start3A_111 = arith.constant 0 : i32
      %dma_start3A_112 = tpu.memref_slice %arg9[%dma_start3A_110, %dma_start3A_111] : memref<400x32xf32, #tpu.memory_space<vmem>> -> memref<392x32xf32, #tpu.memory_space<vmem>>
      tpu.enqueue_dma source(%dma_start3A_112 : memref<392x32xf32, #tpu.memory_space<vmem>>) target(%dma_start3A_109 : memref<392x32xf32, #tpu.memory_space<hbm>>) target_semaphore(%run_scoped3A : memref<!tpu.dma_semaphore, #tpu.memory_space<semaphore_mem>>)
      %dma_wait3A = arith.constant 0 : i32
      %dma_wait3A_113 = arith.constant 0 : i32
      %dma_wait3A_114 = tpu.memref_slice %arg9[%dma_wait3A, %dma_wait3A_113] : memref<400x32xf32, #tpu.memory_space<vmem>> -> memref<392x32xf32, #tpu.memory_space<vmem>>
      %dma_wait3A_115 = arith.constant 0 : i32
      %dma_wait3A_116 = tpu.memref_slice %arg6[%arg0, %add3A_77, %dma_wait3A_115] : memref<2x50176x32xf32, #tpu.memory_space<hbm>> -> memref<1x392x32xf32, #tpu.memory_space<hbm>>
      %dma_wait3A_117 = tpu.memref_squeeze %dma_wait3A_116 : memref<1x392x32xf32, #tpu.memory_space<hbm>> -> memref<392x32xf32, #tpu.memory_space<hbm>>
      %dma_wait3A_118 = arith.constant 0 : i32
      %dma_wait3A_119 = tpu.memref_slice %arg6[%arg0, %add3A_77, %dma_wait3A_118] : memref<2x50176x32xf32, #tpu.memory_space<hbm>> -> memref<1x392x32xf32, #tpu.memory_space<hbm>>
      %dma_wait3A_120 = tpu.memref_squeeze %dma_wait3A_119 : memref<1x392x32xf32, #tpu.memory_space<hbm>> -> memref<392x32xf32, #tpu.memory_space<hbm>>
      %dma_wait3A_121 = arith.constant 0 : i32
      %dma_wait3A_122 = arith.constant 0 : i32
      %dma_wait3A_123 = tpu.memref_slice %arg9[%dma_wait3A_121, %dma_wait3A_122] : memref<400x32xf32, #tpu.memory_space<vmem>> -> memref<392x32xf32, #tpu.memory_space<vmem>>
      tpu.wait_dma2 semaphore(%run_scoped3A : memref<!tpu.dma_semaphore, #tpu.memory_space<semaphore_mem>>) src(%dma_wait3A_123 : memref<392x32xf32, #tpu.memory_space<vmem>>) dst(%dma_wait3A_120 : memref<392x32xf32, #tpu.memory_space<hbm>>)
      tpu.yield
    }) : () -> ()
    %mul3A_78 = arith.constant 3136 : i32
    %mul3A_79 = arith.muli %arg1, %mul3A_78 : i32
    %add3A_80 = arith.constant 1960 : i32
    %add3A_81 = arith.addi %mul3A_79, %add3A_80 : i32
    "tpu.region"() ({
      %run_scoped3A = tpu.sem_alloc : memref<!tpu.dma_semaphore, #tpu.memory_space<semaphore_mem>>
      %dma_start3A = arith.constant 0 : i32
      %dma_start3A_102 = arith.constant 0 : i32
      %dma_start3A_103 = tpu.memref_slice %arg9[%dma_start3A, %dma_start3A_102] : memref<400x32xf32, #tpu.memory_space<vmem>> -> memref<392x32xf32, #tpu.memory_space<vmem>>
      %dma_start3A_104 = arith.constant 0 : i32
      %dma_start3A_105 = tpu.memref_slice %arg13[%add3A_81, %dma_start3A_104] : memref<50176x32xf32, #tpu.memory_space<vmem_shared>> -> memref<392x32xf32, #tpu.memory_space<vmem_shared>>
      %dma_start3A_106 = arith.constant 0 : i32
      %dma_start3A_107 = arith.constant 0 : i32
      %dma_start3A_108 = tpu.memref_slice %arg9[%dma_start3A_106, %dma_start3A_107] : memref<400x32xf32, #tpu.memory_space<vmem>> -> memref<392x32xf32, #tpu.memory_space<vmem>>
      %dma_start3A_109 = arith.constant 0 : i32
      %dma_start3A_110 = tpu.memref_slice %arg13[%add3A_81, %dma_start3A_109] : memref<50176x32xf32, #tpu.memory_space<vmem_shared>> -> memref<392x32xf32, #tpu.memory_space<vmem_shared>>
      tpu.enqueue_dma source(%dma_start3A_110 : memref<392x32xf32, #tpu.memory_space<vmem_shared>>) target(%dma_start3A_108 : memref<392x32xf32, #tpu.memory_space<vmem>>) target_semaphore(%run_scoped3A : memref<!tpu.dma_semaphore, #tpu.memory_space<semaphore_mem>>)
      %dma_wait3A = arith.constant 0 : i32
      %dma_wait3A_111 = arith.constant 0 : i32
      %dma_wait3A_112 = tpu.memref_slice %arg9[%dma_wait3A, %dma_wait3A_111] : memref<400x32xf32, #tpu.memory_space<vmem>> -> memref<392x32xf32, #tpu.memory_space<vmem>>
      %dma_wait3A_113 = arith.constant 0 : i32
      %dma_wait3A_114 = tpu.memref_slice %arg13[%add3A_81, %dma_wait3A_113] : memref<50176x32xf32, #tpu.memory_space<vmem_shared>> -> memref<392x32xf32, #tpu.memory_space<vmem_shared>>
      %dma_wait3A_115 = arith.constant 0 : i32
      %dma_wait3A_116 = arith.constant 0 : i32
      %dma_wait3A_117 = tpu.memref_slice %arg9[%dma_wait3A_115, %dma_wait3A_116] : memref<400x32xf32, #tpu.memory_space<vmem>> -> memref<392x32xf32, #tpu.memory_space<vmem>>
      %dma_wait3A_118 = arith.constant 0 : i32
      %dma_wait3A_119 = tpu.memref_slice %arg13[%add3A_81, %dma_wait3A_118] : memref<50176x32xf32, #tpu.memory_space<vmem_shared>> -> memref<392x32xf32, #tpu.memory_space<vmem_shared>>
      tpu.wait_dma2 semaphore(%run_scoped3A : memref<!tpu.dma_semaphore, #tpu.memory_space<semaphore_mem>>) src(%dma_wait3A_119 : memref<392x32xf32, #tpu.memory_space<vmem_shared>>) dst(%dma_wait3A_117 : memref<392x32xf32, #tpu.memory_space<vmem>>)
      tpu.yield
    }) : () -> ()
    %mul3A_82 = arith.constant 3136 : i32
    %mul3A_83 = arith.muli %arg1, %mul3A_82 : i32
    %add3A_84 = arith.constant 1960 : i32
    %add3A_85 = arith.addi %mul3A_83, %add3A_84 : i32
    "tpu.region"() ({
      %run_scoped3A = tpu.sem_alloc : memref<!tpu.dma_semaphore, #tpu.memory_space<semaphore_mem>>
      %dma_start3A = arith.constant 0 : i32
      %dma_start3A_102 = arith.constant 0 : i32
      %dma_start3A_103 = tpu.memref_slice %arg9[%dma_start3A, %dma_start3A_102] : memref<400x32xf32, #tpu.memory_space<vmem>> -> memref<392x32xf32, #tpu.memory_space<vmem>>
      %dma_start3A_104 = arith.constant 0 : i32
      %dma_start3A_105 = tpu.memref_slice %arg6[%arg0, %add3A_85, %dma_start3A_104] : memref<2x50176x32xf32, #tpu.memory_space<hbm>> -> memref<1x392x32xf32, #tpu.memory_space<hbm>>
      %dma_start3A_106 = tpu.memref_squeeze %dma_start3A_105 : memref<1x392x32xf32, #tpu.memory_space<hbm>> -> memref<392x32xf32, #tpu.memory_space<hbm>>
      %dma_start3A_107 = arith.constant 0 : i32
      %dma_start3A_108 = tpu.memref_slice %arg6[%arg0, %add3A_85, %dma_start3A_107] : memref<2x50176x32xf32, #tpu.memory_space<hbm>> -> memref<1x392x32xf32, #tpu.memory_space<hbm>>
      %dma_start3A_109 = tpu.memref_squeeze %dma_start3A_108 : memref<1x392x32xf32, #tpu.memory_space<hbm>> -> memref<392x32xf32, #tpu.memory_space<hbm>>
      %dma_start3A_110 = arith.constant 0 : i32
      %dma_start3A_111 = arith.constant 0 : i32
      %dma_start3A_112 = tpu.memref_slice %arg9[%dma_start3A_110, %dma_start3A_111] : memref<400x32xf32, #tpu.memory_space<vmem>> -> memref<392x32xf32, #tpu.memory_space<vmem>>
      tpu.enqueue_dma source(%dma_start3A_112 : memref<392x32xf32, #tpu.memory_space<vmem>>) target(%dma_start3A_109 : memref<392x32xf32, #tpu.memory_space<hbm>>) target_semaphore(%run_scoped3A : memref<!tpu.dma_semaphore, #tpu.memory_space<semaphore_mem>>)
      %dma_wait3A = arith.constant 0 : i32
      %dma_wait3A_113 = arith.constant 0 : i32
      %dma_wait3A_114 = tpu.memref_slice %arg9[%dma_wait3A, %dma_wait3A_113] : memref<400x32xf32, #tpu.memory_space<vmem>> -> memref<392x32xf32, #tpu.memory_space<vmem>>
      %dma_wait3A_115 = arith.constant 0 : i32
      %dma_wait3A_116 = tpu.memref_slice %arg6[%arg0, %add3A_85, %dma_wait3A_115] : memref<2x50176x32xf32, #tpu.memory_space<hbm>> -> memref<1x392x32xf32, #tpu.memory_space<hbm>>
      %dma_wait3A_117 = tpu.memref_squeeze %dma_wait3A_116 : memref<1x392x32xf32, #tpu.memory_space<hbm>> -> memref<392x32xf32, #tpu.memory_space<hbm>>
      %dma_wait3A_118 = arith.constant 0 : i32
      %dma_wait3A_119 = tpu.memref_slice %arg6[%arg0, %add3A_85, %dma_wait3A_118] : memref<2x50176x32xf32, #tpu.memory_space<hbm>> -> memref<1x392x32xf32, #tpu.memory_space<hbm>>
      %dma_wait3A_120 = tpu.memref_squeeze %dma_wait3A_119 : memref<1x392x32xf32, #tpu.memory_space<hbm>> -> memref<392x32xf32, #tpu.memory_space<hbm>>
      %dma_wait3A_121 = arith.constant 0 : i32
      %dma_wait3A_122 = arith.constant 0 : i32
      %dma_wait3A_123 = tpu.memref_slice %arg9[%dma_wait3A_121, %dma_wait3A_122] : memref<400x32xf32, #tpu.memory_space<vmem>> -> memref<392x32xf32, #tpu.memory_space<vmem>>
      tpu.wait_dma2 semaphore(%run_scoped3A : memref<!tpu.dma_semaphore, #tpu.memory_space<semaphore_mem>>) src(%dma_wait3A_123 : memref<392x32xf32, #tpu.memory_space<vmem>>) dst(%dma_wait3A_120 : memref<392x32xf32, #tpu.memory_space<hbm>>)
      tpu.yield
    }) : () -> ()
    %mul3A_86 = arith.constant 3136 : i32
    %mul3A_87 = arith.muli %arg1, %mul3A_86 : i32
    %add3A_88 = arith.constant 2352 : i32
    %add3A_89 = arith.addi %mul3A_87, %add3A_88 : i32
    "tpu.region"() ({
      %run_scoped3A = tpu.sem_alloc : memref<!tpu.dma_semaphore, #tpu.memory_space<semaphore_mem>>
      %dma_start3A = arith.constant 0 : i32
      %dma_start3A_102 = arith.constant 0 : i32
      %dma_start3A_103 = tpu.memref_slice %arg9[%dma_start3A, %dma_start3A_102] : memref<400x32xf32, #tpu.memory_space<vmem>> -> memref<392x32xf32, #tpu.memory_space<vmem>>
      %dma_start3A_104 = arith.constant 0 : i32
      %dma_start3A_105 = tpu.memref_slice %arg13[%add3A_89, %dma_start3A_104] : memref<50176x32xf32, #tpu.memory_space<vmem_shared>> -> memref<392x32xf32, #tpu.memory_space<vmem_shared>>
      %dma_start3A_106 = arith.constant 0 : i32
      %dma_start3A_107 = arith.constant 0 : i32
      %dma_start3A_108 = tpu.memref_slice %arg9[%dma_start3A_106, %dma_start3A_107] : memref<400x32xf32, #tpu.memory_space<vmem>> -> memref<392x32xf32, #tpu.memory_space<vmem>>
      %dma_start3A_109 = arith.constant 0 : i32
      %dma_start3A_110 = tpu.memref_slice %arg13[%add3A_89, %dma_start3A_109] : memref<50176x32xf32, #tpu.memory_space<vmem_shared>> -> memref<392x32xf32, #tpu.memory_space<vmem_shared>>
      tpu.enqueue_dma source(%dma_start3A_110 : memref<392x32xf32, #tpu.memory_space<vmem_shared>>) target(%dma_start3A_108 : memref<392x32xf32, #tpu.memory_space<vmem>>) target_semaphore(%run_scoped3A : memref<!tpu.dma_semaphore, #tpu.memory_space<semaphore_mem>>)
      %dma_wait3A = arith.constant 0 : i32
      %dma_wait3A_111 = arith.constant 0 : i32
      %dma_wait3A_112 = tpu.memref_slice %arg9[%dma_wait3A, %dma_wait3A_111] : memref<400x32xf32, #tpu.memory_space<vmem>> -> memref<392x32xf32, #tpu.memory_space<vmem>>
      %dma_wait3A_113 = arith.constant 0 : i32
      %dma_wait3A_114 = tpu.memref_slice %arg13[%add3A_89, %dma_wait3A_113] : memref<50176x32xf32, #tpu.memory_space<vmem_shared>> -> memref<392x32xf32, #tpu.memory_space<vmem_shared>>
      %dma_wait3A_115 = arith.constant 0 : i32
      %dma_wait3A_116 = arith.constant 0 : i32
      %dma_wait3A_117 = tpu.memref_slice %arg9[%dma_wait3A_115, %dma_wait3A_116] : memref<400x32xf32, #tpu.memory_space<vmem>> -> memref<392x32xf32, #tpu.memory_space<vmem>>
      %dma_wait3A_118 = arith.constant 0 : i32
      %dma_wait3A_119 = tpu.memref_slice %arg13[%add3A_89, %dma_wait3A_118] : memref<50176x32xf32, #tpu.memory_space<vmem_shared>> -> memref<392x32xf32, #tpu.memory_space<vmem_shared>>
      tpu.wait_dma2 semaphore(%run_scoped3A : memref<!tpu.dma_semaphore, #tpu.memory_space<semaphore_mem>>) src(%dma_wait3A_119 : memref<392x32xf32, #tpu.memory_space<vmem_shared>>) dst(%dma_wait3A_117 : memref<392x32xf32, #tpu.memory_space<vmem>>)
      tpu.yield
    }) : () -> ()
    %mul3A_90 = arith.constant 3136 : i32
    %mul3A_91 = arith.muli %arg1, %mul3A_90 : i32
    %add3A_92 = arith.constant 2352 : i32
    %add3A_93 = arith.addi %mul3A_91, %add3A_92 : i32
    "tpu.region"() ({
      %run_scoped3A = tpu.sem_alloc : memref<!tpu.dma_semaphore, #tpu.memory_space<semaphore_mem>>
      %dma_start3A = arith.constant 0 : i32
      %dma_start3A_102 = arith.constant 0 : i32
      %dma_start3A_103 = tpu.memref_slice %arg9[%dma_start3A, %dma_start3A_102] : memref<400x32xf32, #tpu.memory_space<vmem>> -> memref<392x32xf32, #tpu.memory_space<vmem>>
      %dma_start3A_104 = arith.constant 0 : i32
      %dma_start3A_105 = tpu.memref_slice %arg6[%arg0, %add3A_93, %dma_start3A_104] : memref<2x50176x32xf32, #tpu.memory_space<hbm>> -> memref<1x392x32xf32, #tpu.memory_space<hbm>>
      %dma_start3A_106 = tpu.memref_squeeze %dma_start3A_105 : memref<1x392x32xf32, #tpu.memory_space<hbm>> -> memref<392x32xf32, #tpu.memory_space<hbm>>
      %dma_start3A_107 = arith.constant 0 : i32
      %dma_start3A_108 = tpu.memref_slice %arg6[%arg0, %add3A_93, %dma_start3A_107] : memref<2x50176x32xf32, #tpu.memory_space<hbm>> -> memref<1x392x32xf32, #tpu.memory_space<hbm>>
      %dma_start3A_109 = tpu.memref_squeeze %dma_start3A_108 : memref<1x392x32xf32, #tpu.memory_space<hbm>> -> memref<392x32xf32, #tpu.memory_space<hbm>>
      %dma_start3A_110 = arith.constant 0 : i32
      %dma_start3A_111 = arith.constant 0 : i32
      %dma_start3A_112 = tpu.memref_slice %arg9[%dma_start3A_110, %dma_start3A_111] : memref<400x32xf32, #tpu.memory_space<vmem>> -> memref<392x32xf32, #tpu.memory_space<vmem>>
      tpu.enqueue_dma source(%dma_start3A_112 : memref<392x32xf32, #tpu.memory_space<vmem>>) target(%dma_start3A_109 : memref<392x32xf32, #tpu.memory_space<hbm>>) target_semaphore(%run_scoped3A : memref<!tpu.dma_semaphore, #tpu.memory_space<semaphore_mem>>)
      %dma_wait3A = arith.constant 0 : i32
      %dma_wait3A_113 = arith.constant 0 : i32
      %dma_wait3A_114 = tpu.memref_slice %arg9[%dma_wait3A, %dma_wait3A_113] : memref<400x32xf32, #tpu.memory_space<vmem>> -> memref<392x32xf32, #tpu.memory_space<vmem>>
      %dma_wait3A_115 = arith.constant 0 : i32
      %dma_wait3A_116 = tpu.memref_slice %arg6[%arg0, %add3A_93, %dma_wait3A_115] : memref<2x50176x32xf32, #tpu.memory_space<hbm>> -> memref<1x392x32xf32, #tpu.memory_space<hbm>>
      %dma_wait3A_117 = tpu.memref_squeeze %dma_wait3A_116 : memref<1x392x32xf32, #tpu.memory_space<hbm>> -> memref<392x32xf32, #tpu.memory_space<hbm>>
      %dma_wait3A_118 = arith.constant 0 : i32
      %dma_wait3A_119 = tpu.memref_slice %arg6[%arg0, %add3A_93, %dma_wait3A_118] : memref<2x50176x32xf32, #tpu.memory_space<hbm>> -> memref<1x392x32xf32, #tpu.memory_space<hbm>>
      %dma_wait3A_120 = tpu.memref_squeeze %dma_wait3A_119 : memref<1x392x32xf32, #tpu.memory_space<hbm>> -> memref<392x32xf32, #tpu.memory_space<hbm>>
      %dma_wait3A_121 = arith.constant 0 : i32
      %dma_wait3A_122 = arith.constant 0 : i32
      %dma_wait3A_123 = tpu.memref_slice %arg9[%dma_wait3A_121, %dma_wait3A_122] : memref<400x32xf32, #tpu.memory_space<vmem>> -> memref<392x32xf32, #tpu.memory_space<vmem>>
      tpu.wait_dma2 semaphore(%run_scoped3A : memref<!tpu.dma_semaphore, #tpu.memory_space<semaphore_mem>>) src(%dma_wait3A_123 : memref<392x32xf32, #tpu.memory_space<vmem>>) dst(%dma_wait3A_120 : memref<392x32xf32, #tpu.memory_space<hbm>>)
      tpu.yield
    }) : () -> ()
    %mul3A_94 = arith.constant 3136 : i32
    %mul3A_95 = arith.muli %arg1, %mul3A_94 : i32
    %add3A_96 = arith.constant 2744 : i32
    %add3A_97 = arith.addi %mul3A_95, %add3A_96 : i32
    "tpu.region"() ({
      %run_scoped3A = tpu.sem_alloc : memref<!tpu.dma_semaphore, #tpu.memory_space<semaphore_mem>>
      %dma_start3A = arith.constant 0 : i32
      %dma_start3A_102 = arith.constant 0 : i32
      %dma_start3A_103 = tpu.memref_slice %arg9[%dma_start3A, %dma_start3A_102] : memref<400x32xf32, #tpu.memory_space<vmem>> -> memref<392x32xf32, #tpu.memory_space<vmem>>
      %dma_start3A_104 = arith.constant 0 : i32
      %dma_start3A_105 = tpu.memref_slice %arg13[%add3A_97, %dma_start3A_104] : memref<50176x32xf32, #tpu.memory_space<vmem_shared>> -> memref<392x32xf32, #tpu.memory_space<vmem_shared>>
      %dma_start3A_106 = arith.constant 0 : i32
      %dma_start3A_107 = arith.constant 0 : i32
      %dma_start3A_108 = tpu.memref_slice %arg9[%dma_start3A_106, %dma_start3A_107] : memref<400x32xf32, #tpu.memory_space<vmem>> -> memref<392x32xf32, #tpu.memory_space<vmem>>
      %dma_start3A_109 = arith.constant 0 : i32
      %dma_start3A_110 = tpu.memref_slice %arg13[%add3A_97, %dma_start3A_109] : memref<50176x32xf32, #tpu.memory_space<vmem_shared>> -> memref<392x32xf32, #tpu.memory_space<vmem_shared>>
      tpu.enqueue_dma source(%dma_start3A_110 : memref<392x32xf32, #tpu.memory_space<vmem_shared>>) target(%dma_start3A_108 : memref<392x32xf32, #tpu.memory_space<vmem>>) target_semaphore(%run_scoped3A : memref<!tpu.dma_semaphore, #tpu.memory_space<semaphore_mem>>)
      %dma_wait3A = arith.constant 0 : i32
      %dma_wait3A_111 = arith.constant 0 : i32
      %dma_wait3A_112 = tpu.memref_slice %arg9[%dma_wait3A, %dma_wait3A_111] : memref<400x32xf32, #tpu.memory_space<vmem>> -> memref<392x32xf32, #tpu.memory_space<vmem>>
      %dma_wait3A_113 = arith.constant 0 : i32
      %dma_wait3A_114 = tpu.memref_slice %arg13[%add3A_97, %dma_wait3A_113] : memref<50176x32xf32, #tpu.memory_space<vmem_shared>> -> memref<392x32xf32, #tpu.memory_space<vmem_shared>>
      %dma_wait3A_115 = arith.constant 0 : i32
      %dma_wait3A_116 = arith.constant 0 : i32
      %dma_wait3A_117 = tpu.memref_slice %arg9[%dma_wait3A_115, %dma_wait3A_116] : memref<400x32xf32, #tpu.memory_space<vmem>> -> memref<392x32xf32, #tpu.memory_space<vmem>>
      %dma_wait3A_118 = arith.constant 0 : i32
      %dma_wait3A_119 = tpu.memref_slice %arg13[%add3A_97, %dma_wait3A_118] : memref<50176x32xf32, #tpu.memory_space<vmem_shared>> -> memref<392x32xf32, #tpu.memory_space<vmem_shared>>
      tpu.wait_dma2 semaphore(%run_scoped3A : memref<!tpu.dma_semaphore, #tpu.memory_space<semaphore_mem>>) src(%dma_wait3A_119 : memref<392x32xf32, #tpu.memory_space<vmem_shared>>) dst(%dma_wait3A_117 : memref<392x32xf32, #tpu.memory_space<vmem>>)
      tpu.yield
    }) : () -> ()
    %mul3A_98 = arith.constant 3136 : i32
    %mul3A_99 = arith.muli %arg1, %mul3A_98 : i32
    %add3A_100 = arith.constant 2744 : i32
    %add3A_101 = arith.addi %mul3A_99, %add3A_100 : i32
    "tpu.region"() ({
      %run_scoped3A = tpu.sem_alloc : memref<!tpu.dma_semaphore, #tpu.memory_space<semaphore_mem>>
      %dma_start3A = arith.constant 0 : i32
      %dma_start3A_102 = arith.constant 0 : i32
      %dma_start3A_103 = tpu.memref_slice %arg9[%dma_start3A, %dma_start3A_102] : memref<400x32xf32, #tpu.memory_space<vmem>> -> memref<392x32xf32, #tpu.memory_space<vmem>>
      %dma_start3A_104 = arith.constant 0 : i32
      %dma_start3A_105 = tpu.memref_slice %arg6[%arg0, %add3A_101, %dma_start3A_104] : memref<2x50176x32xf32, #tpu.memory_space<hbm>> -> memref<1x392x32xf32, #tpu.memory_space<hbm>>
      %dma_start3A_106 = tpu.memref_squeeze %dma_start3A_105 : memref<1x392x32xf32, #tpu.memory_space<hbm>> -> memref<392x32xf32, #tpu.memory_space<hbm>>
      %dma_start3A_107 = arith.constant 0 : i32
      %dma_start3A_108 = tpu.memref_slice %arg6[%arg0, %add3A_101, %dma_start3A_107] : memref<2x50176x32xf32, #tpu.memory_space<hbm>> -> memref<1x392x32xf32, #tpu.memory_space<hbm>>
      %dma_start3A_109 = tpu.memref_squeeze %dma_start3A_108 : memref<1x392x32xf32, #tpu.memory_space<hbm>> -> memref<392x32xf32, #tpu.memory_space<hbm>>
      %dma_start3A_110 = arith.constant 0 : i32
      %dma_start3A_111 = arith.constant 0 : i32
      %dma_start3A_112 = tpu.memref_slice %arg9[%dma_start3A_110, %dma_start3A_111] : memref<400x32xf32, #tpu.memory_space<vmem>> -> memref<392x32xf32, #tpu.memory_space<vmem>>
      tpu.enqueue_dma source(%dma_start3A_112 : memref<392x32xf32, #tpu.memory_space<vmem>>) target(%dma_start3A_109 : memref<392x32xf32, #tpu.memory_space<hbm>>) target_semaphore(%run_scoped3A : memref<!tpu.dma_semaphore, #tpu.memory_space<semaphore_mem>>)
      %dma_wait3A = arith.constant 0 : i32
      %dma_wait3A_113 = arith.constant 0 : i32
      %dma_wait3A_114 = tpu.memref_slice %arg9[%dma_wait3A, %dma_wait3A_113] : memref<400x32xf32, #tpu.memory_space<vmem>> -> memref<392x32xf32, #tpu.memory_space<vmem>>
      %dma_wait3A_115 = arith.constant 0 : i32
      %dma_wait3A_116 = tpu.memref_slice %arg6[%arg0, %add3A_101, %dma_wait3A_115] : memref<2x50176x32xf32, #tpu.memory_space<hbm>> -> memref<1x392x32xf32, #tpu.memory_space<hbm>>
      %dma_wait3A_117 = tpu.memref_squeeze %dma_wait3A_116 : memref<1x392x32xf32, #tpu.memory_space<hbm>> -> memref<392x32xf32, #tpu.memory_space<hbm>>
      %dma_wait3A_118 = arith.constant 0 : i32
      %dma_wait3A_119 = tpu.memref_slice %arg6[%arg0, %add3A_101, %dma_wait3A_118] : memref<2x50176x32xf32, #tpu.memory_space<hbm>> -> memref<1x392x32xf32, #tpu.memory_space<hbm>>
      %dma_wait3A_120 = tpu.memref_squeeze %dma_wait3A_119 : memref<1x392x32xf32, #tpu.memory_space<hbm>> -> memref<392x32xf32, #tpu.memory_space<hbm>>
      %dma_wait3A_121 = arith.constant 0 : i32
      %dma_wait3A_122 = arith.constant 0 : i32
      %dma_wait3A_123 = tpu.memref_slice %arg9[%dma_wait3A_121, %dma_wait3A_122] : memref<400x32xf32, #tpu.memory_space<vmem>> -> memref<392x32xf32, #tpu.memory_space<vmem>>
      tpu.wait_dma2 semaphore(%run_scoped3A : memref<!tpu.dma_semaphore, #tpu.memory_space<semaphore_mem>>) src(%dma_wait3A_123 : memref<392x32xf32, #tpu.memory_space<vmem>>) dst(%dma_wait3A_120 : memref<392x32xf32, #tpu.memory_space<hbm>>)
      tpu.yield
    }) : () -> ()
    return
  }
}

module attributes {stable_mosaic.version = 14 : i64} {
  func.func @body(%arg0: i32, %arg1: memref<12x6400xf32, #tpu.memory_space<vmem>>, %arg2: memref<12x16xf32, #tpu.memory_space<vmem>>) attributes {dimension_semantics = [#tpu.dimension_semantics<arbitrary>], iteration_bounds = array<i64: 250>, scalar_prefetch = 0 : i64, scratch_operands = 0 : i64, tpu.core_type = #tpu.core_type<tc>, window_params = [{transform_indices = @transform_0, window_bounds = array<i64: 12, 6400>}, {pipeline_mode = #tpu.pipeline_mode<synchronous>, transform_indices = @transform_1, window_bounds = array<i64: 12, 16>}]} {
    %get3A = arith.constant 0 : index
    %get3A_0 = arith.constant 0 : index
    %get3A_1 = vector.load %arg1[%get3A, %get3A_0] : memref<12x6400xf32, #tpu.memory_space<vmem>>, vector<12x6400xf32>
    %reduce_sum3A = arith.constant dense<0.000000e+00> : vector<12xf32>
    %reduce_sum3A_2 = vector.multi_reduction <add>, %get3A_1, %reduce_sum3A [1] : vector<12x6400xf32> to vector<12xf32>
    %broadcast_in_dim3A = vector.shape_cast %reduce_sum3A_2 : vector<12xf32> to vector<12x1xf32>
    %mul3A = arith.mulf %get3A_1, %get3A_1 : vector<12x6400xf32>
    %reduce_sum3A_3 = arith.constant dense<0.000000e+00> : vector<12xf32>
    %reduce_sum3A_4 = vector.multi_reduction <add>, %mul3A, %reduce_sum3A_3 [1] : vector<12x6400xf32> to vector<12xf32>
    %broadcast_in_dim3A_5 = vector.shape_cast %reduce_sum3A_4 : vector<12xf32> to vector<12x1xf32>
    %broadcast_in_dim3A_6 = arith.constant 0.000000e+00 : f32
    %broadcast_in_dim3A_7 = vector.broadcast %broadcast_in_dim3A_6 : f32 to vector<12x14xf32>
    %concatenate3A = tpu.concatenate %broadcast_in_dim3A, %broadcast_in_dim3A_5, %broadcast_in_dim3A_7 in 1 : vector<12x1xf32>, vector<12x1xf32>, vector<12x14xf32> -> vector<12x16xf32>
    %eq3A = arith.constant 0 : i32
    %eq3A_8 = arith.cmpi eq, %arg0, %eq3A : i32
    %convert_element_type3A = arith.extui %eq3A_8 : i1 to i32
    %cond3A = arith.constant 0 : i32
    %cond3A_9 = arith.cmpi ne, %convert_element_type3A, %cond3A : i32
    scf.if %cond3A_9 {
      %swap3A = arith.constant 0 : index
      %swap3A_14 = arith.constant 0 : index
      %swap3A_15 = vector.load %arg2[%swap3A, %swap3A_14] : memref<12x16xf32, #tpu.memory_space<vmem>>, vector<12x16xf32>
      tpu.vector_store %arg2[%swap3A, %swap3A_14], %concatenate3A {strides = array<i32>} : memref<12x16xf32, #tpu.memory_space<vmem>>, vector<12x16xf32>,
    } else {
    }
    %gt3A = arith.constant 0 : i32
    %gt3A_10 = arith.cmpi sgt, %arg0, %gt3A : i32
    %convert_element_type3A_11 = arith.extui %gt3A_10 : i1 to i32
    %cond3A_12 = arith.constant 0 : i32
    %cond3A_13 = arith.cmpi ne, %convert_element_type3A_11, %cond3A_12 : i32
    scf.if %cond3A_13 {
      %get3A_14 = arith.constant 0 : index
      %get3A_15 = arith.constant 0 : index
      %get3A_16 = vector.load %arg2[%get3A_14, %get3A_15] : memref<12x16xf32, #tpu.memory_space<vmem>>, vector<12x16xf32>
      %add3A = arith.addf %get3A_16, %concatenate3A : vector<12x16xf32>
      %swap3A = arith.constant 0 : index
      %swap3A_17 = arith.constant 0 : index
      %swap3A_18 = vector.load %arg2[%swap3A, %swap3A_17] : memref<12x16xf32, #tpu.memory_space<vmem>>, vector<12x16xf32>
      tpu.vector_store %arg2[%swap3A, %swap3A_17], %add3A {strides = array<i32>} : memref<12x16xf32, #tpu.memory_space<vmem>>, vector<12x16xf32>,
    } else {
    }
    return
  }
  func.func @transform_0(%arg0: i32) -> (i32, i32) {
    %c0_i32 = arith.constant 0 : i32
    %c0_i32_0 = arith.constant 0 : i32
    return %c0_i32, %arg0 : i32, i32
  }
  func.func @transform_1(%arg0: i32) -> (i32, i32) {
    %c0_i32 = arith.constant 0 : i32
    %c0_i32_0 = arith.constant 0 : i32
    %c0_i32_1 = arith.constant 0 : i32
    return %c0_i32, %c0_i32_0 : i32, i32
  }
}

module attributes {stable_mosaic.version = 14 : i64} {
  func.func @body(%arg0: memref<16x50176xf32, #tpu.memory_space<vmem>>, %arg1: memref<4x50176xf32, #tpu.memory_space<vmem>>, %arg2: memref<8x16xf32, #tpu.memory_space<vmem>>) attributes {dimension_semantics = [], scalar_prefetch = 0 : i64, scratch_operands = 0 : i64, tpu.core_type = #tpu.core_type<tc>} {
    %get3A = arith.constant 0 : index
    %get3A_0 = arith.constant 0 : index
    %get3A_1 = vector.load %arg0[%get3A, %get3A_0] : memref<16x50176xf32, #tpu.memory_space<vmem>>, vector<16x50176xf32>
    %get3A_2 = arith.constant 0 : index
    %get3A_3 = arith.constant 0 : index
    %get3A_4 = vector.load %arg1[%get3A_2, %get3A_3] : memref<4x50176xf32, #tpu.memory_space<vmem>>, vector<1x50176xf32>
    %get3A_5 = arith.constant 2 : index
    %get3A_6 = arith.constant 0 : index
    %get3A_7 = vector.load %arg1[%get3A_5, %get3A_6] : memref<4x50176xf32, #tpu.memory_space<vmem>>, vector<1x50176xf32>
    %add3A = arith.addf %get3A_4, %get3A_7 : vector<1x50176xf32>
    %get3A_8 = arith.constant 1 : index
    %get3A_9 = arith.constant 0 : index
    %get3A_10 = vector.load %arg1[%get3A_8, %get3A_9] : memref<4x50176xf32, #tpu.memory_space<vmem>>, vector<1x50176xf32>
    %get3A_11 = arith.constant 3 : index
    %get3A_12 = arith.constant 0 : index
    %get3A_13 = vector.load %arg1[%get3A_11, %get3A_12] : memref<4x50176xf32, #tpu.memory_space<vmem>>, vector<1x50176xf32>
    %add3A_14 = arith.addf %get3A_10, %get3A_13 : vector<1x50176xf32>
    %mul3A = vector.broadcast %add3A : vector<1x50176xf32> to vector<16x50176xf32>
    %mul3A_15 = arith.mulf %get3A_1, %mul3A : vector<16x50176xf32>
    %reduce_sum3A = arith.constant dense<0.000000e+00> : vector<16xf32>
    %reduce_sum3A_16 = vector.multi_reduction <add>, %mul3A_15, %reduce_sum3A [1] : vector<16x50176xf32> to vector<16xf32>
    %mul3A_17 = arith.mulf %get3A_1, %get3A_1 : vector<16x50176xf32>
    %mul3A_18 = vector.broadcast %add3A : vector<1x50176xf32> to vector<16x50176xf32>
    %mul3A_19 = arith.mulf %mul3A_17, %mul3A_18 : vector<16x50176xf32>
    %reduce_sum3A_20 = arith.constant dense<0.000000e+00> : vector<16xf32>
    %reduce_sum3A_21 = vector.multi_reduction <add>, %mul3A_19, %reduce_sum3A_20 [1] : vector<16x50176xf32> to vector<16xf32>
    %mul3A_22 = vector.broadcast %add3A_14 : vector<1x50176xf32> to vector<16x50176xf32>
    %mul3A_23 = arith.mulf %get3A_1, %mul3A_22 : vector<16x50176xf32>
    %reduce_sum3A_24 = arith.constant dense<0.000000e+00> : vector<16xf32>
    %reduce_sum3A_25 = vector.multi_reduction <add>, %mul3A_23, %reduce_sum3A_24 [1] : vector<16x50176xf32> to vector<16xf32>
    %mul3A_26 = arith.mulf %get3A_1, %get3A_1 : vector<16x50176xf32>
    %mul3A_27 = vector.broadcast %add3A_14 : vector<1x50176xf32> to vector<16x50176xf32>
    %mul3A_28 = arith.mulf %mul3A_26, %mul3A_27 : vector<16x50176xf32>
    %reduce_sum3A_29 = arith.constant dense<0.000000e+00> : vector<16xf32>
    %reduce_sum3A_30 = vector.multi_reduction <add>, %mul3A_28, %reduce_sum3A_29 [1] : vector<16x50176xf32> to vector<16xf32>
    %broadcast_in_dim3A = arith.constant 0.000000e+00 : f32
    %broadcast_in_dim3A_31 = vector.broadcast %broadcast_in_dim3A : f32 to vector<4x16xf32>
    %broadcast_in_dim3A_32 = vector.shape_cast %reduce_sum3A_16 : vector<16xf32> to vector<1x16xf32>
    %broadcast_in_dim3A_33 = vector.shape_cast %reduce_sum3A_21 : vector<16xf32> to vector<1x16xf32>
    %broadcast_in_dim3A_34 = vector.shape_cast %reduce_sum3A_25 : vector<16xf32> to vector<1x16xf32>
    %broadcast_in_dim3A_35 = vector.shape_cast %reduce_sum3A_30 : vector<16xf32> to vector<1x16xf32>
    %concatenate3A = tpu.concatenate %broadcast_in_dim3A_32, %broadcast_in_dim3A_33, %broadcast_in_dim3A_34, %broadcast_in_dim3A_35, %broadcast_in_dim3A_31 in 0 : vector<1x16xf32>, vector<1x16xf32>, vector<1x16xf32>, vector<1x16xf32>, vector<4x16xf32> -> vector<8x16xf32>
    %swap3A = arith.constant 0 : index
    %swap3A_36 = arith.constant 0 : index
    %swap3A_37 = vector.load %arg2[%swap3A, %swap3A_36] : memref<8x16xf32, #tpu.memory_space<vmem>>, vector<8x16xf32>
    tpu.vector_store %arg2[%swap3A, %swap3A_36], %concatenate3A {strides = array<i32>} : memref<8x16xf32, #tpu.memory_space<vmem>>, vector<8x16xf32>,
    return
  }
}

module attributes {stable_mosaic.version = 14 : i64} {
  func.func @body(%arg0: i32, %arg1: memref<16x6272xf32, #tpu.memory_space<vmem>>, %arg2: memref<16x64xf32, #tpu.memory_space<vmem>>, %arg3: memref<16x64xf32, #tpu.memory_space<vmem>>, %arg4: memref<64x6272xf32, #tpu.memory_space<vmem>>, %arg5: memref<64x6272xf32, #tpu.memory_space<vmem>>) attributes {dimension_semantics = [#tpu.dimension_semantics<arbitrary>], iteration_bounds = array<i64: 8>, scalar_prefetch = 0 : i64, scratch_operands = 0 : i64, tpu.core_type = #tpu.core_type<tc>, window_params = [{transform_indices = @transform_0, window_bounds = array<i64: 16, 6272>}, {pipeline_mode = #tpu.pipeline_mode<synchronous>, transform_indices = @transform_1, window_bounds = array<i64: 16, 64>}, {pipeline_mode = #tpu.pipeline_mode<synchronous>, transform_indices = @transform_2, window_bounds = array<i64: 16, 64>}, {transform_indices = @transform_3, window_bounds = array<i64: 64, 6272>}, {transform_indices = @transform_4, window_bounds = array<i64: 64, 6272>}]} {
    %get3A = arith.constant 0 : index
    %get3A_0 = arith.constant 0 : index
    %get3A_1 = vector.load %arg2[%get3A, %get3A_0] : memref<16x64xf32, #tpu.memory_space<vmem>>, vector<16x64xf32>
    %get3A_2 = arith.constant 0 : index
    %get3A_3 = arith.constant 0 : index
    %get3A_4 = vector.load %arg1[%get3A_2, %get3A_3] : memref<16x6272xf32, #tpu.memory_space<vmem>>, vector<16x6272xf32>
    %dot_general3A = arith.constant dense<0.000000e+00> : vector<64x6272xf32>
    %dot_general3A_5 = tpu.matmul %get3A_1, %get3A_4, %dot_general3A {dimension_numbers = #tpu.dot_dimension_numbers<[0], [0], [1], [1], [0, 1, 1, 1], [], []>, transpose_lhs_hint = false} : vector<16x64xf32>, vector<16x6272xf32>, vector<64x6272xf32> -> vector<64x6272xf32>
    %swap3A = arith.constant 0 : index
    %swap3A_6 = arith.constant 0 : index
    %swap3A_7 = vector.load %arg4[%swap3A, %swap3A_6] : memref<64x6272xf32, #tpu.memory_space<vmem>>, vector<64x6272xf32>
    tpu.vector_store %arg4[%swap3A, %swap3A_6], %dot_general3A_5 {strides = array<i32>} : memref<64x6272xf32, #tpu.memory_space<vmem>>, vector<64x6272xf32>,
    %get3A_8 = arith.constant 0 : index
    %get3A_9 = arith.constant 0 : index
    %get3A_10 = vector.load %arg3[%get3A_8, %get3A_9] : memref<16x64xf32, #tpu.memory_space<vmem>>, vector<16x64xf32>
    %get3A_11 = arith.constant 0 : index
    %get3A_12 = arith.constant 0 : index
    %get3A_13 = vector.load %arg1[%get3A_11, %get3A_12] : memref<16x6272xf32, #tpu.memory_space<vmem>>, vector<16x6272xf32>
    %dot_general3A_14 = arith.constant dense<0.000000e+00> : vector<64x6272xf32>
    %dot_general3A_15 = tpu.matmul %get3A_10, %get3A_13, %dot_general3A_14 {dimension_numbers = #tpu.dot_dimension_numbers<[0], [0], [1], [1], [0, 1, 1, 1], [], []>, transpose_lhs_hint = false} : vector<16x64xf32>, vector<16x6272xf32>, vector<64x6272xf32> -> vector<64x6272xf32>
    %swap3A_16 = arith.constant 0 : index
    %swap3A_17 = arith.constant 0 : index
    %swap3A_18 = vector.load %arg5[%swap3A_16, %swap3A_17] : memref<64x6272xf32, #tpu.memory_space<vmem>>, vector<64x6272xf32>
    tpu.vector_store %arg5[%swap3A_16, %swap3A_17], %dot_general3A_15 {strides = array<i32>} : memref<64x6272xf32, #tpu.memory_space<vmem>>, vector<64x6272xf32>,
    return
  }
  func.func @transform_0(%arg0: i32) -> (i32, i32) {
    %c0_i32 = arith.constant 0 : i32
    %c0_i32_0 = arith.constant 0 : i32
    return %c0_i32, %arg0 : i32, i32
  }
  func.func @transform_1(%arg0: i32) -> (i32, i32) {
    %c0_i32 = arith.constant 0 : i32
    %c0_i32_0 = arith.constant 0 : i32
    %c0_i32_1 = arith.constant 0 : i32
    return %c0_i32, %c0_i32_0 : i32, i32
  }
  func.func @transform_2(%arg0: i32) -> (i32, i32) {
    %c0_i32 = arith.constant 0 : i32
    %c0_i32_0 = arith.constant 0 : i32
    %c0_i32_1 = arith.constant 0 : i32
    return %c0_i32, %c0_i32_0 : i32, i32
  }
  func.func @transform_3(%arg0: i32) -> (i32, i32) {
    %c0_i32 = arith.constant 0 : i32
    %c0_i32_0 = arith.constant 0 : i32
    return %c0_i32, %arg0 : i32, i32
  }
  func.func @transform_4(%arg0: i32) -> (i32, i32) {
    %c0_i32 = arith.constant 0 : i32
    %c0_i32_0 = arith.constant 0 : i32
    return %c0_i32, %arg0 : i32, i32
  }
}

module attributes {stable_mosaic.version = 14 : i64} {
  func.func @body(%arg0: i32, %arg1: memref<3200x128xf32, #tpu.memory_space<vmem>>, %arg2: memref<3200x128xf32, #tpu.memory_space<vmem>>, %arg3: memref<12x6400xf32, #tpu.memory_space<vmem>>, %arg4: memref<12x64xf32, #tpu.memory_space<vmem>>, %arg5: memref<64x1xf32, #tpu.memory_space<vmem>>, %arg6: memref<64x6400xbf16, #tpu.memory_space<vmem>>, %arg7: memref<8x64xf32, #tpu.memory_space<vmem>>) attributes {dimension_semantics = [#tpu.dimension_semantics<arbitrary>], iteration_bounds = array<i64: 250>, scalar_prefetch = 0 : i64, scratch_operands = 0 : i64, tpu.core_type = #tpu.core_type<tc>, window_params = [{transform_indices = @transform_0, window_bounds = array<i64: 3200, 128>}, {transform_indices = @transform_1, window_bounds = array<i64: 3200, 128>}, {transform_indices = @transform_2, window_bounds = array<i64: 12, 6400>}, {pipeline_mode = #tpu.pipeline_mode<synchronous>, transform_indices = @transform_3, window_bounds = array<i64: 12, 64>}, {pipeline_mode = #tpu.pipeline_mode<synchronous>, transform_indices = @transform_4, window_bounds = array<i64: 64, 1>}, {transform_indices = @transform_5, window_bounds = array<i64: 64, 6400>}, {pipeline_mode = #tpu.pipeline_mode<synchronous>, transform_indices = @transform_6, window_bounds = array<i64: 8, 64>}]} {
    %get3A = arith.constant 0 : index
    %get3A_0 = arith.constant 0 : index
    %get3A_1 = vector.load %arg1[%get3A, %get3A_0] : memref<3200x128xf32, #tpu.memory_space<vmem>>, vector<3200x128xf32>
    %get3A_2 = arith.constant 0 : index
    %get3A_3 = arith.constant 0 : index
    %get3A_4 = vector.load %arg2[%get3A_2, %get3A_3] : memref<3200x128xf32, #tpu.memory_space<vmem>>, vector<3200x128xf32>
    %add3A = arith.addf %get3A_1, %get3A_4 : vector<3200x128xf32>
    %slice3A = vector.extract_strided_slice %add3A {offsets = [0, 0], sizes = [3200, 64], strides = [1, 1]} : vector<3200x128xf32> to vector<3200x64xf32>
    %transpose3A = tpu.transpose %slice3A, [1, 0] : vector<3200x64xf32> -> vector<64x3200xf32>
    %slice3A_5 = vector.extract_strided_slice %add3A {offsets = [0, 64], sizes = [3200, 64], strides = [1, 1]} : vector<3200x128xf32> to vector<3200x64xf32>
    %transpose3A_6 = tpu.transpose %slice3A_5, [1, 0] : vector<3200x64xf32> -> vector<64x3200xf32>
    %concatenate3A = tpu.concatenate %transpose3A, %transpose3A_6 in 1 : vector<64x3200xf32>, vector<64x3200xf32> -> vector<64x6400xf32>
    %get3A_7 = arith.constant 0 : index
    %get3A_8 = arith.constant 0 : index
    %get3A_9 = vector.load %arg4[%get3A_7, %get3A_8] : memref<12x64xf32, #tpu.memory_space<vmem>>, vector<12x64xf32>
    %get3A_10 = arith.constant 0 : index
    %get3A_11 = arith.constant 0 : index
    %get3A_12 = vector.load %arg3[%get3A_10, %get3A_11] : memref<12x6400xf32, #tpu.memory_space<vmem>>, vector<12x6400xf32>
    %dot_general3A = arith.constant dense<0.000000e+00> : vector<64x6400xf32>
    %dot_general3A_13 = tpu.matmul %get3A_9, %get3A_12, %dot_general3A {dimension_numbers = #tpu.dot_dimension_numbers<[0], [0], [1], [1], [0, 1, 1, 1], [], []>, transpose_lhs_hint = false} : vector<12x64xf32>, vector<12x6400xf32>, vector<64x6400xf32> -> vector<64x6400xf32>
    %add3A_14 = arith.addf %concatenate3A, %dot_general3A_13 : vector<64x6400xf32>
    %get3A_15 = arith.constant 0 : index
    %get3A_16 = arith.constant 0 : index
    %get3A_17 = vector.load %arg5[%get3A_15, %get3A_16] : memref<64x1xf32, #tpu.memory_space<vmem>>, vector<64x1xf32>
    %add3A_18 = vector.broadcast %get3A_17 : vector<64x1xf32> to vector<64x6400xf32>
    %add3A_19 = arith.addf %add3A_14, %add3A_18 : vector<64x6400xf32>
    %gt3A = arith.constant 0.000000e+00 : f32
    %gt3A_20 = vector.broadcast %gt3A : f32 to vector<64x6400xf32>
    %gt3A_21 = arith.cmpf ogt, %add3A_19, %gt3A_20 : vector<64x6400xf32>
    %mul3A = arith.constant 1.000000e-01 : f32
    %mul3A_22 = vector.broadcast %mul3A : f32 to vector<64x6400xf32>
    %mul3A_23 = arith.mulf %mul3A_22, %add3A_19 : vector<64x6400xf32>
    %select_n3A = arith.select %gt3A_21, %add3A_19, %mul3A_23 : vector<64x6400xi1>, vector<64x6400xf32>
    %convert_element_type3A = arith.truncf %select_n3A : vector<64x6400xf32> to vector<64x6400xbf16>
    %swap3A = arith.constant 0 : index
    %swap3A_24 = arith.constant 0 : index
    %swap3A_25 = vector.load %arg6[%swap3A, %swap3A_24] : memref<64x6400xbf16, #tpu.memory_space<vmem>>, vector<64x6400xbf16>
    tpu.vector_store %arg6[%swap3A, %swap3A_24], %convert_element_type3A {strides = array<i32>} : memref<64x6400xbf16, #tpu.memory_space<vmem>>, vector<64x6400xbf16>,
    %reduce_sum3A = arith.constant dense<0.000000e+00> : vector<64xf32>
    %reduce_sum3A_26 = vector.multi_reduction <add>, %select_n3A, %reduce_sum3A [1] : vector<64x6400xf32> to vector<64xf32>
    %mul3A_27 = arith.mulf %select_n3A, %select_n3A : vector<64x6400xf32>
    %reduce_sum3A_28 = arith.constant dense<0.000000e+00> : vector<64xf32>
    %reduce_sum3A_29 = vector.multi_reduction <add>, %mul3A_27, %reduce_sum3A_28 [1] : vector<64x6400xf32> to vector<64xf32>
    %broadcast_in_dim3A = arith.constant 0.000000e+00 : f32
    %broadcast_in_dim3A_30 = vector.broadcast %broadcast_in_dim3A : f32 to vector<6x64xf32>
    %broadcast_in_dim3A_31 = vector.shape_cast %reduce_sum3A_26 : vector<64xf32> to vector<1x64xf32>
    %broadcast_in_dim3A_32 = vector.shape_cast %reduce_sum3A_29 : vector<64xf32> to vector<1x64xf32>
    %concatenate3A_33 = tpu.concatenate %broadcast_in_dim3A_31, %broadcast_in_dim3A_32, %broadcast_in_dim3A_30 in 0 : vector<1x64xf32>, vector<1x64xf32>, vector<6x64xf32> -> vector<8x64xf32>
    %eq3A = arith.constant 0 : i32
    %eq3A_34 = arith.cmpi eq, %arg0, %eq3A : i32
    %convert_element_type3A_35 = arith.extui %eq3A_34 : i1 to i32
    %cond3A = arith.constant 0 : i32
    %cond3A_36 = arith.cmpi ne, %convert_element_type3A_35, %cond3A : i32
    scf.if %cond3A_36 {
      %swap3A_42 = arith.constant 0 : index
      %swap3A_43 = arith.constant 0 : index
      %swap3A_44 = vector.load %arg7[%swap3A_42, %swap3A_43] : memref<8x64xf32, #tpu.memory_space<vmem>>, vector<8x64xf32>
      tpu.vector_store %arg7[%swap3A_42, %swap3A_43], %concatenate3A_33 {strides = array<i32>} : memref<8x64xf32, #tpu.memory_space<vmem>>, vector<8x64xf32>,
    } else {
    }
    %gt3A_37 = arith.constant 0 : i32
    %gt3A_38 = arith.cmpi sgt, %arg0, %gt3A_37 : i32
    %convert_element_type3A_39 = arith.extui %gt3A_38 : i1 to i32
    %cond3A_40 = arith.constant 0 : i32
    %cond3A_41 = arith.cmpi ne, %convert_element_type3A_39, %cond3A_40 : i32
    scf.if %cond3A_41 {
      %get3A_42 = arith.constant 0 : index
      %get3A_43 = arith.constant 0 : index
      %get3A_44 = vector.load %arg7[%get3A_42, %get3A_43] : memref<8x64xf32, #tpu.memory_space<vmem>>, vector<8x64xf32>
      %add3A_45 = arith.addf %get3A_44, %concatenate3A_33 : vector<8x64xf32>
      %swap3A_46 = arith.constant 0 : index
      %swap3A_47 = arith.constant 0 : index
      %swap3A_48 = vector.load %arg7[%swap3A_46, %swap3A_47] : memref<8x64xf32, #tpu.memory_space<vmem>>, vector<8x64xf32>
      tpu.vector_store %arg7[%swap3A_46, %swap3A_47], %add3A_45 {strides = array<i32>} : memref<8x64xf32, #tpu.memory_space<vmem>>, vector<8x64xf32>,
    } else {
    }
    return
  }
  func.func @transform_0(%arg0: i32) -> (i32, i32) {
    %c0_i32 = arith.constant 0 : i32
    %c0_i32_0 = arith.constant 0 : i32
    return %arg0, %c0_i32 : i32, i32
  }
  func.func @transform_1(%arg0: i32) -> (i32, i32) {
    %c0_i32 = arith.constant 0 : i32
    %c0_i32_0 = arith.constant 0 : i32
    return %arg0, %c0_i32 : i32, i32
  }
  func.func @transform_2(%arg0: i32) -> (i32, i32) {
    %c0_i32 = arith.constant 0 : i32
    %c0_i32_0 = arith.constant 0 : i32
    return %c0_i32, %arg0 : i32, i32
  }
  func.func @transform_3(%arg0: i32) -> (i32, i32) {
    %c0_i32 = arith.constant 0 : i32
    %c0_i32_0 = arith.constant 0 : i32
    %c0_i32_1 = arith.constant 0 : i32
    return %c0_i32, %c0_i32_0 : i32, i32
  }
  func.func @transform_4(%arg0: i32) -> (i32, i32) {
    %c0_i32 = arith.constant 0 : i32
    %c0_i32_0 = arith.constant 0 : i32
    %c0_i32_1 = arith.constant 0 : i32
    return %c0_i32, %c0_i32_0 : i32, i32
  }
  func.func @transform_5(%arg0: i32) -> (i32, i32) {
    %c0_i32 = arith.constant 0 : i32
    %c0_i32_0 = arith.constant 0 : i32
    return %c0_i32, %arg0 : i32, i32
  }
  func.func @transform_6(%arg0: i32) -> (i32, i32) {
    %c0_i32 = arith.constant 0 : i32
    %c0_i32_0 = arith.constant 0 : i32
    %c0_i32_1 = arith.constant 0 : i32
    return %c0_i32, %c0_i32_0 : i32, i32
  }
}

module attributes {stable_mosaic.version = 14 : i64} {
  func.func @body(%arg0: i32, %arg1: memref<64x6400xbf16, #tpu.memory_space<vmem>>, %arg2: memref<64x64xf32, #tpu.memory_space<vmem>>, %arg3: memref<64x1xf32, #tpu.memory_space<vmem>>, %arg4: memref<64x6400xbf16, #tpu.memory_space<vmem>>, %arg5: memref<8x64xf32, #tpu.memory_space<vmem>>, %arg6: memref<64x64xf32, #tpu.memory_space<vmem>>) attributes {dimension_semantics = [#tpu.dimension_semantics<arbitrary>], iteration_bounds = array<i64: 250>, scalar_prefetch = 0 : i64, scratch_operands = 0 : i64, tpu.core_type = #tpu.core_type<tc>, window_params = [{transform_indices = @transform_0, window_bounds = array<i64: 64, 6400>}, {pipeline_mode = #tpu.pipeline_mode<synchronous>, transform_indices = @transform_1, window_bounds = array<i64: 64, 64>}, {pipeline_mode = #tpu.pipeline_mode<synchronous>, transform_indices = @transform_2, window_bounds = array<i64: 64, 1>}, {transform_indices = @transform_3, window_bounds = array<i64: 64, 6400>}, {pipeline_mode = #tpu.pipeline_mode<synchronous>, transform_indices = @transform_4, window_bounds = array<i64: 8, 64>}, {pipeline_mode = #tpu.pipeline_mode<synchronous>, transform_indices = @transform_5, window_bounds = array<i64: 64, 64>}]} {
    %get3A = arith.constant 0 : index
    %get3A_0 = arith.constant 0 : index
    %get3A_1 = vector.load %arg2[%get3A, %get3A_0] : memref<64x64xf32, #tpu.memory_space<vmem>>, vector<64x64xf32>
    %get3A_2 = arith.constant 0 : index
    %get3A_3 = arith.constant 0 : index
    %get3A_4 = vector.load %arg1[%get3A_2, %get3A_3] : memref<64x6400xbf16, #tpu.memory_space<vmem>>, vector<64x6400xbf16>
    %convert_element_type3A = arith.extf %get3A_4 : vector<64x6400xbf16> to vector<64x6400xf32>
    %dot_general3A = arith.constant dense<0.000000e+00> : vector<64x6400xf32>
    %dot_general3A_5 = tpu.matmul %get3A_1, %convert_element_type3A, %dot_general3A {dimension_numbers = #tpu.dot_dimension_numbers<[0], [0], [1], [1], [0, 1, 1, 1], [], []>, transpose_lhs_hint = false} : vector<64x64xf32>, vector<64x6400xf32>, vector<64x6400xf32> -> vector<64x6400xf32>
    %get3A_6 = arith.constant 0 : index
    %get3A_7 = arith.constant 0 : index
    %get3A_8 = vector.load %arg3[%get3A_6, %get3A_7] : memref<64x1xf32, #tpu.memory_space<vmem>>, vector<64x1xf32>
    %add3A = vector.broadcast %get3A_8 : vector<64x1xf32> to vector<64x6400xf32>
    %add3A_9 = arith.addf %dot_general3A_5, %add3A : vector<64x6400xf32>
    %gt3A = arith.constant 0.000000e+00 : f32
    %gt3A_10 = vector.broadcast %gt3A : f32 to vector<64x6400xf32>
    %gt3A_11 = arith.cmpf ogt, %add3A_9, %gt3A_10 : vector<64x6400xf32>
    %mul3A = arith.constant 1.000000e-01 : f32
    %mul3A_12 = vector.broadcast %mul3A : f32 to vector<64x6400xf32>
    %mul3A_13 = arith.mulf %mul3A_12, %add3A_9 : vector<64x6400xf32>
    %select_n3A = arith.select %gt3A_11, %add3A_9, %mul3A_13 : vector<64x6400xi1>, vector<64x6400xf32>
    %convert_element_type3A_14 = arith.truncf %select_n3A : vector<64x6400xf32> to vector<64x6400xbf16>
    %swap3A = arith.constant 0 : index
    %swap3A_15 = arith.constant 0 : index
    %swap3A_16 = vector.load %arg4[%swap3A, %swap3A_15] : memref<64x6400xbf16, #tpu.memory_space<vmem>>, vector<64x6400xbf16>
    tpu.vector_store %arg4[%swap3A, %swap3A_15], %convert_element_type3A_14 {strides = array<i32>} : memref<64x6400xbf16, #tpu.memory_space<vmem>>, vector<64x6400xbf16>,
    %reduce_sum3A = arith.constant dense<0.000000e+00> : vector<64xf32>
    %reduce_sum3A_17 = vector.multi_reduction <add>, %select_n3A, %reduce_sum3A [1] : vector<64x6400xf32> to vector<64xf32>
    %mul3A_18 = arith.mulf %select_n3A, %select_n3A : vector<64x6400xf32>
    %reduce_sum3A_19 = arith.constant dense<0.000000e+00> : vector<64xf32>
    %reduce_sum3A_20 = vector.multi_reduction <add>, %mul3A_18, %reduce_sum3A_19 [1] : vector<64x6400xf32> to vector<64xf32>
    %broadcast_in_dim3A = arith.constant 0.000000e+00 : f32
    %broadcast_in_dim3A_21 = vector.broadcast %broadcast_in_dim3A : f32 to vector<6x64xf32>
    %broadcast_in_dim3A_22 = vector.shape_cast %reduce_sum3A_17 : vector<64xf32> to vector<1x64xf32>
    %broadcast_in_dim3A_23 = vector.shape_cast %reduce_sum3A_20 : vector<64xf32> to vector<1x64xf32>
    %concatenate3A = tpu.concatenate %broadcast_in_dim3A_22, %broadcast_in_dim3A_23, %broadcast_in_dim3A_21 in 0 : vector<1x64xf32>, vector<1x64xf32>, vector<6x64xf32> -> vector<8x64xf32>
    %eq3A = arith.constant 0 : i32
    %eq3A_24 = arith.cmpi eq, %arg0, %eq3A : i32
    %convert_element_type3A_25 = arith.extui %eq3A_24 : i1 to i32
    %cond3A = arith.constant 0 : i32
    %cond3A_26 = arith.cmpi ne, %convert_element_type3A_25, %cond3A : i32
    scf.if %cond3A_26 {
      %swap3A_44 = arith.constant 0 : index
      %swap3A_45 = arith.constant 0 : index
      %swap3A_46 = vector.load %arg5[%swap3A_44, %swap3A_45] : memref<8x64xf32, #tpu.memory_space<vmem>>, vector<8x64xf32>
      tpu.vector_store %arg5[%swap3A_44, %swap3A_45], %concatenate3A {strides = array<i32>} : memref<8x64xf32, #tpu.memory_space<vmem>>, vector<8x64xf32>,
    } else {
    }
    %gt3A_27 = arith.constant 0 : i32
    %gt3A_28 = arith.cmpi sgt, %arg0, %gt3A_27 : i32
    %convert_element_type3A_29 = arith.extui %gt3A_28 : i1 to i32
    %cond3A_30 = arith.constant 0 : i32
    %cond3A_31 = arith.cmpi ne, %convert_element_type3A_29, %cond3A_30 : i32
    scf.if %cond3A_31 {
      %get3A_44 = arith.constant 0 : index
      %get3A_45 = arith.constant 0 : index
      %get3A_46 = vector.load %arg5[%get3A_44, %get3A_45] : memref<8x64xf32, #tpu.memory_space<vmem>>, vector<8x64xf32>
      %add3A_47 = arith.addf %get3A_46, %concatenate3A : vector<8x64xf32>
      %swap3A_48 = arith.constant 0 : index
      %swap3A_49 = arith.constant 0 : index
      %swap3A_50 = vector.load %arg5[%swap3A_48, %swap3A_49] : memref<8x64xf32, #tpu.memory_space<vmem>>, vector<8x64xf32>
      tpu.vector_store %arg5[%swap3A_48, %swap3A_49], %add3A_47 {strides = array<i32>} : memref<8x64xf32, #tpu.memory_space<vmem>>, vector<8x64xf32>,
    } else {
    }
    %dot_general3A_32 = arith.constant dense<0.000000e+00> : vector<64x64xf32>
    %dot_general3A_33 = tpu.matmul %select_n3A, %select_n3A, %dot_general3A_32 {dimension_numbers = #tpu.dot_dimension_numbers<[1], [1], [0], [0], [0, 0, 1, 0], [], []>, transpose_lhs_hint = false} : vector<64x6400xf32>, vector<64x6400xf32>, vector<64x64xf32> -> vector<64x64xf32>
    %eq3A_34 = arith.constant 0 : i32
    %eq3A_35 = arith.cmpi eq, %arg0, %eq3A_34 : i32
    %convert_element_type3A_36 = arith.extui %eq3A_35 : i1 to i32
    %cond3A_37 = arith.constant 0 : i32
    %cond3A_38 = arith.cmpi ne, %convert_element_type3A_36, %cond3A_37 : i32
    scf.if %cond3A_38 {
      %swap3A_44 = arith.constant 0 : index
      %swap3A_45 = arith.constant 0 : index
      %swap3A_46 = vector.load %arg6[%swap3A_44, %swap3A_45] : memref<64x64xf32, #tpu.memory_space<vmem>>, vector<64x64xf32>
      tpu.vector_store %arg6[%swap3A_44, %swap3A_45], %dot_general3A_33 {strides = array<i32>} : memref<64x64xf32, #tpu.memory_space<vmem>>, vector<64x64xf32>,
    } else {
    }
    %gt3A_39 = arith.constant 0 : i32
    %gt3A_40 = arith.cmpi sgt, %arg0, %gt3A_39 : i32
    %convert_element_type3A_41 = arith.extui %gt3A_40 : i1 to i32
    %cond3A_42 = arith.constant 0 : i32
    %cond3A_43 = arith.cmpi ne, %convert_element_type3A_41, %cond3A_42 : i32
    scf.if %cond3A_43 {
      %get3A_44 = arith.constant 0 : index
      %get3A_45 = arith.constant 0 : index
      %get3A_46 = vector.load %arg6[%get3A_44, %get3A_45] : memref<64x64xf32, #tpu.memory_space<vmem>>, vector<64x64xf32>
      %add3A_47 = arith.addf %get3A_46, %dot_general3A_33 : vector<64x64xf32>
      %swap3A_48 = arith.constant 0 : index
      %swap3A_49 = arith.constant 0 : index
      %swap3A_50 = vector.load %arg6[%swap3A_48, %swap3A_49] : memref<64x64xf32, #tpu.memory_space<vmem>>, vector<64x64xf32>
      tpu.vector_store %arg6[%swap3A_48, %swap3A_49], %add3A_47 {strides = array<i32>} : memref<64x64xf32, #tpu.memory_space<vmem>>, vector<64x64xf32>,
    } else {
    }
    return
  }
  func.func @transform_0(%arg0: i32) -> (i32, i32) {
    %c0_i32 = arith.constant 0 : i32
    %c0_i32_0 = arith.constant 0 : i32
    return %c0_i32, %arg0 : i32, i32
  }
  func.func @transform_1(%arg0: i32) -> (i32, i32) {
    %c0_i32 = arith.constant 0 : i32
    %c0_i32_0 = arith.constant 0 : i32
    %c0_i32_1 = arith.constant 0 : i32
    return %c0_i32, %c0_i32_0 : i32, i32
  }
  func.func @transform_2(%arg0: i32) -> (i32, i32) {
    %c0_i32 = arith.constant 0 : i32
    %c0_i32_0 = arith.constant 0 : i32
    %c0_i32_1 = arith.constant 0 : i32
    return %c0_i32, %c0_i32_0 : i32, i32
  }
  func.func @transform_3(%arg0: i32) -> (i32, i32) {
    %c0_i32 = arith.constant 0 : i32
    %c0_i32_0 = arith.constant 0 : i32
    return %c0_i32, %arg0 : i32, i32
  }
  func.func @transform_4(%arg0: i32) -> (i32, i32) {
    %c0_i32 = arith.constant 0 : i32
    %c0_i32_0 = arith.constant 0 : i32
    %c0_i32_1 = arith.constant 0 : i32
    return %c0_i32, %c0_i32_0 : i32, i32
  }
  func.func @transform_5(%arg0: i32) -> (i32, i32) {
    %c0_i32 = arith.constant 0 : i32
    %c0_i32_0 = arith.constant 0 : i32
    %c0_i32_1 = arith.constant 0 : i32
    return %c0_i32, %c0_i32_0 : i32, i32
  }
}

module attributes {stable_mosaic.version = 14 : i64} {
  func.func @body(%arg0: i32, %arg1: memref<3200x128xf32, #tpu.memory_space<vmem>>, %arg2: memref<64x6400xbf16, #tpu.memory_space<vmem>>, %arg3: memref<64x64xf32, #tpu.memory_space<vmem>>, %arg4: memref<64x64xf32, #tpu.memory_space<vmem>>, %arg5: memref<64x1xf32, #tpu.memory_space<vmem>>, %arg6: memref<64x6400xbf16, #tpu.memory_space<vmem>>, %arg7: memref<8x64xf32, #tpu.memory_space<vmem>>) attributes {dimension_semantics = [#tpu.dimension_semantics<arbitrary>], iteration_bounds = array<i64: 250>, scalar_prefetch = 0 : i64, scratch_operands = 0 : i64, tpu.core_type = #tpu.core_type<tc>, window_params = [{transform_indices = @transform_0, window_bounds = array<i64: 3200, 128>}, {transform_indices = @transform_1, window_bounds = array<i64: 64, 6400>}, {pipeline_mode = #tpu.pipeline_mode<synchronous>, transform_indices = @transform_2, window_bounds = array<i64: 64, 64>}, {pipeline_mode = #tpu.pipeline_mode<synchronous>, transform_indices = @transform_3, window_bounds = array<i64: 64, 64>}, {pipeline_mode = #tpu.pipeline_mode<synchronous>, transform_indices = @transform_4, window_bounds = array<i64: 64, 1>}, {transform_indices = @transform_5, window_bounds = array<i64: 64, 6400>}, {pipeline_mode = #tpu.pipeline_mode<synchronous>, transform_indices = @transform_6, window_bounds = array<i64: 8, 64>}]} {
    %get3A = arith.constant 0 : index
    %get3A_0 = arith.constant 0 : index
    %get3A_1 = vector.load %arg1[%get3A, %get3A_0] : memref<3200x128xf32, #tpu.memory_space<vmem>>, vector<3200x128xf32>
    %slice3A = vector.extract_strided_slice %get3A_1 {offsets = [0, 0], sizes = [3200, 64], strides = [1, 1]} : vector<3200x128xf32> to vector<3200x64xf32>
    %transpose3A = tpu.transpose %slice3A, [1, 0] : vector<3200x64xf32> -> vector<64x3200xf32>
    %slice3A_2 = vector.extract_strided_slice %get3A_1 {offsets = [0, 64], sizes = [3200, 64], strides = [1, 1]} : vector<3200x128xf32> to vector<3200x64xf32>
    %transpose3A_3 = tpu.transpose %slice3A_2, [1, 0] : vector<3200x64xf32> -> vector<64x3200xf32>
    %concatenate3A = tpu.concatenate %transpose3A, %transpose3A_3 in 1 : vector<64x3200xf32>, vector<64x3200xf32> -> vector<64x6400xf32>
    %get3A_4 = arith.constant 0 : index
    %get3A_5 = arith.constant 0 : index
    %get3A_6 = vector.load %arg3[%get3A_4, %get3A_5] : memref<64x64xf32, #tpu.memory_space<vmem>>, vector<64x64xf32>
    %dot_general3A = arith.constant dense<0.000000e+00> : vector<64x6400xf32>
    %dot_general3A_7 = tpu.matmul %get3A_6, %concatenate3A, %dot_general3A {dimension_numbers = #tpu.dot_dimension_numbers<[0], [0], [1], [1], [0, 1, 1, 1], [], []>, transpose_lhs_hint = false} : vector<64x64xf32>, vector<64x6400xf32>, vector<64x6400xf32> -> vector<64x6400xf32>
    %get3A_8 = arith.constant 0 : index
    %get3A_9 = arith.constant 0 : index
    %get3A_10 = vector.load %arg4[%get3A_8, %get3A_9] : memref<64x64xf32, #tpu.memory_space<vmem>>, vector<64x64xf32>
    %get3A_11 = arith.constant 0 : index
    %get3A_12 = arith.constant 0 : index
    %get3A_13 = vector.load %arg2[%get3A_11, %get3A_12] : memref<64x6400xbf16, #tpu.memory_space<vmem>>, vector<64x6400xbf16>
    %convert_element_type3A = arith.extf %get3A_13 : vector<64x6400xbf16> to vector<64x6400xf32>
    %dot_general3A_14 = arith.constant dense<0.000000e+00> : vector<64x6400xf32>
    %dot_general3A_15 = tpu.matmul %get3A_10, %convert_element_type3A, %dot_general3A_14 {dimension_numbers = #tpu.dot_dimension_numbers<[0], [0], [1], [1], [0, 1, 1, 1], [], []>, transpose_lhs_hint = false} : vector<64x64xf32>, vector<64x6400xf32>, vector<64x6400xf32> -> vector<64x6400xf32>
    %add3A = arith.addf %dot_general3A_7, %dot_general3A_15 : vector<64x6400xf32>
    %get3A_16 = arith.constant 0 : index
    %get3A_17 = arith.constant 0 : index
    %get3A_18 = vector.load %arg5[%get3A_16, %get3A_17] : memref<64x1xf32, #tpu.memory_space<vmem>>, vector<64x1xf32>
    %add3A_19 = vector.broadcast %get3A_18 : vector<64x1xf32> to vector<64x6400xf32>
    %add3A_20 = arith.addf %add3A, %add3A_19 : vector<64x6400xf32>
    %gt3A = arith.constant 0.000000e+00 : f32
    %gt3A_21 = vector.broadcast %gt3A : f32 to vector<64x6400xf32>
    %gt3A_22 = arith.cmpf ogt, %add3A_20, %gt3A_21 : vector<64x6400xf32>
    %mul3A = arith.constant 1.000000e-01 : f32
    %mul3A_23 = vector.broadcast %mul3A : f32 to vector<64x6400xf32>
    %mul3A_24 = arith.mulf %mul3A_23, %add3A_20 : vector<64x6400xf32>
    %select_n3A = arith.select %gt3A_22, %add3A_20, %mul3A_24 : vector<64x6400xi1>, vector<64x6400xf32>
    %convert_element_type3A_25 = arith.truncf %select_n3A : vector<64x6400xf32> to vector<64x6400xbf16>
    %swap3A = arith.constant 0 : index
    %swap3A_26 = arith.constant 0 : index
    %swap3A_27 = vector.load %arg6[%swap3A, %swap3A_26] : memref<64x6400xbf16, #tpu.memory_space<vmem>>, vector<64x6400xbf16>
    tpu.vector_store %arg6[%swap3A, %swap3A_26], %convert_element_type3A_25 {strides = array<i32>} : memref<64x6400xbf16, #tpu.memory_space<vmem>>, vector<64x6400xbf16>,
    %reduce_sum3A = arith.constant dense<0.000000e+00> : vector<64xf32>
    %reduce_sum3A_28 = vector.multi_reduction <add>, %select_n3A, %reduce_sum3A [1] : vector<64x6400xf32> to vector<64xf32>
    %mul3A_29 = arith.mulf %select_n3A, %select_n3A : vector<64x6400xf32>
    %reduce_sum3A_30 = arith.constant dense<0.000000e+00> : vector<64xf32>
    %reduce_sum3A_31 = vector.multi_reduction <add>, %mul3A_29, %reduce_sum3A_30 [1] : vector<64x6400xf32> to vector<64xf32>
    %broadcast_in_dim3A = arith.constant 0.000000e+00 : f32
    %broadcast_in_dim3A_32 = vector.broadcast %broadcast_in_dim3A : f32 to vector<6x64xf32>
    %broadcast_in_dim3A_33 = vector.shape_cast %reduce_sum3A_28 : vector<64xf32> to vector<1x64xf32>
    %broadcast_in_dim3A_34 = vector.shape_cast %reduce_sum3A_31 : vector<64xf32> to vector<1x64xf32>
    %concatenate3A_35 = tpu.concatenate %broadcast_in_dim3A_33, %broadcast_in_dim3A_34, %broadcast_in_dim3A_32 in 0 : vector<1x64xf32>, vector<1x64xf32>, vector<6x64xf32> -> vector<8x64xf32>
    %eq3A = arith.constant 0 : i32
    %eq3A_36 = arith.cmpi eq, %arg0, %eq3A : i32
    %convert_element_type3A_37 = arith.extui %eq3A_36 : i1 to i32
    %cond3A = arith.constant 0 : i32
    %cond3A_38 = arith.cmpi ne, %convert_element_type3A_37, %cond3A : i32
    scf.if %cond3A_38 {
      %swap3A_44 = arith.constant 0 : index
      %swap3A_45 = arith.constant 0 : index
      %swap3A_46 = vector.load %arg7[%swap3A_44, %swap3A_45] : memref<8x64xf32, #tpu.memory_space<vmem>>, vector<8x64xf32>
      tpu.vector_store %arg7[%swap3A_44, %swap3A_45], %concatenate3A_35 {strides = array<i32>} : memref<8x64xf32, #tpu.memory_space<vmem>>, vector<8x64xf32>,
    } else {
    }
    %gt3A_39 = arith.constant 0 : i32
    %gt3A_40 = arith.cmpi sgt, %arg0, %gt3A_39 : i32
    %convert_element_type3A_41 = arith.extui %gt3A_40 : i1 to i32
    %cond3A_42 = arith.constant 0 : i32
    %cond3A_43 = arith.cmpi ne, %convert_element_type3A_41, %cond3A_42 : i32
    scf.if %cond3A_43 {
      %get3A_44 = arith.constant 0 : index
      %get3A_45 = arith.constant 0 : index
      %get3A_46 = vector.load %arg7[%get3A_44, %get3A_45] : memref<8x64xf32, #tpu.memory_space<vmem>>, vector<8x64xf32>
      %add3A_47 = arith.addf %get3A_46, %concatenate3A_35 : vector<8x64xf32>
      %swap3A_48 = arith.constant 0 : index
      %swap3A_49 = arith.constant 0 : index
      %swap3A_50 = vector.load %arg7[%swap3A_48, %swap3A_49] : memref<8x64xf32, #tpu.memory_space<vmem>>, vector<8x64xf32>
      tpu.vector_store %arg7[%swap3A_48, %swap3A_49], %add3A_47 {strides = array<i32>} : memref<8x64xf32, #tpu.memory_space<vmem>>, vector<8x64xf32>,
    } else {
    }
    return
  }
  func.func @transform_0(%arg0: i32) -> (i32, i32) {
    %c0_i32 = arith.constant 0 : i32
    %c0_i32_0 = arith.constant 0 : i32
    return %arg0, %c0_i32 : i32, i32
  }
  func.func @transform_1(%arg0: i32) -> (i32, i32) {
    %c0_i32 = arith.constant 0 : i32
    %c0_i32_0 = arith.constant 0 : i32
    return %c0_i32, %arg0 : i32, i32
  }
  func.func @transform_2(%arg0: i32) -> (i32, i32) {
    %c0_i32 = arith.constant 0 : i32
    %c0_i32_0 = arith.constant 0 : i32
    %c0_i32_1 = arith.constant 0 : i32
    return %c0_i32, %c0_i32_0 : i32, i32
  }
  func.func @transform_3(%arg0: i32) -> (i32, i32) {
    %c0_i32 = arith.constant 0 : i32
    %c0_i32_0 = arith.constant 0 : i32
    %c0_i32_1 = arith.constant 0 : i32
    return %c0_i32, %c0_i32_0 : i32, i32
  }
  func.func @transform_4(%arg0: i32) -> (i32, i32) {
    %c0_i32 = arith.constant 0 : i32
    %c0_i32_0 = arith.constant 0 : i32
    %c0_i32_1 = arith.constant 0 : i32
    return %c0_i32, %c0_i32_0 : i32, i32
  }
  func.func @transform_5(%arg0: i32) -> (i32, i32) {
    %c0_i32 = arith.constant 0 : i32
    %c0_i32_0 = arith.constant 0 : i32
    return %c0_i32, %arg0 : i32, i32
  }
  func.func @transform_6(%arg0: i32) -> (i32, i32) {
    %c0_i32 = arith.constant 0 : i32
    %c0_i32_0 = arith.constant 0 : i32
    %c0_i32_1 = arith.constant 0 : i32
    return %c0_i32, %c0_i32_0 : i32, i32
  }
}

module attributes {stable_mosaic.version = 14 : i64} {
  func.func @body(%arg0: i32, %arg1: memref<64x6400xbf16, #tpu.memory_space<vmem>>, %arg2: memref<64x64xf32, #tpu.memory_space<vmem>>, %arg3: memref<64x1xf32, #tpu.memory_space<vmem>>, %arg4: memref<1600x128xf32, #tpu.memory_space<vmem>>, %arg5: memref<1600x128xf32, #tpu.memory_space<vmem>>, %arg6: memref<8x64xf32, #tpu.memory_space<vmem>>) attributes {dimension_semantics = [#tpu.dimension_semantics<arbitrary>], iteration_bounds = array<i64: 250>, scalar_prefetch = 0 : i64, scratch_operands = 0 : i64, tpu.core_type = #tpu.core_type<tc>, window_params = [{transform_indices = @transform_0, window_bounds = array<i64: 64, 6400>}, {pipeline_mode = #tpu.pipeline_mode<synchronous>, transform_indices = @transform_1, window_bounds = array<i64: 64, 64>}, {pipeline_mode = #tpu.pipeline_mode<synchronous>, transform_indices = @transform_2, window_bounds = array<i64: 64, 1>}, {transform_indices = @transform_3, window_bounds = array<i64: 1600, 128>}, {transform_indices = @transform_4, window_bounds = array<i64: 1600, 128>}, {pipeline_mode = #tpu.pipeline_mode<synchronous>, transform_indices = @transform_5, window_bounds = array<i64: 8, 64>}]} {
    %get3A = arith.constant 0 : index
    %get3A_0 = arith.constant 0 : index
    %get3A_1 = vector.load %arg2[%get3A, %get3A_0] : memref<64x64xf32, #tpu.memory_space<vmem>>, vector<64x64xf32>
    %get3A_2 = arith.constant 0 : index
    %get3A_3 = arith.constant 0 : index
    %get3A_4 = vector.load %arg1[%get3A_2, %get3A_3] : memref<64x6400xbf16, #tpu.memory_space<vmem>>, vector<64x6400xbf16>
    %convert_element_type3A = arith.extf %get3A_4 : vector<64x6400xbf16> to vector<64x6400xf32>
    %dot_general3A = arith.constant dense<0.000000e+00> : vector<64x6400xf32>
    %dot_general3A_5 = tpu.matmul %get3A_1, %convert_element_type3A, %dot_general3A {dimension_numbers = #tpu.dot_dimension_numbers<[0], [0], [1], [1], [0, 1, 1, 1], [], []>, transpose_lhs_hint = false} : vector<64x64xf32>, vector<64x6400xf32>, vector<64x6400xf32> -> vector<64x6400xf32>
    %get3A_6 = arith.constant 0 : index
    %get3A_7 = arith.constant 0 : index
    %get3A_8 = vector.load %arg3[%get3A_6, %get3A_7] : memref<64x1xf32, #tpu.memory_space<vmem>>, vector<64x1xf32>
    %add3A = vector.broadcast %get3A_8 : vector<64x1xf32> to vector<64x6400xf32>
    %add3A_9 = arith.addf %dot_general3A_5, %add3A : vector<64x6400xf32>
    %gt3A = arith.constant 0.000000e+00 : f32
    %gt3A_10 = vector.broadcast %gt3A : f32 to vector<64x6400xf32>
    %gt3A_11 = arith.cmpf ogt, %add3A_9, %gt3A_10 : vector<64x6400xf32>
    %mul3A = arith.constant 1.000000e-01 : f32
    %mul3A_12 = vector.broadcast %mul3A : f32 to vector<64x6400xf32>
    %mul3A_13 = arith.mulf %mul3A_12, %add3A_9 : vector<64x6400xf32>
    %select_n3A = arith.select %gt3A_11, %add3A_9, %mul3A_13 : vector<64x6400xi1>, vector<64x6400xf32>
    %reduce_sum3A = arith.constant dense<0.000000e+00> : vector<64xf32>
    %reduce_sum3A_14 = vector.multi_reduction <add>, %select_n3A, %reduce_sum3A [1] : vector<64x6400xf32> to vector<64xf32>
    %mul3A_15 = arith.mulf %select_n3A, %select_n3A : vector<64x6400xf32>
    %reduce_sum3A_16 = arith.constant dense<0.000000e+00> : vector<64xf32>
    %reduce_sum3A_17 = vector.multi_reduction <add>, %mul3A_15, %reduce_sum3A_16 [1] : vector<64x6400xf32> to vector<64xf32>
    %broadcast_in_dim3A = arith.constant 0.000000e+00 : f32
    %broadcast_in_dim3A_18 = vector.broadcast %broadcast_in_dim3A : f32 to vector<6x64xf32>
    %broadcast_in_dim3A_19 = vector.shape_cast %reduce_sum3A_14 : vector<64xf32> to vector<1x64xf32>
    %broadcast_in_dim3A_20 = vector.shape_cast %reduce_sum3A_17 : vector<64xf32> to vector<1x64xf32>
    %concatenate3A = tpu.concatenate %broadcast_in_dim3A_19, %broadcast_in_dim3A_20, %broadcast_in_dim3A_18 in 0 : vector<1x64xf32>, vector<1x64xf32>, vector<6x64xf32> -> vector<8x64xf32>
    %eq3A = arith.constant 0 : i32
    %eq3A_21 = arith.cmpi eq, %arg0, %eq3A : i32
    %convert_element_type3A_22 = arith.extui %eq3A_21 : i1 to i32
    %cond3A = arith.constant 0 : i32
    %cond3A_23 = arith.cmpi ne, %convert_element_type3A_22, %cond3A : i32
    scf.if %cond3A_23 {
      %swap3A_45 = arith.constant 0 : index
      %swap3A_46 = arith.constant 0 : index
      %swap3A_47 = vector.load %arg6[%swap3A_45, %swap3A_46] : memref<8x64xf32, #tpu.memory_space<vmem>>, vector<8x64xf32>
      tpu.vector_store %arg6[%swap3A_45, %swap3A_46], %concatenate3A {strides = array<i32>} : memref<8x64xf32, #tpu.memory_space<vmem>>, vector<8x64xf32>,
    } else {
    }
    %gt3A_24 = arith.constant 0 : i32
    %gt3A_25 = arith.cmpi sgt, %arg0, %gt3A_24 : i32
    %convert_element_type3A_26 = arith.extui %gt3A_25 : i1 to i32
    %cond3A_27 = arith.constant 0 : i32
    %cond3A_28 = arith.cmpi ne, %convert_element_type3A_26, %cond3A_27 : i32
    scf.if %cond3A_28 {
      %get3A_45 = arith.constant 0 : index
      %get3A_46 = arith.constant 0 : index
      %get3A_47 = vector.load %arg6[%get3A_45, %get3A_46] : memref<8x64xf32, #tpu.memory_space<vmem>>, vector<8x64xf32>
      %add3A_48 = arith.addf %get3A_47, %concatenate3A : vector<8x64xf32>
      %swap3A_49 = arith.constant 0 : index
      %swap3A_50 = arith.constant 0 : index
      %swap3A_51 = vector.load %arg6[%swap3A_49, %swap3A_50] : memref<8x64xf32, #tpu.memory_space<vmem>>, vector<8x64xf32>
      tpu.vector_store %arg6[%swap3A_49, %swap3A_50], %add3A_48 {strides = array<i32>} : memref<8x64xf32, #tpu.memory_space<vmem>>, vector<8x64xf32>,
    } else {
    }
    %transpose3A = tpu.transpose %select_n3A, [1, 0] : vector<64x6400xf32> -> vector<6400x64xf32>
    %slice3A = vector.extract_strided_slice %transpose3A {offsets = [0, 0], sizes = [6400, 32], strides = [1, 1]} : vector<6400x64xf32> to vector<6400x32xf32>
    %slice3A_29 = vector.extract_strided_slice %transpose3A {offsets = [0, 32], sizes = [6400, 32], strides = [1, 1]} : vector<6400x64xf32> to vector<6400x32xf32>
    %slice3A_30 = vector.extract_strided_slice %slice3A {offsets = [0, 0], sizes = [1600, 32], strides = [1, 1]} : vector<6400x32xf32> to vector<1600x32xf32>
    %slice3A_31 = vector.extract_strided_slice %slice3A {offsets = [1600, 0], sizes = [1600, 32], strides = [1, 1]} : vector<6400x32xf32> to vector<1600x32xf32>
    %slice3A_32 = vector.extract_strided_slice %slice3A {offsets = [3200, 0], sizes = [1600, 32], strides = [1, 1]} : vector<6400x32xf32> to vector<1600x32xf32>
    %slice3A_33 = vector.extract_strided_slice %slice3A {offsets = [4800, 0], sizes = [1600, 32], strides = [1, 1]} : vector<6400x32xf32> to vector<1600x32xf32>
    %concatenate3A_34 = tpu.concatenate %slice3A_30, %slice3A_31, %slice3A_32, %slice3A_33 in 1 : vector<1600x32xf32>, vector<1600x32xf32>, vector<1600x32xf32>, vector<1600x32xf32> -> vector<1600x128xf32>
    %swap3A = arith.constant 0 : index
    %swap3A_35 = arith.constant 0 : index
    %swap3A_36 = vector.load %arg4[%swap3A, %swap3A_35] : memref<1600x128xf32, #tpu.memory_space<vmem>>, vector<1600x128xf32>
    tpu.vector_store %arg4[%swap3A, %swap3A_35], %concatenate3A_34 {strides = array<i32>} : memref<1600x128xf32, #tpu.memory_space<vmem>>, vector<1600x128xf32>,
    %slice3A_37 = vector.extract_strided_slice %slice3A_29 {offsets = [0, 0], sizes = [1600, 32], strides = [1, 1]} : vector<6400x32xf32> to vector<1600x32xf32>
    %slice3A_38 = vector.extract_strided_slice %slice3A_29 {offsets = [1600, 0], sizes = [1600, 32], strides = [1, 1]} : vector<6400x32xf32> to vector<1600x32xf32>
    %slice3A_39 = vector.extract_strided_slice %slice3A_29 {offsets = [3200, 0], sizes = [1600, 32], strides = [1, 1]} : vector<6400x32xf32> to vector<1600x32xf32>
    %slice3A_40 = vector.extract_strided_slice %slice3A_29 {offsets = [4800, 0], sizes = [1600, 32], strides = [1, 1]} : vector<6400x32xf32> to vector<1600x32xf32>
    %concatenate3A_41 = tpu.concatenate %slice3A_37, %slice3A_38, %slice3A_39, %slice3A_40 in 1 : vector<1600x32xf32>, vector<1600x32xf32>, vector<1600x32xf32>, vector<1600x32xf32> -> vector<1600x128xf32>
    %swap3A_42 = arith.constant 0 : index
    %swap3A_43 = arith.constant 0 : index
    %swap3A_44 = vector.load %arg5[%swap3A_42, %swap3A_43] : memref<1600x128xf32, #tpu.memory_space<vmem>>, vector<1600x128xf32>
    tpu.vector_store %arg5[%swap3A_42, %swap3A_43], %concatenate3A_41 {strides = array<i32>} : memref<1600x128xf32, #tpu.memory_space<vmem>>, vector<1600x128xf32>,
    return
  }
  func.func @transform_0(%arg0: i32) -> (i32, i32) {
    %c0_i32 = arith.constant 0 : i32
    %c0_i32_0 = arith.constant 0 : i32
    return %c0_i32, %arg0 : i32, i32
  }
  func.func @transform_1(%arg0: i32) -> (i32, i32) {
    %c0_i32 = arith.constant 0 : i32
    %c0_i32_0 = arith.constant 0 : i32
    %c0_i32_1 = arith.constant 0 : i32
    return %c0_i32, %c0_i32_0 : i32, i32
  }
  func.func @transform_2(%arg0: i32) -> (i32, i32) {
    %c0_i32 = arith.constant 0 : i32
    %c0_i32_0 = arith.constant 0 : i32
    %c0_i32_1 = arith.constant 0 : i32
    return %c0_i32, %c0_i32_0 : i32, i32
  }
  func.func @transform_3(%arg0: i32) -> (i32, i32) {
    %c0_i32 = arith.constant 0 : i32
    %c0_i32_0 = arith.constant 0 : i32
    return %arg0, %c0_i32 : i32, i32
  }
  func.func @transform_4(%arg0: i32) -> (i32, i32) {
    %c0_i32 = arith.constant 0 : i32
    %c0_i32_0 = arith.constant 0 : i32
    return %arg0, %c0_i32 : i32, i32
  }
  func.func @transform_5(%arg0: i32) -> (i32, i32) {
    %c0_i32 = arith.constant 0 : i32
    %c0_i32_0 = arith.constant 0 : i32
    %c0_i32_1 = arith.constant 0 : i32
    return %c0_i32, %c0_i32_0 : i32, i32
  }
}

module attributes {stable_mosaic.version = 14 : i64} {
  func.func @body(%arg0: i32, %arg1: memref<32x6272xf32, #tpu.memory_space<vmem>>, %arg2: memref<32x6272xf32, #tpu.memory_space<vmem>>, %arg3: memref<4x6272xf32, #tpu.memory_space<vmem>>, %arg4: memref<16x6272xf32, #tpu.memory_space<vmem>>, %arg5: memref<32x64xf32, #tpu.memory_space<vmem>>, %arg6: memref<32x64xf32, #tpu.memory_space<vmem>>, %arg7: memref<64x1xf32, #tpu.memory_space<vmem>>, %arg8: memref<64x6272xf32, #tpu.memory_space<vmem>>, %arg9: memref<8x64xf32, #tpu.memory_space<vmem>>, %arg10: memref<8x16xf32, #tpu.memory_space<vmem>>) attributes {dimension_semantics = [#tpu.dimension_semantics<arbitrary>], iteration_bounds = array<i64: 8>, scalar_prefetch = 0 : i64, scratch_operands = 0 : i64, tpu.core_type = #tpu.core_type<tc>, window_params = [{transform_indices = @transform_0, window_bounds = array<i64: 32, 6272>}, {transform_indices = @transform_1, window_bounds = array<i64: 32, 6272>}, {transform_indices = @transform_2, window_bounds = array<i64: 4, 6272>}, {transform_indices = @transform_3, window_bounds = array<i64: 16, 6272>}, {pipeline_mode = #tpu.pipeline_mode<synchronous>, transform_indices = @transform_4, window_bounds = array<i64: 32, 64>}, {pipeline_mode = #tpu.pipeline_mode<synchronous>, transform_indices = @transform_5, window_bounds = array<i64: 32, 64>}, {pipeline_mode = #tpu.pipeline_mode<synchronous>, transform_indices = @transform_6, window_bounds = array<i64: 64, 1>}, {transform_indices = @transform_7, window_bounds = array<i64: 64, 6272>}, {pipeline_mode = #tpu.pipeline_mode<synchronous>, transform_indices = @transform_8, window_bounds = array<i64: 8, 64>}, {pipeline_mode = #tpu.pipeline_mode<synchronous>, transform_indices = @transform_9, window_bounds = array<i64: 8, 16>}]} {
    %get3A = arith.constant 1 : index
    %get3A_0 = arith.constant 0 : index
    %get3A_1 = vector.load %arg3[%get3A, %get3A_0] : memref<4x6272xf32, #tpu.memory_space<vmem>>, vector<1x6272xf32>
    %get3A_2 = arith.constant 3 : index
    %get3A_3 = arith.constant 0 : index
    %get3A_4 = vector.load %arg3[%get3A_2, %get3A_3] : memref<4x6272xf32, #tpu.memory_space<vmem>>, vector<1x6272xf32>
    %add3A = arith.addf %get3A_1, %get3A_4 : vector<1x6272xf32>
    %get3A_5 = arith.constant 0 : index
    %get3A_6 = arith.constant 0 : index
    %get3A_7 = vector.load %arg5[%get3A_5, %get3A_6] : memref<32x64xf32, #tpu.memory_space<vmem>>, vector<32x64xf32>
    %get3A_8 = arith.constant 0 : index
    %get3A_9 = arith.constant 0 : index
    %get3A_10 = vector.load %arg1[%get3A_8, %get3A_9] : memref<32x6272xf32, #tpu.memory_space<vmem>>, vector<32x6272xf32>
    %dot_general3A = arith.constant dense<0.000000e+00> : vector<64x6272xf32>
    %dot_general3A_11 = tpu.matmul %get3A_7, %get3A_10, %dot_general3A {dimension_numbers = #tpu.dot_dimension_numbers<[0], [0], [1], [1], [0, 1, 1, 1], [], []>, transpose_lhs_hint = false} : vector<32x64xf32>, vector<32x6272xf32>, vector<64x6272xf32> -> vector<64x6272xf32>
    %get3A_12 = arith.constant 0 : index
    %get3A_13 = arith.constant 0 : index
    %get3A_14 = vector.load %arg6[%get3A_12, %get3A_13] : memref<32x64xf32, #tpu.memory_space<vmem>>, vector<32x64xf32>
    %get3A_15 = arith.constant 0 : index
    %get3A_16 = arith.constant 0 : index
    %get3A_17 = vector.load %arg2[%get3A_15, %get3A_16] : memref<32x6272xf32, #tpu.memory_space<vmem>>, vector<32x6272xf32>
    %dot_general3A_18 = arith.constant dense<0.000000e+00> : vector<64x6272xf32>
    %dot_general3A_19 = tpu.matmul %get3A_14, %get3A_17, %dot_general3A_18 {dimension_numbers = #tpu.dot_dimension_numbers<[0], [0], [1], [1], [0, 1, 1, 1], [], []>, transpose_lhs_hint = false} : vector<32x64xf32>, vector<32x6272xf32>, vector<64x6272xf32> -> vector<64x6272xf32>
    %add3A_20 = arith.addf %dot_general3A_11, %dot_general3A_19 : vector<64x6272xf32>
    %get3A_21 = arith.constant 0 : index
    %get3A_22 = arith.constant 0 : index
    %get3A_23 = vector.load %arg7[%get3A_21, %get3A_22] : memref<64x1xf32, #tpu.memory_space<vmem>>, vector<64x1xf32>
    %mul3A = vector.broadcast %get3A_23 : vector<64x1xf32> to vector<64x6272xf32>
    %mul3A_24 = vector.broadcast %add3A : vector<1x6272xf32> to vector<64x6272xf32>
    %mul3A_25 = arith.mulf %mul3A, %mul3A_24 : vector<64x6272xf32>
    %add3A_26 = arith.addf %add3A_20, %mul3A_25 : vector<64x6272xf32>
    %max3A = arith.constant 1.000000e+00 : f32
    %max3A_27 = vector.broadcast %max3A : f32 to vector<1x6272xf32>
    %max3A_28 = arith.maximumf %add3A, %max3A_27 : vector<1x6272xf32>
    %div3A = vector.broadcast %max3A_28 : vector<1x6272xf32> to vector<64x6272xf32>
    %div3A_29 = arith.divf %add3A_26, %div3A : vector<64x6272xf32>
    %swap3A = arith.constant 0 : index
    %swap3A_30 = arith.constant 0 : index
    %swap3A_31 = vector.load %arg8[%swap3A, %swap3A_30] : memref<64x6272xf32, #tpu.memory_space<vmem>>, vector<64x6272xf32>
    tpu.vector_store %arg8[%swap3A, %swap3A_30], %div3A_29 {strides = array<i32>} : memref<64x6272xf32, #tpu.memory_space<vmem>>, vector<64x6272xf32>,
    %reduce_sum3A = arith.constant dense<0.000000e+00> : vector<64xf32>
    %reduce_sum3A_32 = vector.multi_reduction <add>, %div3A_29, %reduce_sum3A [1] : vector<64x6272xf32> to vector<64xf32>
    %mul3A_33 = arith.mulf %div3A_29, %div3A_29 : vector<64x6272xf32>
    %reduce_sum3A_34 = arith.constant dense<0.000000e+00> : vector<64xf32>
    %reduce_sum3A_35 = vector.multi_reduction <add>, %mul3A_33, %reduce_sum3A_34 [1] : vector<64x6272xf32> to vector<64xf32>
    %broadcast_in_dim3A = arith.constant 0.000000e+00 : f32
    %broadcast_in_dim3A_36 = vector.broadcast %broadcast_in_dim3A : f32 to vector<6x64xf32>
    %broadcast_in_dim3A_37 = vector.shape_cast %reduce_sum3A_32 : vector<64xf32> to vector<1x64xf32>
    %broadcast_in_dim3A_38 = vector.shape_cast %reduce_sum3A_35 : vector<64xf32> to vector<1x64xf32>
    %concatenate3A = tpu.concatenate %broadcast_in_dim3A_37, %broadcast_in_dim3A_38, %broadcast_in_dim3A_36 in 0 : vector<1x64xf32>, vector<1x64xf32>, vector<6x64xf32> -> vector<8x64xf32>
    %eq3A = arith.constant 0 : i32
    %eq3A_39 = arith.cmpi eq, %arg0, %eq3A : i32
    %convert_element_type3A = arith.extui %eq3A_39 : i1 to i32
    %cond3A = arith.constant 0 : i32
    %cond3A_40 = arith.cmpi ne, %convert_element_type3A, %cond3A : i32
    scf.if %cond3A_40 {
      %swap3A_68 = arith.constant 0 : index
      %swap3A_69 = arith.constant 0 : index
      %swap3A_70 = vector.load %arg9[%swap3A_68, %swap3A_69] : memref<8x64xf32, #tpu.memory_space<vmem>>, vector<8x64xf32>
      tpu.vector_store %arg9[%swap3A_68, %swap3A_69], %concatenate3A {strides = array<i32>} : memref<8x64xf32, #tpu.memory_space<vmem>>, vector<8x64xf32>,
    } else {
    }
    %gt3A = arith.constant 0 : i32
    %gt3A_41 = arith.cmpi sgt, %arg0, %gt3A : i32
    %convert_element_type3A_42 = arith.extui %gt3A_41 : i1 to i32
    %cond3A_43 = arith.constant 0 : i32
    %cond3A_44 = arith.cmpi ne, %convert_element_type3A_42, %cond3A_43 : i32
    scf.if %cond3A_44 {
      %get3A_68 = arith.constant 0 : index
      %get3A_69 = arith.constant 0 : index
      %get3A_70 = vector.load %arg9[%get3A_68, %get3A_69] : memref<8x64xf32, #tpu.memory_space<vmem>>, vector<8x64xf32>
      %add3A_71 = arith.addf %get3A_70, %concatenate3A : vector<8x64xf32>
      %swap3A_72 = arith.constant 0 : index
      %swap3A_73 = arith.constant 0 : index
      %swap3A_74 = vector.load %arg9[%swap3A_72, %swap3A_73] : memref<8x64xf32, #tpu.memory_space<vmem>>, vector<8x64xf32>
      tpu.vector_store %arg9[%swap3A_72, %swap3A_73], %add3A_71 {strides = array<i32>} : memref<8x64xf32, #tpu.memory_space<vmem>>, vector<8x64xf32>,
    } else {
    }
    %get3A_45 = arith.constant 0 : index
    %get3A_46 = arith.constant 0 : index
    %get3A_47 = vector.load %arg4[%get3A_45, %get3A_46] : memref<16x6272xf32, #tpu.memory_space<vmem>>, vector<16x6272xf32>
    %reduce_sum3A_48 = arith.constant dense<0.000000e+00> : vector<16xf32>
    %reduce_sum3A_49 = vector.multi_reduction <add>, %get3A_47, %reduce_sum3A_48 [1] : vector<16x6272xf32> to vector<16xf32>
    %mul3A_50 = arith.mulf %get3A_47, %get3A_47 : vector<16x6272xf32>
    %reduce_sum3A_51 = arith.constant dense<0.000000e+00> : vector<16xf32>
    %reduce_sum3A_52 = vector.multi_reduction <add>, %mul3A_50, %reduce_sum3A_51 [1] : vector<16x6272xf32> to vector<16xf32>
    %broadcast_in_dim3A_53 = arith.constant 0.000000e+00 : f32
    %broadcast_in_dim3A_54 = vector.broadcast %broadcast_in_dim3A_53 : f32 to vector<6x16xf32>
    %broadcast_in_dim3A_55 = vector.shape_cast %reduce_sum3A_49 : vector<16xf32> to vector<1x16xf32>
    %broadcast_in_dim3A_56 = vector.shape_cast %reduce_sum3A_52 : vector<16xf32> to vector<1x16xf32>
    %concatenate3A_57 = tpu.concatenate %broadcast_in_dim3A_55, %broadcast_in_dim3A_56, %broadcast_in_dim3A_54 in 0 : vector<1x16xf32>, vector<1x16xf32>, vector<6x16xf32> -> vector<8x16xf32>
    %eq3A_58 = arith.constant 0 : i32
    %eq3A_59 = arith.cmpi eq, %arg0, %eq3A_58 : i32
    %convert_element_type3A_60 = arith.extui %eq3A_59 : i1 to i32
    %cond3A_61 = arith.constant 0 : i32
    %cond3A_62 = arith.cmpi ne, %convert_element_type3A_60, %cond3A_61 : i32
    scf.if %cond3A_62 {
      %swap3A_68 = arith.constant 0 : index
      %swap3A_69 = arith.constant 0 : index
      %swap3A_70 = vector.load %arg10[%swap3A_68, %swap3A_69] : memref<8x16xf32, #tpu.memory_space<vmem>>, vector<8x16xf32>
      tpu.vector_store %arg10[%swap3A_68, %swap3A_69], %concatenate3A_57 {strides = array<i32>} : memref<8x16xf32, #tpu.memory_space<vmem>>, vector<8x16xf32>,
    } else {
    }
    %gt3A_63 = arith.constant 0 : i32
    %gt3A_64 = arith.cmpi sgt, %arg0, %gt3A_63 : i32
    %convert_element_type3A_65 = arith.extui %gt3A_64 : i1 to i32
    %cond3A_66 = arith.constant 0 : i32
    %cond3A_67 = arith.cmpi ne, %convert_element_type3A_65, %cond3A_66 : i32
    scf.if %cond3A_67 {
      %get3A_68 = arith.constant 0 : index
      %get3A_69 = arith.constant 0 : index
      %get3A_70 = vector.load %arg10[%get3A_68, %get3A_69] : memref<8x16xf32, #tpu.memory_space<vmem>>, vector<8x16xf32>
      %add3A_71 = arith.addf %get3A_70, %concatenate3A_57 : vector<8x16xf32>
      %swap3A_72 = arith.constant 0 : index
      %swap3A_73 = arith.constant 0 : index
      %swap3A_74 = vector.load %arg10[%swap3A_72, %swap3A_73] : memref<8x16xf32, #tpu.memory_space<vmem>>, vector<8x16xf32>
      tpu.vector_store %arg10[%swap3A_72, %swap3A_73], %add3A_71 {strides = array<i32>} : memref<8x16xf32, #tpu.memory_space<vmem>>, vector<8x16xf32>,
    } else {
    }
    return
  }
  func.func @transform_0(%arg0: i32) -> (i32, i32) {
    %c0_i32 = arith.constant 0 : i32
    %c0_i32_0 = arith.constant 0 : i32
    return %c0_i32, %arg0 : i32, i32
  }
  func.func @transform_1(%arg0: i32) -> (i32, i32) {
    %c0_i32 = arith.constant 0 : i32
    %c0_i32_0 = arith.constant 0 : i32
    return %c0_i32, %arg0 : i32, i32
  }
  func.func @transform_2(%arg0: i32) -> (i32, i32) {
    %c0_i32 = arith.constant 0 : i32
    %c0_i32_0 = arith.constant 0 : i32
    return %c0_i32, %arg0 : i32, i32
  }
  func.func @transform_3(%arg0: i32) -> (i32, i32) {
    %c0_i32 = arith.constant 0 : i32
    %c0_i32_0 = arith.constant 0 : i32
    return %c0_i32, %arg0 : i32, i32
  }
  func.func @transform_4(%arg0: i32) -> (i32, i32) {
    %c0_i32 = arith.constant 0 : i32
    %c0_i32_0 = arith.constant 0 : i32
    %c0_i32_1 = arith.constant 0 : i32
    return %c0_i32, %c0_i32_0 : i32, i32
  }
  func.func @transform_5(%arg0: i32) -> (i32, i32) {
    %c0_i32 = arith.constant 0 : i32
    %c0_i32_0 = arith.constant 0 : i32
    %c0_i32_1 = arith.constant 0 : i32
    return %c0_i32, %c0_i32_0 : i32, i32
  }
  func.func @transform_6(%arg0: i32) -> (i32, i32) {
    %c0_i32 = arith.constant 0 : i32
    %c0_i32_0 = arith.constant 0 : i32
    %c0_i32_1 = arith.constant 0 : i32
    return %c0_i32, %c0_i32_0 : i32, i32
  }
  func.func @transform_7(%arg0: i32) -> (i32, i32) {
    %c0_i32 = arith.constant 0 : i32
    %c0_i32_0 = arith.constant 0 : i32
    return %c0_i32, %arg0 : i32, i32
  }
  func.func @transform_8(%arg0: i32) -> (i32, i32) {
    %c0_i32 = arith.constant 0 : i32
    %c0_i32_0 = arith.constant 0 : i32
    %c0_i32_1 = arith.constant 0 : i32
    return %c0_i32, %c0_i32_0 : i32, i32
  }
  func.func @transform_9(%arg0: i32) -> (i32, i32) {
    %c0_i32 = arith.constant 0 : i32
    %c0_i32_0 = arith.constant 0 : i32
    %c0_i32_1 = arith.constant 0 : i32
    return %c0_i32, %c0_i32_0 : i32, i32
  }
}

module attributes {stable_mosaic.version = 14 : i64} {
  func.func @body(%arg0: i32, %arg1: memref<16x6272xf32, #tpu.memory_space<vmem>>, %arg2: memref<64x6272xf32, #tpu.memory_space<vmem>>, %arg3: memref<16x64xf32, #tpu.memory_space<vmem>>, %arg4: memref<64x64xf32, #tpu.memory_space<vmem>>, %arg5: memref<64x1xf32, #tpu.memory_space<vmem>>, %arg6: memref<64x6272xf32, #tpu.memory_space<vmem>>, %arg7: memref<8x64xf32, #tpu.memory_space<vmem>>) attributes {dimension_semantics = [#tpu.dimension_semantics<arbitrary>], iteration_bounds = array<i64: 8>, scalar_prefetch = 0 : i64, scratch_operands = 0 : i64, tpu.core_type = #tpu.core_type<tc>, window_params = [{transform_indices = @transform_0, window_bounds = array<i64: 16, 6272>}, {transform_indices = @transform_1, window_bounds = array<i64: 64, 6272>}, {pipeline_mode = #tpu.pipeline_mode<synchronous>, transform_indices = @transform_2, window_bounds = array<i64: 16, 64>}, {pipeline_mode = #tpu.pipeline_mode<synchronous>, transform_indices = @transform_3, window_bounds = array<i64: 64, 64>}, {pipeline_mode = #tpu.pipeline_mode<synchronous>, transform_indices = @transform_4, window_bounds = array<i64: 64, 1>}, {transform_indices = @transform_5, window_bounds = array<i64: 64, 6272>}, {pipeline_mode = #tpu.pipeline_mode<synchronous>, transform_indices = @transform_6, window_bounds = array<i64: 8, 64>}]} {
    %get3A = arith.constant 0 : index
    %get3A_0 = arith.constant 0 : index
    %get3A_1 = vector.load %arg3[%get3A, %get3A_0] : memref<16x64xf32, #tpu.memory_space<vmem>>, vector<16x64xf32>
    %get3A_2 = arith.constant 0 : index
    %get3A_3 = arith.constant 0 : index
    %get3A_4 = vector.load %arg1[%get3A_2, %get3A_3] : memref<16x6272xf32, #tpu.memory_space<vmem>>, vector<16x6272xf32>
    %dot_general3A = arith.constant dense<0.000000e+00> : vector<64x6272xf32>
    %dot_general3A_5 = tpu.matmul %get3A_1, %get3A_4, %dot_general3A {dimension_numbers = #tpu.dot_dimension_numbers<[0], [0], [1], [1], [0, 1, 1, 1], [], []>, transpose_lhs_hint = false} : vector<16x64xf32>, vector<16x6272xf32>, vector<64x6272xf32> -> vector<64x6272xf32>
    %get3A_6 = arith.constant 0 : index
    %get3A_7 = arith.constant 0 : index
    %get3A_8 = vector.load %arg4[%get3A_6, %get3A_7] : memref<64x64xf32, #tpu.memory_space<vmem>>, vector<64x64xf32>
    %get3A_9 = arith.constant 0 : index
    %get3A_10 = arith.constant 0 : index
    %get3A_11 = vector.load %arg2[%get3A_9, %get3A_10] : memref<64x6272xf32, #tpu.memory_space<vmem>>, vector<64x6272xf32>
    %dot_general3A_12 = arith.constant dense<0.000000e+00> : vector<64x6272xf32>
    %dot_general3A_13 = tpu.matmul %get3A_8, %get3A_11, %dot_general3A_12 {dimension_numbers = #tpu.dot_dimension_numbers<[0], [0], [1], [1], [0, 1, 1, 1], [], []>, transpose_lhs_hint = false} : vector<64x64xf32>, vector<64x6272xf32>, vector<64x6272xf32> -> vector<64x6272xf32>
    %add3A = arith.addf %dot_general3A_5, %dot_general3A_13 : vector<64x6272xf32>
    %get3A_14 = arith.constant 0 : index
    %get3A_15 = arith.constant 0 : index
    %get3A_16 = vector.load %arg5[%get3A_14, %get3A_15] : memref<64x1xf32, #tpu.memory_space<vmem>>, vector<64x1xf32>
    %add3A_17 = vector.broadcast %get3A_16 : vector<64x1xf32> to vector<64x6272xf32>
    %add3A_18 = arith.addf %add3A, %add3A_17 : vector<64x6272xf32>
    %gt3A = arith.constant 0.000000e+00 : f32
    %gt3A_19 = vector.broadcast %gt3A : f32 to vector<64x6272xf32>
    %gt3A_20 = arith.cmpf ogt, %add3A_18, %gt3A_19 : vector<64x6272xf32>
    %mul3A = arith.constant 1.000000e-01 : f32
    %mul3A_21 = vector.broadcast %mul3A : f32 to vector<64x6272xf32>
    %mul3A_22 = arith.mulf %mul3A_21, %add3A_18 : vector<64x6272xf32>
    %select_n3A = arith.select %gt3A_20, %add3A_18, %mul3A_22 : vector<64x6272xi1>, vector<64x6272xf32>
    %swap3A = arith.constant 0 : index
    %swap3A_23 = arith.constant 0 : index
    %swap3A_24 = vector.load %arg6[%swap3A, %swap3A_23] : memref<64x6272xf32, #tpu.memory_space<vmem>>, vector<64x6272xf32>
    tpu.vector_store %arg6[%swap3A, %swap3A_23], %select_n3A {strides = array<i32>} : memref<64x6272xf32, #tpu.memory_space<vmem>>, vector<64x6272xf32>,
    %iota3A = tpu.iota {dimensions = array<i32: 1>} : vector<64x6272xi32>
    %mul3A_25 = arith.constant 6272 : i32
    %mul3A_26 = arith.muli %arg0, %mul3A_25 : i32
    %add3A_27 = vector.broadcast %mul3A_26 : i32 to vector<64x6272xi32>
    %add3A_28 = arith.addi %iota3A, %add3A_27 : vector<64x6272xi32>
    %lt3A = arith.constant 50000 : i32
    %lt3A_29 = vector.broadcast %lt3A : i32 to vector<64x6272xi32>
    %lt3A_30 = arith.cmpi slt, %add3A_28, %lt3A_29 : vector<64x6272xi32>
    %jit3A = arith.constant 0.000000e+00 : f32
    %broadcast_in_dim3A = vector.broadcast %jit3A : f32 to vector<64x6272xf32>
    %select_n3A_31 = arith.select %lt3A_30, %select_n3A, %broadcast_in_dim3A : vector<64x6272xi1>, vector<64x6272xf32>
    %reduce_sum3A = arith.constant dense<0.000000e+00> : vector<64xf32>
    %reduce_sum3A_32 = vector.multi_reduction <add>, %select_n3A_31, %reduce_sum3A [1] : vector<64x6272xf32> to vector<64xf32>
    %mul3A_33 = arith.mulf %select_n3A_31, %select_n3A_31 : vector<64x6272xf32>
    %reduce_sum3A_34 = arith.constant dense<0.000000e+00> : vector<64xf32>
    %reduce_sum3A_35 = vector.multi_reduction <add>, %mul3A_33, %reduce_sum3A_34 [1] : vector<64x6272xf32> to vector<64xf32>
    %broadcast_in_dim3A_36 = arith.constant 0.000000e+00 : f32
    %broadcast_in_dim3A_37 = vector.broadcast %broadcast_in_dim3A_36 : f32 to vector<6x64xf32>
    %broadcast_in_dim3A_38 = vector.shape_cast %reduce_sum3A_32 : vector<64xf32> to vector<1x64xf32>
    %broadcast_in_dim3A_39 = vector.shape_cast %reduce_sum3A_35 : vector<64xf32> to vector<1x64xf32>
    %concatenate3A = tpu.concatenate %broadcast_in_dim3A_38, %broadcast_in_dim3A_39, %broadcast_in_dim3A_37 in 0 : vector<1x64xf32>, vector<1x64xf32>, vector<6x64xf32> -> vector<8x64xf32>
    %eq3A = arith.constant 0 : i32
    %eq3A_40 = arith.cmpi eq, %arg0, %eq3A : i32
    %convert_element_type3A = arith.extui %eq3A_40 : i1 to i32
    %cond3A = arith.constant 0 : i32
    %cond3A_41 = arith.cmpi ne, %convert_element_type3A, %cond3A : i32
    scf.if %cond3A_41 {
      %swap3A_47 = arith.constant 0 : index
      %swap3A_48 = arith.constant 0 : index
      %swap3A_49 = vector.load %arg7[%swap3A_47, %swap3A_48] : memref<8x64xf32, #tpu.memory_space<vmem>>, vector<8x64xf32>
      tpu.vector_store %arg7[%swap3A_47, %swap3A_48], %concatenate3A {strides = array<i32>} : memref<8x64xf32, #tpu.memory_space<vmem>>, vector<8x64xf32>,
    } else {
    }
    %gt3A_42 = arith.constant 0 : i32
    %gt3A_43 = arith.cmpi sgt, %arg0, %gt3A_42 : i32
    %convert_element_type3A_44 = arith.extui %gt3A_43 : i1 to i32
    %cond3A_45 = arith.constant 0 : i32
    %cond3A_46 = arith.cmpi ne, %convert_element_type3A_44, %cond3A_45 : i32
    scf.if %cond3A_46 {
      %get3A_47 = arith.constant 0 : index
      %get3A_48 = arith.constant 0 : index
      %get3A_49 = vector.load %arg7[%get3A_47, %get3A_48] : memref<8x64xf32, #tpu.memory_space<vmem>>, vector<8x64xf32>
      %add3A_50 = arith.addf %get3A_49, %concatenate3A : vector<8x64xf32>
      %swap3A_51 = arith.constant 0 : index
      %swap3A_52 = arith.constant 0 : index
      %swap3A_53 = vector.load %arg7[%swap3A_51, %swap3A_52] : memref<8x64xf32, #tpu.memory_space<vmem>>, vector<8x64xf32>
      tpu.vector_store %arg7[%swap3A_51, %swap3A_52], %add3A_50 {strides = array<i32>} : memref<8x64xf32, #tpu.memory_space<vmem>>, vector<8x64xf32>,
    } else {
    }
    return
  }
  func.func @transform_0(%arg0: i32) -> (i32, i32) {
    %c0_i32 = arith.constant 0 : i32
    %c0_i32_0 = arith.constant 0 : i32
    return %c0_i32, %arg0 : i32, i32
  }
  func.func @transform_1(%arg0: i32) -> (i32, i32) {
    %c0_i32 = arith.constant 0 : i32
    %c0_i32_0 = arith.constant 0 : i32
    return %c0_i32, %arg0 : i32, i32
  }
  func.func @transform_2(%arg0: i32) -> (i32, i32) {
    %c0_i32 = arith.constant 0 : i32
    %c0_i32_0 = arith.constant 0 : i32
    %c0_i32_1 = arith.constant 0 : i32
    return %c0_i32, %c0_i32_0 : i32, i32
  }
  func.func @transform_3(%arg0: i32) -> (i32, i32) {
    %c0_i32 = arith.constant 0 : i32
    %c0_i32_0 = arith.constant 0 : i32
    %c0_i32_1 = arith.constant 0 : i32
    return %c0_i32, %c0_i32_0 : i32, i32
  }
  func.func @transform_4(%arg0: i32) -> (i32, i32) {
    %c0_i32 = arith.constant 0 : i32
    %c0_i32_0 = arith.constant 0 : i32
    %c0_i32_1 = arith.constant 0 : i32
    return %c0_i32, %c0_i32_0 : i32, i32
  }
  func.func @transform_5(%arg0: i32) -> (i32, i32) {
    %c0_i32 = arith.constant 0 : i32
    %c0_i32_0 = arith.constant 0 : i32
    return %c0_i32, %arg0 : i32, i32
  }
  func.func @transform_6(%arg0: i32) -> (i32, i32) {
    %c0_i32 = arith.constant 0 : i32
    %c0_i32_0 = arith.constant 0 : i32
    %c0_i32_1 = arith.constant 0 : i32
    return %c0_i32, %c0_i32_0 : i32, i32
  }
}

module attributes {stable_mosaic.version = 14 : i64} {
  func.func @body(%arg0: i32, %arg1: memref<64x6272xf32, #tpu.memory_space<vmem>>, %arg2: memref<64x64xf32, #tpu.memory_space<vmem>>, %arg3: memref<64x1xf32, #tpu.memory_space<vmem>>, %arg4: memref<64x6272xf32, #tpu.memory_space<vmem>>, %arg5: memref<8x64xf32, #tpu.memory_space<vmem>>) attributes {dimension_semantics = [#tpu.dimension_semantics<arbitrary>], iteration_bounds = array<i64: 8>, scalar_prefetch = 0 : i64, scratch_operands = 0 : i64, tpu.core_type = #tpu.core_type<tc>, window_params = [{transform_indices = @transform_0, window_bounds = array<i64: 64, 6272>}, {pipeline_mode = #tpu.pipeline_mode<synchronous>, transform_indices = @transform_1, window_bounds = array<i64: 64, 64>}, {pipeline_mode = #tpu.pipeline_mode<synchronous>, transform_indices = @transform_2, window_bounds = array<i64: 64, 1>}, {transform_indices = @transform_3, window_bounds = array<i64: 64, 6272>}, {pipeline_mode = #tpu.pipeline_mode<synchronous>, transform_indices = @transform_4, window_bounds = array<i64: 8, 64>}]} {
    %get3A = arith.constant 0 : index
    %get3A_0 = arith.constant 0 : index
    %get3A_1 = vector.load %arg2[%get3A, %get3A_0] : memref<64x64xf32, #tpu.memory_space<vmem>>, vector<64x64xf32>
    %get3A_2 = arith.constant 0 : index
    %get3A_3 = arith.constant 0 : index
    %get3A_4 = vector.load %arg1[%get3A_2, %get3A_3] : memref<64x6272xf32, #tpu.memory_space<vmem>>, vector<64x6272xf32>
    %dot_general3A = arith.constant dense<0.000000e+00> : vector<64x6272xf32>
    %dot_general3A_5 = tpu.matmul %get3A_1, %get3A_4, %dot_general3A {dimension_numbers = #tpu.dot_dimension_numbers<[0], [0], [1], [1], [0, 1, 1, 1], [], []>, transpose_lhs_hint = false} : vector<64x64xf32>, vector<64x6272xf32>, vector<64x6272xf32> -> vector<64x6272xf32>
    %get3A_6 = arith.constant 0 : index
    %get3A_7 = arith.constant 0 : index
    %get3A_8 = vector.load %arg3[%get3A_6, %get3A_7] : memref<64x1xf32, #tpu.memory_space<vmem>>, vector<64x1xf32>
    %add3A = vector.broadcast %get3A_8 : vector<64x1xf32> to vector<64x6272xf32>
    %add3A_9 = arith.addf %dot_general3A_5, %add3A : vector<64x6272xf32>
    %gt3A = arith.constant 0.000000e+00 : f32
    %gt3A_10 = vector.broadcast %gt3A : f32 to vector<64x6272xf32>
    %gt3A_11 = arith.cmpf ogt, %add3A_9, %gt3A_10 : vector<64x6272xf32>
    %mul3A = arith.constant 1.000000e-01 : f32
    %mul3A_12 = vector.broadcast %mul3A : f32 to vector<64x6272xf32>
    %mul3A_13 = arith.mulf %mul3A_12, %add3A_9 : vector<64x6272xf32>
    %select_n3A = arith.select %gt3A_11, %add3A_9, %mul3A_13 : vector<64x6272xi1>, vector<64x6272xf32>
    %swap3A = arith.constant 0 : index
    %swap3A_14 = arith.constant 0 : index
    %swap3A_15 = vector.load %arg4[%swap3A, %swap3A_14] : memref<64x6272xf32, #tpu.memory_space<vmem>>, vector<64x6272xf32>
    tpu.vector_store %arg4[%swap3A, %swap3A_14], %select_n3A {strides = array<i32>} : memref<64x6272xf32, #tpu.memory_space<vmem>>, vector<64x6272xf32>,
    %iota3A = tpu.iota {dimensions = array<i32: 1>} : vector<64x6272xi32>
    %mul3A_16 = arith.constant 6272 : i32
    %mul3A_17 = arith.muli %arg0, %mul3A_16 : i32
    %add3A_18 = vector.broadcast %mul3A_17 : i32 to vector<64x6272xi32>
    %add3A_19 = arith.addi %iota3A, %add3A_18 : vector<64x6272xi32>
    %lt3A = arith.constant 50000 : i32
    %lt3A_20 = vector.broadcast %lt3A : i32 to vector<64x6272xi32>
    %lt3A_21 = arith.cmpi slt, %add3A_19, %lt3A_20 : vector<64x6272xi32>
    %jit3A = arith.constant 0.000000e+00 : f32
    %broadcast_in_dim3A = vector.broadcast %jit3A : f32 to vector<64x6272xf32>
    %select_n3A_22 = arith.select %lt3A_21, %select_n3A, %broadcast_in_dim3A : vector<64x6272xi1>, vector<64x6272xf32>
    %reduce_sum3A = arith.constant dense<0.000000e+00> : vector<64xf32>
    %reduce_sum3A_23 = vector.multi_reduction <add>, %select_n3A_22, %reduce_sum3A [1] : vector<64x6272xf32> to vector<64xf32>
    %mul3A_24 = arith.mulf %select_n3A_22, %select_n3A_22 : vector<64x6272xf32>
    %reduce_sum3A_25 = arith.constant dense<0.000000e+00> : vector<64xf32>
    %reduce_sum3A_26 = vector.multi_reduction <add>, %mul3A_24, %reduce_sum3A_25 [1] : vector<64x6272xf32> to vector<64xf32>
    %broadcast_in_dim3A_27 = arith.constant 0.000000e+00 : f32
    %broadcast_in_dim3A_28 = vector.broadcast %broadcast_in_dim3A_27 : f32 to vector<6x64xf32>
    %broadcast_in_dim3A_29 = vector.shape_cast %reduce_sum3A_23 : vector<64xf32> to vector<1x64xf32>
    %broadcast_in_dim3A_30 = vector.shape_cast %reduce_sum3A_26 : vector<64xf32> to vector<1x64xf32>
    %concatenate3A = tpu.concatenate %broadcast_in_dim3A_29, %broadcast_in_dim3A_30, %broadcast_in_dim3A_28 in 0 : vector<1x64xf32>, vector<1x64xf32>, vector<6x64xf32> -> vector<8x64xf32>
    %eq3A = arith.constant 0 : i32
    %eq3A_31 = arith.cmpi eq, %arg0, %eq3A : i32
    %convert_element_type3A = arith.extui %eq3A_31 : i1 to i32
    %cond3A = arith.constant 0 : i32
    %cond3A_32 = arith.cmpi ne, %convert_element_type3A, %cond3A : i32
    scf.if %cond3A_32 {
      %swap3A_38 = arith.constant 0 : index
      %swap3A_39 = arith.constant 0 : index
      %swap3A_40 = vector.load %arg5[%swap3A_38, %swap3A_39] : memref<8x64xf32, #tpu.memory_space<vmem>>, vector<8x64xf32>
      tpu.vector_store %arg5[%swap3A_38, %swap3A_39], %concatenate3A {strides = array<i32>} : memref<8x64xf32, #tpu.memory_space<vmem>>, vector<8x64xf32>,
    } else {
    }
    %gt3A_33 = arith.constant 0 : i32
    %gt3A_34 = arith.cmpi sgt, %arg0, %gt3A_33 : i32
    %convert_element_type3A_35 = arith.extui %gt3A_34 : i1 to i32
    %cond3A_36 = arith.constant 0 : i32
    %cond3A_37 = arith.cmpi ne, %convert_element_type3A_35, %cond3A_36 : i32
    scf.if %cond3A_37 {
      %get3A_38 = arith.constant 0 : index
      %get3A_39 = arith.constant 0 : index
      %get3A_40 = vector.load %arg5[%get3A_38, %get3A_39] : memref<8x64xf32, #tpu.memory_space<vmem>>, vector<8x64xf32>
      %add3A_41 = arith.addf %get3A_40, %concatenate3A : vector<8x64xf32>
      %swap3A_42 = arith.constant 0 : index
      %swap3A_43 = arith.constant 0 : index
      %swap3A_44 = vector.load %arg5[%swap3A_42, %swap3A_43] : memref<8x64xf32, #tpu.memory_space<vmem>>, vector<8x64xf32>
      tpu.vector_store %arg5[%swap3A_42, %swap3A_43], %add3A_41 {strides = array<i32>} : memref<8x64xf32, #tpu.memory_space<vmem>>, vector<8x64xf32>,
    } else {
    }
    return
  }
  func.func @transform_0(%arg0: i32) -> (i32, i32) {
    %c0_i32 = arith.constant 0 : i32
    %c0_i32_0 = arith.constant 0 : i32
    return %c0_i32, %arg0 : i32, i32
  }
  func.func @transform_1(%arg0: i32) -> (i32, i32) {
    %c0_i32 = arith.constant 0 : i32
    %c0_i32_0 = arith.constant 0 : i32
    %c0_i32_1 = arith.constant 0 : i32
    return %c0_i32, %c0_i32_0 : i32, i32
  }
  func.func @transform_2(%arg0: i32) -> (i32, i32) {
    %c0_i32 = arith.constant 0 : i32
    %c0_i32_0 = arith.constant 0 : i32
    %c0_i32_1 = arith.constant 0 : i32
    return %c0_i32, %c0_i32_0 : i32, i32
  }
  func.func @transform_3(%arg0: i32) -> (i32, i32) {
    %c0_i32 = arith.constant 0 : i32
    %c0_i32_0 = arith.constant 0 : i32
    return %c0_i32, %arg0 : i32, i32
  }
  func.func @transform_4(%arg0: i32) -> (i32, i32) {
    %c0_i32 = arith.constant 0 : i32
    %c0_i32_0 = arith.constant 0 : i32
    %c0_i32_1 = arith.constant 0 : i32
    return %c0_i32, %c0_i32_0 : i32, i32
  }
}

module attributes {stable_mosaic.version = 14 : i64} {
  func.func @body(%arg0: i32, %arg1: memref<64x6272xf32, #tpu.memory_space<vmem>>, %arg2: memref<64x64xf32, #tpu.memory_space<vmem>>, %arg3: memref<64x1xf32, #tpu.memory_space<vmem>>, %arg4: memref<8x6272xi32, #tpu.memory_space<vmem>>, %arg5: memref<64x128xf32, #tpu.memory_space<vmem>>, %arg6: memref<8x128xf32, #tpu.memory_space<vmem>>) attributes {dimension_semantics = [#tpu.dimension_semantics<arbitrary>], iteration_bounds = array<i64: 8>, scalar_prefetch = 0 : i64, scratch_operands = 0 : i64, tpu.core_type = #tpu.core_type<tc>, window_params = [{transform_indices = @transform_0, window_bounds = array<i64: 64, 6272>}, {pipeline_mode = #tpu.pipeline_mode<synchronous>, transform_indices = @transform_1, window_bounds = array<i64: 64, 64>}, {pipeline_mode = #tpu.pipeline_mode<synchronous>, transform_indices = @transform_2, window_bounds = array<i64: 64, 1>}, {transform_indices = @transform_3, window_bounds = array<i64: 8, 6272>}, {pipeline_mode = #tpu.pipeline_mode<synchronous>, transform_indices = @transform_4, window_bounds = array<i64: 64, 128>}, {pipeline_mode = #tpu.pipeline_mode<synchronous>, transform_indices = @transform_5, window_bounds = array<i64: 8, 128>}]} {
    %get3A = arith.constant 0 : index
    %get3A_0 = arith.constant 0 : index
    %get3A_1 = vector.load %arg2[%get3A, %get3A_0] : memref<64x64xf32, #tpu.memory_space<vmem>>, vector<64x64xf32>
    %get3A_2 = arith.constant 0 : index
    %get3A_3 = arith.constant 0 : index
    %get3A_4 = vector.load %arg1[%get3A_2, %get3A_3] : memref<64x6272xf32, #tpu.memory_space<vmem>>, vector<64x6272xf32>
    %dot_general3A = arith.constant dense<0.000000e+00> : vector<64x6272xf32>
    %dot_general3A_5 = tpu.matmul %get3A_1, %get3A_4, %dot_general3A {dimension_numbers = #tpu.dot_dimension_numbers<[0], [0], [1], [1], [0, 1, 1, 1], [], []>, transpose_lhs_hint = false} : vector<64x64xf32>, vector<64x6272xf32>, vector<64x6272xf32> -> vector<64x6272xf32>
    %get3A_6 = arith.constant 0 : index
    %get3A_7 = arith.constant 0 : index
    %get3A_8 = vector.load %arg3[%get3A_6, %get3A_7] : memref<64x1xf32, #tpu.memory_space<vmem>>, vector<64x1xf32>
    %add3A = vector.broadcast %get3A_8 : vector<64x1xf32> to vector<64x6272xf32>
    %add3A_9 = arith.addf %dot_general3A_5, %add3A : vector<64x6272xf32>
    %get3A_10 = arith.constant 0 : index
    %get3A_11 = arith.constant 0 : index
    %get3A_12 = vector.load %arg4[%get3A_10, %get3A_11] : memref<8x6272xi32, #tpu.memory_space<vmem>>, vector<1x6272xi32>
    %iota3A = tpu.iota {dimensions = array<i32: 0>} : vector<128x6272xi32>
    %eq3A = vector.broadcast %get3A_12 : vector<1x6272xi32> to vector<128x6272xi32>
    %eq3A_13 = arith.cmpi eq, %iota3A, %eq3A : vector<128x6272xi32>
    %jit3A = arith.constant 1.000000e+00 : f32
    %jit3A_14 = arith.constant 0.000000e+00 : f32
    %broadcast_in_dim3A = vector.broadcast %jit3A : f32 to vector<128x6272xf32>
    %broadcast_in_dim3A_15 = vector.broadcast %jit3A_14 : f32 to vector<128x6272xf32>
    %select_n3A = arith.select %eq3A_13, %broadcast_in_dim3A, %broadcast_in_dim3A_15 : vector<128x6272xi1>, vector<128x6272xf32>
    %dot_general3A_16 = arith.constant dense<0.000000e+00> : vector<64x128xf32>
    %dot_general3A_17 = tpu.matmul %add3A_9, %select_n3A, %dot_general3A_16 {dimension_numbers = #tpu.dot_dimension_numbers<[1], [1], [0], [0], [0, 0, 1, 0], [], []>, transpose_lhs_hint = false} : vector<64x6272xf32>, vector<128x6272xf32>, vector<64x128xf32> -> vector<64x128xf32>
    %reduce_sum3A = arith.constant dense<0.000000e+00> : vector<128xf32>
    %reduce_sum3A_18 = vector.multi_reduction <add>, %select_n3A, %reduce_sum3A [1] : vector<128x6272xf32> to vector<128xf32>
    %broadcast_in_dim3A_19 = arith.constant 0.000000e+00 : f32
    %broadcast_in_dim3A_20 = vector.broadcast %broadcast_in_dim3A_19 : f32 to vector<7x128xf32>
    %broadcast_in_dim3A_21 = vector.shape_cast %reduce_sum3A_18 : vector<128xf32> to vector<1x128xf32>
    %concatenate3A = tpu.concatenate %broadcast_in_dim3A_21, %broadcast_in_dim3A_20 in 0 : vector<1x128xf32>, vector<7x128xf32> -> vector<8x128xf32>
    %eq3A_22 = arith.constant 0 : i32
    %eq3A_23 = arith.cmpi eq, %arg0, %eq3A_22 : i32
    %convert_element_type3A = arith.extui %eq3A_23 : i1 to i32
    %cond3A = arith.constant 0 : i32
    %cond3A_24 = arith.cmpi ne, %convert_element_type3A, %cond3A : i32
    scf.if %cond3A_24 {
      %swap3A = arith.constant 0 : index
      %swap3A_39 = arith.constant 0 : index
      %swap3A_40 = vector.load %arg5[%swap3A, %swap3A_39] : memref<64x128xf32, #tpu.memory_space<vmem>>, vector<64x128xf32>
      tpu.vector_store %arg5[%swap3A, %swap3A_39], %dot_general3A_17 {strides = array<i32>} : memref<64x128xf32, #tpu.memory_space<vmem>>, vector<64x128xf32>,
    } else {
    }
    %gt3A = arith.constant 0 : i32
    %gt3A_25 = arith.cmpi sgt, %arg0, %gt3A : i32
    %convert_element_type3A_26 = arith.extui %gt3A_25 : i1 to i32
    %cond3A_27 = arith.constant 0 : i32
    %cond3A_28 = arith.cmpi ne, %convert_element_type3A_26, %cond3A_27 : i32
    scf.if %cond3A_28 {
      %get3A_39 = arith.constant 0 : index
      %get3A_40 = arith.constant 0 : index
      %get3A_41 = vector.load %arg5[%get3A_39, %get3A_40] : memref<64x128xf32, #tpu.memory_space<vmem>>, vector<64x128xf32>
      %add3A_42 = arith.addf %get3A_41, %dot_general3A_17 : vector<64x128xf32>
      %swap3A = arith.constant 0 : index
      %swap3A_43 = arith.constant 0 : index
      %swap3A_44 = vector.load %arg5[%swap3A, %swap3A_43] : memref<64x128xf32, #tpu.memory_space<vmem>>, vector<64x128xf32>
      tpu.vector_store %arg5[%swap3A, %swap3A_43], %add3A_42 {strides = array<i32>} : memref<64x128xf32, #tpu.memory_space<vmem>>, vector<64x128xf32>,
    } else {
    }
    %eq3A_29 = arith.constant 0 : i32
    %eq3A_30 = arith.cmpi eq, %arg0, %eq3A_29 : i32
    %convert_element_type3A_31 = arith.extui %eq3A_30 : i1 to i32
    %cond3A_32 = arith.constant 0 : i32
    %cond3A_33 = arith.cmpi ne, %convert_element_type3A_31, %cond3A_32 : i32
    scf.if %cond3A_33 {
      %swap3A = arith.constant 0 : index
      %swap3A_39 = arith.constant 0 : index
      %swap3A_40 = vector.load %arg6[%swap3A, %swap3A_39] : memref<8x128xf32, #tpu.memory_space<vmem>>, vector<8x128xf32>
      tpu.vector_store %arg6[%swap3A, %swap3A_39], %concatenate3A {strides = array<i32>} : memref<8x128xf32, #tpu.memory_space<vmem>>, vector<8x128xf32>,
    } else {
    }
    %gt3A_34 = arith.constant 0 : i32
    %gt3A_35 = arith.cmpi sgt, %arg0, %gt3A_34 : i32
    %convert_element_type3A_36 = arith.extui %gt3A_35 : i1 to i32
    %cond3A_37 = arith.constant 0 : i32
    %cond3A_38 = arith.cmpi ne, %convert_element_type3A_36, %cond3A_37 : i32
    scf.if %cond3A_38 {
      %get3A_39 = arith.constant 0 : index
      %get3A_40 = arith.constant 0 : index
      %get3A_41 = vector.load %arg6[%get3A_39, %get3A_40] : memref<8x128xf32, #tpu.memory_space<vmem>>, vector<8x128xf32>
      %add3A_42 = arith.addf %get3A_41, %concatenate3A : vector<8x128xf32>
      %swap3A = arith.constant 0 : index
      %swap3A_43 = arith.constant 0 : index
      %swap3A_44 = vector.load %arg6[%swap3A, %swap3A_43] : memref<8x128xf32, #tpu.memory_space<vmem>>, vector<8x128xf32>
      tpu.vector_store %arg6[%swap3A, %swap3A_43], %add3A_42 {strides = array<i32>} : memref<8x128xf32, #tpu.memory_space<vmem>>, vector<8x128xf32>,
    } else {
    }
    return
  }
  func.func @transform_0(%arg0: i32) -> (i32, i32) {
    %c0_i32 = arith.constant 0 : i32
    %c0_i32_0 = arith.constant 0 : i32
    return %c0_i32, %arg0 : i32, i32
  }
  func.func @transform_1(%arg0: i32) -> (i32, i32) {
    %c0_i32 = arith.constant 0 : i32
    %c0_i32_0 = arith.constant 0 : i32
    %c0_i32_1 = arith.constant 0 : i32
    return %c0_i32, %c0_i32_0 : i32, i32
  }
  func.func @transform_2(%arg0: i32) -> (i32, i32) {
    %c0_i32 = arith.constant 0 : i32
    %c0_i32_0 = arith.constant 0 : i32
    %c0_i32_1 = arith.constant 0 : i32
    return %c0_i32, %c0_i32_0 : i32, i32
  }
  func.func @transform_3(%arg0: i32) -> (i32, i32) {
    %c0_i32 = arith.constant 0 : i32
    %c0_i32_0 = arith.constant 0 : i32
    return %c0_i32, %arg0 : i32, i32
  }
  func.func @transform_4(%arg0: i32) -> (i32, i32) {
    %c0_i32 = arith.constant 0 : i32
    %c0_i32_0 = arith.constant 0 : i32
    %c0_i32_1 = arith.constant 0 : i32
    return %c0_i32, %c0_i32_0 : i32, i32
  }
  func.func @transform_5(%arg0: i32) -> (i32, i32) {
    %c0_i32 = arith.constant 0 : i32
    %c0_i32_0 = arith.constant 0 : i32
    %c0_i32_1 = arith.constant 0 : i32
    return %c0_i32, %c0_i32_0 : i32, i32
  }
}

module attributes {stable_mosaic.version = 14 : i64} {
  func.func @body(%arg0: memref<64x128xf32, #tpu.memory_space<vmem>>, %arg1: memref<8x128xf32, #tpu.memory_space<vmem>>, %arg2: memref<64x1xf32, #tpu.memory_space<vmem>>, %arg3: memref<64x1xf32, #tpu.memory_space<vmem>>, %arg4: memref<64x64xf32, #tpu.memory_space<vmem>>, %arg5: memref<64x1xf32, #tpu.memory_space<vmem>>, %arg6: memref<64x1xf32, #tpu.memory_space<vmem>>, %arg7: memref<64x1xf32, #tpu.memory_space<vmem>>, %arg8: memref<64x64xf32, #tpu.memory_space<vmem>>, %arg9: memref<64x1xf32, #tpu.memory_space<vmem>>, %arg10: memref<64x1xf32, #tpu.memory_space<vmem>>, %arg11: memref<64x1xf32, #tpu.memory_space<vmem>>, %arg12: memref<64x64xf32, #tpu.memory_space<vmem>>, %arg13: memref<64x1xf32, #tpu.memory_space<vmem>>, %arg14: memref<64x6xf32, #tpu.memory_space<vmem>>, %arg15: memref<1x6xf32, #tpu.memory_space<vmem>>, %arg16: memref<128x6xf32, #tpu.memory_space<vmem>>) attributes {dimension_semantics = [], scalar_prefetch = 0 : i64, scratch_operands = 0 : i64, tpu.core_type = #tpu.core_type<tc>} {
    %get3A = arith.constant 0 : index
    %get3A_0 = arith.constant 0 : index
    %get3A_1 = vector.load %arg1[%get3A, %get3A_0] : memref<8x128xf32, #tpu.memory_space<vmem>>, vector<1x128xf32>
    %max3A = arith.constant 1.000000e+00 : f32
    %max3A_2 = vector.broadcast %max3A : f32 to vector<1x128xf32>
    %max3A_3 = arith.maximumf %get3A_1, %max3A_2 : vector<1x128xf32>
    %get3A_4 = arith.constant 0 : index
    %get3A_5 = arith.constant 0 : index
    %get3A_6 = vector.load %arg0[%get3A_4, %get3A_5] : memref<64x128xf32, #tpu.memory_space<vmem>>, vector<64x128xf32>
    %div3A = vector.broadcast %max3A_3 : vector<1x128xf32> to vector<64x128xf32>
    %div3A_7 = arith.divf %get3A_6, %div3A : vector<64x128xf32>
    %get3A_8 = arith.constant 0 : index
    %get3A_9 = arith.constant 0 : index
    %get3A_10 = vector.load %arg2[%get3A_8, %get3A_9] : memref<64x1xf32, #tpu.memory_space<vmem>>, vector<64x1xf32>
    %get3A_11 = arith.constant 0 : index
    %get3A_12 = arith.constant 0 : index
    %get3A_13 = vector.load %arg3[%get3A_11, %get3A_12] : memref<64x1xf32, #tpu.memory_space<vmem>>, vector<64x1xf32>
    %reduce_sum3A = arith.constant dense<0.000000e+00> : vector<64xf32>
    %reduce_sum3A_14 = vector.multi_reduction <add>, %div3A_7, %reduce_sum3A [1] : vector<64x128xf32> to vector<64xf32>
    %broadcast_in_dim3A = vector.shape_cast %reduce_sum3A_14 : vector<64xf32> to vector<64x1xf32>
    %div3A_15 = arith.constant 1.280000e+02 : f32
    %div3A_16 = vector.broadcast %div3A_15 : f32 to vector<64x1xf32>
    %div3A_17 = arith.divf %broadcast_in_dim3A, %div3A_16 : vector<64x1xf32>
    %sub3A = vector.broadcast %div3A_17 : vector<64x1xf32> to vector<64x128xf32>
    %sub3A_18 = arith.subf %div3A_7, %sub3A : vector<64x128xf32>
    %integer_pow3A = arith.mulf %sub3A_18, %sub3A_18 : vector<64x128xf32>
    %reduce_sum3A_19 = arith.constant dense<0.000000e+00> : vector<64xf32>
    %reduce_sum3A_20 = vector.multi_reduction <add>, %integer_pow3A, %reduce_sum3A_19 [1] : vector<64x128xf32> to vector<64xf32>
    %broadcast_in_dim3A_21 = vector.shape_cast %reduce_sum3A_20 : vector<64xf32> to vector<64x1xf32>
    %div3A_22 = arith.constant 1.280000e+02 : f32
    %div3A_23 = vector.broadcast %div3A_22 : f32 to vector<64x1xf32>
    %div3A_24 = arith.divf %broadcast_in_dim3A_21, %div3A_23 : vector<64x1xf32>
    %sub3A_25 = vector.broadcast %div3A_17 : vector<64x1xf32> to vector<64x128xf32>
    %sub3A_26 = arith.subf %div3A_7, %sub3A_25 : vector<64x128xf32>
    %mul3A = vector.broadcast %get3A_10 : vector<64x1xf32> to vector<64x128xf32>
    %mul3A_27 = arith.mulf %mul3A, %sub3A_26 : vector<64x128xf32>
    %add3A = arith.constant 9.99999974E-6 : f32
    %add3A_28 = vector.broadcast %add3A : f32 to vector<64x1xf32>
    %add3A_29 = arith.addf %div3A_24, %add3A_28 : vector<64x1xf32>
    %rsqrt3A = math.rsqrt %add3A_29 : vector<64x1xf32>
    %mul3A_30 = vector.broadcast %rsqrt3A : vector<64x1xf32> to vector<64x128xf32>
    %mul3A_31 = arith.mulf %mul3A_27, %mul3A_30 : vector<64x128xf32>
    %add3A_32 = vector.broadcast %get3A_13 : vector<64x1xf32> to vector<64x128xf32>
    %add3A_33 = arith.addf %mul3A_31, %add3A_32 : vector<64x128xf32>
    %get3A_34 = arith.constant 0 : index
    %get3A_35 = arith.constant 0 : index
    %get3A_36 = vector.load %arg4[%get3A_34, %get3A_35] : memref<64x64xf32, #tpu.memory_space<vmem>>, vector<64x64xf32>
    %dot_general3A = arith.constant dense<0.000000e+00> : vector<64x128xf32>
    %dot_general3A_37 = tpu.matmul %get3A_36, %add3A_33, %dot_general3A {dimension_numbers = #tpu.dot_dimension_numbers<[0], [0], [1], [1], [0, 1, 1, 1], [], []>, transpose_lhs_hint = false} : vector<64x64xf32>, vector<64x128xf32>, vector<64x128xf32> -> vector<64x128xf32>
    %get3A_38 = arith.constant 0 : index
    %get3A_39 = arith.constant 0 : index
    %get3A_40 = vector.load %arg5[%get3A_38, %get3A_39] : memref<64x1xf32, #tpu.memory_space<vmem>>, vector<64x1xf32>
    %add3A_41 = vector.broadcast %get3A_40 : vector<64x1xf32> to vector<64x128xf32>
    %add3A_42 = arith.addf %dot_general3A_37, %add3A_41 : vector<64x128xf32>
    %gt3A = arith.constant 0.000000e+00 : f32
    %gt3A_43 = vector.broadcast %gt3A : f32 to vector<64x128xf32>
    %gt3A_44 = arith.cmpf ogt, %add3A_42, %gt3A_43 : vector<64x128xf32>
    %mul3A_45 = arith.constant 1.000000e-01 : f32
    %mul3A_46 = vector.broadcast %mul3A_45 : f32 to vector<64x128xf32>
    %mul3A_47 = arith.mulf %mul3A_46, %add3A_42 : vector<64x128xf32>
    %select_n3A = arith.select %gt3A_44, %add3A_42, %mul3A_47 : vector<64x128xi1>, vector<64x128xf32>
    %get3A_48 = arith.constant 0 : index
    %get3A_49 = arith.constant 0 : index
    %get3A_50 = vector.load %arg6[%get3A_48, %get3A_49] : memref<64x1xf32, #tpu.memory_space<vmem>>, vector<64x1xf32>
    %get3A_51 = arith.constant 0 : index
    %get3A_52 = arith.constant 0 : index
    %get3A_53 = vector.load %arg7[%get3A_51, %get3A_52] : memref<64x1xf32, #tpu.memory_space<vmem>>, vector<64x1xf32>
    %reduce_sum3A_54 = arith.constant dense<0.000000e+00> : vector<64xf32>
    %reduce_sum3A_55 = vector.multi_reduction <add>, %select_n3A, %reduce_sum3A_54 [1] : vector<64x128xf32> to vector<64xf32>
    %broadcast_in_dim3A_56 = vector.shape_cast %reduce_sum3A_55 : vector<64xf32> to vector<64x1xf32>
    %div3A_57 = arith.constant 1.280000e+02 : f32
    %div3A_58 = vector.broadcast %div3A_57 : f32 to vector<64x1xf32>
    %div3A_59 = arith.divf %broadcast_in_dim3A_56, %div3A_58 : vector<64x1xf32>
    %sub3A_60 = vector.broadcast %div3A_59 : vector<64x1xf32> to vector<64x128xf32>
    %sub3A_61 = arith.subf %select_n3A, %sub3A_60 : vector<64x128xf32>
    %integer_pow3A_62 = arith.mulf %sub3A_61, %sub3A_61 : vector<64x128xf32>
    %reduce_sum3A_63 = arith.constant dense<0.000000e+00> : vector<64xf32>
    %reduce_sum3A_64 = vector.multi_reduction <add>, %integer_pow3A_62, %reduce_sum3A_63 [1] : vector<64x128xf32> to vector<64xf32>
    %broadcast_in_dim3A_65 = vector.shape_cast %reduce_sum3A_64 : vector<64xf32> to vector<64x1xf32>
    %div3A_66 = arith.constant 1.280000e+02 : f32
    %div3A_67 = vector.broadcast %div3A_66 : f32 to vector<64x1xf32>
    %div3A_68 = arith.divf %broadcast_in_dim3A_65, %div3A_67 : vector<64x1xf32>
    %sub3A_69 = vector.broadcast %div3A_59 : vector<64x1xf32> to vector<64x128xf32>
    %sub3A_70 = arith.subf %select_n3A, %sub3A_69 : vector<64x128xf32>
    %mul3A_71 = vector.broadcast %get3A_50 : vector<64x1xf32> to vector<64x128xf32>
    %mul3A_72 = arith.mulf %mul3A_71, %sub3A_70 : vector<64x128xf32>
    %add3A_73 = arith.constant 9.99999974E-6 : f32
    %add3A_74 = vector.broadcast %add3A_73 : f32 to vector<64x1xf32>
    %add3A_75 = arith.addf %div3A_68, %add3A_74 : vector<64x1xf32>
    %rsqrt3A_76 = math.rsqrt %add3A_75 : vector<64x1xf32>
    %mul3A_77 = vector.broadcast %rsqrt3A_76 : vector<64x1xf32> to vector<64x128xf32>
    %mul3A_78 = arith.mulf %mul3A_72, %mul3A_77 : vector<64x128xf32>
    %add3A_79 = vector.broadcast %get3A_53 : vector<64x1xf32> to vector<64x128xf32>
    %add3A_80 = arith.addf %mul3A_78, %add3A_79 : vector<64x128xf32>
    %get3A_81 = arith.constant 0 : index
    %get3A_82 = arith.constant 0 : index
    %get3A_83 = vector.load %arg8[%get3A_81, %get3A_82] : memref<64x64xf32, #tpu.memory_space<vmem>>, vector<64x64xf32>
    %dot_general3A_84 = arith.constant dense<0.000000e+00> : vector<64x128xf32>
    %dot_general3A_85 = tpu.matmul %get3A_83, %add3A_80, %dot_general3A_84 {dimension_numbers = #tpu.dot_dimension_numbers<[0], [0], [1], [1], [0, 1, 1, 1], [], []>, transpose_lhs_hint = false} : vector<64x64xf32>, vector<64x128xf32>, vector<64x128xf32> -> vector<64x128xf32>
    %get3A_86 = arith.constant 0 : index
    %get3A_87 = arith.constant 0 : index
    %get3A_88 = vector.load %arg9[%get3A_86, %get3A_87] : memref<64x1xf32, #tpu.memory_space<vmem>>, vector<64x1xf32>
    %add3A_89 = vector.broadcast %get3A_88 : vector<64x1xf32> to vector<64x128xf32>
    %add3A_90 = arith.addf %dot_general3A_85, %add3A_89 : vector<64x128xf32>
    %gt3A_91 = arith.constant 0.000000e+00 : f32
    %gt3A_92 = vector.broadcast %gt3A_91 : f32 to vector<64x128xf32>
    %gt3A_93 = arith.cmpf ogt, %add3A_90, %gt3A_92 : vector<64x128xf32>
    %mul3A_94 = arith.constant 1.000000e-01 : f32
    %mul3A_95 = vector.broadcast %mul3A_94 : f32 to vector<64x128xf32>
    %mul3A_96 = arith.mulf %mul3A_95, %add3A_90 : vector<64x128xf32>
    %select_n3A_97 = arith.select %gt3A_93, %add3A_90, %mul3A_96 : vector<64x128xi1>, vector<64x128xf32>
    %get3A_98 = arith.constant 0 : index
    %get3A_99 = arith.constant 0 : index
    %get3A_100 = vector.load %arg10[%get3A_98, %get3A_99] : memref<64x1xf32, #tpu.memory_space<vmem>>, vector<64x1xf32>
    %get3A_101 = arith.constant 0 : index
    %get3A_102 = arith.constant 0 : index
    %get3A_103 = vector.load %arg11[%get3A_101, %get3A_102] : memref<64x1xf32, #tpu.memory_space<vmem>>, vector<64x1xf32>
    %reduce_sum3A_104 = arith.constant dense<0.000000e+00> : vector<64xf32>
    %reduce_sum3A_105 = vector.multi_reduction <add>, %select_n3A_97, %reduce_sum3A_104 [1] : vector<64x128xf32> to vector<64xf32>
    %broadcast_in_dim3A_106 = vector.shape_cast %reduce_sum3A_105 : vector<64xf32> to vector<64x1xf32>
    %div3A_107 = arith.constant 1.280000e+02 : f32
    %div3A_108 = vector.broadcast %div3A_107 : f32 to vector<64x1xf32>
    %div3A_109 = arith.divf %broadcast_in_dim3A_106, %div3A_108 : vector<64x1xf32>
    %sub3A_110 = vector.broadcast %div3A_109 : vector<64x1xf32> to vector<64x128xf32>
    %sub3A_111 = arith.subf %select_n3A_97, %sub3A_110 : vector<64x128xf32>
    %integer_pow3A_112 = arith.mulf %sub3A_111, %sub3A_111 : vector<64x128xf32>
    %reduce_sum3A_113 = arith.constant dense<0.000000e+00> : vector<64xf32>
    %reduce_sum3A_114 = vector.multi_reduction <add>, %integer_pow3A_112, %reduce_sum3A_113 [1] : vector<64x128xf32> to vector<64xf32>
    %broadcast_in_dim3A_115 = vector.shape_cast %reduce_sum3A_114 : vector<64xf32> to vector<64x1xf32>
    %div3A_116 = arith.constant 1.280000e+02 : f32
    %div3A_117 = vector.broadcast %div3A_116 : f32 to vector<64x1xf32>
    %div3A_118 = arith.divf %broadcast_in_dim3A_115, %div3A_117 : vector<64x1xf32>
    %sub3A_119 = vector.broadcast %div3A_109 : vector<64x1xf32> to vector<64x128xf32>
    %sub3A_120 = arith.subf %select_n3A_97, %sub3A_119 : vector<64x128xf32>
    %mul3A_121 = vector.broadcast %get3A_100 : vector<64x1xf32> to vector<64x128xf32>
    %mul3A_122 = arith.mulf %mul3A_121, %sub3A_120 : vector<64x128xf32>
    %add3A_123 = arith.constant 9.99999974E-6 : f32
    %add3A_124 = vector.broadcast %add3A_123 : f32 to vector<64x1xf32>
    %add3A_125 = arith.addf %div3A_118, %add3A_124 : vector<64x1xf32>
    %rsqrt3A_126 = math.rsqrt %add3A_125 : vector<64x1xf32>
    %mul3A_127 = vector.broadcast %rsqrt3A_126 : vector<64x1xf32> to vector<64x128xf32>
    %mul3A_128 = arith.mulf %mul3A_122, %mul3A_127 : vector<64x128xf32>
    %add3A_129 = vector.broadcast %get3A_103 : vector<64x1xf32> to vector<64x128xf32>
    %add3A_130 = arith.addf %mul3A_128, %add3A_129 : vector<64x128xf32>
    %get3A_131 = arith.constant 0 : index
    %get3A_132 = arith.constant 0 : index
    %get3A_133 = vector.load %arg12[%get3A_131, %get3A_132] : memref<64x64xf32, #tpu.memory_space<vmem>>, vector<64x64xf32>
    %dot_general3A_134 = arith.constant dense<0.000000e+00> : vector<64x128xf32>
    %dot_general3A_135 = tpu.matmul %get3A_133, %add3A_130, %dot_general3A_134 {dimension_numbers = #tpu.dot_dimension_numbers<[0], [0], [1], [1], [0, 1, 1, 1], [], []>, transpose_lhs_hint = false} : vector<64x64xf32>, vector<64x128xf32>, vector<64x128xf32> -> vector<64x128xf32>
    %get3A_136 = arith.constant 0 : index
    %get3A_137 = arith.constant 0 : index
    %get3A_138 = vector.load %arg13[%get3A_136, %get3A_137] : memref<64x1xf32, #tpu.memory_space<vmem>>, vector<64x1xf32>
    %add3A_139 = vector.broadcast %get3A_138 : vector<64x1xf32> to vector<64x128xf32>
    %add3A_140 = arith.addf %dot_general3A_135, %add3A_139 : vector<64x128xf32>
    %get3A_141 = arith.constant 0 : index
    %get3A_142 = arith.constant 0 : index
    %get3A_143 = vector.load %arg14[%get3A_141, %get3A_142] : memref<64x6xf32, #tpu.memory_space<vmem>>, vector<64x6xf32>
    %dot_general3A_144 = arith.constant dense<0.000000e+00> : vector<128x6xf32>
    %dot_general3A_145 = tpu.matmul %add3A_140, %get3A_143, %dot_general3A_144 {dimension_numbers = #tpu.dot_dimension_numbers<[0], [0], [1], [1], [0, 1, 1, 1], [], []>, transpose_lhs_hint = false} : vector<64x128xf32>, vector<64x6xf32>, vector<128x6xf32> -> vector<128x6xf32>
    %get3A_146 = arith.constant 0 : index
    %get3A_147 = arith.constant 0 : index
    %get3A_148 = vector.load %arg15[%get3A_146, %get3A_147] : memref<1x6xf32, #tpu.memory_space<vmem>>, vector<1x6xf32>
    %add3A_149 = vector.broadcast %get3A_148 : vector<1x6xf32> to vector<128x6xf32>
    %add3A_150 = arith.addf %dot_general3A_145, %add3A_149 : vector<128x6xf32>
    %reduce_max3A = arith.constant dense<0xFF800000> : vector<128xf32>
    %reduce_max3A_151 = vector.multi_reduction <maximumf>, %add3A_150, %reduce_max3A [1] : vector<128x6xf32> to vector<128xf32>
    %broadcast_in_dim3A_152 = vector.shape_cast %reduce_max3A_151 : vector<128xf32> to vector<128x1xf32>
    %sub3A_153 = vector.broadcast %broadcast_in_dim3A_152 : vector<128x1xf32> to vector<128x6xf32>
    %sub3A_154 = arith.subf %add3A_150, %sub3A_153 : vector<128x6xf32>
    %exp3A = math.exp %sub3A_154 : vector<128x6xf32>
    %reduce_sum3A_155 = arith.constant dense<0.000000e+00> : vector<128xf32>
    %reduce_sum3A_156 = vector.multi_reduction <add>, %exp3A, %reduce_sum3A_155 [1] : vector<128x6xf32> to vector<128xf32>
    %broadcast_in_dim3A_157 = vector.shape_cast %reduce_sum3A_156 : vector<128xf32> to vector<128x1xf32>
    %div3A_158 = vector.broadcast %broadcast_in_dim3A_157 : vector<128x1xf32> to vector<128x6xf32>
    %div3A_159 = arith.divf %exp3A, %div3A_158 : vector<128x6xf32>
    %swap3A = arith.constant 0 : index
    %swap3A_160 = arith.constant 0 : index
    %swap3A_161 = vector.load %arg16[%swap3A, %swap3A_160] : memref<128x6xf32, #tpu.memory_space<vmem>>, vector<128x6xf32>
    tpu.vector_store %arg16[%swap3A, %swap3A_160], %div3A_159 {strides = array<i32>} : memref<128x6xf32, #tpu.memory_space<vmem>>, vector<128x6xf32>,
    return
  }
}

</mosaic_0001>

<sc_bundles>
// kernel: kernel.17.cloned.1.call-start
scs
__scs_entry_jumppad:
0x0: {  	(pc) =	sbr.rel $0x88, $3  }
0x1: {  	(tag) =	ssettag $0x0;
	lr =	simm.s32 $0x1  }
0x2: {  	[smem:$0x3F6B] =	sst lr;
	_ =	strace $0xD0000000  }
0x3: {  	_ = 	snop  }
0x4: {  	_ = 	snop  }
0x5: {  	_ = 	snop  }
0x6: {  	_ = 	snop  }
0x7: {  	_ = 	snop  }
__scs_overlays_trampoline_lowered:
0x8: {  	[smem:$0x3F7A] =	sst s0  }
0x9: {  	[smem:$0x3F7B] =	sst s1  }
0xa: {  	[smem:$0x3F7C] =	sst s2  }
0xb: {  	[smem:$0x3F7D] =	sst s3  }
0xc: {  	[smem:$0x3F7E] =	sst s4  }
0xd: {  	[smem:$0x3F7F] =	sst s5  }
0xe: {  	[smem:$0x3F80] =	sst s6  }
0xf: {  	[smem:$0x3F81] =	sst s7  }
0x10: {  	[smem:$0x3F82] =	sst s8  }
0x11: {  	[smem:$0x3F83] =	sst s9;
	s0 =	simm.s32 @!p0 $0x0  }
0x12: {  	s1 =	sld [smem:$0x3F69];
	s0 =	simm.s32 @p0 $0x1  }
0x13: {  	[smem:$0x3F84] =	sst s0;
	s0 =	simm.s32 @!p1 $0x0  }
0x14: {  	s2 =	sld [smem:$0x3F68];
	s0 =	simm.s32 @p1 $0x1  }
0x15: {  	[smem:$0x3F85] =	sst s0;
	s0 =	simm.s32 @!p2 $0x0  }
0x16: {  	s3 =	sld [smem:$0x3FDB];
	s0 =	simm.s32 @p2 $0x1  }
0x17: {  	s4 =	simm.s32 $0x1BF5;
	[smem:$0x3F87] =	sst s0  }
0x18: {  	s0 =	sld [smem:$0x3F6A];
	_ =	swait.ge [sflag:s4], $0x0  }
0x19: {  	s7 =	sld [smem:$0x3F6B]  }
0x1a: {  	s8 =	sadd.s32 $0xFFFFE003, lr  }
0x1b: {  	s9 =	sadd.s32 $0xFFFFFEF7, lr;
	s5 =	simm.s32 $0xFFFFFFFF;
	p2 =	slt.u32 s8, $0xFFFFF086  }
0x1c: {  	p1 =	slt.u32 s9, $0xF7A;
	s5 =	simm.s32 @!p2 $0x0  }
0x1d: {  	s5 =	simm.s32 @p1 $0x1;
	p0 =	seq.s32 s7, s2  }
0x1e: {  	s7 =	smul.u32 @!p0 $0xF7A, s2;
	p2 =	seq.s32 @!p0 s5, $0x0  }
0x1f: {  	s9 =	smul.u32 $0xF7A, s1;
	s8 =	simm.s32 @!p0 $0x1BF5;
	p2 =	por !p2, p0  }
0x20: {  	[sflag:s8] =	ssyncset.s32 @!p0 $0xFFFFF086;
	s6 =	sadd.s32 @!p0 s3, s7;
	s7 =	simm.s32 @!p0 $0x108  }
0x21: {  	s3 =	sadd.s32 s3, s9;
	s6 =	sadd.s32 @!p0 $0x88, s6;
	s7 =	simm.s32 @p2 $0x1082  }
0x22: {  	[simem:s7], [sflag:s8] =	dma.local @!p0 [hbm:s6], $0xF7A  }
0x23: {  	s9 =	sor.u32 $0xD0000000, s2;
	s6 =	simm.s32 $0x108;
	_ =	swait.ge @!p0 [sflag:s8], $0x0  }
0x24: {  	s3 =	sadd.s32 $0x88, s3;
	s6 =	simm.s32 @!p1 $0x1082;
	[sflag:s4] =	ssyncset.s32 $0xFFFFF086  }
0x25: {  	[simem:s6], [sflag:s4] =	dma.local [hbm:s3], $0xF7A  }
0x26: {  	[smem:$0x3F6B] =	sst s1;
	(tag) =	ssettag s2;
	_ =	strace s9  }
0x27: {  	s1 =	sld [smem:$0x3F7B]  }
0x28: {  	s2 =	sld [smem:$0x3F7C]  }
0x29: {  	s4 =	sld [smem:$0x3F7E]  }
0x2a: {  	p0 =	seq.s32 s5, $0x0;
	s5 =	sld [smem:$0x3F7F]  }
0x2b: {  	s6 =	sld [smem:$0x3F80]  }
0x2c: {  	s7 =	sld [smem:$0x3F81]  }
0x2d: {  	s3 =	simm.s32 $0x108;
	s8 =	sld [smem:$0x3F82]  }
0x2e: {  	s3 =	simm.s32 @!p0 $0x1082;
	s9 =	sld [smem:$0x3F83]  }
0x2f: {  	lr =	sadd.s32 s0, s3;
	s0 =	sld [smem:$0x3F7A]  }
0x30: {  	s3 =	sld [smem:$0x3F7D]  }
0x31: {  	[smem:$0x3F86] =	sst s10  }
0x32: {  	s10 =	sld [smem:$0x3F84];
	_ =	sdelay $0x3  }
0x33: {  	p0 =	seq.s32 s10, $0x1;
	s10 =	sld [smem:$0x3F86];
	_ =	sdelay $0x3  }
0x34: {  	[smem:$0x3F86] =	sst s10  }
0x35: {  	s10 =	sld [smem:$0x3F85];
	_ =	sdelay $0x3  }
0x36: {  	p1 =	seq.s32 s10, $0x1;
	s10 =	sld [smem:$0x3F86];
	_ =	sdelay $0x3  }
0x37: {  	[smem:$0x3F86] =	sst s10  }
0x38: {  	s10 =	sld [smem:$0x3F87]  }
0x39: {  	_ = 	snop;
	(pc) =	sbr.ind lr, $3  }
0x3a: {  	_ = 	snop  }
0x3b: {  	_ = 	snop  }
0x3c: {  	p2 =	seq.s32 s10, $0x1;
	s10 =	sld [smem:$0x3F86]  }
0x3d: {  	_ =	shalt  }
0x3e: {  	_ =	shalt  }
0x3f: {  	_ =	shalt  }
0x40: {  	_ =	shalt  }
0x41: {  	_ =	shalt  }
0x42: {  	_ =	shalt  }
0x43: {  	_ =	shalt  }
0x44: {  	_ =	shalt  }
0x45: {  	_ =	shalt  }
0x46: {  	_ =	shalt  }
0x47: {  	_ =	shalt  }
0x48: {  	_ =	shalt  }
0x49: {  	_ =	shalt  }
0x4a: {  	_ =	shalt  }
0x4b: {  	_ =	shalt  }
0x4c: {  	_ =	shalt  }
0x4d: {  	_ =	shalt  }
0x4e: {  	_ =	shalt  }
0x4f: {  	_ =	shalt  }
0x50: {  	_ =	shalt  }
0x51: {  	_ =	shalt  }
0x52: {  	_ =	shalt  }
0x53: {  	_ =	shalt  }
0x54: {  	_ =	shalt  }
0x55: {  	_ =	shalt  }
0x56: {  	_ =	shalt  }
0x57: {  	_ =	shalt  }
0x58: {  	_ =	shalt  }
0x59: {  	_ =	shalt  }
0x5a: {  	_ =	shalt  }
0x5b: {  	_ =	shalt  }
0x5c: {  	_ =	shalt  }
0x5d: {  	_ =	shalt  }
0x5e: {  	_ =	shalt  }
0x5f: {  	_ =	shalt  }
0x60: {  	_ =	shalt  }
0x61: {  	_ =	shalt  }
0x62: {  	_ =	shalt  }
0x63: {  	_ =	shalt  }
0x64: {  	_ =	shalt  }
0x65: {  	_ =	shalt  }
0x66: {  	_ =	shalt  }
0x67: {  	_ =	shalt  }
0x68: {  	_ =	shalt  }
0x69: {  	_ =	shalt  }
0x6a: {  	_ =	shalt  }
0x6b: {  	_ =	shalt  }
0x6c: {  	_ =	shalt  }
0x6d: {  	_ =	shalt  }
0x6e: {  	_ =	shalt  }
0x6f: {  	_ =	shalt  }
0x70: {  	_ =	shalt  }
0x71: {  	_ =	shalt  }
0x72: {  	_ =	shalt  }
0x73: {  	_ =	shalt  }
0x74: {  	_ =	shalt  }
0x75: {  	_ =	shalt  }
0x76: {  	_ =	shalt  }
0x77: {  	_ =	shalt  }
0x78: {  	_ =	shalt  }
0x79: {  	_ =	shalt  }
0x7a: {  	_ =	shalt  }
0x7b: {  	_ =	shalt  }
0x7c: {  	_ =	shalt  }
0x7d: {  	_ =	shalt  }
0x7e: {  	_ =	shalt  }
0x7f: {  	_ =	shalt  }
0x80: {  	_ =	shalt  }
0x81: {  	_ =	shalt  }
0x82: {  	_ =	shalt  }
0x83: {  	_ =	shalt  }
0x84: {  	_ =	shalt  }
0x85: {  	_ =	shalt  }
0x86: {  	_ =	shalt  }
0x87: {  	_ =	shalt  }
.Lfunc_end0:
.L_simem_size_0:
called_computation_lowered:
.L_overlay_start_0:
0x88: {  	s2 =	sld [smem:$0x3FD9]  }
0x89: {  	s3 =	sld [smem:$0x3FFE];
	_ =	sdelay $0x1  }
0x8a: {  	s1 =	srdreg.scid  }
0x8b: {  	s0 =	sand.u32 $0x1, s1  }
0x8c: {  	s16 =	sshll.u32 s0, $0xA;
	s2 =	sadd.s32 s3, s2  }
0x8d: {  	s2 =	sadd.s32 s2, s16  }
0x8e: {  	[smem:$0x3F92] =	sst s2  }
0x8f: {  	_ = 	snop  }
0x90: {  	(tm) =	ssettm $0x1  }
0x91: {  	s17 =	sld [smem:$0x3FFB];
	_ =	sdelay $0x3  }
0x92: {  	_ =	strace s17  }
0x93: {  	s2 =	sld [smem:$0x3FFC];
	_ =	sdelay $0x3  }
0x94: {  	_ =	strace s2  }
0x95: {  	s2 =	sld [smem:$0x3FFD];
	_ =	sdelay $0x3  }
0x96: {  	_ =	strace s2  }
0x97: {  	_ =	strace $0x8FFFFFFF  }
0x98: {  	s18 =	sld [smem:$0x3FDB];
	_ =	sdelay $0x1  }
0x99: {  	s19 =	simm.s32 $_scs_section_size  }
0x9a: {  	s4 =	simm.s32 $_size__tile_overlayer_lowered;
	s5 =	simm.s32 $_tile_overlayer_lowered  }
0x9b: {  	s22 =	simm.s32 $0x1BFF;
	s21 =	sshll.u32 s5, $0x1;
	s2 =	sadd.s32 s19, s18  }
0x9c: {  	s6 =	simm.s32 $0x0;
	s20 =	sshll.u32 s4, $0x1;
	s4 =	sadd.s32 s21, s2  }
0x9d: {  	[timem:s6], [sflag:s22] =	dma.local [hbm:s4], s20  }
0x9e: {  	_ =	swait.ge [sflag:s22], s20  }
0x9f: {  	s3 =	ssub.s32 $0x0, s20;
	[sflag:s22] =	ssyncset.done $0x0  }
0xa0: {  	[sflag:s22] =	ssyncadd.s32 s3;
	_ =	sdelay $0x1  }
0xa1: {  	s23 =	simm.s32 $0x1B8B  }
0xa2: {  	_ =	swait.ge [sflag:s23], $0x1  }
0xa3: {  	[sflag:s23] =	ssyncset.done $0x0  }
0xa4: {  	s25 =	simm.s32 $0x1B8E;
	s24 =	sld [smem:$0x3FFE];
	[sflag:s23] =	ssyncadd.s32 $0xFFFFFFFF  }
0xa5: {  	s26 =	simm.s32 $execute0_lowered;
	[smem:$0x3FD2] =	sst s25  }
0xa6: {  	s4 =	sshll.u32 s26, $0x1;
	_ =	strace $0x80000046;
	[dreg:$0x1] =	wrdreg $0xFFFFFFFF  }
0xa7: {  	s28 =	simm.s32 $_size_execute0_lowered;
	s2 =	sadd.s32 s2, s4;
	[dreg:$0x0] =	wrdreg $0x0  }
0xa8: {  	s4 =	sshll.u32 s28, $0x1;
	[dreg:$0x2] =	wrdreg s2  }
0xa9: {  	[dreg:$0x3] =	wrdreg s4  }
0xaa: {  	[dreg:$0x4] =	wrdreg $0xC0  }
0xab: {  	_ =	task [dreg:s6], $0x5FFFF  }
0xac: {  	[dreg:$0x1] =	wrdreg $0xFFFFFFFF  }
0xad: {  	[dreg:$0x0] =	wrdreg $0x60  }
0xae: {  	[dreg:$0x2] =	wrdreg s24  }
0xaf: {  	[dreg:$0x3] =	wrdreg $0x1BE00  }
0xb0: {  	[dreg:$0x4] =	wrdreg $0x28200  }
0xb1: {  	[dreg:$0x5] =	wrdreg $0x9  }
0xb2: {  	_ =	task.clear_ibuf [dreg:s6], $0x6FFFF;
	_ =	strace $0x90000046  }
0xb3: {  	s29 =	simm.s32 $0x9;
	_ =	strace $0x80000048  }
0xb4: {  	_ =	swait.ge [sflag:s29], $0x1  }
0xb5: {  	[sflag:s29] =	ssyncadd.s32 $0xFFFFFFFF  }
0xb6: {  	_ =	strace $0x90000048  }
0xb7: {  	_ =	sfence  }
0xb8: {  	s30 =	sld [smem:$0x0];
	_ =	sdelay $0x2  }
0xb9: {  	s31 =	sshll.u32 s1, $0xD;
	s1 =	sshrl.u32 s1, $0x2  }
0xba: {  	s3 =	sand.u32 $0x4000, s31;
	s1 =	sadd.s32 s1, s30  }
0xbb: {  	s0 =	sor.u32 s3, s0;
	s1 =	sshll.u32 s1, $0x11  }
0xbc: {  	s0 =	sor.u32 s1, s0  }
0xbd: {  	s0 =	sadd.s32 $0x8F2B, s0  }
0xbe: {  	[sflag:s0] =	ssyncadd.remote.s32 $0x1  }
0xbf: {  	_ =	sfence.sel $0xFFFF  }
0xc0: {  	[dreg:$0x0] =	wrdreg $0xFFFFFFFF;
	(pc) =	sbr.abs _section_cstart, $3  }
0xc1: {  	[dreg:$0x1] =	wrdreg $0xFFFFFFFF  }
0xc2: {  	_ =	task.clear_ibuf [dreg:s6], $0x2FFFF;
	_ =	strace $0x9FFFFFFF  }
0xc3: {  	(tm) =	ssettm $0x7FFFFFFF  }
tec
execute0_lowered:
.L_overlay_start_1:
0x0: {  	(tag) =	ssettag $0x1  }
0x1: {  	s7 =	rddreg [dreg:$0x0]  }
0x2: {  	s1 =	srdreg.scid;
	s2 =	rddreg [dreg:$0x1]  }
0x3: {  	s0 =	stileid.u32;
	s3 =	rddreg [dreg:$0x2];
	s4 =	simm.s32 $0x0  }
0x4: {  	s14 =	simm.s32 $0xFA0;
	s15 =	simm.s32 $0x1;
	s5 =	smul.u32 $0x186A0, s0  }
0x5: {  	s16 =	simm.s32 $0x7D0;
	s6 =	sand.u32 $0x1, s1;
	s9 =	smul.u32 $0xC40, s0  }
0x6: {  	s17 =	simm.s32 $0x0;
	[smem:$0x7FF] =	sst s4;
	s8 =	smul.u32 $0xC350, s6  }
0x7: {  	s1 =	rddreg [dreg:$0x3];
	s30 =	smul.u32 $0xC400, s6;
	_ =	strace $0x80000047  }
0x8: {  	s10 =	ssub.s32 $0x2, s6;
	s6 =	sadd.s32 $0x6F000, s7;
	s5 =	sadd.s32 s8, s5  }
0x9: {  	s31 =	sshrl.u32 s10, $0x1;
	s8 =	sadd.s32 s9, s30;
	s5 =	sshrl.u32 s5, $0x3  }
0xa: {  	s12 =	ssub.s32 s10, s31;
	s8 =	sshrl.u32 s8, $0x3;
	s13 =	sadd.s32 s5, s7  }
0xb: {  	s5 =	sadd.s32 $0x6F200, s7;
	s11 =	sadd.s32 s8, s7;
	s7 =	sadd.s32 s9, s2  }
0xc: {  	s8 =	sadd.s32 s9, s3;
	s9 =	sadd.s32 $0x6F400, s11;
	s10 =	sadd.s32 $0x72600, s11  }
0xd: {  	s11 =	smax.u32 s12, $0x1;
	s12 =	sadd.s32 $0x3E200, s13;
	s13 =	sadd.s32 $0xD400, s13  }
.LBB2_1:
0xe: {  	[tilespmem:s14], [sflag:$0x1] =	stream.linear.gather [hbm4b:s6+s4], $0xC40, $0x38;
	[tilespmem:$0x3460] =	vst v63  }
0xf: {  	_ =	swait.ge [sflag:s15], $0xC40  }
0x10: {  	[sflag:s15] =	ssyncset.done $0x0  }
0x11: {  	[sflag:s15] =	ssyncadd.s32 $0xFFFFF3C0  }
0x12: {  	[spmem:s7] =	stream.linear.scatter [tilespmem:s14], [sflag:$0x1], $0xC40, $0x38;
	[tilespmem:$0x3460] =	vst v63  }
0x13: {  	_ =	swait.ge [sflag:s15], $0xC40  }
0x14: {  	[sflag:s15] =	ssyncset.done $0x0  }
0x15: {  	[sflag:s15] =	ssyncadd.s32 $0xFFFFF3C0  }
0x16: {  	[spmem:s8] =	stream.linear.scatter [tilespmem:s14], [sflag:$0x1], $0xC40, $0x38;
	[tilespmem:$0x3460] =	vst v63  }
0x17: {  	_ =	swait.ge [sflag:s15], $0xC40  }
0x18: {  	[sflag:s15] =	ssyncset.done $0x0  }
0x19: {  	[sflag:s15] =	ssyncadd.s32 $0xFFFFF3C0  }
0x1a: {  	[tilespmem:s16], [sflag:$0x1] =	stream.linear.gather [hbm4b:s5+s4], $0x7D0, $0x38;
	[tilespmem:$0x3460] =	vst v63  }
0x1b: {  	_ =	swait.ge [sflag:s15], $0x7D0  }
0x1c: {  	[sflag:s15] =	ssyncset.done $0x0  }
0x1d: {  	[sflag:s15] =	ssyncadd.s32 $0xFFFFF830  }
0x1e: {  	s18 =	sadd.s32 $0x0, s13;
	[bflag:$0x0] =	sbarrier.arrive $0xFFFF  }
0x1f: {  	[tilespmem:s4], [sflag:$0x1] =	stream.linear.gather [hbm4b:s18+s4], $0x7D0, $0x38;
	[tilespmem:$0x3460] =	vst v63  }
0x20: {  	_ =	swait.ge [sflag:s15], $0x7D0  }
0x21: {  	[sflag:s15] =	ssyncset.done $0x0  }
0x22: {  	[sflag:s15] =	ssyncadd.s32 $0xFFFFF830  }
0x23: {  	[spmem:s2] =	stream.indirect.scatter.add.f32 [tilespmem:s16], [sflag:$0x1], $0x1, s4, s16, $0xb8;
	[tilespmem:$0x3460] =	vst v63  }
0x24: {  	_ =	swait.ge [sflag:s15], $0x7D0  }
0x25: {  	[sflag:s15] =	ssyncset.done $0x0  }
0x26: {  	s31 =	sadd.s32 $0x0, s12;
	[sflag:s15] =	ssyncadd.s32 $0xFFFFF830  }
0x27: {  	[tilespmem:s4], [sflag:$0x1] =	stream.linear.gather [hbm4b:s31+s4], $0x7D0, $0x38;
	[tilespmem:$0x3460] =	vst v63  }
0x28: {  	_ =	swait.ge [sflag:s15], $0x7D0  }
0x29: {  	[sflag:s15] =	ssyncset.done $0x0  }
0x2a: {  	[sflag:s15] =	ssyncadd.s32 $0xFFFFF830  }
0x2b: {  	[spmem:s3] =	stream.indirect.scatter.add.f32 [tilespmem:s16], [sflag:$0x1], $0x1, s4, s16, $0xb8;
	[tilespmem:$0x3460] =	vst v63  }
0x2c: {  	_ =	swait.ge [sflag:s15], $0x7D0  }
0x2d: {  	s19 =	simm.s32 $0x1F4;
	s18 =	simm.s32 $0xFA;
	[sflag:s15] =	ssyncset.done $0x0  }
.LBB2_2:
0x2e: {  	s20 =	sadd.s32 s18, s13  }
0x2f: {  	[sflag:s15] =	ssyncadd.s32 $0xFFFFF830;
	s21 =	smov.u32 s19;
	s22 =	sadd.s32 $0xFA, s19  }
0x30: {  	[tilespmem:s4], [sflag:$0x1] =	stream.linear.gather [hbm4b:s20+s4], $0x7D0, $0x38;
	[tilespmem:$0x3460] =	vst v63  }
0x31: {  	p0 =	sne.s32 s19, $0x1770;
	_ =	swait.ge [sflag:s15], $0x7D0  }
0x32: {  	[sflag:s15] =	ssyncset.done $0x0  }
0x33: {  	[sflag:s15] =	ssyncadd.s32 $0xFFFFF830  }
0x34: {  	[spmem:s2] =	stream.indirect.scatter.add.f32 [tilespmem:s16], [sflag:$0x1], $0x1, s4, s16, $0xb8;
	[tilespmem:$0x3460] =	vst v63  }
0x35: {  	_ =	swait.ge [sflag:s15], $0x7D0  }
0x36: {  	[sflag:s15] =	ssyncset.done $0x0  }
0x37: {  	s19 =	sadd.s32 s18, s12;
	s18 =	smov.u32 s21;
	[sflag:s15] =	ssyncadd.s32 $0xFFFFF830  }
0x38: {  	[tilespmem:s4], [sflag:$0x1] =	stream.linear.gather [hbm4b:s19+s4], $0x7D0, $0x38;
	[tilespmem:$0x3460] =	vst v63  }
0x39: {  	_ =	swait.ge [sflag:s15], $0x7D0  }
.Ltmp0:
0x3a: {  	[sflag:s15] =	ssyncset.done $0x0;
	(pc) =	sbr.rel @p0 .LBB2_2-.Ltmp0, $4  }
0x3b: {  	[sflag:s15] =	ssyncadd.s32 $0xFFFFF830  }
0x3c: {  	[spmem:s3] =	stream.indirect.scatter.add.f32 [tilespmem:s16], [sflag:$0x1], $0x1, s4, s16, $0xb8;
	[tilespmem:$0x3460] =	vst v63  }
0x3d: {  	_ =	swait.ge [sflag:s15], $0x7D0  }
0x3e: {  	s19 =	smov.u32 s22;
	[sflag:s15] =	ssyncset.done $0x0  }
0x3f: {  	s19 =	sadd.s32 s18, s13;
	[sflag:s15] =	ssyncadd.s32 $0xFFFFF830  }
0x40: {  	[tilespmem:s4], [sflag:$0x1] =	stream.linear.gather [hbm4b:s19+s4], $0x7D0, $0x38;
	[tilespmem:$0x3460] =	vst v63  }
0x41: {  	_ =	swait.ge [sflag:s15], $0x7D0  }
0x42: {  	[sflag:s15] =	ssyncset.done $0x0  }
0x43: {  	[sflag:s15] =	ssyncadd.s32 $0xFFFFF830  }
0x44: {  	[spmem:s2] =	stream.indirect.scatter.add.f32 [tilespmem:s16], [sflag:$0x1], $0x1, s4, s16, $0xb8;
	[tilespmem:$0x3460] =	vst v63  }
0x45: {  	_ =	swait.ge [sflag:s15], $0x7D0  }
0x46: {  	[sflag:s15] =	ssyncset.done $0x0  }
0x47: {  	s31 =	sadd.s32 s18, s12;
	[sflag:s15] =	ssyncadd.s32 $0xFFFFF830  }
0x48: {  	[tilespmem:s4], [sflag:$0x1] =	stream.linear.gather [hbm4b:s31+s4], $0x7D0, $0x38;
	[tilespmem:$0x3460] =	vst v63  }
0x49: {  	_ =	swait.ge [sflag:s15], $0x7D0  }
0x4a: {  	[sflag:s15] =	ssyncset.done $0x0  }
0x4b: {  	[sflag:s15] =	ssyncadd.s32 $0xFFFFF830  }
0x4c: {  	[spmem:s3] =	stream.indirect.scatter.add.f32 [tilespmem:s16], [sflag:$0x1], $0x1, s4, s16, $0xb8;
	[tilespmem:$0x3460] =	vst v63  }
0x4d: {  	_ =	swait.ge [sflag:s15], $0x7D0  }
0x4e: {  	[sflag:s15] =	ssyncset.done $0x0  }
0x4f: {  	[sflag:s15] =	ssyncadd.s32 $0xFFFFF830  }
0x50: {  	[bflag:$0x0] =	sbarrier.arrive $0xFFFF  }
0x51: {  	[tilespmem:s14], [sflag:$0x1] =	stream.linear.gather [spmem:s7], $0xC40, $0x38;
	[tilespmem:$0x3460] =	vst v63  }
0x52: {  	_ =	swait.ge [sflag:s15], $0xC40  }
0x53: {  	[sflag:s15] =	ssyncset.done $0x0  }
0x54: {  	[sflag:s15] =	ssyncadd.s32 $0xFFFFF3C0  }
0x55: {  	[hbm4b:s9+s4] =	stream.linear.scatter [tilespmem:s14], [sflag:$0x1], $0xC40, $0x38;
	[tilespmem:$0x3460] =	vst v63  }
0x56: {  	_ =	swait.ge [sflag:s15], $0xC40  }
0x57: {  	[sflag:s15] =	ssyncset.done $0x0  }
0x58: {  	[sflag:s15] =	ssyncadd.s32 $0xFFFFF3C0  }
0x59: {  	[tilespmem:s14], [sflag:$0x1] =	stream.linear.gather [spmem:s8], $0xC40, $0x38;
	[tilespmem:$0x3460] =	vst v63  }
0x5a: {  	s17 =	sadd.s32 $0x1, s17;
	_ =	swait.ge [sflag:s15], $0xC40  }
0x5b: {  	p0 =	sne.s32 s17, s11;
	[sflag:s15] =	ssyncset.done $0x0  }
.Ltmp1:
0x5c: {  	[sflag:s15] =	ssyncadd.s32 $0xFFFFF3C0;
	(pc) =	sbr.rel @p0 .LBB2_1-.Ltmp1, $4  }
0x5d: {  	[hbm4b:s10+s4] =	stream.linear.scatter [tilespmem:s14], [sflag:$0x1], $0xC40, $0x38;
	[tilespmem:$0x3460] =	vst v63  }
0x5e: {  	_ =	swait.ge [sflag:s15], $0xC40  }
0x5f: {  	[sflag:s15] =	ssyncset.done $0x0  }
0x60: {  	[sflag:s15] =	ssyncadd.s32 $0xFFFFF3C0  }
0x61: {  	_ =	sfence.sel $0x180000  }
0x62: {  	[bflag:$0x0] =	sbarrier.arrive $0xFFFF  }
0x63: {  	p0 =	sne.s32 s0, $0x0;
	_ =	strace $0x90000047  }
0x64: {  	s0 =	sadd.s32 @!p0 $0x100000, s1;
	[bflag:$0x2] =	sbarrier.arrive $0xFFFF  }
0x65: {  	[sflag:s0] =	ssyncadd.tile.s32 @!p0 $0x1;
	_ =	shalt  }
.Lfunc_end2:
_tile_overlayer_lowered:
.L_overlay_start_2:
0x66: {  	(tag) =	ssettag $0x2  }
0x67: {  	s0 =	rddreg [dreg:$0x0];
	s2 =	stileid.u32  }
0x68: {  	s1 =	rddreg [dreg:$0x1];
	p0 =	sne.s32 s2, $0x0  }
0x69: {  	s3 =	rddreg [dreg:$0x2];
	[bflag:$0x3] =	sbarrier.arrive $0xFFFF;
	s2 =	simm.s32 @!p0 $0x1C01  }
0x6a: {  	[timem:s3], [sflag:s2] =	dma.local @!p0 [hbm:s0], s1  }
0x6b: {  	s0 =	simm.s32 @!p0 $0x1  }
0x6c: {  	_ =	swait.ge @!p0 [sflag:s0], s1  }
0x6d: {  	s1 =	ssub.s32 @!p0 $0x0, s1;
	[sflag:s0] =	ssyncset.done @!p0 $0x0  }
0x6e: {  	[sflag:s0] =	ssyncadd.s32 @!p0 s1  }
0x6f: {  	[bflag:$0x3] =	sbarrier.arrive $0xFFFF  }
0x70: {  	_ =	shalt  }

// kernel: kernel.20.cloned.1.call-start
scs
__scs_entry_jumppad:
0x0: {  	(pc) =	sbr.rel $0x88, $3  }
0x1: {  	(tag) =	ssettag $0x0;
	lr =	simm.s32 $0x1  }
0x2: {  	[smem:$0x3F6B] =	sst lr;
	_ =	strace $0xD0000000  }
0x3: {  	_ = 	snop  }
0x4: {  	_ = 	snop  }
0x5: {  	_ = 	snop  }
0x6: {  	_ = 	snop  }
0x7: {  	_ = 	snop  }
__scs_overlays_trampoline_lowered:
0x8: {  	[smem:$0x3F7A] =	sst s0  }
0x9: {  	[smem:$0x3F7B] =	sst s1  }
0xa: {  	[smem:$0x3F7C] =	sst s2  }
0xb: {  	[smem:$0x3F7D] =	sst s3  }
0xc: {  	[smem:$0x3F7E] =	sst s4  }
0xd: {  	[smem:$0x3F7F] =	sst s5  }
0xe: {  	[smem:$0x3F80] =	sst s6  }
0xf: {  	[smem:$0x3F81] =	sst s7  }
0x10: {  	[smem:$0x3F82] =	sst s8  }
0x11: {  	[smem:$0x3F83] =	sst s9;
	s0 =	simm.s32 @!p0 $0x0  }
0x12: {  	s1 =	sld [smem:$0x3F69];
	s0 =	simm.s32 @p0 $0x1  }
0x13: {  	[smem:$0x3F84] =	sst s0;
	s0 =	simm.s32 @!p1 $0x0  }
0x14: {  	s2 =	sld [smem:$0x3F68];
	s0 =	simm.s32 @p1 $0x1  }
0x15: {  	[smem:$0x3F85] =	sst s0;
	s0 =	simm.s32 @!p2 $0x0  }
0x16: {  	s3 =	sld [smem:$0x3FDB];
	s0 =	simm.s32 @p2 $0x1  }
0x17: {  	s4 =	simm.s32 $0x1BF5;
	[smem:$0x3F87] =	sst s0  }
0x18: {  	s0 =	sld [smem:$0x3F6A];
	_ =	swait.ge [sflag:s4], $0x0  }
0x19: {  	s7 =	sld [smem:$0x3F6B]  }
0x1a: {  	s8 =	sadd.s32 $0xFFFFE003, lr  }
0x1b: {  	s9 =	sadd.s32 $0xFFFFFEF7, lr;
	s5 =	simm.s32 $0xFFFFFFFF;
	p2 =	slt.u32 s8, $0xFFFFF086  }
0x1c: {  	p1 =	slt.u32 s9, $0xF7A;
	s5 =	simm.s32 @!p2 $0x0  }
0x1d: {  	s5 =	simm.s32 @p1 $0x1;
	p0 =	seq.s32 s7, s2  }
0x1e: {  	s7 =	smul.u32 @!p0 $0xF7A, s2;
	p2 =	seq.s32 @!p0 s5, $0x0  }
0x1f: {  	s9 =	smul.u32 $0xF7A, s1;
	s8 =	simm.s32 @!p0 $0x1BF5;
	p2 =	por !p2, p0  }
0x20: {  	[sflag:s8] =	ssyncset.s32 @!p0 $0xFFFFF086;
	s6 =	sadd.s32 @!p0 s3, s7;
	s7 =	simm.s32 @!p0 $0x108  }
0x21: {  	s3 =	sadd.s32 s3, s9;
	s6 =	sadd.s32 @!p0 $0x88, s6;
	s7 =	simm.s32 @p2 $0x1082  }
0x22: {  	[simem:s7], [sflag:s8] =	dma.local @!p0 [hbm:s6], $0xF7A  }
0x23: {  	s9 =	sor.u32 $0xD0000000, s2;
	s6 =	simm.s32 $0x108;
	_ =	swait.ge @!p0 [sflag:s8], $0x0  }
0x24: {  	s3 =	sadd.s32 $0x88, s3;
	s6 =	simm.s32 @!p1 $0x1082;
	[sflag:s4] =	ssyncset.s32 $0xFFFFF086  }
0x25: {  	[simem:s6], [sflag:s4] =	dma.local [hbm:s3], $0xF7A  }
0x26: {  	[smem:$0x3F6B] =	sst s1;
	(tag) =	ssettag s2;
	_ =	strace s9  }
0x27: {  	s1 =	sld [smem:$0x3F7B]  }
0x28: {  	s2 =	sld [smem:$0x3F7C]  }
0x29: {  	s4 =	sld [smem:$0x3F7E]  }
0x2a: {  	p0 =	seq.s32 s5, $0x0;
	s5 =	sld [smem:$0x3F7F]  }
0x2b: {  	s6 =	sld [smem:$0x3F80]  }
0x2c: {  	s7 =	sld [smem:$0x3F81]  }
0x2d: {  	s3 =	simm.s32 $0x108;
	s8 =	sld [smem:$0x3F82]  }
0x2e: {  	s3 =	simm.s32 @!p0 $0x1082;
	s9 =	sld [smem:$0x3F83]  }
0x2f: {  	lr =	sadd.s32 s0, s3;
	s0 =	sld [smem:$0x3F7A]  }
0x30: {  	s3 =	sld [smem:$0x3F7D]  }
0x31: {  	[smem:$0x3F86] =	sst s10  }
0x32: {  	s10 =	sld [smem:$0x3F84];
	_ =	sdelay $0x3  }
0x33: {  	p0 =	seq.s32 s10, $0x1;
	s10 =	sld [smem:$0x3F86];
	_ =	sdelay $0x3  }
0x34: {  	[smem:$0x3F86] =	sst s10  }
0x35: {  	s10 =	sld [smem:$0x3F85];
	_ =	sdelay $0x3  }
0x36: {  	p1 =	seq.s32 s10, $0x1;
	s10 =	sld [smem:$0x3F86];
	_ =	sdelay $0x3  }
0x37: {  	[smem:$0x3F86] =	sst s10  }
0x38: {  	s10 =	sld [smem:$0x3F87]  }
0x39: {  	_ = 	snop;
	(pc) =	sbr.ind lr, $3  }
0x3a: {  	_ = 	snop  }
0x3b: {  	_ = 	snop  }
0x3c: {  	p2 =	seq.s32 s10, $0x1;
	s10 =	sld [smem:$0x3F86]  }
0x3d: {  	_ =	shalt  }
0x3e: {  	_ =	shalt  }
0x3f: {  	_ =	shalt  }
0x40: {  	_ =	shalt  }
0x41: {  	_ =	shalt  }
0x42: {  	_ =	shalt  }
0x43: {  	_ =	shalt  }
0x44: {  	_ =	shalt  }
0x45: {  	_ =	shalt  }
0x46: {  	_ =	shalt  }
0x47: {  	_ =	shalt  }
0x48: {  	_ =	shalt  }
0x49: {  	_ =	shalt  }
0x4a: {  	_ =	shalt  }
0x4b: {  	_ =	shalt  }
0x4c: {  	_ =	shalt  }
0x4d: {  	_ =	shalt  }
0x4e: {  	_ =	shalt  }
0x4f: {  	_ =	shalt  }
0x50: {  	_ =	shalt  }
0x51: {  	_ =	shalt  }
0x52: {  	_ =	shalt  }
0x53: {  	_ =	shalt  }
0x54: {  	_ =	shalt  }
0x55: {  	_ =	shalt  }
0x56: {  	_ =	shalt  }
0x57: {  	_ =	shalt  }
0x58: {  	_ =	shalt  }
0x59: {  	_ =	shalt  }
0x5a: {  	_ =	shalt  }
0x5b: {  	_ =	shalt  }
0x5c: {  	_ =	shalt  }
0x5d: {  	_ =	shalt  }
0x5e: {  	_ =	shalt  }
0x5f: {  	_ =	shalt  }
0x60: {  	_ =	shalt  }
0x61: {  	_ =	shalt  }
0x62: {  	_ =	shalt  }
0x63: {  	_ =	shalt  }
0x64: {  	_ =	shalt  }
0x65: {  	_ =	shalt  }
0x66: {  	_ =	shalt  }
0x67: {  	_ =	shalt  }
0x68: {  	_ =	shalt  }
0x69: {  	_ =	shalt  }
0x6a: {  	_ =	shalt  }
0x6b: {  	_ =	shalt  }
0x6c: {  	_ =	shalt  }
0x6d: {  	_ =	shalt  }
0x6e: {  	_ =	shalt  }
0x6f: {  	_ =	shalt  }
0x70: {  	_ =	shalt  }
0x71: {  	_ =	shalt  }
0x72: {  	_ =	shalt  }
0x73: {  	_ =	shalt  }
0x74: {  	_ =	shalt  }
0x75: {  	_ =	shalt  }
0x76: {  	_ =	shalt  }
0x77: {  	_ =	shalt  }
0x78: {  	_ =	shalt  }
0x79: {  	_ =	shalt  }
0x7a: {  	_ =	shalt  }
0x7b: {  	_ =	shalt  }
0x7c: {  	_ =	shalt  }
0x7d: {  	_ =	shalt  }
0x7e: {  	_ =	shalt  }
0x7f: {  	_ =	shalt  }
0x80: {  	_ =	shalt  }
0x81: {  	_ =	shalt  }
0x82: {  	_ =	shalt  }
0x83: {  	_ =	shalt  }
0x84: {  	_ =	shalt  }
0x85: {  	_ =	shalt  }
0x86: {  	_ =	shalt  }
0x87: {  	_ =	shalt  }
.Lfunc_end0:
.L_simem_size_0:
called_computation.1_lowered:
.L_overlay_start_0:
0x88: {  	s2 =	sld [smem:$0x3FD9]  }
0x89: {  	s3 =	sld [smem:$0x3FFE];
	_ =	sdelay $0x1  }
0x8a: {  	s1 =	srdreg.scid  }
0x8b: {  	s0 =	sand.u32 $0x1, s1  }
0x8c: {  	s16 =	sshll.u32 s0, $0xA;
	s2 =	sadd.s32 s3, s2  }
0x8d: {  	s2 =	sadd.s32 s2, s16  }
0x8e: {  	[smem:$0x3F92] =	sst s2  }
0x8f: {  	_ = 	snop  }
0x90: {  	(tm) =	ssettm $0x1  }
0x91: {  	s17 =	sld [smem:$0x3FFB];
	_ =	sdelay $0x3  }
0x92: {  	_ =	strace s17  }
0x93: {  	s2 =	sld [smem:$0x3FFC];
	_ =	sdelay $0x3  }
0x94: {  	_ =	strace s2  }
0x95: {  	s2 =	sld [smem:$0x3FFD];
	_ =	sdelay $0x3  }
0x96: {  	_ =	strace s2  }
0x97: {  	_ =	strace $0x8FFFFFFF  }
0x98: {  	s18 =	sld [smem:$0x3FDB];
	_ =	sdelay $0x1  }
0x99: {  	s19 =	simm.s32 $_scs_section_size  }
0x9a: {  	s4 =	simm.s32 $_size__tile_overlayer_lowered;
	s5 =	simm.s32 $_tile_overlayer_lowered  }
0x9b: {  	s22 =	simm.s32 $0x1BFF;
	s21 =	sshll.u32 s5, $0x1;
	s2 =	sadd.s32 s19, s18  }
0x9c: {  	s6 =	simm.s32 $0x0;
	s20 =	sshll.u32 s4, $0x1;
	s4 =	sadd.s32 s21, s2  }
0x9d: {  	[timem:s6], [sflag:s22] =	dma.local [hbm:s4], s20  }
0x9e: {  	_ =	swait.ge [sflag:s22], s20  }
0x9f: {  	s3 =	ssub.s32 $0x0, s20;
	[sflag:s22] =	ssyncset.done $0x0  }
0xa0: {  	[sflag:s22] =	ssyncadd.s32 s3;
	_ =	sdelay $0x1  }
0xa1: {  	s23 =	simm.s32 $0x1B8B  }
0xa2: {  	_ =	swait.ge [sflag:s23], $0x1  }
0xa3: {  	[sflag:s23] =	ssyncset.done $0x0  }
0xa4: {  	s25 =	simm.s32 $0x1B8E;
	s24 =	sld [smem:$0x3FFE];
	[sflag:s23] =	ssyncadd.s32 $0xFFFFFFFF  }
0xa5: {  	s26 =	simm.s32 $execute0_lowered;
	[smem:$0x3FD2] =	sst s25  }
0xa6: {  	s4 =	sshll.u32 s26, $0x1;
	_ =	strace $0x80000049;
	[dreg:$0x1] =	wrdreg $0xFFFFFFFF  }
0xa7: {  	s28 =	simm.s32 $_size_execute0_lowered;
	s2 =	sadd.s32 s2, s4;
	[dreg:$0x0] =	wrdreg $0x0  }
0xa8: {  	s4 =	sshll.u32 s28, $0x1;
	[dreg:$0x2] =	wrdreg s2  }
0xa9: {  	[dreg:$0x3] =	wrdreg s4  }
0xaa: {  	[dreg:$0x4] =	wrdreg $0xC0  }
0xab: {  	_ =	task [dreg:s6], $0x5FFFF  }
0xac: {  	[dreg:$0x1] =	wrdreg $0xFFFFFFFF  }
0xad: {  	[dreg:$0x0] =	wrdreg $0x60  }
0xae: {  	[dreg:$0x2] =	wrdreg s24  }
0xaf: {  	[dreg:$0x3] =	wrdreg $0x9  }
0xb0: {  	_ =	task.clear_ibuf [dreg:s6], $0x4FFFF;
	_ =	strace $0x90000049  }
0xb1: {  	s29 =	simm.s32 $0x9;
	_ =	strace $0x8000004B  }
0xb2: {  	_ =	swait.ge [sflag:s29], $0x1  }
0xb3: {  	[sflag:s29] =	ssyncadd.s32 $0xFFFFFFFF  }
0xb4: {  	_ =	strace $0x9000004B  }
0xb5: {  	_ =	sfence  }
0xb6: {  	s30 =	sld [smem:$0x0];
	_ =	sdelay $0x2  }
0xb7: {  	s31 =	sshll.u32 s1, $0xD;
	s1 =	sshrl.u32 s1, $0x2  }
0xb8: {  	s3 =	sand.u32 $0x4000, s31;
	s1 =	sadd.s32 s1, s30  }
0xb9: {  	s0 =	sor.u32 s3, s0;
	s1 =	sshll.u32 s1, $0x11  }
0xba: {  	s0 =	sor.u32 s1, s0  }
0xbb: {  	s0 =	sadd.s32 $0x8F2B, s0  }
0xbc: {  	[sflag:s0] =	ssyncadd.remote.s32 $0x1  }
0xbd: {  	_ =	sfence.sel $0xFFFF  }
0xbe: {  	[dreg:$0x0] =	wrdreg $0xFFFFFFFF;
	(pc) =	sbr.abs _section_cstart, $3  }
0xbf: {  	[dreg:$0x1] =	wrdreg $0xFFFFFFFF  }
0xc0: {  	_ =	task.clear_ibuf [dreg:s6], $0x2FFFF;
	_ =	strace $0x9FFFFFFF  }
0xc1: {  	(tm) =	ssettm $0x7FFFFFFF  }
tec
execute0_lowered:
.L_overlay_start_1:
0x0: {  	(tag) =	ssettag $0x1  }
0x1: {  	s5 =	rddreg [dreg:$0x0]  }
0x2: {  	s0 =	rddreg [dreg:$0x1];
	s2 =	simm.s32 $0x0;
	s3 =	srdreg.scid  }
0x3: {  	s1 =	stileid.u32;
	s12 =	simm.s32 $0x7D0;
	s13 =	simm.s32 $0x101D0  }
0x4: {  	s14 =	simm.s32 $0x1;
	s15 =	simm.s32 $0x2;
	s7 =	smul.u32 $0x186A0, s1  }
0x5: {  	s16 =	simm.s32 $0x0;
	s6 =	sand.u32 $0x1, s3;
	s9 =	smul.u32 $0xC3500, s1  }
0x6: {  	[smem:$0x7FF] =	sst s2;
	s3 =	sadd.s32 $0x1B4200, s5;
	s8 =	smul.u32 $0xC350, s6  }
0x7: {  	s4 =	sadd.s32 $0x8E200, s5;
	s29 =	ssub.s32 $0x2, s6;
	s6 =	smul.u32 $0x61A80, s6  }
0x8: {  	_ =	strace $0x8000004A;
	s9 =	sadd.s32 s9, s5;
	s7 =	sadd.s32 s8, s7  }
0x9: {  	s10 =	sshrl.u32 s29, $0x1;
	s31 =	sadd.s32 s6, s9;
	s7 =	sshrl.u32 s7, $0x3  }
0xa: {  	s30 =	ssub.s32 s29, s10;
	s6 =	sadd.s32 $0xD3D400, s31;
	s11 =	sadd.s32 s7, s5  }
0xb: {  	s10 =	simm.s32 $0x3;
	s7 =	sadd.s32 $0x1972400, s31;
	s8 =	sadd.s32 $0xCDB800, s11  }
0xc: {  	s5 =	smax.u32 s30, $0x1;
	s9 =	sadd.s32 $0xD0C600, s11;
	s11 =	simm.s32 $0x3E8  }
.LBB2_1:
0xd: {  	s17 =	sadd.s32 $0x0, s9  }
0xe: {  	[tilespmem:s2], [sflag:$0x3] =	stream.linear.gather [hbm4b:s17+s2], $0x3E8, $0x38;
	[tilespmem:$0x1FBD0] =	vst v63  }
0xf: {  	_ =	swait.ge [sflag:s10], $0x3E8  }
0x10: {  	[sflag:s10] =	ssyncset.done $0x0  }
0x11: {  	[sflag:s10] =	ssyncadd.s32 $0xFFFFFC18  }
0x12: {  	[tilespmem:s12], [sflag:$0x1] =	stream.indirect.gather [hbm4b:s3+s11], $0x40, s2, s11, $0xb8;
	[tilespmem:$0x1FBD0] =	vst v63  }
0x13: {  	s31 =	sadd.s32 $0x0, s8  }
0x14: {  	[tilespmem:s11], [sflag:$0x3] =	stream.linear.gather [hbm4b:s31+s2], $0x3E8, $0x38;
	[tilespmem:$0x1FBD0] =	vst v63  }
0x15: {  	_ =	swait.ge [sflag:s10], $0x3E8  }
0x16: {  	[sflag:s10] =	ssyncset.done $0x0  }
0x17: {  	[sflag:s10] =	ssyncadd.s32 $0xFFFFFC18  }
0x18: {  	[tilespmem:s13], [sflag:$0x2] =	stream.indirect.gather [hbm4b:s4+s11], $0x40, s11, s11, $0xb8;
	[tilespmem:$0x1FBD0] =	vst v63  }
0x19: {  	_ =	swait.ge [sflag:s14], $0xFA00  }
0x1a: {  	[sflag:s14] =	ssyncset.done $0x0  }
0x1b: {  	[sflag:s14] =	ssyncadd.s32 $0xFFFF0600  }
0x1c: {  	[hbm4b:s7+s2] =	stream.linear.scatter [tilespmem:s12], [sflag:$0x3], $0xFA00, $0x38;
	[tilespmem:$0x1FBD0] =	vst v63  }
0x1d: {  	_ =	swait.ge [sflag:s10], $0xFA00  }
0x1e: {  	[sflag:s10] =	ssyncset.done $0x0  }
0x1f: {  	[sflag:s10] =	ssyncadd.s32 $0xFFFF0600  }
0x20: {  	_ =	swait.ge [sflag:s15], $0xFA00  }
0x21: {  	[sflag:s15] =	ssyncset.done $0x0  }
0x22: {  	[sflag:s15] =	ssyncadd.s32 $0xFFFF0600  }
0x23: {  	[hbm4b:s6+s2] =	stream.linear.scatter [tilespmem:s13], [sflag:$0x3], $0xFA00, $0x38;
	[tilespmem:$0x1FBD0] =	vst v63  }
0x24: {  	s19 =	simm.s32 $0x7D;
	s20 =	simm.s32 $0xFA;
	_ =	swait.ge [sflag:s10], $0xFA00  }
0x25: {  	s18 =	sadd.s32 $0x1F40, s7;
	s17 =	sadd.s32 $0x1F40, s6;
	[sflag:s10] =	ssyncset.done $0x0  }
.LBB2_2:
0x26: {  	s21 =	sadd.s32 s19, s9  }
0x27: {  	[sflag:s10] =	ssyncadd.s32 $0xFFFF0600;
	s22 =	smov.u32 s20;
	s23 =	sadd.s32 $0x7D, s20  }
0x28: {  	[tilespmem:s2], [sflag:$0x3] =	stream.linear.gather [hbm4b:s21+s2], $0x3E8, $0x38;
	[tilespmem:$0x1FBD0] =	vst v63  }
0x29: {  	p0 =	sne.s32 s20, $0x17ED;
	_ =	swait.ge [sflag:s10], $0x3E8  }
0x2a: {  	[sflag:s10] =	ssyncset.done $0x0  }
0x2b: {  	[sflag:s10] =	ssyncadd.s32 $0xFFFFFC18  }
0x2c: {  	[tilespmem:s12], [sflag:$0x1] =	stream.indirect.gather [hbm4b:s3+s11], $0x40, s2, s11, $0xb8;
	[tilespmem:$0x1FBD0] =	vst v63  }
0x2d: {  	s20 =	sadd.s32 s19, s8;
	s19 =	smov.u32 s22  }
0x2e: {  	[tilespmem:s11], [sflag:$0x3] =	stream.linear.gather [hbm4b:s20+s2], $0x3E8, $0x38;
	[tilespmem:$0x1FBD0] =	vst v63  }
0x2f: {  	_ =	swait.ge [sflag:s10], $0x3E8  }
0x30: {  	[sflag:s10] =	ssyncset.done $0x0  }
0x31: {  	[sflag:s10] =	ssyncadd.s32 $0xFFFFFC18  }
0x32: {  	[tilespmem:s13], [sflag:$0x2] =	stream.indirect.gather [hbm4b:s4+s11], $0x40, s11, s11, $0xb8;
	[tilespmem:$0x1FBD0] =	vst v63  }
0x33: {  	_ =	swait.ge [sflag:s14], $0xFA00  }
0x34: {  	[sflag:s14] =	ssyncset.done $0x0  }
0x35: {  	[sflag:s14] =	ssyncadd.s32 $0xFFFF0600  }
0x36: {  	[hbm4b:s18+s2] =	stream.linear.scatter [tilespmem:s12], [sflag:$0x3], $0xFA00, $0x38;
	[tilespmem:$0x1FBD0] =	vst v63  }
0x37: {  	_ =	swait.ge [sflag:s10], $0xFA00  }
0x38: {  	[sflag:s10] =	ssyncset.done $0x0  }
0x39: {  	[sflag:s10] =	ssyncadd.s32 $0xFFFF0600  }
0x3a: {  	_ =	swait.ge [sflag:s15], $0xFA00  }
.Ltmp0:
0x3b: {  	[sflag:s15] =	ssyncset.done $0x0;
	(pc) =	sbr.rel @p0 .LBB2_2-.Ltmp0, $4  }
0x3c: {  	[sflag:s15] =	ssyncadd.s32 $0xFFFF0600  }
0x3d: {  	[hbm4b:s17+s2] =	stream.linear.scatter [tilespmem:s13], [sflag:$0x3], $0xFA00, $0x38;
	[tilespmem:$0x1FBD0] =	vst v63  }
0x3e: {  	s20 =	smov.u32 s23;
	_ =	swait.ge [sflag:s10], $0xFA00  }
0x3f: {  	s18 =	sadd.s32 $0x1F40, s18;
	s17 =	sadd.s32 $0x1F40, s17;
	[sflag:s10] =	ssyncset.done $0x0  }
0x40: {  	s20 =	sadd.s32 s19, s9;
	[sflag:s10] =	ssyncadd.s32 $0xFFFF0600  }
0x41: {  	[tilespmem:s2], [sflag:$0x3] =	stream.linear.gather [hbm4b:s20+s2], $0x3E8, $0x38;
	[tilespmem:$0x1FBD0] =	vst v63  }
0x42: {  	_ =	swait.ge [sflag:s10], $0x3E8  }
0x43: {  	[sflag:s10] =	ssyncset.done $0x0  }
0x44: {  	[sflag:s10] =	ssyncadd.s32 $0xFFFFFC18  }
0x45: {  	[tilespmem:s12], [sflag:$0x1] =	stream.indirect.gather [hbm4b:s3+s11], $0x40, s2, s11, $0xb8;
	[tilespmem:$0x1FBD0] =	vst v63  }
0x46: {  	s31 =	sadd.s32 s19, s8  }
0x47: {  	[tilespmem:s11], [sflag:$0x3] =	stream.linear.gather [hbm4b:s31+s2], $0x3E8, $0x38;
	[tilespmem:$0x1FBD0] =	vst v63  }
0x48: {  	_ =	swait.ge [sflag:s10], $0x3E8  }
0x49: {  	[sflag:s10] =	ssyncset.done $0x0  }
0x4a: {  	[sflag:s10] =	ssyncadd.s32 $0xFFFFFC18  }
0x4b: {  	[tilespmem:s13], [sflag:$0x2] =	stream.indirect.gather [hbm4b:s4+s11], $0x40, s11, s11, $0xb8;
	[tilespmem:$0x1FBD0] =	vst v63  }
0x4c: {  	_ =	swait.ge [sflag:s14], $0xFA00  }
0x4d: {  	[sflag:s14] =	ssyncset.done $0x0  }
0x4e: {  	[sflag:s14] =	ssyncadd.s32 $0xFFFF0600  }
0x4f: {  	[hbm4b:s18+s2] =	stream.linear.scatter [tilespmem:s12], [sflag:$0x3], $0xFA00, $0x38;
	[tilespmem:$0x1FBD0] =	vst v63  }
0x50: {  	_ =	swait.ge [sflag:s10], $0xFA00  }
0x51: {  	[sflag:s10] =	ssyncset.done $0x0  }
0x52: {  	[sflag:s10] =	ssyncadd.s32 $0xFFFF0600  }
0x53: {  	s16 =	sadd.s32 $0x1, s16;
	_ =	swait.ge [sflag:s15], $0xFA00  }
0x54: {  	p0 =	sne.s32 s16, s5;
	[sflag:s15] =	ssyncset.done $0x0  }
.Ltmp1:
0x55: {  	[sflag:s15] =	ssyncadd.s32 $0xFFFF0600;
	(pc) =	sbr.rel @p0 .LBB2_1-.Ltmp1, $4  }
0x56: {  	[hbm4b:s17+s2] =	stream.linear.scatter [tilespmem:s13], [sflag:$0x3], $0xFA00, $0x38;
	[tilespmem:$0x1FBD0] =	vst v63  }
0x57: {  	_ =	swait.ge [sflag:s10], $0xFA00  }
0x58: {  	[sflag:s10] =	ssyncset.done $0x0  }
0x59: {  	[sflag:s10] =	ssyncadd.s32 $0xFFFF0600  }
0x5a: {  	_ =	sfence.sel $0x180000  }
0x5b: {  	[bflag:$0x0] =	sbarrier.arrive $0xFFFF  }
0x5c: {  	p0 =	sne.s32 s1, $0x0;
	_ =	strace $0x9000004A  }
0x5d: {  	s0 =	sadd.s32 @!p0 $0x100000, s0;
	[bflag:$0x2] =	sbarrier.arrive $0xFFFF  }
0x5e: {  	[sflag:s0] =	ssyncadd.tile.s32 @!p0 $0x1;
	_ =	shalt  }
.Lfunc_end2:
_tile_overlayer_lowered:
.L_overlay_start_2:
0x5f: {  	(tag) =	ssettag $0x2  }
0x60: {  	s0 =	rddreg [dreg:$0x0];
	s2 =	stileid.u32  }
0x61: {  	s1 =	rddreg [dreg:$0x1];
	p0 =	sne.s32 s2, $0x0  }
0x62: {  	s3 =	rddreg [dreg:$0x2];
	[bflag:$0x3] =	sbarrier.arrive $0xFFFF;
	s2 =	simm.s32 @!p0 $0x1C03  }
0x63: {  	[timem:s3], [sflag:s2] =	dma.local @!p0 [hbm:s0], s1  }
0x64: {  	s0 =	simm.s32 @!p0 $0x3  }
0x65: {  	_ =	swait.ge @!p0 [sflag:s0], s1  }
0x66: {  	s1 =	ssub.s32 @!p0 $0x0, s1;
	[sflag:s0] =	ssyncset.done @!p0 $0x0  }
0x67: {  	[sflag:s0] =	ssyncadd.s32 @!p0 s1  }
0x68: {  	[bflag:$0x3] =	sbarrier.arrive $0xFFFF  }
0x69: {  	_ =	shalt  }

// kernel: kernel.23.cloned.1.call-start
scs
__scs_entry_jumppad:
0x0: {  	(pc) =	sbr.rel $0x88, $3  }
0x1: {  	(tag) =	ssettag $0x0;
	lr =	simm.s32 $0x1  }
0x2: {  	[smem:$0x3F6B] =	sst lr;
	_ =	strace $0xD0000000  }
0x3: {  	_ = 	snop  }
0x4: {  	_ = 	snop  }
0x5: {  	_ = 	snop  }
0x6: {  	_ = 	snop  }
0x7: {  	_ = 	snop  }
__scs_overlays_trampoline_lowered:
0x8: {  	[smem:$0x3F7A] =	sst s0  }
0x9: {  	[smem:$0x3F7B] =	sst s1  }
0xa: {  	[smem:$0x3F7C] =	sst s2  }
0xb: {  	[smem:$0x3F7D] =	sst s3  }
0xc: {  	[smem:$0x3F7E] =	sst s4  }
0xd: {  	[smem:$0x3F7F] =	sst s5  }
0xe: {  	[smem:$0x3F80] =	sst s6  }
0xf: {  	[smem:$0x3F81] =	sst s7  }
0x10: {  	[smem:$0x3F82] =	sst s8  }
0x11: {  	[smem:$0x3F83] =	sst s9;
	s0 =	simm.s32 @!p0 $0x0  }
0x12: {  	s1 =	sld [smem:$0x3F69];
	s0 =	simm.s32 @p0 $0x1  }
0x13: {  	[smem:$0x3F84] =	sst s0;
	s0 =	simm.s32 @!p1 $0x0  }
0x14: {  	s2 =	sld [smem:$0x3F68];
	s0 =	simm.s32 @p1 $0x1  }
0x15: {  	[smem:$0x3F85] =	sst s0;
	s0 =	simm.s32 @!p2 $0x0  }
0x16: {  	s3 =	sld [smem:$0x3FDB];
	s0 =	simm.s32 @p2 $0x1  }
0x17: {  	s4 =	simm.s32 $0x1BF5;
	[smem:$0x3F87] =	sst s0  }
0x18: {  	s0 =	sld [smem:$0x3F6A];
	_ =	swait.ge [sflag:s4], $0x0  }
0x19: {  	s7 =	sld [smem:$0x3F6B]  }
0x1a: {  	s8 =	sadd.s32 $0xFFFFE003, lr  }
0x1b: {  	s9 =	sadd.s32 $0xFFFFFEF7, lr;
	s5 =	simm.s32 $0xFFFFFFFF;
	p2 =	slt.u32 s8, $0xFFFFF086  }
0x1c: {  	p1 =	slt.u32 s9, $0xF7A;
	s5 =	simm.s32 @!p2 $0x0  }
0x1d: {  	s5 =	simm.s32 @p1 $0x1;
	p0 =	seq.s32 s7, s2  }
0x1e: {  	s7 =	smul.u32 @!p0 $0xF7A, s2;
	p2 =	seq.s32 @!p0 s5, $0x0  }
0x1f: {  	s9 =	smul.u32 $0xF7A, s1;
	s8 =	simm.s32 @!p0 $0x1BF5;
	p2 =	por !p2, p0  }
0x20: {  	[sflag:s8] =	ssyncset.s32 @!p0 $0xFFFFF086;
	s6 =	sadd.s32 @!p0 s3, s7;
	s7 =	simm.s32 @!p0 $0x108  }
0x21: {  	s3 =	sadd.s32 s3, s9;
	s6 =	sadd.s32 @!p0 $0x88, s6;
	s7 =	simm.s32 @p2 $0x1082  }
0x22: {  	[simem:s7], [sflag:s8] =	dma.local @!p0 [hbm:s6], $0xF7A  }
0x23: {  	s9 =	sor.u32 $0xD0000000, s2;
	s6 =	simm.s32 $0x108;
	_ =	swait.ge @!p0 [sflag:s8], $0x0  }
0x24: {  	s3 =	sadd.s32 $0x88, s3;
	s6 =	simm.s32 @!p1 $0x1082;
	[sflag:s4] =	ssyncset.s32 $0xFFFFF086  }
0x25: {  	[simem:s6], [sflag:s4] =	dma.local [hbm:s3], $0xF7A  }
0x26: {  	[smem:$0x3F6B] =	sst s1;
	(tag) =	ssettag s2;
	_ =	strace s9  }
0x27: {  	s1 =	sld [smem:$0x3F7B]  }
0x28: {  	s2 =	sld [smem:$0x3F7C]  }
0x29: {  	s4 =	sld [smem:$0x3F7E]  }
0x2a: {  	p0 =	seq.s32 s5, $0x0;
	s5 =	sld [smem:$0x3F7F]  }
0x2b: {  	s6 =	sld [smem:$0x3F80]  }
0x2c: {  	s7 =	sld [smem:$0x3F81]  }
0x2d: {  	s3 =	simm.s32 $0x108;
	s8 =	sld [smem:$0x3F82]  }
0x2e: {  	s3 =	simm.s32 @!p0 $0x1082;
	s9 =	sld [smem:$0x3F83]  }
0x2f: {  	lr =	sadd.s32 s0, s3;
	s0 =	sld [smem:$0x3F7A]  }
0x30: {  	s3 =	sld [smem:$0x3F7D]  }
0x31: {  	[smem:$0x3F86] =	sst s10  }
0x32: {  	s10 =	sld [smem:$0x3F84];
	_ =	sdelay $0x3  }
0x33: {  	p0 =	seq.s32 s10, $0x1;
	s10 =	sld [smem:$0x3F86];
	_ =	sdelay $0x3  }
0x34: {  	[smem:$0x3F86] =	sst s10  }
0x35: {  	s10 =	sld [smem:$0x3F85];
	_ =	sdelay $0x3  }
0x36: {  	p1 =	seq.s32 s10, $0x1;
	s10 =	sld [smem:$0x3F86];
	_ =	sdelay $0x3  }
0x37: {  	[smem:$0x3F86] =	sst s10  }
0x38: {  	s10 =	sld [smem:$0x3F87]  }
0x39: {  	_ = 	snop;
	(pc) =	sbr.ind lr, $3  }
0x3a: {  	_ = 	snop  }
0x3b: {  	_ = 	snop  }
0x3c: {  	p2 =	seq.s32 s10, $0x1;
	s10 =	sld [smem:$0x3F86]  }
0x3d: {  	_ =	shalt  }
0x3e: {  	_ =	shalt  }
0x3f: {  	_ =	shalt  }
0x40: {  	_ =	shalt  }
0x41: {  	_ =	shalt  }
0x42: {  	_ =	shalt  }
0x43: {  	_ =	shalt  }
0x44: {  	_ =	shalt  }
0x45: {  	_ =	shalt  }
0x46: {  	_ =	shalt  }
0x47: {  	_ =	shalt  }
0x48: {  	_ =	shalt  }
0x49: {  	_ =	shalt  }
0x4a: {  	_ =	shalt  }
0x4b: {  	_ =	shalt  }
0x4c: {  	_ =	shalt  }
0x4d: {  	_ =	shalt  }
0x4e: {  	_ =	shalt  }
0x4f: {  	_ =	shalt  }
0x50: {  	_ =	shalt  }
0x51: {  	_ =	shalt  }
0x52: {  	_ =	shalt  }
0x53: {  	_ =	shalt  }
0x54: {  	_ =	shalt  }
0x55: {  	_ =	shalt  }
0x56: {  	_ =	shalt  }
0x57: {  	_ =	shalt  }
0x58: {  	_ =	shalt  }
0x59: {  	_ =	shalt  }
0x5a: {  	_ =	shalt  }
0x5b: {  	_ =	shalt  }
0x5c: {  	_ =	shalt  }
0x5d: {  	_ =	shalt  }
0x5e: {  	_ =	shalt  }
0x5f: {  	_ =	shalt  }
0x60: {  	_ =	shalt  }
0x61: {  	_ =	shalt  }
0x62: {  	_ =	shalt  }
0x63: {  	_ =	shalt  }
0x64: {  	_ =	shalt  }
0x65: {  	_ =	shalt  }
0x66: {  	_ =	shalt  }
0x67: {  	_ =	shalt  }
0x68: {  	_ =	shalt  }
0x69: {  	_ =	shalt  }
0x6a: {  	_ =	shalt  }
0x6b: {  	_ =	shalt  }
0x6c: {  	_ =	shalt  }
0x6d: {  	_ =	shalt  }
0x6e: {  	_ =	shalt  }
0x6f: {  	_ =	shalt  }
0x70: {  	_ =	shalt  }
0x71: {  	_ =	shalt  }
0x72: {  	_ =	shalt  }
0x73: {  	_ =	shalt  }
0x74: {  	_ =	shalt  }
0x75: {  	_ =	shalt  }
0x76: {  	_ =	shalt  }
0x77: {  	_ =	shalt  }
0x78: {  	_ =	shalt  }
0x79: {  	_ =	shalt  }
0x7a: {  	_ =	shalt  }
0x7b: {  	_ =	shalt  }
0x7c: {  	_ =	shalt  }
0x7d: {  	_ =	shalt  }
0x7e: {  	_ =	shalt  }
0x7f: {  	_ =	shalt  }
0x80: {  	_ =	shalt  }
0x81: {  	_ =	shalt  }
0x82: {  	_ =	shalt  }
0x83: {  	_ =	shalt  }
0x84: {  	_ =	shalt  }
0x85: {  	_ =	shalt  }
0x86: {  	_ =	shalt  }
0x87: {  	_ =	shalt  }
.Lfunc_end0:
.L_simem_size_0:
called_computation.2_lowered:
.L_overlay_start_0:
0x88: {  	s2 =	sld [smem:$0x3FD9]  }
0x89: {  	s3 =	sld [smem:$0x3FFE];
	_ =	sdelay $0x1  }
0x8a: {  	s1 =	srdreg.scid  }
0x8b: {  	s0 =	sand.u32 $0x1, s1  }
0x8c: {  	s16 =	sshll.u32 s0, $0xA;
	s2 =	sadd.s32 s3, s2  }
0x8d: {  	s2 =	sadd.s32 s2, s16  }
0x8e: {  	[smem:$0x3F92] =	sst s2  }
0x8f: {  	_ = 	snop  }
0x90: {  	(tm) =	ssettm $0x1  }
0x91: {  	s17 =	sld [smem:$0x3FFB];
	_ =	sdelay $0x3  }
0x92: {  	_ =	strace s17  }
0x93: {  	s2 =	sld [smem:$0x3FFC];
	_ =	sdelay $0x3  }
0x94: {  	_ =	strace s2  }
0x95: {  	s2 =	sld [smem:$0x3FFD];
	_ =	sdelay $0x3  }
0x96: {  	_ =	strace s2  }
0x97: {  	_ =	strace $0x8FFFFFFF  }
0x98: {  	s18 =	sld [smem:$0x3FDB];
	_ =	sdelay $0x1  }
0x99: {  	s19 =	simm.s32 $_scs_section_size  }
0x9a: {  	s4 =	simm.s32 $_size__tile_overlayer_lowered;
	s5 =	simm.s32 $_tile_overlayer_lowered  }
0x9b: {  	s22 =	simm.s32 $0x1BFF;
	s21 =	sshll.u32 s5, $0x1;
	s2 =	sadd.s32 s19, s18  }
0x9c: {  	s6 =	simm.s32 $0x0;
	s20 =	sshll.u32 s4, $0x1;
	s4 =	sadd.s32 s21, s2  }
0x9d: {  	[timem:s6], [sflag:s22] =	dma.local [hbm:s4], s20  }
0x9e: {  	_ =	swait.ge [sflag:s22], s20  }
0x9f: {  	s3 =	ssub.s32 $0x0, s20;
	[sflag:s22] =	ssyncset.done $0x0  }
0xa0: {  	[sflag:s22] =	ssyncadd.s32 s3;
	_ =	sdelay $0x1  }
0xa1: {  	s23 =	simm.s32 $0x1B8B  }
0xa2: {  	_ =	swait.ge [sflag:s23], $0x1  }
0xa3: {  	[sflag:s23] =	ssyncset.done $0x0  }
0xa4: {  	s25 =	simm.s32 $0x1B8E;
	s24 =	sld [smem:$0x3FFE];
	[sflag:s23] =	ssyncadd.s32 $0xFFFFFFFF  }
0xa5: {  	s26 =	simm.s32 $execute0_lowered;
	[smem:$0x3FD2] =	sst s25  }
0xa6: {  	s4 =	sshll.u32 s26, $0x1;
	_ =	strace $0x8000004C;
	[dreg:$0x1] =	wrdreg $0xFFFFFFFF  }
0xa7: {  	s28 =	simm.s32 $_size_execute0_lowered;
	s2 =	sadd.s32 s2, s4;
	[dreg:$0x0] =	wrdreg $0x0  }
0xa8: {  	s4 =	sshll.u32 s28, $0x1;
	[dreg:$0x2] =	wrdreg s2  }
0xa9: {  	[dreg:$0x3] =	wrdreg s4  }
0xaa: {  	[dreg:$0x4] =	wrdreg $0xC0  }
0xab: {  	_ =	task [dreg:s6], $0x5FFFF  }
0xac: {  	[dreg:$0x1] =	wrdreg $0xFFFFFFFF  }
0xad: {  	[dreg:$0x0] =	wrdreg $0x60  }
0xae: {  	[dreg:$0x2] =	wrdreg s24  }
0xaf: {  	[dreg:$0x3] =	wrdreg $0x67200  }
0xb0: {  	[dreg:$0x4] =	wrdreg $0x9  }
0xb1: {  	_ =	task.clear_ibuf [dreg:s6], $0x5FFFF;
	_ =	strace $0x9000004C  }
0xb2: {  	s29 =	simm.s32 $0x9;
	_ =	strace $0x8000004E  }
0xb3: {  	_ =	swait.ge [sflag:s29], $0x1  }
0xb4: {  	[sflag:s29] =	ssyncadd.s32 $0xFFFFFFFF  }
0xb5: {  	_ =	strace $0x9000004E  }
0xb6: {  	_ =	sfence  }
0xb7: {  	s30 =	sld [smem:$0x0];
	_ =	sdelay $0x2  }
0xb8: {  	s31 =	sshll.u32 s1, $0xD;
	s1 =	sshrl.u32 s1, $0x2  }
0xb9: {  	s3 =	sand.u32 $0x4000, s31;
	s1 =	sadd.s32 s1, s30  }
0xba: {  	s0 =	sor.u32 s3, s0;
	s1 =	sshll.u32 s1, $0x11  }
0xbb: {  	s0 =	sor.u32 s1, s0  }
0xbc: {  	s0 =	sadd.s32 $0x8F2B, s0  }
0xbd: {  	[sflag:s0] =	ssyncadd.remote.s32 $0x1  }
0xbe: {  	_ =	sfence.sel $0xFFFF  }
0xbf: {  	[dreg:$0x0] =	wrdreg $0xFFFFFFFF;
	(pc) =	sbr.abs _section_cstart, $3  }
0xc0: {  	[dreg:$0x1] =	wrdreg $0xFFFFFFFF  }
0xc1: {  	_ =	task.clear_ibuf [dreg:s6], $0x2FFFF;
	_ =	strace $0x9FFFFFFF  }
0xc2: {  	(tm) =	ssettm $0x7FFFFFFF  }
0xc3: {  	_ =	shalt  }
tec
execute0_lowered:
.L_overlay_start_1:
0x0: {  	(tag) =	ssettag $0x1  }
0x1: {  	s0 =	rddreg [dreg:$0x0]  }
0x2: {  	s2 =	rddreg [dreg:$0x1];
	s3 =	simm.s32 $0x0;
	s23 =	stileid.u32  }
0x3: {  	s1 =	srdreg.scid;
	s29 =	simm.s32 $0x320;
	s30 =	simm.s32 $0x3  }
0x4: {  	s31 =	simm.s32 $0x0;
	[smem:$0x7FF] =	sst s3;
	s4 =	smul.u32 $0x61A80, s23  }
0x5: {  	s1 =	sand.u32 $0x1, s1;
	s21 =	sadd.s32 $0xD800, s0;
	s10 =	smul.u32 $0x18800, s23  }
0x6: {  	s6 =	sadd.s32 $0x3E600, s0;
	s20 =	smul.u32 $0x186A0, s23;
	_ =	strace $0x8000004D  }
0x7: {  	s5 =	ssub.s32 $0x2, s1;
	[dreg:$0x3] =	wrdreg s6;
	s15 =	smul.u32 $0x188000, s1  }
0x8: {  	p0 =	seq.s32 s1, $0x1;
	s4 =	sadd.s32 s4, s0;
	s9 =	sshrl.u32 s5, $0x1  }
0x9: {  	s0 =	sadd.s32 $0x8E200, s0;
	s11 =	sadd.s32 $0x3100, s10;
	s12 =	sadd.s32 $0x6200, s10  }
0xa: {  	s13 =	sadd.s32 $0x9300, s10;
	s14 =	sadd.s32 $0xC400, s10;
	s18 =	sadd.s32 $0xF500, s10  }
0xb: {  	s19 =	sadd.s32 $0x12600, s10;
	s22 =	sadd.s32 $0x15700, s10;
	s24 =	ssub.s32 s5, s9  }
0xc: {  	s5 =	sadd.s32 s10, s2;
	s6 =	sadd.s32 s11, s2;
	s7 =	sadd.s32 s12, s2  }
0xd: {  	s8 =	sadd.s32 s13, s2;
	s9 =	sadd.s32 s14, s2;
	s10 =	sadd.s32 s10, s15  }
0xe: {  	s11 =	sadd.s32 s15, s11;
	s17 =	sadd.s32 s15, s12;
	s13 =	sadd.s32 s15, s13  }
0xf: {  	s14 =	sadd.s32 s15, s14;
	s26 =	sadd.s32 s15, s18;
	s18 =	sadd.s32 s18, s2  }
0x10: {  	s28 =	sadd.s32 $0xCC3840, s4;
	s1 =	sshrl.u32 s10, $0x3;
	s11 =	sshrl.u32 s11, $0x3  }
0x11: {  	s25 =	sshrl.u32 s13, $0x3;
	s14 =	sshrl.u32 s14, $0x3;
	s1 =	sadd.s32 s0, s1  }
0x12: {  	s16 =	sadd.s32 s0, s11;
	s13 =	sadd.s32 s0, s25;
	s14 =	sadd.s32 s0, s14  }
0x13: {  	s11 =	smul.u32 $0x30D4, s23;
	s23 =	sshrl.u32 s20, $0x3;
	[dreg:$0x4] =	wrdreg s1  }
0x14: {  	s25 =	sadd.s32 $0x6A8A00, s4;
	[dreg:$0x5] =	wrdreg s16;
	s1 =	sshrl.u32 s17, $0x3  }
0x15: {  	s16 =	sadd.s32 s15, s19;
	s17 =	sadd.s32 s15, s22;
	s19 =	sadd.s32 s19, s2  }
0x16: {  	s20 =	sadd.s32 s21, s23;
	[dreg:$0x6] =	wrdreg s25;
	s22 =	sadd.s32 s22, s2  }
.Ltmp0:
0x17: {  	s25 =	smax.u32 s24, $0x1;
	s12 =	sadd.s32 s0, s1;
	(pc) =	sbr.rel .LBB2_1-.Ltmp0, $4  }
0x18: {  	s1 =	sshrl.u32 s26, $0x3;
	s10 =	sshrl.u32 s16, $0x3;
	s17 =	sshrl.u32 s17, $0x3  }
0x19: {  	s26 =	sadd.s32 $0xCC3200, s4;
	s15 =	sadd.s32 s0, s1;
	s16 =	sadd.s32 s0, s10  }
0x1a: {  	s17 =	sadd.s32 s0, s17;
	s0 =	sadd.s32 s11, s21;
	[dreg:$0x7] =	wrdreg s26  }
0x1b: {  	s26 =	sadd.s32 $0x6A9040, s4;
	s1 =	simm.s32 $0x2;
	s23 =	sadd.s32 $0x32, s0  }
.LBB2_7:
0x1c: {  	s10 =	simm.s32 @p1 $0x190;
	s11 =	simm.s32 @p1 $0x3520;
	[sflag:s4] =	ssyncadd.s32 $0xFFFFCE00  }
0x1d: {  	[spmem:s2] =	stream.indirect.scatter.add.f32 @p1 [tilespmem:s11], [sflag:$0x2], $0x20, s10, s10, $0xb8;
	[tilespmem:$0x1EF20] =	vst v63  }
0x1e: {  	s4 =	simm.s32 @!p1 $0x190;
	s10 =	simm.s32 @!p1 $0x0;
	s11 =	simm.s32 @!p1 $0x320  }
0x1f: {  	[spmem:s2] =	stream.indirect.scatter.add.f32 @!p1 [tilespmem:s11], [sflag:$0x1], $0x20, s10, s4, $0xb8;
	[tilespmem:$0x1EF20] =	vst v63  }
0x20: {  	s4 =	simm.s32 @p1 $0x0  }
0x21: {  	[tilespmem:s4], [sflag:$0x3] =	stream.linear.gather [hbm4b:s21+s3], $0x190, $0x38;
	[tilespmem:$0x1EF20] =	vst v63  }
0x22: {  	_ =	swait.ge [sflag:s30], $0x190  }
0x23: {  	s4 =	simm.s32 @!p1 $0x3520;
	[sflag:s30] =	ssyncset.done $0x0  }
0x24: {  	s4 =	simm.s32 @p1 $0x320;
	[sflag:s30] =	ssyncadd.s32 $0xFFFFFE70  }
0x25: {  	[tilespmem:s4], [sflag:$0x3] =	stream.linear.gather [hbm4b:s0+s3], $0x3200, $0x38;
	[tilespmem:$0x1EF20] =	vst v63  }
0x26: {  	_ =	swait.ge [sflag:s30], $0x3200  }
0x27: {  	s0 =	simm.s32 @!p1 $0x1;
	[sflag:s30] =	ssyncset.done $0x0  }
0x28: {  	s0 =	simm.s32 @p1 $0x2;
	[sflag:s30] =	ssyncadd.s32 $0xFFFFCE00  }
0x29: {  	_ =	swait.ge [sflag:s0], $0x3200  }
0x2a: {  	[sflag:s0] =	ssyncset.done $0x0  }
0x2b: {  	[sflag:s0] =	ssyncadd.s32 $0xFFFFCE00  }
.LBB2_8:
0x2c: {  	s0 =	simm.s32 $0x190;
	s4 =	simm.s32 $0x3520  }
0x2d: {  	[spmem:s2] =	stream.indirect.scatter.add.f32 [tilespmem:s4], [sflag:$0x2], $0x20, s0, s0, $0xb8;
	[tilespmem:$0x1EF20] =	vst v63  }
0x2e: {  	_ =	swait.ge [sflag:s1], $0x3200  }
0x2f: {  	[sflag:s1] =	ssyncset.done $0x0  }
0x30: {  	[sflag:s1] =	ssyncadd.s32 $0xFFFFCE00  }
0x31: {  	[bflag:$0x0] =	sbarrier.arrive $0xFFFF  }
0x32: {  	[tilespmem:s29], [sflag:$0x3] =	stream.linear.gather [spmem:s5], $0x3100, $0x38;
	[tilespmem:$0x1EF20] =	vst v63  }
0x33: {  	_ =	swait.ge [sflag:s30], $0x3100  }
0x34: {  	[sflag:s30] =	ssyncset.done $0x0  }
0x35: {  	s21 =	rddreg [dreg:$0x4];
	[sflag:s30] =	ssyncadd.s32 $0xFFFFCF00  }
0x36: {  	[hbm4b:s21+s3] =	stream.linear.scatter [tilespmem:s29], [sflag:$0x3], $0x3100, $0x38;
	[tilespmem:$0x1EF20] =	vst v63  }
0x37: {  	_ =	swait.ge [sflag:s30], $0x3100  }
0x38: {  	[sflag:s30] =	ssyncset.done $0x0  }
0x39: {  	[sflag:s30] =	ssyncadd.s32 $0xFFFFCF00  }
0x3a: {  	[tilespmem:s29], [sflag:$0x3] =	stream.linear.gather [spmem:s6], $0x3100, $0x38;
	[tilespmem:$0x1EF20] =	vst v63  }
0x3b: {  	_ =	swait.ge [sflag:s30], $0x3100  }
0x3c: {  	[sflag:s30] =	ssyncset.done $0x0  }
0x3d: {  	s24 =	rddreg [dreg:$0x5];
	[sflag:s30] =	ssyncadd.s32 $0xFFFFCF00  }
0x3e: {  	[hbm4b:s24+s3] =	stream.linear.scatter [tilespmem:s29], [sflag:$0x3], $0x3100, $0x38;
	[tilespmem:$0x1EF20] =	vst v63  }
0x3f: {  	_ =	swait.ge [sflag:s30], $0x3100  }
0x40: {  	[sflag:s30] =	ssyncset.done $0x0  }
0x41: {  	[sflag:s30] =	ssyncadd.s32 $0xFFFFCF00  }
0x42: {  	[tilespmem:s29], [sflag:$0x3] =	stream.linear.gather [spmem:s7], $0x3100, $0x38;
	[tilespmem:$0x1EF20] =	vst v63  }
0x43: {  	_ =	swait.ge [sflag:s30], $0x3100  }
0x44: {  	[sflag:s30] =	ssyncset.done $0x0  }
0x45: {  	[sflag:s30] =	ssyncadd.s32 $0xFFFFCF00  }
0x46: {  	[hbm4b:s12+s3] =	stream.linear.scatter [tilespmem:s29], [sflag:$0x3], $0x3100, $0x38;
	[tilespmem:$0x1EF20] =	vst v63  }
0x47: {  	_ =	swait.ge [sflag:s30], $0x3100  }
0x48: {  	[sflag:s30] =	ssyncset.done $0x0  }
0x49: {  	[sflag:s30] =	ssyncadd.s32 $0xFFFFCF00  }
0x4a: {  	[tilespmem:s29], [sflag:$0x3] =	stream.linear.gather [spmem:s8], $0x3100, $0x38;
	[tilespmem:$0x1EF20] =	vst v63  }
0x4b: {  	_ =	swait.ge [sflag:s30], $0x3100  }
0x4c: {  	[sflag:s30] =	ssyncset.done $0x0  }
0x4d: {  	[sflag:s30] =	ssyncadd.s32 $0xFFFFCF00  }
0x4e: {  	[hbm4b:s13+s3] =	stream.linear.scatter [tilespmem:s29], [sflag:$0x3], $0x3100, $0x38;
	[tilespmem:$0x1EF20] =	vst v63  }
0x4f: {  	_ =	swait.ge [sflag:s30], $0x3100  }
0x50: {  	[sflag:s30] =	ssyncset.done $0x0  }
0x51: {  	[sflag:s30] =	ssyncadd.s32 $0xFFFFCF00  }
0x52: {  	[tilespmem:s29], [sflag:$0x3] =	stream.linear.gather [spmem:s9], $0x3100, $0x38;
	[tilespmem:$0x1EF20] =	vst v63  }
0x53: {  	_ =	swait.ge [sflag:s30], $0x3100  }
0x54: {  	[sflag:s30] =	ssyncset.done $0x0  }
0x55: {  	[sflag:s30] =	ssyncadd.s32 $0xFFFFCF00  }
0x56: {  	[hbm4b:s14+s3] =	stream.linear.scatter [tilespmem:s29], [sflag:$0x3], $0x3100, $0x38;
	[tilespmem:$0x1EF20] =	vst v63  }
0x57: {  	_ =	swait.ge [sflag:s30], $0x3100  }
0x58: {  	[sflag:s30] =	ssyncset.done $0x0  }
0x59: {  	[sflag:s30] =	ssyncadd.s32 $0xFFFFCF00  }
0x5a: {  	[tilespmem:s29], [sflag:$0x3] =	stream.linear.gather [spmem:s18], $0x3100, $0x38;
	[tilespmem:$0x1EF20] =	vst v63  }
0x5b: {  	_ =	swait.ge [sflag:s30], $0x3100  }
0x5c: {  	[sflag:s30] =	ssyncset.done $0x0  }
0x5d: {  	[sflag:s30] =	ssyncadd.s32 $0xFFFFCF00  }
0x5e: {  	[hbm4b:s15+s3] =	stream.linear.scatter [tilespmem:s29], [sflag:$0x3], $0x3100, $0x38;
	[tilespmem:$0x1EF20] =	vst v63  }
0x5f: {  	_ =	swait.ge [sflag:s30], $0x3100  }
0x60: {  	[sflag:s30] =	ssyncset.done $0x0  }
0x61: {  	[sflag:s30] =	ssyncadd.s32 $0xFFFFCF00  }
0x62: {  	[tilespmem:s29], [sflag:$0x3] =	stream.linear.gather [spmem:s19], $0x3100, $0x38;
	[tilespmem:$0x1EF20] =	vst v63  }
0x63: {  	_ =	swait.ge [sflag:s30], $0x3100  }
0x64: {  	[sflag:s30] =	ssyncset.done $0x0  }
0x65: {  	[sflag:s30] =	ssyncadd.s32 $0xFFFFCF00  }
0x66: {  	[hbm4b:s16+s3] =	stream.linear.scatter [tilespmem:s29], [sflag:$0x3], $0x3100, $0x38;
	[tilespmem:$0x1EF20] =	vst v63  }
0x67: {  	_ =	swait.ge [sflag:s30], $0x3100  }
0x68: {  	[sflag:s30] =	ssyncset.done $0x0  }
0x69: {  	[sflag:s30] =	ssyncadd.s32 $0xFFFFCF00  }
0x6a: {  	[tilespmem:s29], [sflag:$0x3] =	stream.linear.gather [spmem:s22], $0x3100, $0x38;
	[tilespmem:$0x1EF20] =	vst v63  }
0x6b: {  	s31 =	sadd.s32 $0x1, s31;
	_ =	swait.ge [sflag:s30], $0x3100  }
0x6c: {  	p1 =	sne.s32 s31, s25;
	[sflag:s30] =	ssyncset.done $0x0  }
.Ltmp1:
0x6d: {  	[sflag:s30] =	ssyncadd.s32 $0xFFFFCF00;
	(pc) =	sbr.rel @!p1 .LBB2_9-.Ltmp1, $4  }
0x6e: {  	[hbm4b:s17+s3] =	stream.linear.scatter [tilespmem:s29], [sflag:$0x3], $0x3100, $0x38;
	[tilespmem:$0x1EF20] =	vst v63  }
0x6f: {  	_ =	swait.ge [sflag:s30], $0x3100  }
0x70: {  	[sflag:s30] =	ssyncset.done $0x0  }
0x71: {  	[sflag:s30] =	ssyncadd.s32 $0xFFFFCF00  }
.LBB2_1:
0x72: {  	s0 =	rddreg [dreg:$0x3]  }
0x73: {  	[tilespmem:s29], [sflag:$0x3] =	stream.linear.gather [hbm4b:s0+s3], $0x3100, $0x38;
	[tilespmem:$0x1EF20] =	vst v63  }
0x74: {  	_ =	swait.ge [sflag:s30], $0x3100  }
0x75: {  	[sflag:s30] =	ssyncset.done $0x0  }
0x76: {  	[sflag:s30] =	ssyncadd.s32 $0xFFFFCF00  }
0x77: {  	[spmem:s5] =	stream.linear.scatter [tilespmem:s29], [sflag:$0x3], $0x3100, $0x38;
	[tilespmem:$0x1EF20] =	vst v63  }
0x78: {  	_ =	swait.ge [sflag:s30], $0x3100  }
0x79: {  	[sflag:s30] =	ssyncset.done $0x0  }
0x7a: {  	[sflag:s30] =	ssyncadd.s32 $0xFFFFCF00  }
0x7b: {  	[spmem:s6] =	stream.linear.scatter [tilespmem:s29], [sflag:$0x3], $0x3100, $0x38;
	[tilespmem:$0x1EF20] =	vst v63  }
0x7c: {  	_ =	swait.ge [sflag:s30], $0x3100  }
0x7d: {  	[sflag:s30] =	ssyncset.done $0x0  }
0x7e: {  	[sflag:s30] =	ssyncadd.s32 $0xFFFFCF00  }
0x7f: {  	[spmem:s7] =	stream.linear.scatter [tilespmem:s29], [sflag:$0x3], $0x3100, $0x38;
	[tilespmem:$0x1EF20] =	vst v63  }
0x80: {  	_ =	swait.ge [sflag:s30], $0x3100  }
0x81: {  	[sflag:s30] =	ssyncset.done $0x0  }
0x82: {  	[sflag:s30] =	ssyncadd.s32 $0xFFFFCF00  }
0x83: {  	[spmem:s8] =	stream.linear.scatter [tilespmem:s29], [sflag:$0x3], $0x3100, $0x38;
	[tilespmem:$0x1EF20] =	vst v63  }
0x84: {  	_ =	swait.ge [sflag:s30], $0x3100  }
0x85: {  	[sflag:s30] =	ssyncset.done $0x0  }
0x86: {  	[sflag:s30] =	ssyncadd.s32 $0xFFFFCF00  }
0x87: {  	[spmem:s9] =	stream.linear.scatter [tilespmem:s29], [sflag:$0x3], $0x3100, $0x38;
	[tilespmem:$0x1EF20] =	vst v63  }
0x88: {  	_ =	swait.ge [sflag:s30], $0x3100  }
0x89: {  	[sflag:s30] =	ssyncset.done $0x0  }
0x8a: {  	[sflag:s30] =	ssyncadd.s32 $0xFFFFCF00  }
0x8b: {  	[spmem:s18] =	stream.linear.scatter [tilespmem:s29], [sflag:$0x3], $0x3100, $0x38;
	[tilespmem:$0x1EF20] =	vst v63  }
0x8c: {  	_ =	swait.ge [sflag:s30], $0x3100  }
0x8d: {  	[sflag:s30] =	ssyncset.done $0x0  }
0x8e: {  	[sflag:s30] =	ssyncadd.s32 $0xFFFFCF00  }
0x8f: {  	[spmem:s19] =	stream.linear.scatter [tilespmem:s29], [sflag:$0x3], $0x3100, $0x38;
	[tilespmem:$0x1EF20] =	vst v63  }
0x90: {  	_ =	swait.ge [sflag:s30], $0x3100  }
0x91: {  	[sflag:s30] =	ssyncset.done $0x0  }
0x92: {  	[sflag:s30] =	ssyncadd.s32 $0xFFFFCF00  }
0x93: {  	[spmem:s22] =	stream.linear.scatter [tilespmem:s29], [sflag:$0x3], $0x3100, $0x38;
	[tilespmem:$0x1EF20] =	vst v63  }
0x94: {  	_ =	swait.ge [sflag:s30], $0x3100  }
0x95: {  	[sflag:s30] =	ssyncset.done $0x0  }
0x96: {  	[sflag:s30] =	ssyncadd.s32 $0xFFFFCF00  }
.Ltmp2:
0x97: {  	[bflag:$0x0] =	sbarrier.arrive $0xFFFF;
	(pc) =	sbr.rel @!p0 .LBB2_2-.Ltmp2, $4  }
0x98: {  	[tilespmem:s3], [sflag:$0x3] =	stream.linear.gather [hbm4b:s20+s3], $0x190, $0x38;
	[tilespmem:$0x1EF20] =	vst v63  }
0x99: {  	_ =	swait.ge [sflag:s30], $0x190  }
0x9a: {  	[sflag:s30] =	ssyncset.done $0x0  }
0x9b: {  	s0 =	simm.s32 $0x0;
	[sflag:s30] =	ssyncadd.s32 $0xFFFFFE70  }
0x9c: {  	s4 =	rddreg [dreg:$0x7]  }
0x9d: {  	[tilespmem:s29], [sflag:$0x3] =	stream.linear.gather [hbm4b:s4+s0], $0x3200, $0x38;
	[tilespmem:$0x1EF20] =	vst v63  }
0x9e: {  	s11 =	sand.u32 $0x1, s0;
	_ =	swait.ge [sflag:s30], $0x3200  }
0x9f: {  	p1 =	seq.s32 s11, $0x1;
	[sflag:s30] =	ssyncset.done $0x0  }
0xa0: {  	s0 =	simm.s32 @p1 $0x190;
	s4 =	simm.s32 @p1 $0x3520;
	[sflag:s30] =	ssyncadd.s32 $0xFFFFCE00  }
0xa1: {  	[spmem:s2] =	stream.indirect.scatter.add.f32 @p1 [tilespmem:s4], [sflag:$0x2], $0x20, s0, s0, $0xb8;
	[tilespmem:$0x1EF20] =	vst v63  }
0xa2: {  	s10 =	simm.s32 @!p1 $0x320;
	s0 =	simm.s32 @!p1 $0x190;
	s4 =	simm.s32 @!p1 $0x0  }
0xa3: {  	[spmem:s2] =	stream.indirect.scatter.add.f32 @!p1 [tilespmem:s10], [sflag:$0x1], $0x20, s4, s0, $0xb8;
	[tilespmem:$0x1EF20] =	vst v63  }
0xa4: {  	s0 =	simm.s32 @p1 $0x0  }
0xa5: {  	[tilespmem:s0], [sflag:$0x3] =	stream.linear.gather [hbm4b:s23+s3], $0x190, $0x38;
	[tilespmem:$0x1EF20] =	vst v63  }
0xa6: {  	_ =	swait.ge [sflag:s30], $0x190  }
0xa7: {  	s0 =	simm.s32 @!p1 $0x3520;
	[sflag:s30] =	ssyncset.done $0x0  }
0xa8: {  	s0 =	simm.s32 @p1 $0x320;
	[sflag:s30] =	ssyncadd.s32 $0xFFFFFE70  }
0xa9: {  	[tilespmem:s0], [sflag:$0x3] =	stream.linear.gather [hbm4b:s28+s3], $0x3200, $0x38;
	[tilespmem:$0x1EF20] =	vst v63  }
0xaa: {  	_ =	swait.ge [sflag:s30], $0x3200  }
0xab: {  	s21 =	simm.s32 $0x1;
	s4 =	simm.s32 @!p1 $0x1;
	[sflag:s30] =	ssyncset.done $0x0  }
0xac: {  	s24 =	simm.s32 $0x2;
	s4 =	simm.s32 @p1 $0x2;
	[sflag:s30] =	ssyncadd.s32 $0xFFFFCE00  }
0xad: {  	s0 =	sand.u32 $0x1, s21;
	s21 =	sadd.s32 $0x32, s23;
	_ =	swait.ge [sflag:s4], $0x3200  }
0xae: {  	p1 =	seq.s32 s0, $0x1;
	s0 =	sadd.s32 $0x640, s28;
	[sflag:s4] =	ssyncset.done $0x0  }
.LBB2_6:
0xaf: {  	s10 =	simm.s32 @p1 $0x190;
	s11 =	simm.s32 @p1 $0x3520;
	[sflag:s4] =	ssyncadd.s32 $0xFFFFCE00  }
0xb0: {  	[spmem:s2] =	stream.indirect.scatter.add.f32 @p1 [tilespmem:s11], [sflag:$0x2], $0x20, s10, s10, $0xb8;
	[tilespmem:$0x1EF20] =	vst v63  }
0xb1: {  	s4 =	simm.s32 @!p1 $0x190;
	s10 =	simm.s32 @!p1 $0x0;
	s11 =	simm.s32 @!p1 $0x320  }
0xb2: {  	[spmem:s2] =	stream.indirect.scatter.add.f32 @!p1 [tilespmem:s11], [sflag:$0x1], $0x20, s10, s4, $0xb8;
	[tilespmem:$0x1EF20] =	vst v63  }
0xb3: {  	s4 =	simm.s32 @p1 $0x0;
	s10 =	smov.u32 s24;
	s24 =	sadd.s32 $0x1, s24  }
0xb4: {  	[tilespmem:s4], [sflag:$0x3] =	stream.linear.gather [hbm4b:s21+s3], $0x190, $0x38;
	[tilespmem:$0x1EF20] =	vst v63  }
0xb5: {  	p2 =	sne.s32 s24, $0xF9;
	_ =	swait.ge [sflag:s30], $0x190  }
0xb6: {  	s4 =	simm.s32 @!p1 $0x3520;
	[sflag:s30] =	ssyncset.done $0x0  }
0xb7: {  	s4 =	simm.s32 @p1 $0x320;
	[sflag:s30] =	ssyncadd.s32 $0xFFFFFE70  }
0xb8: {  	[tilespmem:s4], [sflag:$0x3] =	stream.linear.gather [hbm4b:s0+s3], $0x3200, $0x38;
	[tilespmem:$0x1EF20] =	vst v63  }
.Ltmp3:
0xb9: {  	_ =	swait.ge [sflag:s30], $0x3200;
	(pc) =	sbr.rel @p2 .LBB2_6-.Ltmp3, $4  }
0xba: {  	s4 =	simm.s32 @!p1 $0x1;
	[sflag:s30] =	ssyncset.done $0x0  }
0xbb: {  	s4 =	simm.s32 @p1 $0x2;
	[sflag:s30] =	ssyncadd.s32 $0xFFFFCE00  }
0xbc: {  	s10 =	sand.u32 $0x1, s10;
	s21 =	sadd.s32 $0x32, s21;
	_ =	swait.ge [sflag:s4], $0x3200  }
0xbd: {  	s0 =	sadd.s32 $0x640, s0;
	p1 =	seq.s32 s10, $0x1;
	[sflag:s4] =	ssyncset.done $0x0  }
.Ltmp4:
0xbe: {  	_ = 	snop;
	(pc) =	sbr.rel .LBB2_7-.Ltmp4, $1  }
0xbf: {  	_ =	sdelay $0x3  }
.LBB2_2:
0xc0: {  	s4 =	rddreg [dreg:$0x6]  }
0xc1: {  	[tilespmem:s29], [sflag:$0x3] =	stream.linear.gather [hbm4b:s4+s0], $0x3200, $0x38;
	[tilespmem:$0x1EF20] =	vst v63  }
0xc2: {  	s11 =	sand.u32 $0x1, s0;
	_ =	swait.ge [sflag:s30], $0x3200  }
0xc3: {  	p1 =	seq.s32 s11, $0x1;
	[sflag:s30] =	ssyncset.done $0x0  }
0xc4: {  	s0 =	simm.s32 @p1 $0x190;
	s4 =	simm.s32 @p1 $0x3520;
	[sflag:s30] =	ssyncadd.s32 $0xFFFFCE00  }
0xc5: {  	[spmem:s2] =	stream.indirect.scatter.add.f32 @p1 [tilespmem:s4], [sflag:$0x2], $0x20, s0, s0, $0xb8;
	[tilespmem:$0x1EF20] =	vst v63  }
0xc6: {  	s21 =	simm.s32 @!p1 $0x320;
	s0 =	simm.s32 @!p1 $0x190;
	s4 =	simm.s32 @!p1 $0x0  }
0xc7: {  	[spmem:s2] =	stream.indirect.scatter.add.f32 @!p1 [tilespmem:s21], [sflag:$0x1], $0x20, s4, s0, $0xb8;
	[tilespmem:$0x1EF20] =	vst v63  }
0xc8: {  	s0 =	simm.s32 @p1 $0x0  }
0xc9: {  	[tilespmem:s0], [sflag:$0x3] =	stream.linear.gather [hbm4b:s23+s3], $0x190, $0x38;
	[tilespmem:$0x1EF20] =	vst v63  }
0xca: {  	_ =	swait.ge [sflag:s30], $0x190  }
0xcb: {  	s0 =	simm.s32 @!p1 $0x3520;
	[sflag:s30] =	ssyncset.done $0x0  }
0xcc: {  	s0 =	simm.s32 @p1 $0x320;
	[sflag:s30] =	ssyncadd.s32 $0xFFFFFE70  }
0xcd: {  	[tilespmem:s0], [sflag:$0x3] =	stream.linear.gather [hbm4b:s26+s3], $0x3200, $0x38;
	[tilespmem:$0x1EF20] =	vst v63  }
0xce: {  	_ =	swait.ge [sflag:s30], $0x3200  }
0xcf: {  	s24 =	simm.s32 $0x2;
	s4 =	simm.s32 @!p1 $0x1;
	[sflag:s30] =	ssyncset.done $0x0  }
0xd0: {  	s21 =	simm.s32 $0x1;
	s4 =	simm.s32 @p1 $0x2;
	[sflag:s30] =	ssyncadd.s32 $0xFFFFCE00  }
0xd1: {  	s0 =	sand.u32 $0x1, s21;
	s21 =	sadd.s32 $0x32, s23;
	_ =	swait.ge [sflag:s4], $0x3200  }
0xd2: {  	p1 =	seq.s32 s0, $0x1;
	s0 =	sadd.s32 $0x640, s26;
	[sflag:s4] =	ssyncset.done $0x0  }
.LBB2_3:
0xd3: {  	s10 =	simm.s32 @p1 $0x190;
	s11 =	simm.s32 @p1 $0x3520;
	[sflag:s4] =	ssyncadd.s32 $0xFFFFCE00  }
0xd4: {  	[spmem:s2] =	stream.indirect.scatter.add.f32 @p1 [tilespmem:s11], [sflag:$0x2], $0x20, s10, s10, $0xb8;
	[tilespmem:$0x1EF20] =	vst v63  }
0xd5: {  	s4 =	simm.s32 @!p1 $0x190;
	s10 =	simm.s32 @!p1 $0x0;
	s11 =	simm.s32 @!p1 $0x320  }
0xd6: {  	[spmem:s2] =	stream.indirect.scatter.add.f32 @!p1 [tilespmem:s11], [sflag:$0x1], $0x20, s10, s4, $0xb8;
	[tilespmem:$0x1EF20] =	vst v63  }
0xd7: {  	s4 =	simm.s32 @p1 $0x0;
	s10 =	smov.u32 s24;
	s24 =	sadd.s32 $0x1, s24  }
0xd8: {  	[tilespmem:s4], [sflag:$0x3] =	stream.linear.gather [hbm4b:s21+s3], $0x190, $0x38;
	[tilespmem:$0x1EF20] =	vst v63  }
0xd9: {  	p2 =	seq.s32 s24, $0xF9;
	_ =	swait.ge [sflag:s30], $0x190  }
0xda: {  	s4 =	simm.s32 @!p1 $0x3520;
	[sflag:s30] =	ssyncset.done $0x0  }
0xdb: {  	s4 =	simm.s32 @p1 $0x320;
	[sflag:s30] =	ssyncadd.s32 $0xFFFFFE70  }
0xdc: {  	[tilespmem:s4], [sflag:$0x3] =	stream.linear.gather [hbm4b:s0+s3], $0x3200, $0x38;
	[tilespmem:$0x1EF20] =	vst v63  }
.Ltmp5:
0xdd: {  	_ =	swait.ge [sflag:s30], $0x3200;
	(pc) =	sbr.rel @!p2 .LBB2_3-.Ltmp5, $4  }
0xde: {  	s4 =	simm.s32 @!p1 $0x1;
	[sflag:s30] =	ssyncset.done $0x0  }
0xdf: {  	s4 =	simm.s32 @p1 $0x2;
	[sflag:s30] =	ssyncadd.s32 $0xFFFFCE00  }
0xe0: {  	s10 =	sand.u32 $0x1, s10;
	s21 =	sadd.s32 $0x32, s21;
	_ =	swait.ge [sflag:s4], $0x3200  }
0xe1: {  	s0 =	sadd.s32 $0x640, s0;
	p1 =	seq.s32 s10, $0x1;
	[sflag:s4] =	ssyncset.done $0x0  }
0xe2: {  	s10 =	simm.s32 @p1 $0x190;
	s11 =	simm.s32 @p1 $0x3520;
	[sflag:s4] =	ssyncadd.s32 $0xFFFFCE00  }
0xe3: {  	[spmem:s2] =	stream.indirect.scatter.add.f32 @p1 [tilespmem:s11], [sflag:$0x2], $0x20, s10, s10, $0xb8;
	[tilespmem:$0x1EF20] =	vst v63  }
0xe4: {  	s4 =	simm.s32 @!p1 $0x190;
	s10 =	simm.s32 @!p1 $0x0;
	s11 =	simm.s32 @!p1 $0x320  }
0xe5: {  	[spmem:s2] =	stream.indirect.scatter.add.f32 @!p1 [tilespmem:s11], [sflag:$0x1], $0x20, s10, s4, $0xb8;
	[tilespmem:$0x1EF20] =	vst v63  }
0xe6: {  	s4 =	simm.s32 @p1 $0x0  }
0xe7: {  	[tilespmem:s4], [sflag:$0x3] =	stream.linear.gather [hbm4b:s21+s3], $0x190, $0x38;
	[tilespmem:$0x1EF20] =	vst v63  }
0xe8: {  	_ =	swait.ge [sflag:s30], $0x190  }
0xe9: {  	s4 =	simm.s32 @!p1 $0x3520;
	[sflag:s30] =	ssyncset.done $0x0  }
0xea: {  	s4 =	simm.s32 @p1 $0x320;
	[sflag:s30] =	ssyncadd.s32 $0xFFFFFE70  }
0xeb: {  	[tilespmem:s4], [sflag:$0x3] =	stream.linear.gather [hbm4b:s0+s3], $0x3200, $0x38;
	[tilespmem:$0x1EF20] =	vst v63  }
0xec: {  	_ =	swait.ge [sflag:s30], $0x3200  }
.Ltmp6:
0xed: {  	s0 =	simm.s32 @!p1 $0x1;
	[sflag:s30] =	ssyncset.done $0x0;
	(pc) =	sbr.rel .LBB2_8-.Ltmp6, $4  }
0xee: {  	s0 =	simm.s32 @p1 $0x2;
	[sflag:s30] =	ssyncadd.s32 $0xFFFFCE00  }
0xef: {  	_ =	swait.ge [sflag:s0], $0x3200  }
0xf0: {  	[sflag:s0] =	ssyncset.done $0x0  }
0xf1: {  	[sflag:s0] =	ssyncadd.s32 $0xFFFFCE00  }
.LBB2_9:
0xf2: {  	_ =	sfence.sel $0x180000  }
0xf3: {  	[bflag:$0x0] =	sbarrier.arrive $0xFFFF  }
0xf4: {  	_ =	strace $0x9000004D  }
0xf5: {  	s0 =	stileid.u32;
	[bflag:$0x2] =	sbarrier.arrive $0xFFFF  }
0xf6: {  	p0 =	sne.s32 s0, $0x0;
	s0 =	rddreg [dreg:$0x2]  }
0xf7: {  	s0 =	sadd.s32 @!p0 $0x100000, s0  }
0xf8: {  	[sflag:s0] =	ssyncadd.tile.s32 @!p0 $0x1;
	_ =	shalt  }
.Lfunc_end2:
_tile_overlayer_lowered:
.L_overlay_start_2:
0xf9: {  	(tag) =	ssettag $0x2  }
0xfa: {  	s0 =	rddreg [dreg:$0x0];
	s2 =	stileid.u32  }
0xfb: {  	s1 =	rddreg [dreg:$0x1];
	p0 =	sne.s32 s2, $0x0  }
0xfc: {  	s3 =	rddreg [dreg:$0x2];
	[bflag:$0x3] =	sbarrier.arrive $0xFFFF;
	s2 =	simm.s32 @!p0 $0x1C03  }
0xfd: {  	[timem:s3], [sflag:s2] =	dma.local @!p0 [hbm:s0], s1  }
0xfe: {  	s0 =	simm.s32 @!p0 $0x3  }
0xff: {  	_ =	swait.ge @!p0 [sflag:s0], s1  }
0x100: {  	s1 =	ssub.s32 @!p0 $0x0, s1;
	[sflag:s0] =	ssyncset.done @!p0 $0x0  }
0x101: {  	[sflag:s0] =	ssyncadd.s32 @!p0 s1  }
0x102: {  	[bflag:$0x3] =	sbarrier.arrive $0xFFFF  }
0x103: {  	_ =	shalt  }

</sc_bundles>
